<compile_context>
chip_gen: v7x
topology: tpu7x:2x2x1
jax: 0.10.2.dev20260603
libtpu: 0.0.44.dev20260713+nightly
codegen_flags: <defaults>
</compile_context>

<pallas_src>
import jax
import jax.numpy as jnp
from jax import lax
from jax.experimental import pallas as pl
from jax.experimental.pallas import tpu as pltpu
from jax.experimental.pallas import tpu_sc as plsc

N = 10000
E = 320000
D = 128
D_OUT = 40

NC = 2
NS = 16
NW = NC * NS
CHUNK = 128
NCH = E // CHUNK
GC = 40
RPT = (N // NS) // 8 * 8
REM_R = N - NS * RPT


def _agg_body(feat, eidx, out, sidx, didx, rows0, rows1, acc, sem0, sem1):
    c = lax.axis_index("c")
    s = lax.axis_index("s")
    wid = c * NS + s

    def stage(base, n):
        pltpu.sync_copy(eidx.at[0, pl.ds(base, n)], sidx.at[pl.ds(0, n)])
        pltpu.sync_copy(eidx.at[1, pl.ds(base, n)], didx.at[pl.ds(0, n)])

    def fire(j, rbuf, sem):
        pltpu.async_copy(feat.at[sidx.at[j]], rbuf, sem)

    def drain(rbuf, sem):
        pltpu.make_async_copy(feat.at[sidx.at[0]], rbuf, sem).wait()

    def scat(j, rbuf):
        pltpu.sync_copy(rbuf, acc.at[didx.at[j]], add=True)

    zv = jnp.zeros((16,), jnp.float32)

    @pl.loop(0, CHUNK)
    def _(r):
        for k in range(D // 16):
            rows0[r, pl.ds(k * 16, 16)] = zv

    base = 80 * wid
    base = jnp.where(wid >= 12, 960 + 72 * (wid - 12), base)
    base = jnp.where(wid >= 16, 1248 + 80 * (wid - 16), base)
    base = jnp.where(wid >= 28, 2208 + 72 * (wid - 28), base)
    is80 = (wid < 12) | ((wid >= 16) & (wid < 28))
    is72 = ((wid >= 12) & (wid < 16)) | ((wid >= 28) & (wid < 31))

    stage(base, GC)
    fire(0, rows1, sem1)

    for k in range(4):
        pltpu.sync_copy(rows0, acc.at[pl.ds(s * RPT + k * CHUNK, CHUNK)])
    pltpu.sync_copy(rows0.at[pl.ds(0, RPT - 4 * CHUNK)],
                    acc.at[pl.ds(s * RPT + 4 * CHUNK, RPT - 4 * CHUNK)])

    @pl.when(s == 0)
    def _():
        pltpu.sync_copy(rows0.at[pl.ds(0, REM_R)],
                        acc.at[pl.ds(NS * RPT, REM_R)])

    plsc.subcore_barrier()

    def run_pipeline(n):
        @pl.loop(0, n, step=2)
        def _(j):
            fire(j + 1, rows0, sem0)
            drain(rows1, sem1)
            scat(j, rows1)

            @pl.when(j + 2 < n)
            def _():
                fire(j + 2, rows1, sem1)

            drain(rows0, sem0)
            scat(j + 1, rows0)

    run_pipeline(GC)

    def group(off, n):
        stage(base + off, n)
        fire(0, rows1, sem1)
        run_pipeline(n)

    @pl.when(is80)
    def _():
        group(40, 40)

    @pl.when(is72)
    def _():
        group(40, 32)

    @pl.when(wid == NW - 1)
    def _():
        stage_c = lambda b, n: (
            pltpu.sync_copy(eidx.at[0, pl.ds(b, n)], sidx.at[pl.ds(0, n)]),
            pltpu.sync_copy(eidx.at[1, pl.ds(b, n)], didx.at[pl.ds(0, n)]))
        stage_c(2464, 16)
        fire(0, rows1, sem1)
        run_pipeline(16)
        stage_c(2480, 20)
        fire(0, rows1, sem1)
        run_pipeline(20)

    plsc.subcore_barrier()
    pltpu.sync_copy(acc.at[pl.ds(s * RPT, RPT)],
                    out.at[c, pl.ds(s * RPT, RPT)])

    @pl.when(s == 0)
    def _():
        pltpu.sync_copy(acc.at[pl.ds(NS * RPT, REM_R)],
                        out.at[c, pl.ds(NS * RPT, REM_R)])


def _scatter_add(feat, eidx):
    mesh = plsc.VectorSubcoreMesh(core_axis_name="c", subcore_axis_name="s")
    return pl.kernel(
        _agg_body,
        out_type=jax.ShapeDtypeStruct((NC, N, D), jnp.float32),
        mesh=mesh,
        scratch_types=[
            pltpu.VMEM((GC, CHUNK), jnp.int32),
            pltpu.VMEM((GC, CHUNK), jnp.int32),
            pltpu.VMEM((CHUNK, D), jnp.float32),
            pltpu.VMEM((CHUNK, D), jnp.float32),
            pltpu.VMEM_SHARED((N, D), jnp.float32),
            pltpu.SemaphoreType.DMA,
            pltpu.SemaphoreType.DMA,
        ],
    )(feat, eidx)


BR = 2000


def _mlp1_body(scale_ref, x_ref, p_ref, wa_ref, ba_ref, wb_ref, bb_ref, o_ref):
    h = x_ref[...] * scale_ref[0] + p_ref[0] + p_ref[1]
    h = jnp.maximum(
        jnp.dot(h, wa_ref[...], preferred_element_type=jnp.float32,
                precision=lax.Precision.DEFAULT) + ba_ref[...], 0.0)
    h = jnp.dot(h, wb_ref[...], preferred_element_type=jnp.float32,
                precision=lax.Precision.DEFAULT) + bb_ref[...]
    o_ref[...] = jnp.maximum(h, 0.0)


def _mlp2_body(scale_ref, x_ref, p_ref, wa_ref, ba_ref, wb_ref, bb_ref,
               wl_ref, bl_ref, o_ref):
    h = x_ref[...] * scale_ref[0] + p_ref[0] + p_ref[1]
    h = jnp.maximum(
        jnp.dot(h, wa_ref[...], preferred_element_type=jnp.float32,
                precision=lax.Precision.DEFAULT) + ba_ref[...], 0.0)
    h = jnp.dot(h, wb_ref[...], preferred_element_type=jnp.float32,
                precision=lax.Precision.DEFAULT) + bb_ref[...]
    h = jnp.maximum(h, 0.0)
    logits = jnp.dot(h, wl_ref[...], preferred_element_type=jnp.float32,
                     precision=lax.Precision.DEFAULT) + bl_ref[...]
    m = jnp.max(logits, axis=1, keepdims=True)
    lse = jnp.log(jnp.sum(jnp.exp(logits - m), axis=1, keepdims=True))
    o_ref[...] = (logits - m - lse)[:, :D_OUT]


def _row_specs():
    full = lambda shape: pl.BlockSpec(shape, lambda i: (0,) * len(shape))
    return full


def _mlp1(scale, x, p, wa, ba, wb, bb):
    full = _row_specs()
    return pl.pallas_call(
        _mlp1_body,
        grid=(N // BR,),
        in_specs=[
            pl.BlockSpec(memory_space=pltpu.SMEM),
            pl.BlockSpec((BR, D), lambda i: (i, 0)),
            pl.BlockSpec((NC, BR, D), lambda i: (0, i, 0)),
            full((D, D)), full((1, D)), full((D, D)), full((1, D)),
        ],
        out_specs=pl.BlockSpec((BR, D), lambda i: (i, 0)),
        out_shape=jax.ShapeDtypeStruct((N, D), jnp.float32),
    )(scale, x, p, wa, ba, wb, bb)


def _mlp2(scale, x, p, wa, ba, wb, bb, wl, bl):
    full = _row_specs()
    return pl.pallas_call(
        _mlp2_body,
        grid=(N // BR,),
        in_specs=[
            pl.BlockSpec(memory_space=pltpu.SMEM),
            pl.BlockSpec((BR, D), lambda i: (i, 0)),
            pl.BlockSpec((NC, BR, D), lambda i: (0, i, 0)),
            full((D, D)), full((1, D)), full((D, D)), full((1, D)),
            full((D, D)), full((1, D)),
        ],
        out_specs=pl.BlockSpec((BR, D_OUT), lambda i: (i, 0)),
        out_shape=jax.ShapeDtypeStruct((N, D_OUT), jnp.float32),
    )(scale, x, p, wa, ba, wb, bb, wl, bl)


def kernel(x, edge_index, eps1, W1a, b1a, W1b, b1b, eps2, W2a, b2a, W2b, b2b,
           Wl, bl):
    eidx = edge_index.astype(jnp.int32).reshape(2, NCH, CHUNK)

    scale1 = jnp.reshape(1.0 + eps1, (1,))
    scale2 = jnp.reshape(1.0 + eps2, (1,))
    b1a_ = jnp.reshape(b1a, (1, D))
    b1b_ = jnp.reshape(b1b, (1, D))
    b2a_ = jnp.reshape(b2a, (1, D))
    b2b_ = jnp.reshape(b2b, (1, D))
    Wl_pad = jnp.pad(Wl, ((0, 0), (0, D - D_OUT)))
    bl_pad = jnp.reshape(
        jnp.pad(bl, (0, D - D_OUT), constant_values=-1e30), (1, D))

    p1 = _scatter_add(x, eidx)
    h1 = _mlp1(scale1, x, p1, W1a, b1a_, W1b, b1b_)
    p2 = _scatter_add(h1, eidx)
    out = _mlp2(scale2, h1, p2, W2a, b2a_, W2b, b2b_, Wl_pad, bl_pad)
    return out

# --- scband reference (transcript-rebuilt; emitter-appended) ---
"""Pipeline reference for scband-simple-gin-61040075211351 (READ-ONLY COPY).

The authoritative reference and input builder live on the scoring server;
editing this copy changes nothing except your own understanding.
"""

import jax, jax.numpy as jnp
import numpy as np

N = 10000
E = 320000
D_IN = 128
D_HID = 128
D_OUT = 40

def setup_inputs(seed: int = 0) -> dict:
    key = jax.random.key(seed)
    ks = jax.random.split(key, 16)
    x = jax.random.normal(ks[0], (N, D_IN), dtype=jnp.float32)
    edge_index = jax.random.randint(ks[1], (2, E), 0, N, dtype=jnp.int64)
    def lin_init(k, fan_in, fan_out):
        k1, k2 = jax.random.split(k)
        bound = 1.0 / np.sqrt(fan_in)
        W = jax.random.uniform(k1, (fan_in, fan_out), minval=-bound, maxval=bound, dtype=jnp.float32)
        b = jax.random.uniform(k2, (fan_out,), minval=-bound, maxval=bound, dtype=jnp.float32)
        return W, b
    W1a, b1a = lin_init(ks[2], D_IN, D_HID)
    W1b, b1b = lin_init(ks[3], D_HID, D_HID)
    W2a, b2a = lin_init(ks[4], D_HID, D_HID)
    W2b, b2b = lin_init(ks[5], D_HID, D_HID)
    Wl, bl = lin_init(ks[6], D_HID, D_OUT)
    eps1 = jnp.zeros((), dtype=jnp.float32)
    eps2 = jnp.zeros((), dtype=jnp.float32)
    return {"x": x, "edge_index": edge_index, "eps1": eps1, "W1a": W1a, "b1a": b1a, "W1b": W1b, "b1b": b1b, "eps2": eps2, "W2a": W2a, "b2a": b2a, "W2b": W2b, "b2b": b2b, "Wl": Wl, "bl": bl}

def _gin_conv(x, edge_index, eps, Wa, ba, Wb, bb):
    src = edge_index[0]
    dst = edge_index[1]
    # sum aggregation of neighbor messages (scatter-add)
    agg = jnp.zeros_like(x).at[dst].add(x[src])
    h = (1.0 + eps) * x + agg
    h = jnp.maximum(h @ Wa + ba, 0.0)
    h = h @ Wb + bb
    return h

def reference(x, edge_index, eps1, W1a, b1a, W1b, b1b, eps2, W2a, b2a, W2b, b2b, Wl, bl):
    h = _gin_conv(x, edge_index, eps1, W1a, b1a, W1b, b1b)
    h = jnp.maximum(h, 0.0)
    # dropout is identity in eval mode (training=False)
    h = _gin_conv(h, edge_index, eps2, W2a, b2a, W2b, b2b)
    h = jnp.maximum(h, 0.0)
    logits = h @ Wl + bl
    return jax.nn.log_softmax(logits, axis=1)

if __name__ == "__main__":
    import jax
    _d = setup_inputs()
    print(jax.jit(kernel)(*tuple(_d.values())))

</pallas_src>

<mosaic_0001>
#map = affine_map<(d0, d1) -> (0, 0)>
#map1 = affine_map<(d0, d1) -> (0, 0, 0)>
module attributes {stable_mosaic.version = 14 : i64} {
  func.func @_agg_body(%arg0: i32, %arg1: i32, %arg2: memref<10000x128xf32, #tpu.memory_space<hbm>>, %arg3: memref<2x2500x128xi32, #tpu.memory_space<hbm>>, %arg4: memref<2x10000x128xf32, #tpu.memory_space<hbm>>, %arg5: memref<40x128xi32, #tpu.memory_space<vmem>>, %arg6: memref<40x128xi32, #tpu.memory_space<vmem>>, %arg7: memref<128x128xf32, #tpu.memory_space<vmem>>, %arg8: memref<128x128xf32, #tpu.memory_space<vmem>>, %arg9: memref<10000x128xf32, #tpu.memory_space<vmem_shared>>, %arg10: memref<!tpu.dma_semaphore, #tpu.memory_space<semaphore_mem>>, %arg11: memref<!tpu.dma_semaphore, #tpu.memory_space<semaphore_mem>>) attributes {dimension_semantics = [#tpu.dimension_semantics<core_parallel>, #tpu.dimension_semantics<subcore_parallel>], iteration_bounds = array<i64: 2, 16>, scalar_prefetch = 0 : i64, scratch_operands = 7 : i64, tpu.core_type = #tpu.core_type<sc_vector_subcore>, window_params = [{transform_indices = #map}, {transform_indices = #map1}, {transform_indices = #map1}]} {
    %mul3A = arith.constant 16 : i32
    %mul3A_0 = arith.muli %arg0, %mul3A : i32
    %add3A = arith.addi %mul3A_0, %arg1 : i32
    %broadcast_in_dim3A = arith.constant 0.000000e+00 : f32
    %broadcast_in_dim3A_1 = vector.broadcast %broadcast_in_dim3A : f32 to vector<16xf32>
    %scan3A = arith.constant 0 : i32
    %scan3A_2 = arith.constant 128 : i32
    %scan3A_3 = arith.addi %scan3A, %scan3A_2 : i32
    %scan3A_4 = arith.constant 1 : i32
    scf.for %scan3A_103 = %scan3A to %scan3A_3 step %scan3A_4  : i32 {
      %mul3A_104 = arith.constant 1 : i32
      %mul3A_105 = arith.muli %scan3A_103, %mul3A_104 : i32
      %add3A_106 = arith.constant 0 : i32
      %add3A_107 = arith.addi %add3A_106, %mul3A_105 : i32
      %swap3A = arith.index_cast %add3A_107 : i32 to index
      %swap3A_108 = arith.constant 0 : index
      %swap3A_109 = tpu.vector_load %arg7[%swap3A, %swap3A_108] {strides = array<i32>} : memref<128x128xf32, #tpu.memory_space<vmem>>, vector<1x16xf32>,
      %swap3A_110 = vector.shape_cast %swap3A_109 : vector<1x16xf32> to vector<16xf32>
      %swap3A_111 = vector.shape_cast %broadcast_in_dim3A_1 : vector<16xf32> to vector<1x16xf32>
      tpu.vector_store %arg7[%swap3A, %swap3A_108], %swap3A_111 {strides = array<i32>} : memref<128x128xf32, #tpu.memory_space<vmem>>, vector<1x16xf32>,
      %swap3A_112 = arith.index_cast %add3A_107 : i32 to index
      %swap3A_113 = arith.constant 16 : index
      %swap3A_114 = tpu.vector_load %arg7[%swap3A_112, %swap3A_113] {strides = array<i32>} : memref<128x128xf32, #tpu.memory_space<vmem>>, vector<1x16xf32>,
      %swap3A_115 = vector.shape_cast %swap3A_114 : vector<1x16xf32> to vector<16xf32>
      %swap3A_116 = vector.shape_cast %broadcast_in_dim3A_1 : vector<16xf32> to vector<1x16xf32>
      tpu.vector_store %arg7[%swap3A_112, %swap3A_113], %swap3A_116 {strides = array<i32>} : memref<128x128xf32, #tpu.memory_space<vmem>>, vector<1x16xf32>,
      %swap3A_117 = arith.index_cast %add3A_107 : i32 to index
      %swap3A_118 = arith.constant 32 : index
      %swap3A_119 = tpu.vector_load %arg7[%swap3A_117, %swap3A_118] {strides = array<i32>} : memref<128x128xf32, #tpu.memory_space<vmem>>, vector<1x16xf32>,
      %swap3A_120 = vector.shape_cast %swap3A_119 : vector<1x16xf32> to vector<16xf32>
      %swap3A_121 = vector.shape_cast %broadcast_in_dim3A_1 : vector<16xf32> to vector<1x16xf32>
      tpu.vector_store %arg7[%swap3A_117, %swap3A_118], %swap3A_121 {strides = array<i32>} : memref<128x128xf32, #tpu.memory_space<vmem>>, vector<1x16xf32>,
      %swap3A_122 = arith.index_cast %add3A_107 : i32 to index
      %swap3A_123 = arith.constant 48 : index
      %swap3A_124 = tpu.vector_load %arg7[%swap3A_122, %swap3A_123] {strides = array<i32>} : memref<128x128xf32, #tpu.memory_space<vmem>>, vector<1x16xf32>,
      %swap3A_125 = vector.shape_cast %swap3A_124 : vector<1x16xf32> to vector<16xf32>
      %swap3A_126 = vector.shape_cast %broadcast_in_dim3A_1 : vector<16xf32> to vector<1x16xf32>
      tpu.vector_store %arg7[%swap3A_122, %swap3A_123], %swap3A_126 {strides = array<i32>} : memref<128x128xf32, #tpu.memory_space<vmem>>, vector<1x16xf32>,
      %swap3A_127 = arith.index_cast %add3A_107 : i32 to index
      %swap3A_128 = arith.constant 64 : index
      %swap3A_129 = tpu.vector_load %arg7[%swap3A_127, %swap3A_128] {strides = array<i32>} : memref<128x128xf32, #tpu.memory_space<vmem>>, vector<1x16xf32>,
      %swap3A_130 = vector.shape_cast %swap3A_129 : vector<1x16xf32> to vector<16xf32>
      %swap3A_131 = vector.shape_cast %broadcast_in_dim3A_1 : vector<16xf32> to vector<1x16xf32>
      tpu.vector_store %arg7[%swap3A_127, %swap3A_128], %swap3A_131 {strides = array<i32>} : memref<128x128xf32, #tpu.memory_space<vmem>>, vector<1x16xf32>,
      %swap3A_132 = arith.index_cast %add3A_107 : i32 to index
      %swap3A_133 = arith.constant 80 : index
      %swap3A_134 = tpu.vector_load %arg7[%swap3A_132, %swap3A_133] {strides = array<i32>} : memref<128x128xf32, #tpu.memory_space<vmem>>, vector<1x16xf32>,
      %swap3A_135 = vector.shape_cast %swap3A_134 : vector<1x16xf32> to vector<16xf32>
      %swap3A_136 = vector.shape_cast %broadcast_in_dim3A_1 : vector<16xf32> to vector<1x16xf32>
      tpu.vector_store %arg7[%swap3A_132, %swap3A_133], %swap3A_136 {strides = array<i32>} : memref<128x128xf32, #tpu.memory_space<vmem>>, vector<1x16xf32>,
      %swap3A_137 = arith.index_cast %add3A_107 : i32 to index
      %swap3A_138 = arith.constant 96 : index
      %swap3A_139 = tpu.vector_load %arg7[%swap3A_137, %swap3A_138] {strides = array<i32>} : memref<128x128xf32, #tpu.memory_space<vmem>>, vector<1x16xf32>,
      %swap3A_140 = vector.shape_cast %swap3A_139 : vector<1x16xf32> to vector<16xf32>
      %swap3A_141 = vector.shape_cast %broadcast_in_dim3A_1 : vector<16xf32> to vector<1x16xf32>
      tpu.vector_store %arg7[%swap3A_137, %swap3A_138], %swap3A_141 {strides = array<i32>} : memref<128x128xf32, #tpu.memory_space<vmem>>, vector<1x16xf32>,
      %swap3A_142 = arith.index_cast %add3A_107 : i32 to index
      %swap3A_143 = arith.constant 112 : index
      %swap3A_144 = tpu.vector_load %arg7[%swap3A_142, %swap3A_143] {strides = array<i32>} : memref<128x128xf32, #tpu.memory_space<vmem>>, vector<1x16xf32>,
      %swap3A_145 = vector.shape_cast %swap3A_144 : vector<1x16xf32> to vector<16xf32>
      %swap3A_146 = vector.shape_cast %broadcast_in_dim3A_1 : vector<16xf32> to vector<1x16xf32>
      tpu.vector_store %arg7[%swap3A_142, %swap3A_143], %swap3A_146 {strides = array<i32>} : memref<128x128xf32, #tpu.memory_space<vmem>>, vector<1x16xf32>,
    }
    %scan3A_5 = arith.constant 128 : i32
    %mul3A_6 = arith.constant 80 : i32
    %mul3A_7 = arith.muli %mul3A_6, %add3A : i32
    %ge3A = arith.constant 12 : i32
    %ge3A_8 = arith.cmpi sge, %add3A, %ge3A : i32
    %sub3A = arith.constant 12 : i32
    %sub3A_9 = arith.subi %add3A, %sub3A : i32
    %mul3A_10 = arith.constant 72 : i32
    %mul3A_11 = arith.muli %mul3A_10, %sub3A_9 : i32
    %add3A_12 = arith.constant 960 : i32
    %add3A_13 = arith.addi %add3A_12, %mul3A_11 : i32
    %select_n3A = arith.select %ge3A_8, %add3A_13, %mul3A_7 : i32
    %ge3A_14 = arith.constant 16 : i32
    %ge3A_15 = arith.cmpi sge, %add3A, %ge3A_14 : i32
    %sub3A_16 = arith.constant 16 : i32
    %sub3A_17 = arith.subi %add3A, %sub3A_16 : i32
    %mul3A_18 = arith.constant 80 : i32
    %mul3A_19 = arith.muli %mul3A_18, %sub3A_17 : i32
    %add3A_20 = arith.constant 1248 : i32
    %add3A_21 = arith.addi %add3A_20, %mul3A_19 : i32
    %select_n3A_22 = arith.select %ge3A_15, %add3A_21, %select_n3A : i32
    %ge3A_23 = arith.constant 28 : i32
    %ge3A_24 = arith.cmpi sge, %add3A, %ge3A_23 : i32
    %sub3A_25 = arith.constant 28 : i32
    %sub3A_26 = arith.subi %add3A, %sub3A_25 : i32
    %mul3A_27 = arith.constant 72 : i32
    %mul3A_28 = arith.muli %mul3A_27, %sub3A_26 : i32
    %add3A_29 = arith.constant 2208 : i32
    %add3A_30 = arith.addi %add3A_29, %mul3A_28 : i32
    %select_n3A_31 = arith.select %ge3A_24, %add3A_30, %select_n3A_22 : i32
    %lt3A = arith.constant 12 : i32
    %lt3A_32 = arith.cmpi slt, %add3A, %lt3A : i32
    %ge3A_33 = arith.constant 16 : i32
    %ge3A_34 = arith.cmpi sge, %add3A, %ge3A_33 : i32
    %lt3A_35 = arith.constant 28 : i32
    %lt3A_36 = arith.cmpi slt, %add3A, %lt3A_35 : i32
    %and3A = arith.andi %ge3A_34, %lt3A_36 : i1
    %or3A = arith.ori %lt3A_32, %and3A : i1
    %ge3A_37 = arith.constant 12 : i32
    %ge3A_38 = arith.cmpi sge, %add3A, %ge3A_37 : i32
    %lt3A_39 = arith.constant 16 : i32
    %lt3A_40 = arith.cmpi slt, %add3A, %lt3A_39 : i32
    %and3A_41 = arith.andi %ge3A_38, %lt3A_40 : i1
    %ge3A_42 = arith.constant 28 : i32
    %ge3A_43 = arith.cmpi sge, %add3A, %ge3A_42 : i32
    %lt3A_44 = arith.constant 31 : i32
    %lt3A_45 = arith.cmpi slt, %add3A, %lt3A_44 : i32
    %and3A_46 = arith.andi %ge3A_43, %lt3A_45 : i1
    %or3A_47 = arith.ori %and3A_41, %and3A_46 : i1
    %run_scoped3A = arith.constant 0 : i32
    "tpu.region"() ({
      %run_scoped3A_103 = tpu.sem_alloc : memref<!tpu.dma_semaphore, #tpu.memory_space<semaphore_mem>>
      %dma_start3A_104 = arith.constant 0 : i32
      %dma_start3A_105 = arith.constant 0 : i32
      %dma_start3A_106 = tpu.memref_slice %arg5[%dma_start3A_104, %dma_start3A_105] : memref<40x128xi32, #tpu.memory_space<vmem>> -> memref<40x128xi32, #tpu.memory_space<vmem>>
      %dma_start3A_107 = arith.constant 0 : i32
      %dma_start3A_108 = tpu.memref_slice %arg3[%run_scoped3A, %select_n3A_31, %dma_start3A_107] : memref<2x2500x128xi32, #tpu.memory_space<hbm>> -> memref<1x40x128xi32, #tpu.memory_space<hbm>>
      %dma_start3A_109 = tpu.memref_squeeze %dma_start3A_108 : memref<1x40x128xi32, #tpu.memory_space<hbm>> -> memref<40x128xi32, #tpu.memory_space<hbm>>
      %dma_start3A_110 = arith.constant 0 : i32
      %dma_start3A_111 = arith.constant 0 : i32
      %dma_start3A_112 = tpu.memref_slice %arg5[%dma_start3A_110, %dma_start3A_111] : memref<40x128xi32, #tpu.memory_space<vmem>> -> memref<40x128xi32, #tpu.memory_space<vmem>>
      %dma_start3A_113 = arith.constant 0 : i32
      %dma_start3A_114 = tpu.memref_slice %arg3[%run_scoped3A, %select_n3A_31, %dma_start3A_113] : memref<2x2500x128xi32, #tpu.memory_space<hbm>> -> memref<1x40x128xi32, #tpu.memory_space<hbm>>
      %dma_start3A_115 = tpu.memref_squeeze %dma_start3A_114 : memref<1x40x128xi32, #tpu.memory_space<hbm>> -> memref<40x128xi32, #tpu.memory_space<hbm>>
      tpu.enqueue_dma source(%dma_start3A_115 : memref<40x128xi32, #tpu.memory_space<hbm>>) target(%dma_start3A_112 : memref<40x128xi32, #tpu.memory_space<vmem>>) target_semaphore(%run_scoped3A_103 : memref<!tpu.dma_semaphore, #tpu.memory_space<semaphore_mem>>)
      %dma_wait3A = arith.constant 0 : i32
      %dma_wait3A_116 = arith.constant 0 : i32
      %dma_wait3A_117 = tpu.memref_slice %arg5[%dma_wait3A, %dma_wait3A_116] : memref<40x128xi32, #tpu.memory_space<vmem>> -> memref<40x128xi32, #tpu.memory_space<vmem>>
      %dma_wait3A_118 = arith.constant 0 : i32
      %dma_wait3A_119 = tpu.memref_slice %arg3[%run_scoped3A, %select_n3A_31, %dma_wait3A_118] : memref<2x2500x128xi32, #tpu.memory_space<hbm>> -> memref<1x40x128xi32, #tpu.memory_space<hbm>>
      %dma_wait3A_120 = tpu.memref_squeeze %dma_wait3A_119 : memref<1x40x128xi32, #tpu.memory_space<hbm>> -> memref<40x128xi32, #tpu.memory_space<hbm>>
      %dma_wait3A_121 = arith.constant 0 : i32
      %dma_wait3A_122 = arith.constant 0 : i32
      %dma_wait3A_123 = tpu.memref_slice %arg5[%dma_wait3A_121, %dma_wait3A_122] : memref<40x128xi32, #tpu.memory_space<vmem>> -> memref<40x128xi32, #tpu.memory_space<vmem>>
      %dma_wait3A_124 = arith.constant 0 : i32
      %dma_wait3A_125 = tpu.memref_slice %arg3[%run_scoped3A, %select_n3A_31, %dma_wait3A_124] : memref<2x2500x128xi32, #tpu.memory_space<hbm>> -> memref<1x40x128xi32, #tpu.memory_space<hbm>>
      %dma_wait3A_126 = tpu.memref_squeeze %dma_wait3A_125 : memref<1x40x128xi32, #tpu.memory_space<hbm>> -> memref<40x128xi32, #tpu.memory_space<hbm>>
      tpu.wait_dma2 semaphore(%run_scoped3A_103 : memref<!tpu.dma_semaphore, #tpu.memory_space<semaphore_mem>>) src(%dma_wait3A_126 : memref<40x128xi32, #tpu.memory_space<hbm>>) dst(%dma_wait3A_123 : memref<40x128xi32, #tpu.memory_space<vmem>>)
      tpu.yield
    }) : () -> ()
    %run_scoped3A_48 = arith.constant 1 : i32
    "tpu.region"() ({
      %run_scoped3A_103 = tpu.sem_alloc : memref<!tpu.dma_semaphore, #tpu.memory_space<semaphore_mem>>
      %dma_start3A_104 = arith.constant 0 : i32
      %dma_start3A_105 = arith.constant 0 : i32
      %dma_start3A_106 = tpu.memref_slice %arg6[%dma_start3A_104, %dma_start3A_105] : memref<40x128xi32, #tpu.memory_space<vmem>> -> memref<40x128xi32, #tpu.memory_space<vmem>>
      %dma_start3A_107 = arith.constant 0 : i32
      %dma_start3A_108 = tpu.memref_slice %arg3[%run_scoped3A_48, %select_n3A_31, %dma_start3A_107] : memref<2x2500x128xi32, #tpu.memory_space<hbm>> -> memref<1x40x128xi32, #tpu.memory_space<hbm>>
      %dma_start3A_109 = tpu.memref_squeeze %dma_start3A_108 : memref<1x40x128xi32, #tpu.memory_space<hbm>> -> memref<40x128xi32, #tpu.memory_space<hbm>>
      %dma_start3A_110 = arith.constant 0 : i32
      %dma_start3A_111 = arith.constant 0 : i32
      %dma_start3A_112 = tpu.memref_slice %arg6[%dma_start3A_110, %dma_start3A_111] : memref<40x128xi32, #tpu.memory_space<vmem>> -> memref<40x128xi32, #tpu.memory_space<vmem>>
      %dma_start3A_113 = arith.constant 0 : i32
      %dma_start3A_114 = tpu.memref_slice %arg3[%run_scoped3A_48, %select_n3A_31, %dma_start3A_113] : memref<2x2500x128xi32, #tpu.memory_space<hbm>> -> memref<1x40x128xi32, #tpu.memory_space<hbm>>
      %dma_start3A_115 = tpu.memref_squeeze %dma_start3A_114 : memref<1x40x128xi32, #tpu.memory_space<hbm>> -> memref<40x128xi32, #tpu.memory_space<hbm>>
      tpu.enqueue_dma source(%dma_start3A_115 : memref<40x128xi32, #tpu.memory_space<hbm>>) target(%dma_start3A_112 : memref<40x128xi32, #tpu.memory_space<vmem>>) target_semaphore(%run_scoped3A_103 : memref<!tpu.dma_semaphore, #tpu.memory_space<semaphore_mem>>)
      %dma_wait3A = arith.constant 0 : i32
      %dma_wait3A_116 = arith.constant 0 : i32
      %dma_wait3A_117 = tpu.memref_slice %arg6[%dma_wait3A, %dma_wait3A_116] : memref<40x128xi32, #tpu.memory_space<vmem>> -> memref<40x128xi32, #tpu.memory_space<vmem>>
      %dma_wait3A_118 = arith.constant 0 : i32
      %dma_wait3A_119 = tpu.memref_slice %arg3[%run_scoped3A_48, %select_n3A_31, %dma_wait3A_118] : memref<2x2500x128xi32, #tpu.memory_space<hbm>> -> memref<1x40x128xi32, #tpu.memory_space<hbm>>
      %dma_wait3A_120 = tpu.memref_squeeze %dma_wait3A_119 : memref<1x40x128xi32, #tpu.memory_space<hbm>> -> memref<40x128xi32, #tpu.memory_space<hbm>>
      %dma_wait3A_121 = arith.constant 0 : i32
      %dma_wait3A_122 = arith.constant 0 : i32
      %dma_wait3A_123 = tpu.memref_slice %arg6[%dma_wait3A_121, %dma_wait3A_122] : memref<40x128xi32, #tpu.memory_space<vmem>> -> memref<40x128xi32, #tpu.memory_space<vmem>>
      %dma_wait3A_124 = arith.constant 0 : i32
      %dma_wait3A_125 = tpu.memref_slice %arg3[%run_scoped3A_48, %select_n3A_31, %dma_wait3A_124] : memref<2x2500x128xi32, #tpu.memory_space<hbm>> -> memref<1x40x128xi32, #tpu.memory_space<hbm>>
      %dma_wait3A_126 = tpu.memref_squeeze %dma_wait3A_125 : memref<1x40x128xi32, #tpu.memory_space<hbm>> -> memref<40x128xi32, #tpu.memory_space<hbm>>
      tpu.wait_dma2 semaphore(%run_scoped3A_103 : memref<!tpu.dma_semaphore, #tpu.memory_space<semaphore_mem>>) src(%dma_wait3A_126 : memref<40x128xi32, #tpu.memory_space<hbm>>) dst(%dma_wait3A_123 : memref<40x128xi32, #tpu.memory_space<vmem>>)
      tpu.yield
    }) : () -> ()
    %dma_start3A = arith.constant 0 : i32
    %dma_start3A_49 = arith.constant 0 : i32
    %dma_start3A_50 = tpu.memref_slice %arg5[%dma_start3A, %dma_start3A_49] : memref<40x128xi32, #tpu.memory_space<vmem>> -> memref<1x128xi32, #tpu.memory_space<vmem>>
    %dma_start3A_51 = tpu.memref_squeeze %dma_start3A_50 : memref<1x128xi32, #tpu.memory_space<vmem>> -> memref<128xi32, #tpu.memory_space<vmem>>
    %dma_start3A_52 = arith.constant 0 : i32
    %dma_start3A_53 = arith.constant 0 : i32
    %dma_start3A_54 = tpu.memref_slice %arg2[%dma_start3A_52, %dma_start3A_53] : memref<10000x128xf32, #tpu.memory_space<hbm>> -> memref<10000x128xf32, #tpu.memory_space<hbm>>
    tpu.enqueue_indirect_dma source(%dma_start3A_54 : memref<10000x128xf32, #tpu.memory_space<hbm>>) target(%arg8 : memref<128x128xf32, #tpu.memory_space<vmem>>) offsets(%dma_start3A_51 : memref<128xi32, #tpu.memory_space<vmem>>) semaphore(%arg11 : memref<!tpu.dma_semaphore, #tpu.memory_space<semaphore_mem>>)
    %mul3A_55 = arith.constant 624 : i32
    %mul3A_56 = arith.muli %arg1, %mul3A_55 : i32
    %add3A_57 = arith.constant 0 : i32
    %add3A_58 = arith.addi %mul3A_56, %add3A_57 : i32
    "tpu.region"() ({
      %run_scoped3A_103 = tpu.sem_alloc : memref<!tpu.dma_semaphore, #tpu.memory_space<semaphore_mem>>
      %dma_start3A_104 = arith.constant 0 : i32
      %dma_start3A_105 = tpu.memref_slice %arg9[%add3A_58, %dma_start3A_104] : memref<10000x128xf32, #tpu.memory_space<vmem_shared>> -> memref<128x128xf32, #tpu.memory_space<vmem_shared>>
      %dma_start3A_106 = arith.constant 0 : i32
      %dma_start3A_107 = tpu.memref_slice %arg9[%add3A_58, %dma_start3A_106] : memref<10000x128xf32, #tpu.memory_space<vmem_shared>> -> memref<128x128xf32, #tpu.memory_space<vmem_shared>>
      tpu.enqueue_dma source(%arg7 : memref<128x128xf32, #tpu.memory_space<vmem>>) target(%dma_start3A_107 : memref<128x128xf32, #tpu.memory_space<vmem_shared>>) target_semaphore(%run_scoped3A_103 : memref<!tpu.dma_semaphore, #tpu.memory_space<semaphore_mem>>)
      %dma_wait3A = arith.constant 0 : i32
      %dma_wait3A_108 = tpu.memref_slice %arg9[%add3A_58, %dma_wait3A] : memref<10000x128xf32, #tpu.memory_space<vmem_shared>> -> memref<128x128xf32, #tpu.memory_space<vmem_shared>>
      %dma_wait3A_109 = arith.constant 0 : i32
      %dma_wait3A_110 = tpu.memref_slice %arg9[%add3A_58, %dma_wait3A_109] : memref<10000x128xf32, #tpu.memory_space<vmem_shared>> -> memref<128x128xf32, #tpu.memory_space<vmem_shared>>
      tpu.wait_dma2 semaphore(%run_scoped3A_103 : memref<!tpu.dma_semaphore, #tpu.memory_space<semaphore_mem>>) src(%arg7 : memref<128x128xf32, #tpu.memory_space<vmem>>) dst(%dma_wait3A_110 : memref<128x128xf32, #tpu.memory_space<vmem_shared>>)
      tpu.yield
    }) : () -> ()
    %mul3A_59 = arith.constant 624 : i32
    %mul3A_60 = arith.muli %arg1, %mul3A_59 : i32
    %add3A_61 = arith.constant 128 : i32
    %add3A_62 = arith.addi %mul3A_60, %add3A_61 : i32
    "tpu.region"() ({
      %run_scoped3A_103 = tpu.sem_alloc : memref<!tpu.dma_semaphore, #tpu.memory_space<semaphore_mem>>
      %dma_start3A_104 = arith.constant 0 : i32
      %dma_start3A_105 = tpu.memref_slice %arg9[%add3A_62, %dma_start3A_104] : memref<10000x128xf32, #tpu.memory_space<vmem_shared>> -> memref<128x128xf32, #tpu.memory_space<vmem_shared>>
      %dma_start3A_106 = arith.constant 0 : i32
      %dma_start3A_107 = tpu.memref_slice %arg9[%add3A_62, %dma_start3A_106] : memref<10000x128xf32, #tpu.memory_space<vmem_shared>> -> memref<128x128xf32, #tpu.memory_space<vmem_shared>>
      tpu.enqueue_dma source(%arg7 : memref<128x128xf32, #tpu.memory_space<vmem>>) target(%dma_start3A_107 : memref<128x128xf32, #tpu.memory_space<vmem_shared>>) target_semaphore(%run_scoped3A_103 : memref<!tpu.dma_semaphore, #tpu.memory_space<semaphore_mem>>)
      %dma_wait3A = arith.constant 0 : i32
      %dma_wait3A_108 = tpu.memref_slice %arg9[%add3A_62, %dma_wait3A] : memref<10000x128xf32, #tpu.memory_space<vmem_shared>> -> memref<128x128xf32, #tpu.memory_space<vmem_shared>>
      %dma_wait3A_109 = arith.constant 0 : i32
      %dma_wait3A_110 = tpu.memref_slice %arg9[%add3A_62, %dma_wait3A_109] : memref<10000x128xf32, #tpu.memory_space<vmem_shared>> -> memref<128x128xf32, #tpu.memory_space<vmem_shared>>
      tpu.wait_dma2 semaphore(%run_scoped3A_103 : memref<!tpu.dma_semaphore, #tpu.memory_space<semaphore_mem>>) src(%arg7 : memref<128x128xf32, #tpu.memory_space<vmem>>) dst(%dma_wait3A_110 : memref<128x128xf32, #tpu.memory_space<vmem_shared>>)
      tpu.yield
    }) : () -> ()
    %mul3A_63 = arith.constant 624 : i32
    %mul3A_64 = arith.muli %arg1, %mul3A_63 : i32
    %add3A_65 = arith.constant 256 : i32
    %add3A_66 = arith.addi %mul3A_64, %add3A_65 : i32
    "tpu.region"() ({
      %run_scoped3A_103 = tpu.sem_alloc : memref<!tpu.dma_semaphore, #tpu.memory_space<semaphore_mem>>
      %dma_start3A_104 = arith.constant 0 : i32
      %dma_start3A_105 = tpu.memref_slice %arg9[%add3A_66, %dma_start3A_104] : memref<10000x128xf32, #tpu.memory_space<vmem_shared>> -> memref<128x128xf32, #tpu.memory_space<vmem_shared>>
      %dma_start3A_106 = arith.constant 0 : i32
      %dma_start3A_107 = tpu.memref_slice %arg9[%add3A_66, %dma_start3A_106] : memref<10000x128xf32, #tpu.memory_space<vmem_shared>> -> memref<128x128xf32, #tpu.memory_space<vmem_shared>>
      tpu.enqueue_dma source(%arg7 : memref<128x128xf32, #tpu.memory_space<vmem>>) target(%dma_start3A_107 : memref<128x128xf32, #tpu.memory_space<vmem_shared>>) target_semaphore(%run_scoped3A_103 : memref<!tpu.dma_semaphore, #tpu.memory_space<semaphore_mem>>)
      %dma_wait3A = arith.constant 0 : i32
      %dma_wait3A_108 = tpu.memref_slice %arg9[%add3A_66, %dma_wait3A] : memref<10000x128xf32, #tpu.memory_space<vmem_shared>> -> memref<128x128xf32, #tpu.memory_space<vmem_shared>>
      %dma_wait3A_109 = arith.constant 0 : i32
      %dma_wait3A_110 = tpu.memref_slice %arg9[%add3A_66, %dma_wait3A_109] : memref<10000x128xf32, #tpu.memory_space<vmem_shared>> -> memref<128x128xf32, #tpu.memory_space<vmem_shared>>
      tpu.wait_dma2 semaphore(%run_scoped3A_103 : memref<!tpu.dma_semaphore, #tpu.memory_space<semaphore_mem>>) src(%arg7 : memref<128x128xf32, #tpu.memory_space<vmem>>) dst(%dma_wait3A_110 : memref<128x128xf32, #tpu.memory_space<vmem_shared>>)
      tpu.yield
    }) : () -> ()
    %mul3A_67 = arith.constant 624 : i32
    %mul3A_68 = arith.muli %arg1, %mul3A_67 : i32
    %add3A_69 = arith.constant 384 : i32
    %add3A_70 = arith.addi %mul3A_68, %add3A_69 : i32
    "tpu.region"() ({
      %run_scoped3A_103 = tpu.sem_alloc : memref<!tpu.dma_semaphore, #tpu.memory_space<semaphore_mem>>
      %dma_start3A_104 = arith.constant 0 : i32
      %dma_start3A_105 = tpu.memref_slice %arg9[%add3A_70, %dma_start3A_104] : memref<10000x128xf32, #tpu.memory_space<vmem_shared>> -> memref<128x128xf32, #tpu.memory_space<vmem_shared>>
      %dma_start3A_106 = arith.constant 0 : i32
      %dma_start3A_107 = tpu.memref_slice %arg9[%add3A_70, %dma_start3A_106] : memref<10000x128xf32, #tpu.memory_space<vmem_shared>> -> memref<128x128xf32, #tpu.memory_space<vmem_shared>>
      tpu.enqueue_dma source(%arg7 : memref<128x128xf32, #tpu.memory_space<vmem>>) target(%dma_start3A_107 : memref<128x128xf32, #tpu.memory_space<vmem_shared>>) target_semaphore(%run_scoped3A_103 : memref<!tpu.dma_semaphore, #tpu.memory_space<semaphore_mem>>)
      %dma_wait3A = arith.constant 0 : i32
      %dma_wait3A_108 = tpu.memref_slice %arg9[%add3A_70, %dma_wait3A] : memref<10000x128xf32, #tpu.memory_space<vmem_shared>> -> memref<128x128xf32, #tpu.memory_space<vmem_shared>>
      %dma_wait3A_109 = arith.constant 0 : i32
      %dma_wait3A_110 = tpu.memref_slice %arg9[%add3A_70, %dma_wait3A_109] : memref<10000x128xf32, #tpu.memory_space<vmem_shared>> -> memref<128x128xf32, #tpu.memory_space<vmem_shared>>
      tpu.wait_dma2 semaphore(%run_scoped3A_103 : memref<!tpu.dma_semaphore, #tpu.memory_space<semaphore_mem>>) src(%arg7 : memref<128x128xf32, #tpu.memory_space<vmem>>) dst(%dma_wait3A_110 : memref<128x128xf32, #tpu.memory_space<vmem_shared>>)
      tpu.yield
    }) : () -> ()
    %mul3A_71 = arith.constant 624 : i32
    %mul3A_72 = arith.muli %arg1, %mul3A_71 : i32
    %add3A_73 = arith.constant 512 : i32
    %add3A_74 = arith.addi %mul3A_72, %add3A_73 : i32
    "tpu.region"() ({
      %run_scoped3A_103 = tpu.sem_alloc : memref<!tpu.dma_semaphore, #tpu.memory_space<semaphore_mem>>
      %dma_start3A_104 = arith.constant 0 : i32
      %dma_start3A_105 = arith.constant 0 : i32
      %dma_start3A_106 = tpu.memref_slice %arg7[%dma_start3A_104, %dma_start3A_105] : memref<128x128xf32, #tpu.memory_space<vmem>> -> memref<112x128xf32, #tpu.memory_space<vmem>>
      %dma_start3A_107 = arith.constant 0 : i32
      %dma_start3A_108 = tpu.memref_slice %arg9[%add3A_74, %dma_start3A_107] : memref<10000x128xf32, #tpu.memory_space<vmem_shared>> -> memref<112x128xf32, #tpu.memory_space<vmem_shared>>
      %dma_start3A_109 = arith.constant 0 : i32
      %dma_start3A_110 = tpu.memref_slice %arg9[%add3A_74, %dma_start3A_109] : memref<10000x128xf32, #tpu.memory_space<vmem_shared>> -> memref<112x128xf32, #tpu.memory_space<vmem_shared>>
      %dma_start3A_111 = arith.constant 0 : i32
      %dma_start3A_112 = arith.constant 0 : i32
      %dma_start3A_113 = tpu.memref_slice %arg7[%dma_start3A_111, %dma_start3A_112] : memref<128x128xf32, #tpu.memory_space<vmem>> -> memref<112x128xf32, #tpu.memory_space<vmem>>
      tpu.enqueue_dma source(%dma_start3A_113 : memref<112x128xf32, #tpu.memory_space<vmem>>) target(%dma_start3A_110 : memref<112x128xf32, #tpu.memory_space<vmem_shared>>) target_semaphore(%run_scoped3A_103 : memref<!tpu.dma_semaphore, #tpu.memory_space<semaphore_mem>>)
      %dma_wait3A = arith.constant 0 : i32
      %dma_wait3A_114 = arith.constant 0 : i32
      %dma_wait3A_115 = tpu.memref_slice %arg7[%dma_wait3A, %dma_wait3A_114] : memref<128x128xf32, #tpu.memory_space<vmem>> -> memref<112x128xf32, #tpu.memory_space<vmem>>
      %dma_wait3A_116 = arith.constant 0 : i32
      %dma_wait3A_117 = tpu.memref_slice %arg9[%add3A_74, %dma_wait3A_116] : memref<10000x128xf32, #tpu.memory_space<vmem_shared>> -> memref<112x128xf32, #tpu.memory_space<vmem_shared>>
      %dma_wait3A_118 = arith.constant 0 : i32
      %dma_wait3A_119 = tpu.memref_slice %arg9[%add3A_74, %dma_wait3A_118] : memref<10000x128xf32, #tpu.memory_space<vmem_shared>> -> memref<112x128xf32, #tpu.memory_space<vmem_shared>>
      %dma_wait3A_120 = arith.constant 0 : i32
      %dma_wait3A_121 = arith.constant 0 : i32
      %dma_wait3A_122 = tpu.memref_slice %arg7[%dma_wait3A_120, %dma_wait3A_121] : memref<128x128xf32, #tpu.memory_space<vmem>> -> memref<112x128xf32, #tpu.memory_space<vmem>>
      tpu.wait_dma2 semaphore(%run_scoped3A_103 : memref<!tpu.dma_semaphore, #tpu.memory_space<semaphore_mem>>) src(%dma_wait3A_122 : memref<112x128xf32, #tpu.memory_space<vmem>>) dst(%dma_wait3A_119 : memref<112x128xf32, #tpu.memory_space<vmem_shared>>)
      tpu.yield
    }) : () -> ()
    %eq3A = arith.constant 0 : i32
    %eq3A_75 = arith.cmpi eq, %arg1, %eq3A : i32
    %convert_element_type3A = arith.extui %eq3A_75 : i1 to i32
    %cond3A = arith.constant 0 : i32
    %cond3A_76 = arith.cmpi ne, %convert_element_type3A, %cond3A : i32
    scf.if %cond3A_76 {
      "tpu.region"() ({
        %run_scoped3A_103 = tpu.sem_alloc : memref<!tpu.dma_semaphore, #tpu.memory_space<semaphore_mem>>
        %dma_start3A_104 = arith.constant 0 : i32
        %dma_start3A_105 = arith.constant 0 : i32
        %dma_start3A_106 = tpu.memref_slice %arg7[%dma_start3A_104, %dma_start3A_105] : memref<128x128xf32, #tpu.memory_space<vmem>> -> memref<16x128xf32, #tpu.memory_space<vmem>>
        %dma_start3A_107 = arith.constant 9984 : i32
        %dma_start3A_108 = arith.constant 0 : i32
        %dma_start3A_109 = tpu.memref_slice %arg9[%dma_start3A_107, %dma_start3A_108] : memref<10000x128xf32, #tpu.memory_space<vmem_shared>> -> memref<16x128xf32, #tpu.memory_space<vmem_shared>>
        %dma_start3A_110 = arith.constant 9984 : i32
        %dma_start3A_111 = arith.constant 0 : i32
        %dma_start3A_112 = tpu.memref_slice %arg9[%dma_start3A_110, %dma_start3A_111] : memref<10000x128xf32, #tpu.memory_space<vmem_shared>> -> memref<16x128xf32, #tpu.memory_space<vmem_shared>>
        %dma_start3A_113 = arith.constant 0 : i32
        %dma_start3A_114 = arith.constant 0 : i32
        %dma_start3A_115 = tpu.memref_slice %arg7[%dma_start3A_113, %dma_start3A_114] : memref<128x128xf32, #tpu.memory_space<vmem>> -> memref<16x128xf32, #tpu.memory_space<vmem>>
        tpu.enqueue_dma source(%dma_start3A_115 : memref<16x128xf32, #tpu.memory_space<vmem>>) target(%dma_start3A_112 : memref<16x128xf32, #tpu.memory_space<vmem_shared>>) target_semaphore(%run_scoped3A_103 : memref<!tpu.dma_semaphore, #tpu.memory_space<semaphore_mem>>)
        %dma_wait3A = arith.constant 0 : i32
        %dma_wait3A_116 = arith.constant 0 : i32
        %dma_wait3A_117 = tpu.memref_slice %arg7[%dma_wait3A, %dma_wait3A_116] : memref<128x128xf32, #tpu.memory_space<vmem>> -> memref<16x128xf32, #tpu.memory_space<vmem>>
        %dma_wait3A_118 = arith.constant 9984 : i32
        %dma_wait3A_119 = arith.constant 0 : i32
        %dma_wait3A_120 = tpu.memref_slice %arg9[%dma_wait3A_118, %dma_wait3A_119] : memref<10000x128xf32, #tpu.memory_space<vmem_shared>> -> memref<16x128xf32, #tpu.memory_space<vmem_shared>>
        %dma_wait3A_121 = arith.constant 9984 : i32
        %dma_wait3A_122 = arith.constant 0 : i32
        %dma_wait3A_123 = tpu.memref_slice %arg9[%dma_wait3A_121, %dma_wait3A_122] : memref<10000x128xf32, #tpu.memory_space<vmem_shared>> -> memref<16x128xf32, #tpu.memory_space<vmem_shared>>
        %dma_wait3A_124 = arith.constant 0 : i32
        %dma_wait3A_125 = arith.constant 0 : i32
        %dma_wait3A_126 = tpu.memref_slice %arg7[%dma_wait3A_124, %dma_wait3A_125] : memref<128x128xf32, #tpu.memory_space<vmem>> -> memref<16x128xf32, #tpu.memory_space<vmem>>
        tpu.wait_dma2 semaphore(%run_scoped3A_103 : memref<!tpu.dma_semaphore, #tpu.memory_space<semaphore_mem>>) src(%dma_wait3A_126 : memref<16x128xf32, #tpu.memory_space<vmem>>) dst(%dma_wait3A_123 : memref<16x128xf32, #tpu.memory_space<vmem_shared>>)
        tpu.yield
      }) : () -> ()
    } else {
    }
    %barrier3A = arith.constant 0 : index
    tpu.barrier barrier_id(%barrier3A)
    %scan3A_77 = arith.constant 0 : i32
    %scan3A_78 = arith.constant 20 : i32
    %scan3A_79 = arith.addi %scan3A_77, %scan3A_78 : i32
    %scan3A_80 = arith.constant 1 : i32
    scf.for %scan3A_103 = %scan3A_77 to %scan3A_79 step %scan3A_80  : i32 {
      %mul3A_104 = arith.constant 2 : i32
      %mul3A_105 = arith.muli %scan3A_103, %mul3A_104 : i32
      %add3A_106 = arith.constant 0 : i32
      %add3A_107 = arith.addi %add3A_106, %mul3A_105 : i32
      %add3A_108 = arith.constant 1 : i32
      %add3A_109 = arith.addi %add3A_107, %add3A_108 : i32
      %dma_start3A_110 = arith.constant 0 : i32
      %dma_start3A_111 = tpu.memref_slice %arg5[%add3A_109, %dma_start3A_110] : memref<40x128xi32, #tpu.memory_space<vmem>> -> memref<1x128xi32, #tpu.memory_space<vmem>>
      %dma_start3A_112 = tpu.memref_squeeze %dma_start3A_111 : memref<1x128xi32, #tpu.memory_space<vmem>> -> memref<128xi32, #tpu.memory_space<vmem>>
      %dma_start3A_113 = arith.constant 0 : i32
      %dma_start3A_114 = arith.constant 0 : i32
      %dma_start3A_115 = tpu.memref_slice %arg2[%dma_start3A_113, %dma_start3A_114] : memref<10000x128xf32, #tpu.memory_space<hbm>> -> memref<10000x128xf32, #tpu.memory_space<hbm>>
      tpu.enqueue_indirect_dma source(%dma_start3A_115 : memref<10000x128xf32, #tpu.memory_space<hbm>>) target(%arg7 : memref<128x128xf32, #tpu.memory_space<vmem>>) offsets(%dma_start3A_112 : memref<128xi32, #tpu.memory_space<vmem>>) semaphore(%arg10 : memref<!tpu.dma_semaphore, #tpu.memory_space<semaphore_mem>>)
      %dma_wait3A = arith.constant 0 : i32
      %dma_wait3A_116 = arith.constant 0 : i32
      %dma_wait3A_117 = tpu.memref_slice %arg5[%dma_wait3A, %dma_wait3A_116] : memref<40x128xi32, #tpu.memory_space<vmem>> -> memref<1x128xi32, #tpu.memory_space<vmem>>
      %dma_wait3A_118 = tpu.memref_squeeze %dma_wait3A_117 : memref<1x128xi32, #tpu.memory_space<vmem>> -> memref<128xi32, #tpu.memory_space<vmem>>
      %dma_wait3A_119 = arith.constant 0 : i32
      %dma_wait3A_120 = arith.constant 0 : i32
      %dma_wait3A_121 = tpu.memref_slice %arg2[%dma_wait3A_119, %dma_wait3A_120] : memref<10000x128xf32, #tpu.memory_space<hbm>> -> memref<10000x128xf32, #tpu.memory_space<hbm>>
      tpu.wait_indirect_dma semaphore(%arg11 : memref<!tpu.dma_semaphore, #tpu.memory_space<semaphore_mem>>) src(%dma_wait3A_121 : memref<10000x128xf32, #tpu.memory_space<hbm>>) dst(%arg8 : memref<128x128xf32, #tpu.memory_space<vmem>>)
      "tpu.region"() ({
        %run_scoped3A_138 = tpu.sem_alloc : memref<!tpu.dma_semaphore, #tpu.memory_space<semaphore_mem>>
        %dma_start3A_139 = arith.constant 0 : i32
        %dma_start3A_140 = tpu.memref_slice %arg6[%add3A_107, %dma_start3A_139] : memref<40x128xi32, #tpu.memory_space<vmem>> -> memref<1x128xi32, #tpu.memory_space<vmem>>
        %dma_start3A_141 = tpu.memref_squeeze %dma_start3A_140 : memref<1x128xi32, #tpu.memory_space<vmem>> -> memref<128xi32, #tpu.memory_space<vmem>>
        %dma_start3A_142 = arith.constant 0 : i32
        %dma_start3A_143 = arith.constant 0 : i32
        %dma_start3A_144 = tpu.memref_slice %arg9[%dma_start3A_142, %dma_start3A_143] : memref<10000x128xf32, #tpu.memory_space<vmem_shared>> -> memref<10000x128xf32, #tpu.memory_space<vmem_shared>>
        tpu.enqueue_indirect_dma source(%arg8 : memref<128x128xf32, #tpu.memory_space<vmem>>) target(%dma_start3A_144 : memref<10000x128xf32, #tpu.memory_space<vmem_shared>>) offsets(%dma_start3A_141 : memref<128xi32, #tpu.memory_space<vmem>>) semaphore(%run_scoped3A_138 : memref<!tpu.dma_semaphore, #tpu.memory_space<semaphore_mem>>) {add = true}
        %dma_wait3A_145 = arith.constant 0 : i32
        %dma_wait3A_146 = tpu.memref_slice %arg6[%add3A_107, %dma_wait3A_145] : memref<40x128xi32, #tpu.memory_space<vmem>> -> memref<1x128xi32, #tpu.memory_space<vmem>>
        %dma_wait3A_147 = tpu.memref_squeeze %dma_wait3A_146 : memref<1x128xi32, #tpu.memory_space<vmem>> -> memref<128xi32, #tpu.memory_space<vmem>>
        %dma_wait3A_148 = arith.constant 0 : i32
        %dma_wait3A_149 = arith.constant 0 : i32
        %dma_wait3A_150 = tpu.memref_slice %arg9[%dma_wait3A_148, %dma_wait3A_149] : memref<10000x128xf32, #tpu.memory_space<vmem_shared>> -> memref<10000x128xf32, #tpu.memory_space<vmem_shared>>
        tpu.wait_indirect_dma semaphore(%run_scoped3A_138 : memref<!tpu.dma_semaphore, #tpu.memory_space<semaphore_mem>>) src(%arg8 : memref<128x128xf32, #tpu.memory_space<vmem>>) dst(%dma_wait3A_150 : memref<10000x128xf32, #tpu.memory_space<vmem_shared>>)
        tpu.yield
      }) : () -> ()
      %add3A_122 = arith.constant 2 : i32
      %add3A_123 = arith.addi %add3A_107, %add3A_122 : i32
      %lt3A_124 = arith.constant 40 : i32
      %lt3A_125 = arith.cmpi slt, %add3A_123, %lt3A_124 : i32
      %convert_element_type3A_126 = arith.extui %lt3A_125 : i1 to i32
      %cond3A_127 = arith.constant 0 : i32
      %cond3A_128 = arith.cmpi ne, %convert_element_type3A_126, %cond3A_127 : i32
      scf.if %cond3A_128 {
        %add3A_138 = arith.constant 2 : i32
        %add3A_139 = arith.addi %add3A_107, %add3A_138 : i32
        %dma_start3A_140 = arith.constant 0 : i32
        %dma_start3A_141 = tpu.memref_slice %arg5[%add3A_139, %dma_start3A_140] : memref<40x128xi32, #tpu.memory_space<vmem>> -> memref<1x128xi32, #tpu.memory_space<vmem>>
        %dma_start3A_142 = tpu.memref_squeeze %dma_start3A_141 : memref<1x128xi32, #tpu.memory_space<vmem>> -> memref<128xi32, #tpu.memory_space<vmem>>
        %dma_start3A_143 = arith.constant 0 : i32
        %dma_start3A_144 = arith.constant 0 : i32
        %dma_start3A_145 = tpu.memref_slice %arg2[%dma_start3A_143, %dma_start3A_144] : memref<10000x128xf32, #tpu.memory_space<hbm>> -> memref<10000x128xf32, #tpu.memory_space<hbm>>
        tpu.enqueue_indirect_dma source(%dma_start3A_145 : memref<10000x128xf32, #tpu.memory_space<hbm>>) target(%arg8 : memref<128x128xf32, #tpu.memory_space<vmem>>) offsets(%dma_start3A_142 : memref<128xi32, #tpu.memory_space<vmem>>) semaphore(%arg11 : memref<!tpu.dma_semaphore, #tpu.memory_space<semaphore_mem>>)
      } else {
      }
      %dma_wait3A_129 = arith.constant 0 : i32
      %dma_wait3A_130 = arith.constant 0 : i32
      %dma_wait3A_131 = tpu.memref_slice %arg5[%dma_wait3A_129, %dma_wait3A_130] : memref<40x128xi32, #tpu.memory_space<vmem>> -> memref<1x128xi32, #tpu.memory_space<vmem>>
      %dma_wait3A_132 = tpu.memref_squeeze %dma_wait3A_131 : memref<1x128xi32, #tpu.memory_space<vmem>> -> memref<128xi32, #tpu.memory_space<vmem>>
      %dma_wait3A_133 = arith.constant 0 : i32
      %dma_wait3A_134 = arith.constant 0 : i32
      %dma_wait3A_135 = tpu.memref_slice %arg2[%dma_wait3A_133, %dma_wait3A_134] : memref<10000x128xf32, #tpu.memory_space<hbm>> -> memref<10000x128xf32, #tpu.memory_space<hbm>>
      tpu.wait_indirect_dma semaphore(%arg10 : memref<!tpu.dma_semaphore, #tpu.memory_space<semaphore_mem>>) src(%dma_wait3A_135 : memref<10000x128xf32, #tpu.memory_space<hbm>>) dst(%arg7 : memref<128x128xf32, #tpu.memory_space<vmem>>)
      %add3A_136 = arith.constant 1 : i32
      %add3A_137 = arith.addi %add3A_107, %add3A_136 : i32
      "tpu.region"() ({
        %run_scoped3A_138 = tpu.sem_alloc : memref<!tpu.dma_semaphore, #tpu.memory_space<semaphore_mem>>
        %dma_start3A_139 = arith.constant 0 : i32
        %dma_start3A_140 = tpu.memref_slice %arg6[%add3A_137, %dma_start3A_139] : memref<40x128xi32, #tpu.memory_space<vmem>> -> memref<1x128xi32, #tpu.memory_space<vmem>>
        %dma_start3A_141 = tpu.memref_squeeze %dma_start3A_140 : memref<1x128xi32, #tpu.memory_space<vmem>> -> memref<128xi32, #tpu.memory_space<vmem>>
        %dma_start3A_142 = arith.constant 0 : i32
        %dma_start3A_143 = arith.constant 0 : i32
        %dma_start3A_144 = tpu.memref_slice %arg9[%dma_start3A_142, %dma_start3A_143] : memref<10000x128xf32, #tpu.memory_space<vmem_shared>> -> memref<10000x128xf32, #tpu.memory_space<vmem_shared>>
        tpu.enqueue_indirect_dma source(%arg7 : memref<128x128xf32, #tpu.memory_space<vmem>>) target(%dma_start3A_144 : memref<10000x128xf32, #tpu.memory_space<vmem_shared>>) offsets(%dma_start3A_141 : memref<128xi32, #tpu.memory_space<vmem>>) semaphore(%run_scoped3A_138 : memref<!tpu.dma_semaphore, #tpu.memory_space<semaphore_mem>>) {add = true}
        %dma_wait3A_145 = arith.constant 0 : i32
        %dma_wait3A_146 = tpu.memref_slice %arg6[%add3A_137, %dma_wait3A_145] : memref<40x128xi32, #tpu.memory_space<vmem>> -> memref<1x128xi32, #tpu.memory_space<vmem>>
        %dma_wait3A_147 = tpu.memref_squeeze %dma_wait3A_146 : memref<1x128xi32, #tpu.memory_space<vmem>> -> memref<128xi32, #tpu.memory_space<vmem>>
        %dma_wait3A_148 = arith.constant 0 : i32
        %dma_wait3A_149 = arith.constant 0 : i32
        %dma_wait3A_150 = tpu.memref_slice %arg9[%dma_wait3A_148, %dma_wait3A_149] : memref<10000x128xf32, #tpu.memory_space<vmem_shared>> -> memref<10000x128xf32, #tpu.memory_space<vmem_shared>>
        tpu.wait_indirect_dma semaphore(%run_scoped3A_138 : memref<!tpu.dma_semaphore, #tpu.memory_space<semaphore_mem>>) src(%arg7 : memref<128x128xf32, #tpu.memory_space<vmem>>) dst(%dma_wait3A_150 : memref<10000x128xf32, #tpu.memory_space<vmem_shared>>)
        tpu.yield
      }) : () -> ()
    }
    %scan3A_81 = arith.constant 20 : i32
    %convert_element_type3A_82 = arith.extui %or3A : i1 to i32
    %cond3A_83 = arith.constant 0 : i32
    %cond3A_84 = arith.cmpi ne, %convert_element_type3A_82, %cond3A_83 : i32
    scf.if %cond3A_84 {
      %add3A_103 = arith.constant 40 : i32
      %add3A_104 = arith.addi %select_n3A_31, %add3A_103 : i32
      %run_scoped3A_105 = arith.constant 0 : i32
      "tpu.region"() ({
        %run_scoped3A_119 = tpu.sem_alloc : memref<!tpu.dma_semaphore, #tpu.memory_space<semaphore_mem>>
        %dma_start3A_120 = arith.constant 0 : i32
        %dma_start3A_121 = arith.constant 0 : i32
        %dma_start3A_122 = tpu.memref_slice %arg5[%dma_start3A_120, %dma_start3A_121] : memref<40x128xi32, #tpu.memory_space<vmem>> -> memref<40x128xi32, #tpu.memory_space<vmem>>
        %dma_start3A_123 = arith.constant 0 : i32
        %dma_start3A_124 = tpu.memref_slice %arg3[%run_scoped3A_105, %add3A_104, %dma_start3A_123] : memref<2x2500x128xi32, #tpu.memory_space<hbm>> -> memref<1x40x128xi32, #tpu.memory_space<hbm>>
        %dma_start3A_125 = tpu.memref_squeeze %dma_start3A_124 : memref<1x40x128xi32, #tpu.memory_space<hbm>> -> memref<40x128xi32, #tpu.memory_space<hbm>>
        %dma_start3A_126 = arith.constant 0 : i32
        %dma_start3A_127 = arith.constant 0 : i32
        %dma_start3A_128 = tpu.memref_slice %arg5[%dma_start3A_126, %dma_start3A_127] : memref<40x128xi32, #tpu.memory_space<vmem>> -> memref<40x128xi32, #tpu.memory_space<vmem>>
        %dma_start3A_129 = arith.constant 0 : i32
        %dma_start3A_130 = tpu.memref_slice %arg3[%run_scoped3A_105, %add3A_104, %dma_start3A_129] : memref<2x2500x128xi32, #tpu.memory_space<hbm>> -> memref<1x40x128xi32, #tpu.memory_space<hbm>>
        %dma_start3A_131 = tpu.memref_squeeze %dma_start3A_130 : memref<1x40x128xi32, #tpu.memory_space<hbm>> -> memref<40x128xi32, #tpu.memory_space<hbm>>
        tpu.enqueue_dma source(%dma_start3A_131 : memref<40x128xi32, #tpu.memory_space<hbm>>) target(%dma_start3A_128 : memref<40x128xi32, #tpu.memory_space<vmem>>) target_semaphore(%run_scoped3A_119 : memref<!tpu.dma_semaphore, #tpu.memory_space<semaphore_mem>>)
        %dma_wait3A = arith.constant 0 : i32
        %dma_wait3A_132 = arith.constant 0 : i32
        %dma_wait3A_133 = tpu.memref_slice %arg5[%dma_wait3A, %dma_wait3A_132] : memref<40x128xi32, #tpu.memory_space<vmem>> -> memref<40x128xi32, #tpu.memory_space<vmem>>
        %dma_wait3A_134 = arith.constant 0 : i32
        %dma_wait3A_135 = tpu.memref_slice %arg3[%run_scoped3A_105, %add3A_104, %dma_wait3A_134] : memref<2x2500x128xi32, #tpu.memory_space<hbm>> -> memref<1x40x128xi32, #tpu.memory_space<hbm>>
        %dma_wait3A_136 = tpu.memref_squeeze %dma_wait3A_135 : memref<1x40x128xi32, #tpu.memory_space<hbm>> -> memref<40x128xi32, #tpu.memory_space<hbm>>
        %dma_wait3A_137 = arith.constant 0 : i32
        %dma_wait3A_138 = arith.constant 0 : i32
        %dma_wait3A_139 = tpu.memref_slice %arg5[%dma_wait3A_137, %dma_wait3A_138] : memref<40x128xi32, #tpu.memory_space<vmem>> -> memref<40x128xi32, #tpu.memory_space<vmem>>
        %dma_wait3A_140 = arith.constant 0 : i32
        %dma_wait3A_141 = tpu.memref_slice %arg3[%run_scoped3A_105, %add3A_104, %dma_wait3A_140] : memref<2x2500x128xi32, #tpu.memory_space<hbm>> -> memref<1x40x128xi32, #tpu.memory_space<hbm>>
        %dma_wait3A_142 = tpu.memref_squeeze %dma_wait3A_141 : memref<1x40x128xi32, #tpu.memory_space<hbm>> -> memref<40x128xi32, #tpu.memory_space<hbm>>
        tpu.wait_dma2 semaphore(%run_scoped3A_119 : memref<!tpu.dma_semaphore, #tpu.memory_space<semaphore_mem>>) src(%dma_wait3A_142 : memref<40x128xi32, #tpu.memory_space<hbm>>) dst(%dma_wait3A_139 : memref<40x128xi32, #tpu.memory_space<vmem>>)
        tpu.yield
      }) : () -> ()
      %run_scoped3A_106 = arith.constant 1 : i32
      "tpu.region"() ({
        %run_scoped3A_119 = tpu.sem_alloc : memref<!tpu.dma_semaphore, #tpu.memory_space<semaphore_mem>>
        %dma_start3A_120 = arith.constant 0 : i32
        %dma_start3A_121 = arith.constant 0 : i32
        %dma_start3A_122 = tpu.memref_slice %arg6[%dma_start3A_120, %dma_start3A_121] : memref<40x128xi32, #tpu.memory_space<vmem>> -> memref<40x128xi32, #tpu.memory_space<vmem>>
        %dma_start3A_123 = arith.constant 0 : i32
        %dma_start3A_124 = tpu.memref_slice %arg3[%run_scoped3A_106, %add3A_104, %dma_start3A_123] : memref<2x2500x128xi32, #tpu.memory_space<hbm>> -> memref<1x40x128xi32, #tpu.memory_space<hbm>>
        %dma_start3A_125 = tpu.memref_squeeze %dma_start3A_124 : memref<1x40x128xi32, #tpu.memory_space<hbm>> -> memref<40x128xi32, #tpu.memory_space<hbm>>
        %dma_start3A_126 = arith.constant 0 : i32
        %dma_start3A_127 = arith.constant 0 : i32
        %dma_start3A_128 = tpu.memref_slice %arg6[%dma_start3A_126, %dma_start3A_127] : memref<40x128xi32, #tpu.memory_space<vmem>> -> memref<40x128xi32, #tpu.memory_space<vmem>>
        %dma_start3A_129 = arith.constant 0 : i32
        %dma_start3A_130 = tpu.memref_slice %arg3[%run_scoped3A_106, %add3A_104, %dma_start3A_129] : memref<2x2500x128xi32, #tpu.memory_space<hbm>> -> memref<1x40x128xi32, #tpu.memory_space<hbm>>
        %dma_start3A_131 = tpu.memref_squeeze %dma_start3A_130 : memref<1x40x128xi32, #tpu.memory_space<hbm>> -> memref<40x128xi32, #tpu.memory_space<hbm>>
        tpu.enqueue_dma source(%dma_start3A_131 : memref<40x128xi32, #tpu.memory_space<hbm>>) target(%dma_start3A_128 : memref<40x128xi32, #tpu.memory_space<vmem>>) target_semaphore(%run_scoped3A_119 : memref<!tpu.dma_semaphore, #tpu.memory_space<semaphore_mem>>)
        %dma_wait3A = arith.constant 0 : i32
        %dma_wait3A_132 = arith.constant 0 : i32
        %dma_wait3A_133 = tpu.memref_slice %arg6[%dma_wait3A, %dma_wait3A_132] : memref<40x128xi32, #tpu.memory_space<vmem>> -> memref<40x128xi32, #tpu.memory_space<vmem>>
        %dma_wait3A_134 = arith.constant 0 : i32
        %dma_wait3A_135 = tpu.memref_slice %arg3[%run_scoped3A_106, %add3A_104, %dma_wait3A_134] : memref<2x2500x128xi32, #tpu.memory_space<hbm>> -> memref<1x40x128xi32, #tpu.memory_space<hbm>>
        %dma_wait3A_136 = tpu.memref_squeeze %dma_wait3A_135 : memref<1x40x128xi32, #tpu.memory_space<hbm>> -> memref<40x128xi32, #tpu.memory_space<hbm>>
        %dma_wait3A_137 = arith.constant 0 : i32
        %dma_wait3A_138 = arith.constant 0 : i32
        %dma_wait3A_139 = tpu.memref_slice %arg6[%dma_wait3A_137, %dma_wait3A_138] : memref<40x128xi32, #tpu.memory_space<vmem>> -> memref<40x128xi32, #tpu.memory_space<vmem>>
        %dma_wait3A_140 = arith.constant 0 : i32
        %dma_wait3A_141 = tpu.memref_slice %arg3[%run_scoped3A_106, %add3A_104, %dma_wait3A_140] : memref<2x2500x128xi32, #tpu.memory_space<hbm>> -> memref<1x40x128xi32, #tpu.memory_space<hbm>>
        %dma_wait3A_142 = tpu.memref_squeeze %dma_wait3A_141 : memref<1x40x128xi32, #tpu.memory_space<hbm>> -> memref<40x128xi32, #tpu.memory_space<hbm>>
        tpu.wait_dma2 semaphore(%run_scoped3A_119 : memref<!tpu.dma_semaphore, #tpu.memory_space<semaphore_mem>>) src(%dma_wait3A_142 : memref<40x128xi32, #tpu.memory_space<hbm>>) dst(%dma_wait3A_139 : memref<40x128xi32, #tpu.memory_space<vmem>>)
        tpu.yield
      }) : () -> ()
      %dma_start3A_107 = arith.constant 0 : i32
      %dma_start3A_108 = arith.constant 0 : i32
      %dma_start3A_109 = tpu.memref_slice %arg5[%dma_start3A_107, %dma_start3A_108] : memref<40x128xi32, #tpu.memory_space<vmem>> -> memref<1x128xi32, #tpu.memory_space<vmem>>
      %dma_start3A_110 = tpu.memref_squeeze %dma_start3A_109 : memref<1x128xi32, #tpu.memory_space<vmem>> -> memref<128xi32, #tpu.memory_space<vmem>>
      %dma_start3A_111 = arith.constant 0 : i32
      %dma_start3A_112 = arith.constant 0 : i32
      %dma_start3A_113 = tpu.memref_slice %arg2[%dma_start3A_111, %dma_start3A_112] : memref<10000x128xf32, #tpu.memory_space<hbm>> -> memref<10000x128xf32, #tpu.memory_space<hbm>>
      tpu.enqueue_indirect_dma source(%dma_start3A_113 : memref<10000x128xf32, #tpu.memory_space<hbm>>) target(%arg8 : memref<128x128xf32, #tpu.memory_space<vmem>>) offsets(%dma_start3A_110 : memref<128xi32, #tpu.memory_space<vmem>>) semaphore(%arg11 : memref<!tpu.dma_semaphore, #tpu.memory_space<semaphore_mem>>)
      %scan3A_114 = arith.constant 0 : i32
      %scan3A_115 = arith.constant 20 : i32
      %scan3A_116 = arith.addi %scan3A_114, %scan3A_115 : i32
      %scan3A_117 = arith.constant 1 : i32
      scf.for %scan3A_119 = %scan3A_114 to %scan3A_116 step %scan3A_117  : i32 {
        %mul3A_120 = arith.constant 2 : i32
        %mul3A_121 = arith.muli %scan3A_119, %mul3A_120 : i32
        %add3A_122 = arith.constant 0 : i32
        %add3A_123 = arith.addi %add3A_122, %mul3A_121 : i32
        %add3A_124 = arith.constant 1 : i32
        %add3A_125 = arith.addi %add3A_123, %add3A_124 : i32
        %dma_start3A_126 = arith.constant 0 : i32
        %dma_start3A_127 = tpu.memref_slice %arg5[%add3A_125, %dma_start3A_126] : memref<40x128xi32, #tpu.memory_space<vmem>> -> memref<1x128xi32, #tpu.memory_space<vmem>>
        %dma_start3A_128 = tpu.memref_squeeze %dma_start3A_127 : memref<1x128xi32, #tpu.memory_space<vmem>> -> memref<128xi32, #tpu.memory_space<vmem>>
        %dma_start3A_129 = arith.constant 0 : i32
        %dma_start3A_130 = arith.constant 0 : i32
        %dma_start3A_131 = tpu.memref_slice %arg2[%dma_start3A_129, %dma_start3A_130] : memref<10000x128xf32, #tpu.memory_space<hbm>> -> memref<10000x128xf32, #tpu.memory_space<hbm>>
        tpu.enqueue_indirect_dma source(%dma_start3A_131 : memref<10000x128xf32, #tpu.memory_space<hbm>>) target(%arg7 : memref<128x128xf32, #tpu.memory_space<vmem>>) offsets(%dma_start3A_128 : memref<128xi32, #tpu.memory_space<vmem>>) semaphore(%arg10 : memref<!tpu.dma_semaphore, #tpu.memory_space<semaphore_mem>>)
        %dma_wait3A = arith.constant 0 : i32
        %dma_wait3A_132 = arith.constant 0 : i32
        %dma_wait3A_133 = tpu.memref_slice %arg5[%dma_wait3A, %dma_wait3A_132] : memref<40x128xi32, #tpu.memory_space<vmem>> -> memref<1x128xi32, #tpu.memory_space<vmem>>
        %dma_wait3A_134 = tpu.memref_squeeze %dma_wait3A_133 : memref<1x128xi32, #tpu.memory_space<vmem>> -> memref<128xi32, #tpu.memory_space<vmem>>
        %dma_wait3A_135 = arith.constant 0 : i32
        %dma_wait3A_136 = arith.constant 0 : i32
        %dma_wait3A_137 = tpu.memref_slice %arg2[%dma_wait3A_135, %dma_wait3A_136] : memref<10000x128xf32, #tpu.memory_space<hbm>> -> memref<10000x128xf32, #tpu.memory_space<hbm>>
        tpu.wait_indirect_dma semaphore(%arg11 : memref<!tpu.dma_semaphore, #tpu.memory_space<semaphore_mem>>) src(%dma_wait3A_137 : memref<10000x128xf32, #tpu.memory_space<hbm>>) dst(%arg8 : memref<128x128xf32, #tpu.memory_space<vmem>>)
        "tpu.region"() ({
          %run_scoped3A_154 = tpu.sem_alloc : memref<!tpu.dma_semaphore, #tpu.memory_space<semaphore_mem>>
          %dma_start3A_155 = arith.constant 0 : i32
          %dma_start3A_156 = tpu.memref_slice %arg6[%add3A_123, %dma_start3A_155] : memref<40x128xi32, #tpu.memory_space<vmem>> -> memref<1x128xi32, #tpu.memory_space<vmem>>
          %dma_start3A_157 = tpu.memref_squeeze %dma_start3A_156 : memref<1x128xi32, #tpu.memory_space<vmem>> -> memref<128xi32, #tpu.memory_space<vmem>>
          %dma_start3A_158 = arith.constant 0 : i32
          %dma_start3A_159 = arith.constant 0 : i32
          %dma_start3A_160 = tpu.memref_slice %arg9[%dma_start3A_158, %dma_start3A_159] : memref<10000x128xf32, #tpu.memory_space<vmem_shared>> -> memref<10000x128xf32, #tpu.memory_space<vmem_shared>>
          tpu.enqueue_indirect_dma source(%arg8 : memref<128x128xf32, #tpu.memory_space<vmem>>) target(%dma_start3A_160 : memref<10000x128xf32, #tpu.memory_space<vmem_shared>>) offsets(%dma_start3A_157 : memref<128xi32, #tpu.memory_space<vmem>>) semaphore(%run_scoped3A_154 : memref<!tpu.dma_semaphore, #tpu.memory_space<semaphore_mem>>) {add = true}
          %dma_wait3A_161 = arith.constant 0 : i32
          %dma_wait3A_162 = tpu.memref_slice %arg6[%add3A_123, %dma_wait3A_161] : memref<40x128xi32, #tpu.memory_space<vmem>> -> memref<1x128xi32, #tpu.memory_space<vmem>>
          %dma_wait3A_163 = tpu.memref_squeeze %dma_wait3A_162 : memref<1x128xi32, #tpu.memory_space<vmem>> -> memref<128xi32, #tpu.memory_space<vmem>>
          %dma_wait3A_164 = arith.constant 0 : i32
          %dma_wait3A_165 = arith.constant 0 : i32
          %dma_wait3A_166 = tpu.memref_slice %arg9[%dma_wait3A_164, %dma_wait3A_165] : memref<10000x128xf32, #tpu.memory_space<vmem_shared>> -> memref<10000x128xf32, #tpu.memory_space<vmem_shared>>
          tpu.wait_indirect_dma semaphore(%run_scoped3A_154 : memref<!tpu.dma_semaphore, #tpu.memory_space<semaphore_mem>>) src(%arg8 : memref<128x128xf32, #tpu.memory_space<vmem>>) dst(%dma_wait3A_166 : memref<10000x128xf32, #tpu.memory_space<vmem_shared>>)
          tpu.yield
        }) : () -> ()
        %add3A_138 = arith.constant 2 : i32
        %add3A_139 = arith.addi %add3A_123, %add3A_138 : i32
        %lt3A_140 = arith.constant 40 : i32
        %lt3A_141 = arith.cmpi slt, %add3A_139, %lt3A_140 : i32
        %convert_element_type3A_142 = arith.extui %lt3A_141 : i1 to i32
        %cond3A_143 = arith.constant 0 : i32
        %cond3A_144 = arith.cmpi ne, %convert_element_type3A_142, %cond3A_143 : i32
        scf.if %cond3A_144 {
          %add3A_154 = arith.constant 2 : i32
          %add3A_155 = arith.addi %add3A_123, %add3A_154 : i32
          %dma_start3A_156 = arith.constant 0 : i32
          %dma_start3A_157 = tpu.memref_slice %arg5[%add3A_155, %dma_start3A_156] : memref<40x128xi32, #tpu.memory_space<vmem>> -> memref<1x128xi32, #tpu.memory_space<vmem>>
          %dma_start3A_158 = tpu.memref_squeeze %dma_start3A_157 : memref<1x128xi32, #tpu.memory_space<vmem>> -> memref<128xi32, #tpu.memory_space<vmem>>
          %dma_start3A_159 = arith.constant 0 : i32
          %dma_start3A_160 = arith.constant 0 : i32
          %dma_start3A_161 = tpu.memref_slice %arg2[%dma_start3A_159, %dma_start3A_160] : memref<10000x128xf32, #tpu.memory_space<hbm>> -> memref<10000x128xf32, #tpu.memory_space<hbm>>
          tpu.enqueue_indirect_dma source(%dma_start3A_161 : memref<10000x128xf32, #tpu.memory_space<hbm>>) target(%arg8 : memref<128x128xf32, #tpu.memory_space<vmem>>) offsets(%dma_start3A_158 : memref<128xi32, #tpu.memory_space<vmem>>) semaphore(%arg11 : memref<!tpu.dma_semaphore, #tpu.memory_space<semaphore_mem>>)
        } else {
        }
        %dma_wait3A_145 = arith.constant 0 : i32
        %dma_wait3A_146 = arith.constant 0 : i32
        %dma_wait3A_147 = tpu.memref_slice %arg5[%dma_wait3A_145, %dma_wait3A_146] : memref<40x128xi32, #tpu.memory_space<vmem>> -> memref<1x128xi32, #tpu.memory_space<vmem>>
        %dma_wait3A_148 = tpu.memref_squeeze %dma_wait3A_147 : memref<1x128xi32, #tpu.memory_space<vmem>> -> memref<128xi32, #tpu.memory_space<vmem>>
        %dma_wait3A_149 = arith.constant 0 : i32
        %dma_wait3A_150 = arith.constant 0 : i32
        %dma_wait3A_151 = tpu.memref_slice %arg2[%dma_wait3A_149, %dma_wait3A_150] : memref<10000x128xf32, #tpu.memory_space<hbm>> -> memref<10000x128xf32, #tpu.memory_space<hbm>>
        tpu.wait_indirect_dma semaphore(%arg10 : memref<!tpu.dma_semaphore, #tpu.memory_space<semaphore_mem>>) src(%dma_wait3A_151 : memref<10000x128xf32, #tpu.memory_space<hbm>>) dst(%arg7 : memref<128x128xf32, #tpu.memory_space<vmem>>)
        %add3A_152 = arith.constant 1 : i32
        %add3A_153 = arith.addi %add3A_123, %add3A_152 : i32
        "tpu.region"() ({
          %run_scoped3A_154 = tpu.sem_alloc : memref<!tpu.dma_semaphore, #tpu.memory_space<semaphore_mem>>
          %dma_start3A_155 = arith.constant 0 : i32
          %dma_start3A_156 = tpu.memref_slice %arg6[%add3A_153, %dma_start3A_155] : memref<40x128xi32, #tpu.memory_space<vmem>> -> memref<1x128xi32, #tpu.memory_space<vmem>>
          %dma_start3A_157 = tpu.memref_squeeze %dma_start3A_156 : memref<1x128xi32, #tpu.memory_space<vmem>> -> memref<128xi32, #tpu.memory_space<vmem>>
          %dma_start3A_158 = arith.constant 0 : i32
          %dma_start3A_159 = arith.constant 0 : i32
          %dma_start3A_160 = tpu.memref_slice %arg9[%dma_start3A_158, %dma_start3A_159] : memref<10000x128xf32, #tpu.memory_space<vmem_shared>> -> memref<10000x128xf32, #tpu.memory_space<vmem_shared>>
          tpu.enqueue_indirect_dma source(%arg7 : memref<128x128xf32, #tpu.memory_space<vmem>>) target(%dma_start3A_160 : memref<10000x128xf32, #tpu.memory_space<vmem_shared>>) offsets(%dma_start3A_157 : memref<128xi32, #tpu.memory_space<vmem>>) semaphore(%run_scoped3A_154 : memref<!tpu.dma_semaphore, #tpu.memory_space<semaphore_mem>>) {add = true}
          %dma_wait3A_161 = arith.constant 0 : i32
          %dma_wait3A_162 = tpu.memref_slice %arg6[%add3A_153, %dma_wait3A_161] : memref<40x128xi32, #tpu.memory_space<vmem>> -> memref<1x128xi32, #tpu.memory_space<vmem>>
          %dma_wait3A_163 = tpu.memref_squeeze %dma_wait3A_162 : memref<1x128xi32, #tpu.memory_space<vmem>> -> memref<128xi32, #tpu.memory_space<vmem>>
          %dma_wait3A_164 = arith.constant 0 : i32
          %dma_wait3A_165 = arith.constant 0 : i32
          %dma_wait3A_166 = tpu.memref_slice %arg9[%dma_wait3A_164, %dma_wait3A_165] : memref<10000x128xf32, #tpu.memory_space<vmem_shared>> -> memref<10000x128xf32, #tpu.memory_space<vmem_shared>>
          tpu.wait_indirect_dma semaphore(%run_scoped3A_154 : memref<!tpu.dma_semaphore, #tpu.memory_space<semaphore_mem>>) src(%arg7 : memref<128x128xf32, #tpu.memory_space<vmem>>) dst(%dma_wait3A_166 : memref<10000x128xf32, #tpu.memory_space<vmem_shared>>)
          tpu.yield
        }) : () -> ()
      }
      %scan3A_118 = arith.constant 20 : i32
    } else {
    }
    %convert_element_type3A_85 = arith.extui %or3A_47 : i1 to i32
    %cond3A_86 = arith.constant 0 : i32
    %cond3A_87 = arith.cmpi ne, %convert_element_type3A_85, %cond3A_86 : i32
    scf.if %cond3A_87 {
      %add3A_103 = arith.constant 40 : i32
      %add3A_104 = arith.addi %select_n3A_31, %add3A_103 : i32
      %run_scoped3A_105 = arith.constant 0 : i32
      "tpu.region"() ({
        %run_scoped3A_119 = tpu.sem_alloc : memref<!tpu.dma_semaphore, #tpu.memory_space<semaphore_mem>>
        %dma_start3A_120 = arith.constant 0 : i32
        %dma_start3A_121 = arith.constant 0 : i32
        %dma_start3A_122 = tpu.memref_slice %arg5[%dma_start3A_120, %dma_start3A_121] : memref<40x128xi32, #tpu.memory_space<vmem>> -> memref<32x128xi32, #tpu.memory_space<vmem>>
        %dma_start3A_123 = arith.constant 0 : i32
        %dma_start3A_124 = tpu.memref_slice %arg3[%run_scoped3A_105, %add3A_104, %dma_start3A_123] : memref<2x2500x128xi32, #tpu.memory_space<hbm>> -> memref<1x32x128xi32, #tpu.memory_space<hbm>>
        %dma_start3A_125 = tpu.memref_squeeze %dma_start3A_124 : memref<1x32x128xi32, #tpu.memory_space<hbm>> -> memref<32x128xi32, #tpu.memory_space<hbm>>
        %dma_start3A_126 = arith.constant 0 : i32
        %dma_start3A_127 = arith.constant 0 : i32
        %dma_start3A_128 = tpu.memref_slice %arg5[%dma_start3A_126, %dma_start3A_127] : memref<40x128xi32, #tpu.memory_space<vmem>> -> memref<32x128xi32, #tpu.memory_space<vmem>>
        %dma_start3A_129 = arith.constant 0 : i32
        %dma_start3A_130 = tpu.memref_slice %arg3[%run_scoped3A_105, %add3A_104, %dma_start3A_129] : memref<2x2500x128xi32, #tpu.memory_space<hbm>> -> memref<1x32x128xi32, #tpu.memory_space<hbm>>
        %dma_start3A_131 = tpu.memref_squeeze %dma_start3A_130 : memref<1x32x128xi32, #tpu.memory_space<hbm>> -> memref<32x128xi32, #tpu.memory_space<hbm>>
        tpu.enqueue_dma source(%dma_start3A_131 : memref<32x128xi32, #tpu.memory_space<hbm>>) target(%dma_start3A_128 : memref<32x128xi32, #tpu.memory_space<vmem>>) target_semaphore(%run_scoped3A_119 : memref<!tpu.dma_semaphore, #tpu.memory_space<semaphore_mem>>)
        %dma_wait3A = arith.constant 0 : i32
        %dma_wait3A_132 = arith.constant 0 : i32
        %dma_wait3A_133 = tpu.memref_slice %arg5[%dma_wait3A, %dma_wait3A_132] : memref<40x128xi32, #tpu.memory_space<vmem>> -> memref<32x128xi32, #tpu.memory_space<vmem>>
        %dma_wait3A_134 = arith.constant 0 : i32
        %dma_wait3A_135 = tpu.memref_slice %arg3[%run_scoped3A_105, %add3A_104, %dma_wait3A_134] : memref<2x2500x128xi32, #tpu.memory_space<hbm>> -> memref<1x32x128xi32, #tpu.memory_space<hbm>>
        %dma_wait3A_136 = tpu.memref_squeeze %dma_wait3A_135 : memref<1x32x128xi32, #tpu.memory_space<hbm>> -> memref<32x128xi32, #tpu.memory_space<hbm>>
        %dma_wait3A_137 = arith.constant 0 : i32
        %dma_wait3A_138 = arith.constant 0 : i32
        %dma_wait3A_139 = tpu.memref_slice %arg5[%dma_wait3A_137, %dma_wait3A_138] : memref<40x128xi32, #tpu.memory_space<vmem>> -> memref<32x128xi32, #tpu.memory_space<vmem>>
        %dma_wait3A_140 = arith.constant 0 : i32
        %dma_wait3A_141 = tpu.memref_slice %arg3[%run_scoped3A_105, %add3A_104, %dma_wait3A_140] : memref<2x2500x128xi32, #tpu.memory_space<hbm>> -> memref<1x32x128xi32, #tpu.memory_space<hbm>>
        %dma_wait3A_142 = tpu.memref_squeeze %dma_wait3A_141 : memref<1x32x128xi32, #tpu.memory_space<hbm>> -> memref<32x128xi32, #tpu.memory_space<hbm>>
        tpu.wait_dma2 semaphore(%run_scoped3A_119 : memref<!tpu.dma_semaphore, #tpu.memory_space<semaphore_mem>>) src(%dma_wait3A_142 : memref<32x128xi32, #tpu.memory_space<hbm>>) dst(%dma_wait3A_139 : memref<32x128xi32, #tpu.memory_space<vmem>>)
        tpu.yield
      }) : () -> ()
      %run_scoped3A_106 = arith.constant 1 : i32
      "tpu.region"() ({
        %run_scoped3A_119 = tpu.sem_alloc : memref<!tpu.dma_semaphore, #tpu.memory_space<semaphore_mem>>
        %dma_start3A_120 = arith.constant 0 : i32
        %dma_start3A_121 = arith.constant 0 : i32
        %dma_start3A_122 = tpu.memref_slice %arg6[%dma_start3A_120, %dma_start3A_121] : memref<40x128xi32, #tpu.memory_space<vmem>> -> memref<32x128xi32, #tpu.memory_space<vmem>>
        %dma_start3A_123 = arith.constant 0 : i32
        %dma_start3A_124 = tpu.memref_slice %arg3[%run_scoped3A_106, %add3A_104, %dma_start3A_123] : memref<2x2500x128xi32, #tpu.memory_space<hbm>> -> memref<1x32x128xi32, #tpu.memory_space<hbm>>
        %dma_start3A_125 = tpu.memref_squeeze %dma_start3A_124 : memref<1x32x128xi32, #tpu.memory_space<hbm>> -> memref<32x128xi32, #tpu.memory_space<hbm>>
        %dma_start3A_126 = arith.constant 0 : i32
        %dma_start3A_127 = arith.constant 0 : i32
        %dma_start3A_128 = tpu.memref_slice %arg6[%dma_start3A_126, %dma_start3A_127] : memref<40x128xi32, #tpu.memory_space<vmem>> -> memref<32x128xi32, #tpu.memory_space<vmem>>
        %dma_start3A_129 = arith.constant 0 : i32
        %dma_start3A_130 = tpu.memref_slice %arg3[%run_scoped3A_106, %add3A_104, %dma_start3A_129] : memref<2x2500x128xi32, #tpu.memory_space<hbm>> -> memref<1x32x128xi32, #tpu.memory_space<hbm>>
        %dma_start3A_131 = tpu.memref_squeeze %dma_start3A_130 : memref<1x32x128xi32, #tpu.memory_space<hbm>> -> memref<32x128xi32, #tpu.memory_space<hbm>>
        tpu.enqueue_dma source(%dma_start3A_131 : memref<32x128xi32, #tpu.memory_space<hbm>>) target(%dma_start3A_128 : memref<32x128xi32, #tpu.memory_space<vmem>>) target_semaphore(%run_scoped3A_119 : memref<!tpu.dma_semaphore, #tpu.memory_space<semaphore_mem>>)
        %dma_wait3A = arith.constant 0 : i32
        %dma_wait3A_132 = arith.constant 0 : i32
        %dma_wait3A_133 = tpu.memref_slice %arg6[%dma_wait3A, %dma_wait3A_132] : memref<40x128xi32, #tpu.memory_space<vmem>> -> memref<32x128xi32, #tpu.memory_space<vmem>>
        %dma_wait3A_134 = arith.constant 0 : i32
        %dma_wait3A_135 = tpu.memref_slice %arg3[%run_scoped3A_106, %add3A_104, %dma_wait3A_134] : memref<2x2500x128xi32, #tpu.memory_space<hbm>> -> memref<1x32x128xi32, #tpu.memory_space<hbm>>
        %dma_wait3A_136 = tpu.memref_squeeze %dma_wait3A_135 : memref<1x32x128xi32, #tpu.memory_space<hbm>> -> memref<32x128xi32, #tpu.memory_space<hbm>>
        %dma_wait3A_137 = arith.constant 0 : i32
        %dma_wait3A_138 = arith.constant 0 : i32
        %dma_wait3A_139 = tpu.memref_slice %arg6[%dma_wait3A_137, %dma_wait3A_138] : memref<40x128xi32, #tpu.memory_space<vmem>> -> memref<32x128xi32, #tpu.memory_space<vmem>>
        %dma_wait3A_140 = arith.constant 0 : i32
        %dma_wait3A_141 = tpu.memref_slice %arg3[%run_scoped3A_106, %add3A_104, %dma_wait3A_140] : memref<2x2500x128xi32, #tpu.memory_space<hbm>> -> memref<1x32x128xi32, #tpu.memory_space<hbm>>
        %dma_wait3A_142 = tpu.memref_squeeze %dma_wait3A_141 : memref<1x32x128xi32, #tpu.memory_space<hbm>> -> memref<32x128xi32, #tpu.memory_space<hbm>>
        tpu.wait_dma2 semaphore(%run_scoped3A_119 : memref<!tpu.dma_semaphore, #tpu.memory_space<semaphore_mem>>) src(%dma_wait3A_142 : memref<32x128xi32, #tpu.memory_space<hbm>>) dst(%dma_wait3A_139 : memref<32x128xi32, #tpu.memory_space<vmem>>)
        tpu.yield
      }) : () -> ()
      %dma_start3A_107 = arith.constant 0 : i32
      %dma_start3A_108 = arith.constant 0 : i32
      %dma_start3A_109 = tpu.memref_slice %arg5[%dma_start3A_107, %dma_start3A_108] : memref<40x128xi32, #tpu.memory_space<vmem>> -> memref<1x128xi32, #tpu.memory_space<vmem>>
      %dma_start3A_110 = tpu.memref_squeeze %dma_start3A_109 : memref<1x128xi32, #tpu.memory_space<vmem>> -> memref<128xi32, #tpu.memory_space<vmem>>
      %dma_start3A_111 = arith.constant 0 : i32
      %dma_start3A_112 = arith.constant 0 : i32
      %dma_start3A_113 = tpu.memref_slice %arg2[%dma_start3A_111, %dma_start3A_112] : memref<10000x128xf32, #tpu.memory_space<hbm>> -> memref<10000x128xf32, #tpu.memory_space<hbm>>
      tpu.enqueue_indirect_dma source(%dma_start3A_113 : memref<10000x128xf32, #tpu.memory_space<hbm>>) target(%arg8 : memref<128x128xf32, #tpu.memory_space<vmem>>) offsets(%dma_start3A_110 : memref<128xi32, #tpu.memory_space<vmem>>) semaphore(%arg11 : memref<!tpu.dma_semaphore, #tpu.memory_space<semaphore_mem>>)
      %scan3A_114 = arith.constant 0 : i32
      %scan3A_115 = arith.constant 16 : i32
      %scan3A_116 = arith.addi %scan3A_114, %scan3A_115 : i32
      %scan3A_117 = arith.constant 1 : i32
      scf.for %scan3A_119 = %scan3A_114 to %scan3A_116 step %scan3A_117  : i32 {
        %mul3A_120 = arith.constant 2 : i32
        %mul3A_121 = arith.muli %scan3A_119, %mul3A_120 : i32
        %add3A_122 = arith.constant 0 : i32
        %add3A_123 = arith.addi %add3A_122, %mul3A_121 : i32
        %add3A_124 = arith.constant 1 : i32
        %add3A_125 = arith.addi %add3A_123, %add3A_124 : i32
        %dma_start3A_126 = arith.constant 0 : i32
        %dma_start3A_127 = tpu.memref_slice %arg5[%add3A_125, %dma_start3A_126] : memref<40x128xi32, #tpu.memory_space<vmem>> -> memref<1x128xi32, #tpu.memory_space<vmem>>
        %dma_start3A_128 = tpu.memref_squeeze %dma_start3A_127 : memref<1x128xi32, #tpu.memory_space<vmem>> -> memref<128xi32, #tpu.memory_space<vmem>>
        %dma_start3A_129 = arith.constant 0 : i32
        %dma_start3A_130 = arith.constant 0 : i32
        %dma_start3A_131 = tpu.memref_slice %arg2[%dma_start3A_129, %dma_start3A_130] : memref<10000x128xf32, #tpu.memory_space<hbm>> -> memref<10000x128xf32, #tpu.memory_space<hbm>>
        tpu.enqueue_indirect_dma source(%dma_start3A_131 : memref<10000x128xf32, #tpu.memory_space<hbm>>) target(%arg7 : memref<128x128xf32, #tpu.memory_space<vmem>>) offsets(%dma_start3A_128 : memref<128xi32, #tpu.memory_space<vmem>>) semaphore(%arg10 : memref<!tpu.dma_semaphore, #tpu.memory_space<semaphore_mem>>)
        %dma_wait3A = arith.constant 0 : i32
        %dma_wait3A_132 = arith.constant 0 : i32
        %dma_wait3A_133 = tpu.memref_slice %arg5[%dma_wait3A, %dma_wait3A_132] : memref<40x128xi32, #tpu.memory_space<vmem>> -> memref<1x128xi32, #tpu.memory_space<vmem>>
        %dma_wait3A_134 = tpu.memref_squeeze %dma_wait3A_133 : memref<1x128xi32, #tpu.memory_space<vmem>> -> memref<128xi32, #tpu.memory_space<vmem>>
        %dma_wait3A_135 = arith.constant 0 : i32
        %dma_wait3A_136 = arith.constant 0 : i32
        %dma_wait3A_137 = tpu.memref_slice %arg2[%dma_wait3A_135, %dma_wait3A_136] : memref<10000x128xf32, #tpu.memory_space<hbm>> -> memref<10000x128xf32, #tpu.memory_space<hbm>>
        tpu.wait_indirect_dma semaphore(%arg11 : memref<!tpu.dma_semaphore, #tpu.memory_space<semaphore_mem>>) src(%dma_wait3A_137 : memref<10000x128xf32, #tpu.memory_space<hbm>>) dst(%arg8 : memref<128x128xf32, #tpu.memory_space<vmem>>)
        "tpu.region"() ({
          %run_scoped3A_154 = tpu.sem_alloc : memref<!tpu.dma_semaphore, #tpu.memory_space<semaphore_mem>>
          %dma_start3A_155 = arith.constant 0 : i32
          %dma_start3A_156 = tpu.memref_slice %arg6[%add3A_123, %dma_start3A_155] : memref<40x128xi32, #tpu.memory_space<vmem>> -> memref<1x128xi32, #tpu.memory_space<vmem>>
          %dma_start3A_157 = tpu.memref_squeeze %dma_start3A_156 : memref<1x128xi32, #tpu.memory_space<vmem>> -> memref<128xi32, #tpu.memory_space<vmem>>
          %dma_start3A_158 = arith.constant 0 : i32
          %dma_start3A_159 = arith.constant 0 : i32
          %dma_start3A_160 = tpu.memref_slice %arg9[%dma_start3A_158, %dma_start3A_159] : memref<10000x128xf32, #tpu.memory_space<vmem_shared>> -> memref<10000x128xf32, #tpu.memory_space<vmem_shared>>
          tpu.enqueue_indirect_dma source(%arg8 : memref<128x128xf32, #tpu.memory_space<vmem>>) target(%dma_start3A_160 : memref<10000x128xf32, #tpu.memory_space<vmem_shared>>) offsets(%dma_start3A_157 : memref<128xi32, #tpu.memory_space<vmem>>) semaphore(%run_scoped3A_154 : memref<!tpu.dma_semaphore, #tpu.memory_space<semaphore_mem>>) {add = true}
          %dma_wait3A_161 = arith.constant 0 : i32
          %dma_wait3A_162 = tpu.memref_slice %arg6[%add3A_123, %dma_wait3A_161] : memref<40x128xi32, #tpu.memory_space<vmem>> -> memref<1x128xi32, #tpu.memory_space<vmem>>
          %dma_wait3A_163 = tpu.memref_squeeze %dma_wait3A_162 : memref<1x128xi32, #tpu.memory_space<vmem>> -> memref<128xi32, #tpu.memory_space<vmem>>
          %dma_wait3A_164 = arith.constant 0 : i32
          %dma_wait3A_165 = arith.constant 0 : i32
          %dma_wait3A_166 = tpu.memref_slice %arg9[%dma_wait3A_164, %dma_wait3A_165] : memref<10000x128xf32, #tpu.memory_space<vmem_shared>> -> memref<10000x128xf32, #tpu.memory_space<vmem_shared>>
          tpu.wait_indirect_dma semaphore(%run_scoped3A_154 : memref<!tpu.dma_semaphore, #tpu.memory_space<semaphore_mem>>) src(%arg8 : memref<128x128xf32, #tpu.memory_space<vmem>>) dst(%dma_wait3A_166 : memref<10000x128xf32, #tpu.memory_space<vmem_shared>>)
          tpu.yield
        }) : () -> ()
        %add3A_138 = arith.constant 2 : i32
        %add3A_139 = arith.addi %add3A_123, %add3A_138 : i32
        %lt3A_140 = arith.constant 32 : i32
        %lt3A_141 = arith.cmpi slt, %add3A_139, %lt3A_140 : i32
        %convert_element_type3A_142 = arith.extui %lt3A_141 : i1 to i32
        %cond3A_143 = arith.constant 0 : i32
        %cond3A_144 = arith.cmpi ne, %convert_element_type3A_142, %cond3A_143 : i32
        scf.if %cond3A_144 {
          %add3A_154 = arith.constant 2 : i32
          %add3A_155 = arith.addi %add3A_123, %add3A_154 : i32
          %dma_start3A_156 = arith.constant 0 : i32
          %dma_start3A_157 = tpu.memref_slice %arg5[%add3A_155, %dma_start3A_156] : memref<40x128xi32, #tpu.memory_space<vmem>> -> memref<1x128xi32, #tpu.memory_space<vmem>>
          %dma_start3A_158 = tpu.memref_squeeze %dma_start3A_157 : memref<1x128xi32, #tpu.memory_space<vmem>> -> memref<128xi32, #tpu.memory_space<vmem>>
          %dma_start3A_159 = arith.constant 0 : i32
          %dma_start3A_160 = arith.constant 0 : i32
          %dma_start3A_161 = tpu.memref_slice %arg2[%dma_start3A_159, %dma_start3A_160] : memref<10000x128xf32, #tpu.memory_space<hbm>> -> memref<10000x128xf32, #tpu.memory_space<hbm>>
          tpu.enqueue_indirect_dma source(%dma_start3A_161 : memref<10000x128xf32, #tpu.memory_space<hbm>>) target(%arg8 : memref<128x128xf32, #tpu.memory_space<vmem>>) offsets(%dma_start3A_158 : memref<128xi32, #tpu.memory_space<vmem>>) semaphore(%arg11 : memref<!tpu.dma_semaphore, #tpu.memory_space<semaphore_mem>>)
        } else {
        }
        %dma_wait3A_145 = arith.constant 0 : i32
        %dma_wait3A_146 = arith.constant 0 : i32
        %dma_wait3A_147 = tpu.memref_slice %arg5[%dma_wait3A_145, %dma_wait3A_146] : memref<40x128xi32, #tpu.memory_space<vmem>> -> memref<1x128xi32, #tpu.memory_space<vmem>>
        %dma_wait3A_148 = tpu.memref_squeeze %dma_wait3A_147 : memref<1x128xi32, #tpu.memory_space<vmem>> -> memref<128xi32, #tpu.memory_space<vmem>>
        %dma_wait3A_149 = arith.constant 0 : i32
        %dma_wait3A_150 = arith.constant 0 : i32
        %dma_wait3A_151 = tpu.memref_slice %arg2[%dma_wait3A_149, %dma_wait3A_150] : memref<10000x128xf32, #tpu.memory_space<hbm>> -> memref<10000x128xf32, #tpu.memory_space<hbm>>
        tpu.wait_indirect_dma semaphore(%arg10 : memref<!tpu.dma_semaphore, #tpu.memory_space<semaphore_mem>>) src(%dma_wait3A_151 : memref<10000x128xf32, #tpu.memory_space<hbm>>) dst(%arg7 : memref<128x128xf32, #tpu.memory_space<vmem>>)
        %add3A_152 = arith.constant 1 : i32
        %add3A_153 = arith.addi %add3A_123, %add3A_152 : i32
        "tpu.region"() ({
          %run_scoped3A_154 = tpu.sem_alloc : memref<!tpu.dma_semaphore, #tpu.memory_space<semaphore_mem>>
          %dma_start3A_155 = arith.constant 0 : i32
          %dma_start3A_156 = tpu.memref_slice %arg6[%add3A_153, %dma_start3A_155] : memref<40x128xi32, #tpu.memory_space<vmem>> -> memref<1x128xi32, #tpu.memory_space<vmem>>
          %dma_start3A_157 = tpu.memref_squeeze %dma_start3A_156 : memref<1x128xi32, #tpu.memory_space<vmem>> -> memref<128xi32, #tpu.memory_space<vmem>>
          %dma_start3A_158 = arith.constant 0 : i32
          %dma_start3A_159 = arith.constant 0 : i32
          %dma_start3A_160 = tpu.memref_slice %arg9[%dma_start3A_158, %dma_start3A_159] : memref<10000x128xf32, #tpu.memory_space<vmem_shared>> -> memref<10000x128xf32, #tpu.memory_space<vmem_shared>>
          tpu.enqueue_indirect_dma source(%arg7 : memref<128x128xf32, #tpu.memory_space<vmem>>) target(%dma_start3A_160 : memref<10000x128xf32, #tpu.memory_space<vmem_shared>>) offsets(%dma_start3A_157 : memref<128xi32, #tpu.memory_space<vmem>>) semaphore(%run_scoped3A_154 : memref<!tpu.dma_semaphore, #tpu.memory_space<semaphore_mem>>) {add = true}
          %dma_wait3A_161 = arith.constant 0 : i32
          %dma_wait3A_162 = tpu.memref_slice %arg6[%add3A_153, %dma_wait3A_161] : memref<40x128xi32, #tpu.memory_space<vmem>> -> memref<1x128xi32, #tpu.memory_space<vmem>>
          %dma_wait3A_163 = tpu.memref_squeeze %dma_wait3A_162 : memref<1x128xi32, #tpu.memory_space<vmem>> -> memref<128xi32, #tpu.memory_space<vmem>>
          %dma_wait3A_164 = arith.constant 0 : i32
          %dma_wait3A_165 = arith.constant 0 : i32
          %dma_wait3A_166 = tpu.memref_slice %arg9[%dma_wait3A_164, %dma_wait3A_165] : memref<10000x128xf32, #tpu.memory_space<vmem_shared>> -> memref<10000x128xf32, #tpu.memory_space<vmem_shared>>
          tpu.wait_indirect_dma semaphore(%run_scoped3A_154 : memref<!tpu.dma_semaphore, #tpu.memory_space<semaphore_mem>>) src(%arg7 : memref<128x128xf32, #tpu.memory_space<vmem>>) dst(%dma_wait3A_166 : memref<10000x128xf32, #tpu.memory_space<vmem_shared>>)
          tpu.yield
        }) : () -> ()
      }
      %scan3A_118 = arith.constant 16 : i32
    } else {
    }
    %eq3A_88 = arith.constant 31 : i32
    %eq3A_89 = arith.cmpi eq, %add3A, %eq3A_88 : i32
    %convert_element_type3A_90 = arith.extui %eq3A_89 : i1 to i32
    %cond3A_91 = arith.constant 0 : i32
    %cond3A_92 = arith.cmpi ne, %convert_element_type3A_90, %cond3A_91 : i32
    scf.if %cond3A_92 {
      %run_scoped3A_103 = arith.constant 0 : i32
      "tpu.region"() ({
        %run_scoped3A_131 = tpu.sem_alloc : memref<!tpu.dma_semaphore, #tpu.memory_space<semaphore_mem>>
        %dma_start3A_132 = arith.constant 0 : i32
        %dma_start3A_133 = arith.constant 0 : i32
        %dma_start3A_134 = tpu.memref_slice %arg5[%dma_start3A_132, %dma_start3A_133] : memref<40x128xi32, #tpu.memory_space<vmem>> -> memref<16x128xi32, #tpu.memory_space<vmem>>
        %dma_start3A_135 = arith.constant 2464 : i32
        %dma_start3A_136 = arith.constant 0 : i32
        %dma_start3A_137 = tpu.memref_slice %arg3[%run_scoped3A_103, %dma_start3A_135, %dma_start3A_136] : memref<2x2500x128xi32, #tpu.memory_space<hbm>> -> memref<1x16x128xi32, #tpu.memory_space<hbm>>
        %dma_start3A_138 = tpu.memref_squeeze %dma_start3A_137 : memref<1x16x128xi32, #tpu.memory_space<hbm>> -> memref<16x128xi32, #tpu.memory_space<hbm>>
        %dma_start3A_139 = arith.constant 0 : i32
        %dma_start3A_140 = arith.constant 0 : i32
        %dma_start3A_141 = tpu.memref_slice %arg5[%dma_start3A_139, %dma_start3A_140] : memref<40x128xi32, #tpu.memory_space<vmem>> -> memref<16x128xi32, #tpu.memory_space<vmem>>
        %dma_start3A_142 = arith.constant 2464 : i32
        %dma_start3A_143 = arith.constant 0 : i32
        %dma_start3A_144 = tpu.memref_slice %arg3[%run_scoped3A_103, %dma_start3A_142, %dma_start3A_143] : memref<2x2500x128xi32, #tpu.memory_space<hbm>> -> memref<1x16x128xi32, #tpu.memory_space<hbm>>
        %dma_start3A_145 = tpu.memref_squeeze %dma_start3A_144 : memref<1x16x128xi32, #tpu.memory_space<hbm>> -> memref<16x128xi32, #tpu.memory_space<hbm>>
        tpu.enqueue_dma source(%dma_start3A_145 : memref<16x128xi32, #tpu.memory_space<hbm>>) target(%dma_start3A_141 : memref<16x128xi32, #tpu.memory_space<vmem>>) target_semaphore(%run_scoped3A_131 : memref<!tpu.dma_semaphore, #tpu.memory_space<semaphore_mem>>)
        %dma_wait3A = arith.constant 0 : i32
        %dma_wait3A_146 = arith.constant 0 : i32
        %dma_wait3A_147 = tpu.memref_slice %arg5[%dma_wait3A, %dma_wait3A_146] : memref<40x128xi32, #tpu.memory_space<vmem>> -> memref<16x128xi32, #tpu.memory_space<vmem>>
        %dma_wait3A_148 = arith.constant 2464 : i32
        %dma_wait3A_149 = arith.constant 0 : i32
        %dma_wait3A_150 = tpu.memref_slice %arg3[%run_scoped3A_103, %dma_wait3A_148, %dma_wait3A_149] : memref<2x2500x128xi32, #tpu.memory_space<hbm>> -> memref<1x16x128xi32, #tpu.memory_space<hbm>>
        %dma_wait3A_151 = tpu.memref_squeeze %dma_wait3A_150 : memref<1x16x128xi32, #tpu.memory_space<hbm>> -> memref<16x128xi32, #tpu.memory_space<hbm>>
        %dma_wait3A_152 = arith.constant 0 : i32
        %dma_wait3A_153 = arith.constant 0 : i32
        %dma_wait3A_154 = tpu.memref_slice %arg5[%dma_wait3A_152, %dma_wait3A_153] : memref<40x128xi32, #tpu.memory_space<vmem>> -> memref<16x128xi32, #tpu.memory_space<vmem>>
        %dma_wait3A_155 = arith.constant 2464 : i32
        %dma_wait3A_156 = arith.constant 0 : i32
        %dma_wait3A_157 = tpu.memref_slice %arg3[%run_scoped3A_103, %dma_wait3A_155, %dma_wait3A_156] : memref<2x2500x128xi32, #tpu.memory_space<hbm>> -> memref<1x16x128xi32, #tpu.memory_space<hbm>>
        %dma_wait3A_158 = tpu.memref_squeeze %dma_wait3A_157 : memref<1x16x128xi32, #tpu.memory_space<hbm>> -> memref<16x128xi32, #tpu.memory_space<hbm>>
        tpu.wait_dma2 semaphore(%run_scoped3A_131 : memref<!tpu.dma_semaphore, #tpu.memory_space<semaphore_mem>>) src(%dma_wait3A_158 : memref<16x128xi32, #tpu.memory_space<hbm>>) dst(%dma_wait3A_154 : memref<16x128xi32, #tpu.memory_space<vmem>>)
        tpu.yield
      }) : () -> ()
      %run_scoped3A_104 = arith.constant 1 : i32
      "tpu.region"() ({
        %run_scoped3A_131 = tpu.sem_alloc : memref<!tpu.dma_semaphore, #tpu.memory_space<semaphore_mem>>
        %dma_start3A_132 = arith.constant 0 : i32
        %dma_start3A_133 = arith.constant 0 : i32
        %dma_start3A_134 = tpu.memref_slice %arg6[%dma_start3A_132, %dma_start3A_133] : memref<40x128xi32, #tpu.memory_space<vmem>> -> memref<16x128xi32, #tpu.memory_space<vmem>>
        %dma_start3A_135 = arith.constant 2464 : i32
        %dma_start3A_136 = arith.constant 0 : i32
        %dma_start3A_137 = tpu.memref_slice %arg3[%run_scoped3A_104, %dma_start3A_135, %dma_start3A_136] : memref<2x2500x128xi32, #tpu.memory_space<hbm>> -> memref<1x16x128xi32, #tpu.memory_space<hbm>>
        %dma_start3A_138 = tpu.memref_squeeze %dma_start3A_137 : memref<1x16x128xi32, #tpu.memory_space<hbm>> -> memref<16x128xi32, #tpu.memory_space<hbm>>
        %dma_start3A_139 = arith.constant 0 : i32
        %dma_start3A_140 = arith.constant 0 : i32
        %dma_start3A_141 = tpu.memref_slice %arg6[%dma_start3A_139, %dma_start3A_140] : memref<40x128xi32, #tpu.memory_space<vmem>> -> memref<16x128xi32, #tpu.memory_space<vmem>>
        %dma_start3A_142 = arith.constant 2464 : i32
        %dma_start3A_143 = arith.constant 0 : i32
        %dma_start3A_144 = tpu.memref_slice %arg3[%run_scoped3A_104, %dma_start3A_142, %dma_start3A_143] : memref<2x2500x128xi32, #tpu.memory_space<hbm>> -> memref<1x16x128xi32, #tpu.memory_space<hbm>>
        %dma_start3A_145 = tpu.memref_squeeze %dma_start3A_144 : memref<1x16x128xi32, #tpu.memory_space<hbm>> -> memref<16x128xi32, #tpu.memory_space<hbm>>
        tpu.enqueue_dma source(%dma_start3A_145 : memref<16x128xi32, #tpu.memory_space<hbm>>) target(%dma_start3A_141 : memref<16x128xi32, #tpu.memory_space<vmem>>) target_semaphore(%run_scoped3A_131 : memref<!tpu.dma_semaphore, #tpu.memory_space<semaphore_mem>>)
        %dma_wait3A = arith.constant 0 : i32
        %dma_wait3A_146 = arith.constant 0 : i32
        %dma_wait3A_147 = tpu.memref_slice %arg6[%dma_wait3A, %dma_wait3A_146] : memref<40x128xi32, #tpu.memory_space<vmem>> -> memref<16x128xi32, #tpu.memory_space<vmem>>
        %dma_wait3A_148 = arith.constant 2464 : i32
        %dma_wait3A_149 = arith.constant 0 : i32
        %dma_wait3A_150 = tpu.memref_slice %arg3[%run_scoped3A_104, %dma_wait3A_148, %dma_wait3A_149] : memref<2x2500x128xi32, #tpu.memory_space<hbm>> -> memref<1x16x128xi32, #tpu.memory_space<hbm>>
        %dma_wait3A_151 = tpu.memref_squeeze %dma_wait3A_150 : memref<1x16x128xi32, #tpu.memory_space<hbm>> -> memref<16x128xi32, #tpu.memory_space<hbm>>
        %dma_wait3A_152 = arith.constant 0 : i32
        %dma_wait3A_153 = arith.constant 0 : i32
        %dma_wait3A_154 = tpu.memref_slice %arg6[%dma_wait3A_152, %dma_wait3A_153] : memref<40x128xi32, #tpu.memory_space<vmem>> -> memref<16x128xi32, #tpu.memory_space<vmem>>
        %dma_wait3A_155 = arith.constant 2464 : i32
        %dma_wait3A_156 = arith.constant 0 : i32
        %dma_wait3A_157 = tpu.memref_slice %arg3[%run_scoped3A_104, %dma_wait3A_155, %dma_wait3A_156] : memref<2x2500x128xi32, #tpu.memory_space<hbm>> -> memref<1x16x128xi32, #tpu.memory_space<hbm>>
        %dma_wait3A_158 = tpu.memref_squeeze %dma_wait3A_157 : memref<1x16x128xi32, #tpu.memory_space<hbm>> -> memref<16x128xi32, #tpu.memory_space<hbm>>
        tpu.wait_dma2 semaphore(%run_scoped3A_131 : memref<!tpu.dma_semaphore, #tpu.memory_space<semaphore_mem>>) src(%dma_wait3A_158 : memref<16x128xi32, #tpu.memory_space<hbm>>) dst(%dma_wait3A_154 : memref<16x128xi32, #tpu.memory_space<vmem>>)
        tpu.yield
      }) : () -> ()
      %dma_start3A_105 = arith.constant 0 : i32
      %dma_start3A_106 = arith.constant 0 : i32
      %dma_start3A_107 = tpu.memref_slice %arg5[%dma_start3A_105, %dma_start3A_106] : memref<40x128xi32, #tpu.memory_space<vmem>> -> memref<1x128xi32, #tpu.memory_space<vmem>>
      %dma_start3A_108 = tpu.memref_squeeze %dma_start3A_107 : memref<1x128xi32, #tpu.memory_space<vmem>> -> memref<128xi32, #tpu.memory_space<vmem>>
      %dma_start3A_109 = arith.constant 0 : i32
      %dma_start3A_110 = arith.constant 0 : i32
      %dma_start3A_111 = tpu.memref_slice %arg2[%dma_start3A_109, %dma_start3A_110] : memref<10000x128xf32, #tpu.memory_space<hbm>> -> memref<10000x128xf32, #tpu.memory_space<hbm>>
      tpu.enqueue_indirect_dma source(%dma_start3A_111 : memref<10000x128xf32, #tpu.memory_space<hbm>>) target(%arg8 : memref<128x128xf32, #tpu.memory_space<vmem>>) offsets(%dma_start3A_108 : memref<128xi32, #tpu.memory_space<vmem>>) semaphore(%arg11 : memref<!tpu.dma_semaphore, #tpu.memory_space<semaphore_mem>>)
      %scan3A_112 = arith.constant 0 : i32
      %scan3A_113 = arith.constant 8 : i32
      %scan3A_114 = arith.addi %scan3A_112, %scan3A_113 : i32
      %scan3A_115 = arith.constant 1 : i32
      scf.for %scan3A_131 = %scan3A_112 to %scan3A_114 step %scan3A_115  : i32 {
        %mul3A_132 = arith.constant 2 : i32
        %mul3A_133 = arith.muli %scan3A_131, %mul3A_132 : i32
        %add3A_134 = arith.constant 0 : i32
        %add3A_135 = arith.addi %add3A_134, %mul3A_133 : i32
        %add3A_136 = arith.constant 1 : i32
        %add3A_137 = arith.addi %add3A_135, %add3A_136 : i32
        %dma_start3A_138 = arith.constant 0 : i32
        %dma_start3A_139 = tpu.memref_slice %arg5[%add3A_137, %dma_start3A_138] : memref<40x128xi32, #tpu.memory_space<vmem>> -> memref<1x128xi32, #tpu.memory_space<vmem>>
        %dma_start3A_140 = tpu.memref_squeeze %dma_start3A_139 : memref<1x128xi32, #tpu.memory_space<vmem>> -> memref<128xi32, #tpu.memory_space<vmem>>
        %dma_start3A_141 = arith.constant 0 : i32
        %dma_start3A_142 = arith.constant 0 : i32
        %dma_start3A_143 = tpu.memref_slice %arg2[%dma_start3A_141, %dma_start3A_142] : memref<10000x128xf32, #tpu.memory_space<hbm>> -> memref<10000x128xf32, #tpu.memory_space<hbm>>
        tpu.enqueue_indirect_dma source(%dma_start3A_143 : memref<10000x128xf32, #tpu.memory_space<hbm>>) target(%arg7 : memref<128x128xf32, #tpu.memory_space<vmem>>) offsets(%dma_start3A_140 : memref<128xi32, #tpu.memory_space<vmem>>) semaphore(%arg10 : memref<!tpu.dma_semaphore, #tpu.memory_space<semaphore_mem>>)
        %dma_wait3A = arith.constant 0 : i32
        %dma_wait3A_144 = arith.constant 0 : i32
        %dma_wait3A_145 = tpu.memref_slice %arg5[%dma_wait3A, %dma_wait3A_144] : memref<40x128xi32, #tpu.memory_space<vmem>> -> memref<1x128xi32, #tpu.memory_space<vmem>>
        %dma_wait3A_146 = tpu.memref_squeeze %dma_wait3A_145 : memref<1x128xi32, #tpu.memory_space<vmem>> -> memref<128xi32, #tpu.memory_space<vmem>>
        %dma_wait3A_147 = arith.constant 0 : i32
        %dma_wait3A_148 = arith.constant 0 : i32
        %dma_wait3A_149 = tpu.memref_slice %arg2[%dma_wait3A_147, %dma_wait3A_148] : memref<10000x128xf32, #tpu.memory_space<hbm>> -> memref<10000x128xf32, #tpu.memory_space<hbm>>
        tpu.wait_indirect_dma semaphore(%arg11 : memref<!tpu.dma_semaphore, #tpu.memory_space<semaphore_mem>>) src(%dma_wait3A_149 : memref<10000x128xf32, #tpu.memory_space<hbm>>) dst(%arg8 : memref<128x128xf32, #tpu.memory_space<vmem>>)
        "tpu.region"() ({
          %run_scoped3A_166 = tpu.sem_alloc : memref<!tpu.dma_semaphore, #tpu.memory_space<semaphore_mem>>
          %dma_start3A_167 = arith.constant 0 : i32
          %dma_start3A_168 = tpu.memref_slice %arg6[%add3A_135, %dma_start3A_167] : memref<40x128xi32, #tpu.memory_space<vmem>> -> memref<1x128xi32, #tpu.memory_space<vmem>>
          %dma_start3A_169 = tpu.memref_squeeze %dma_start3A_168 : memref<1x128xi32, #tpu.memory_space<vmem>> -> memref<128xi32, #tpu.memory_space<vmem>>
          %dma_start3A_170 = arith.constant 0 : i32
          %dma_start3A_171 = arith.constant 0 : i32
          %dma_start3A_172 = tpu.memref_slice %arg9[%dma_start3A_170, %dma_start3A_171] : memref<10000x128xf32, #tpu.memory_space<vmem_shared>> -> memref<10000x128xf32, #tpu.memory_space<vmem_shared>>
          tpu.enqueue_indirect_dma source(%arg8 : memref<128x128xf32, #tpu.memory_space<vmem>>) target(%dma_start3A_172 : memref<10000x128xf32, #tpu.memory_space<vmem_shared>>) offsets(%dma_start3A_169 : memref<128xi32, #tpu.memory_space<vmem>>) semaphore(%run_scoped3A_166 : memref<!tpu.dma_semaphore, #tpu.memory_space<semaphore_mem>>) {add = true}
          %dma_wait3A_173 = arith.constant 0 : i32
          %dma_wait3A_174 = tpu.memref_slice %arg6[%add3A_135, %dma_wait3A_173] : memref<40x128xi32, #tpu.memory_space<vmem>> -> memref<1x128xi32, #tpu.memory_space<vmem>>
          %dma_wait3A_175 = tpu.memref_squeeze %dma_wait3A_174 : memref<1x128xi32, #tpu.memory_space<vmem>> -> memref<128xi32, #tpu.memory_space<vmem>>
          %dma_wait3A_176 = arith.constant 0 : i32
          %dma_wait3A_177 = arith.constant 0 : i32
          %dma_wait3A_178 = tpu.memref_slice %arg9[%dma_wait3A_176, %dma_wait3A_177] : memref<10000x128xf32, #tpu.memory_space<vmem_shared>> -> memref<10000x128xf32, #tpu.memory_space<vmem_shared>>
          tpu.wait_indirect_dma semaphore(%run_scoped3A_166 : memref<!tpu.dma_semaphore, #tpu.memory_space<semaphore_mem>>) src(%arg8 : memref<128x128xf32, #tpu.memory_space<vmem>>) dst(%dma_wait3A_178 : memref<10000x128xf32, #tpu.memory_space<vmem_shared>>)
          tpu.yield
        }) : () -> ()
        %add3A_150 = arith.constant 2 : i32
        %add3A_151 = arith.addi %add3A_135, %add3A_150 : i32
        %lt3A_152 = arith.constant 16 : i32
        %lt3A_153 = arith.cmpi slt, %add3A_151, %lt3A_152 : i32
        %convert_element_type3A_154 = arith.extui %lt3A_153 : i1 to i32
        %cond3A_155 = arith.constant 0 : i32
        %cond3A_156 = arith.cmpi ne, %convert_element_type3A_154, %cond3A_155 : i32
        scf.if %cond3A_156 {
          %add3A_166 = arith.constant 2 : i32
          %add3A_167 = arith.addi %add3A_135, %add3A_166 : i32
          %dma_start3A_168 = arith.constant 0 : i32
          %dma_start3A_169 = tpu.memref_slice %arg5[%add3A_167, %dma_start3A_168] : memref<40x128xi32, #tpu.memory_space<vmem>> -> memref<1x128xi32, #tpu.memory_space<vmem>>
          %dma_start3A_170 = tpu.memref_squeeze %dma_start3A_169 : memref<1x128xi32, #tpu.memory_space<vmem>> -> memref<128xi32, #tpu.memory_space<vmem>>
          %dma_start3A_171 = arith.constant 0 : i32
          %dma_start3A_172 = arith.constant 0 : i32
          %dma_start3A_173 = tpu.memref_slice %arg2[%dma_start3A_171, %dma_start3A_172] : memref<10000x128xf32, #tpu.memory_space<hbm>> -> memref<10000x128xf32, #tpu.memory_space<hbm>>
          tpu.enqueue_indirect_dma source(%dma_start3A_173 : memref<10000x128xf32, #tpu.memory_space<hbm>>) target(%arg8 : memref<128x128xf32, #tpu.memory_space<vmem>>) offsets(%dma_start3A_170 : memref<128xi32, #tpu.memory_space<vmem>>) semaphore(%arg11 : memref<!tpu.dma_semaphore, #tpu.memory_space<semaphore_mem>>)
        } else {
        }
        %dma_wait3A_157 = arith.constant 0 : i32
        %dma_wait3A_158 = arith.constant 0 : i32
        %dma_wait3A_159 = tpu.memref_slice %arg5[%dma_wait3A_157, %dma_wait3A_158] : memref<40x128xi32, #tpu.memory_space<vmem>> -> memref<1x128xi32, #tpu.memory_space<vmem>>
        %dma_wait3A_160 = tpu.memref_squeeze %dma_wait3A_159 : memref<1x128xi32, #tpu.memory_space<vmem>> -> memref<128xi32, #tpu.memory_space<vmem>>
        %dma_wait3A_161 = arith.constant 0 : i32
        %dma_wait3A_162 = arith.constant 0 : i32
        %dma_wait3A_163 = tpu.memref_slice %arg2[%dma_wait3A_161, %dma_wait3A_162] : memref<10000x128xf32, #tpu.memory_space<hbm>> -> memref<10000x128xf32, #tpu.memory_space<hbm>>
        tpu.wait_indirect_dma semaphore(%arg10 : memref<!tpu.dma_semaphore, #tpu.memory_space<semaphore_mem>>) src(%dma_wait3A_163 : memref<10000x128xf32, #tpu.memory_space<hbm>>) dst(%arg7 : memref<128x128xf32, #tpu.memory_space<vmem>>)
        %add3A_164 = arith.constant 1 : i32
        %add3A_165 = arith.addi %add3A_135, %add3A_164 : i32
        "tpu.region"() ({
          %run_scoped3A_166 = tpu.sem_alloc : memref<!tpu.dma_semaphore, #tpu.memory_space<semaphore_mem>>
          %dma_start3A_167 = arith.constant 0 : i32
          %dma_start3A_168 = tpu.memref_slice %arg6[%add3A_165, %dma_start3A_167] : memref<40x128xi32, #tpu.memory_space<vmem>> -> memref<1x128xi32, #tpu.memory_space<vmem>>
          %dma_start3A_169 = tpu.memref_squeeze %dma_start3A_168 : memref<1x128xi32, #tpu.memory_space<vmem>> -> memref<128xi32, #tpu.memory_space<vmem>>
          %dma_start3A_170 = arith.constant 0 : i32
          %dma_start3A_171 = arith.constant 0 : i32
          %dma_start3A_172 = tpu.memref_slice %arg9[%dma_start3A_170, %dma_start3A_171] : memref<10000x128xf32, #tpu.memory_space<vmem_shared>> -> memref<10000x128xf32, #tpu.memory_space<vmem_shared>>
          tpu.enqueue_indirect_dma source(%arg7 : memref<128x128xf32, #tpu.memory_space<vmem>>) target(%dma_start3A_172 : memref<10000x128xf32, #tpu.memory_space<vmem_shared>>) offsets(%dma_start3A_169 : memref<128xi32, #tpu.memory_space<vmem>>) semaphore(%run_scoped3A_166 : memref<!tpu.dma_semaphore, #tpu.memory_space<semaphore_mem>>) {add = true}
          %dma_wait3A_173 = arith.constant 0 : i32
          %dma_wait3A_174 = tpu.memref_slice %arg6[%add3A_165, %dma_wait3A_173] : memref<40x128xi32, #tpu.memory_space<vmem>> -> memref<1x128xi32, #tpu.memory_space<vmem>>
          %dma_wait3A_175 = tpu.memref_squeeze %dma_wait3A_174 : memref<1x128xi32, #tpu.memory_space<vmem>> -> memref<128xi32, #tpu.memory_space<vmem>>
          %dma_wait3A_176 = arith.constant 0 : i32
          %dma_wait3A_177 = arith.constant 0 : i32
          %dma_wait3A_178 = tpu.memref_slice %arg9[%dma_wait3A_176, %dma_wait3A_177] : memref<10000x128xf32, #tpu.memory_space<vmem_shared>> -> memref<10000x128xf32, #tpu.memory_space<vmem_shared>>
          tpu.wait_indirect_dma semaphore(%run_scoped3A_166 : memref<!tpu.dma_semaphore, #tpu.memory_space<semaphore_mem>>) src(%arg7 : memref<128x128xf32, #tpu.memory_space<vmem>>) dst(%dma_wait3A_178 : memref<10000x128xf32, #tpu.memory_space<vmem_shared>>)
          tpu.yield
        }) : () -> ()
      }
      %scan3A_116 = arith.constant 8 : i32
      %run_scoped3A_117 = arith.constant 0 : i32
      "tpu.region"() ({
        %run_scoped3A_131 = tpu.sem_alloc : memref<!tpu.dma_semaphore, #tpu.memory_space<semaphore_mem>>
        %dma_start3A_132 = arith.constant 0 : i32
        %dma_start3A_133 = arith.constant 0 : i32
        %dma_start3A_134 = tpu.memref_slice %arg5[%dma_start3A_132, %dma_start3A_133] : memref<40x128xi32, #tpu.memory_space<vmem>> -> memref<20x128xi32, #tpu.memory_space<vmem>>
        %dma_start3A_135 = arith.constant 2480 : i32
        %dma_start3A_136 = arith.constant 0 : i32
        %dma_start3A_137 = tpu.memref_slice %arg3[%run_scoped3A_117, %dma_start3A_135, %dma_start3A_136] : memref<2x2500x128xi32, #tpu.memory_space<hbm>> -> memref<1x20x128xi32, #tpu.memory_space<hbm>>
        %dma_start3A_138 = tpu.memref_squeeze %dma_start3A_137 : memref<1x20x128xi32, #tpu.memory_space<hbm>> -> memref<20x128xi32, #tpu.memory_space<hbm>>
        %dma_start3A_139 = arith.constant 0 : i32
        %dma_start3A_140 = arith.constant 0 : i32
        %dma_start3A_141 = tpu.memref_slice %arg5[%dma_start3A_139, %dma_start3A_140] : memref<40x128xi32, #tpu.memory_space<vmem>> -> memref<20x128xi32, #tpu.memory_space<vmem>>
        %dma_start3A_142 = arith.constant 2480 : i32
        %dma_start3A_143 = arith.constant 0 : i32
        %dma_start3A_144 = tpu.memref_slice %arg3[%run_scoped3A_117, %dma_start3A_142, %dma_start3A_143] : memref<2x2500x128xi32, #tpu.memory_space<hbm>> -> memref<1x20x128xi32, #tpu.memory_space<hbm>>
        %dma_start3A_145 = tpu.memref_squeeze %dma_start3A_144 : memref<1x20x128xi32, #tpu.memory_space<hbm>> -> memref<20x128xi32, #tpu.memory_space<hbm>>
        tpu.enqueue_dma source(%dma_start3A_145 : memref<20x128xi32, #tpu.memory_space<hbm>>) target(%dma_start3A_141 : memref<20x128xi32, #tpu.memory_space<vmem>>) target_semaphore(%run_scoped3A_131 : memref<!tpu.dma_semaphore, #tpu.memory_space<semaphore_mem>>)
        %dma_wait3A = arith.constant 0 : i32
        %dma_wait3A_146 = arith.constant 0 : i32
        %dma_wait3A_147 = tpu.memref_slice %arg5[%dma_wait3A, %dma_wait3A_146] : memref<40x128xi32, #tpu.memory_space<vmem>> -> memref<20x128xi32, #tpu.memory_space<vmem>>
        %dma_wait3A_148 = arith.constant 2480 : i32
        %dma_wait3A_149 = arith.constant 0 : i32
        %dma_wait3A_150 = tpu.memref_slice %arg3[%run_scoped3A_117, %dma_wait3A_148, %dma_wait3A_149] : memref<2x2500x128xi32, #tpu.memory_space<hbm>> -> memref<1x20x128xi32, #tpu.memory_space<hbm>>
        %dma_wait3A_151 = tpu.memref_squeeze %dma_wait3A_150 : memref<1x20x128xi32, #tpu.memory_space<hbm>> -> memref<20x128xi32, #tpu.memory_space<hbm>>
        %dma_wait3A_152 = arith.constant 0 : i32
        %dma_wait3A_153 = arith.constant 0 : i32
        %dma_wait3A_154 = tpu.memref_slice %arg5[%dma_wait3A_152, %dma_wait3A_153] : memref<40x128xi32, #tpu.memory_space<vmem>> -> memref<20x128xi32, #tpu.memory_space<vmem>>
        %dma_wait3A_155 = arith.constant 2480 : i32
        %dma_wait3A_156 = arith.constant 0 : i32
        %dma_wait3A_157 = tpu.memref_slice %arg3[%run_scoped3A_117, %dma_wait3A_155, %dma_wait3A_156] : memref<2x2500x128xi32, #tpu.memory_space<hbm>> -> memref<1x20x128xi32, #tpu.memory_space<hbm>>
        %dma_wait3A_158 = tpu.memref_squeeze %dma_wait3A_157 : memref<1x20x128xi32, #tpu.memory_space<hbm>> -> memref<20x128xi32, #tpu.memory_space<hbm>>
        tpu.wait_dma2 semaphore(%run_scoped3A_131 : memref<!tpu.dma_semaphore, #tpu.memory_space<semaphore_mem>>) src(%dma_wait3A_158 : memref<20x128xi32, #tpu.memory_space<hbm>>) dst(%dma_wait3A_154 : memref<20x128xi32, #tpu.memory_space<vmem>>)
        tpu.yield
      }) : () -> ()
      %run_scoped3A_118 = arith.constant 1 : i32
      "tpu.region"() ({
        %run_scoped3A_131 = tpu.sem_alloc : memref<!tpu.dma_semaphore, #tpu.memory_space<semaphore_mem>>
        %dma_start3A_132 = arith.constant 0 : i32
        %dma_start3A_133 = arith.constant 0 : i32
        %dma_start3A_134 = tpu.memref_slice %arg6[%dma_start3A_132, %dma_start3A_133] : memref<40x128xi32, #tpu.memory_space<vmem>> -> memref<20x128xi32, #tpu.memory_space<vmem>>
        %dma_start3A_135 = arith.constant 2480 : i32
        %dma_start3A_136 = arith.constant 0 : i32
        %dma_start3A_137 = tpu.memref_slice %arg3[%run_scoped3A_118, %dma_start3A_135, %dma_start3A_136] : memref<2x2500x128xi32, #tpu.memory_space<hbm>> -> memref<1x20x128xi32, #tpu.memory_space<hbm>>
        %dma_start3A_138 = tpu.memref_squeeze %dma_start3A_137 : memref<1x20x128xi32, #tpu.memory_space<hbm>> -> memref<20x128xi32, #tpu.memory_space<hbm>>
        %dma_start3A_139 = arith.constant 0 : i32
        %dma_start3A_140 = arith.constant 0 : i32
        %dma_start3A_141 = tpu.memref_slice %arg6[%dma_start3A_139, %dma_start3A_140] : memref<40x128xi32, #tpu.memory_space<vmem>> -> memref<20x128xi32, #tpu.memory_space<vmem>>
        %dma_start3A_142 = arith.constant 2480 : i32
        %dma_start3A_143 = arith.constant 0 : i32
        %dma_start3A_144 = tpu.memref_slice %arg3[%run_scoped3A_118, %dma_start3A_142, %dma_start3A_143] : memref<2x2500x128xi32, #tpu.memory_space<hbm>> -> memref<1x20x128xi32, #tpu.memory_space<hbm>>
        %dma_start3A_145 = tpu.memref_squeeze %dma_start3A_144 : memref<1x20x128xi32, #tpu.memory_space<hbm>> -> memref<20x128xi32, #tpu.memory_space<hbm>>
        tpu.enqueue_dma source(%dma_start3A_145 : memref<20x128xi32, #tpu.memory_space<hbm>>) target(%dma_start3A_141 : memref<20x128xi32, #tpu.memory_space<vmem>>) target_semaphore(%run_scoped3A_131 : memref<!tpu.dma_semaphore, #tpu.memory_space<semaphore_mem>>)
        %dma_wait3A = arith.constant 0 : i32
        %dma_wait3A_146 = arith.constant 0 : i32
        %dma_wait3A_147 = tpu.memref_slice %arg6[%dma_wait3A, %dma_wait3A_146] : memref<40x128xi32, #tpu.memory_space<vmem>> -> memref<20x128xi32, #tpu.memory_space<vmem>>
        %dma_wait3A_148 = arith.constant 2480 : i32
        %dma_wait3A_149 = arith.constant 0 : i32
        %dma_wait3A_150 = tpu.memref_slice %arg3[%run_scoped3A_118, %dma_wait3A_148, %dma_wait3A_149] : memref<2x2500x128xi32, #tpu.memory_space<hbm>> -> memref<1x20x128xi32, #tpu.memory_space<hbm>>
        %dma_wait3A_151 = tpu.memref_squeeze %dma_wait3A_150 : memref<1x20x128xi32, #tpu.memory_space<hbm>> -> memref<20x128xi32, #tpu.memory_space<hbm>>
        %dma_wait3A_152 = arith.constant 0 : i32
        %dma_wait3A_153 = arith.constant 0 : i32
        %dma_wait3A_154 = tpu.memref_slice %arg6[%dma_wait3A_152, %dma_wait3A_153] : memref<40x128xi32, #tpu.memory_space<vmem>> -> memref<20x128xi32, #tpu.memory_space<vmem>>
        %dma_wait3A_155 = arith.constant 2480 : i32
        %dma_wait3A_156 = arith.constant 0 : i32
        %dma_wait3A_157 = tpu.memref_slice %arg3[%run_scoped3A_118, %dma_wait3A_155, %dma_wait3A_156] : memref<2x2500x128xi32, #tpu.memory_space<hbm>> -> memref<1x20x128xi32, #tpu.memory_space<hbm>>
        %dma_wait3A_158 = tpu.memref_squeeze %dma_wait3A_157 : memref<1x20x128xi32, #tpu.memory_space<hbm>> -> memref<20x128xi32, #tpu.memory_space<hbm>>
        tpu.wait_dma2 semaphore(%run_scoped3A_131 : memref<!tpu.dma_semaphore, #tpu.memory_space<semaphore_mem>>) src(%dma_wait3A_158 : memref<20x128xi32, #tpu.memory_space<hbm>>) dst(%dma_wait3A_154 : memref<20x128xi32, #tpu.memory_space<vmem>>)
        tpu.yield
      }) : () -> ()
      %dma_start3A_119 = arith.constant 0 : i32
      %dma_start3A_120 = arith.constant 0 : i32
      %dma_start3A_121 = tpu.memref_slice %arg5[%dma_start3A_119, %dma_start3A_120] : memref<40x128xi32, #tpu.memory_space<vmem>> -> memref<1x128xi32, #tpu.memory_space<vmem>>
      %dma_start3A_122 = tpu.memref_squeeze %dma_start3A_121 : memref<1x128xi32, #tpu.memory_space<vmem>> -> memref<128xi32, #tpu.memory_space<vmem>>
      %dma_start3A_123 = arith.constant 0 : i32
      %dma_start3A_124 = arith.constant 0 : i32
      %dma_start3A_125 = tpu.memref_slice %arg2[%dma_start3A_123, %dma_start3A_124] : memref<10000x128xf32, #tpu.memory_space<hbm>> -> memref<10000x128xf32, #tpu.memory_space<hbm>>
      tpu.enqueue_indirect_dma source(%dma_start3A_125 : memref<10000x128xf32, #tpu.memory_space<hbm>>) target(%arg8 : memref<128x128xf32, #tpu.memory_space<vmem>>) offsets(%dma_start3A_122 : memref<128xi32, #tpu.memory_space<vmem>>) semaphore(%arg11 : memref<!tpu.dma_semaphore, #tpu.memory_space<semaphore_mem>>)
      %scan3A_126 = arith.constant 0 : i32
      %scan3A_127 = arith.constant 10 : i32
      %scan3A_128 = arith.addi %scan3A_126, %scan3A_127 : i32
      %scan3A_129 = arith.constant 1 : i32
      scf.for %scan3A_131 = %scan3A_126 to %scan3A_128 step %scan3A_129  : i32 {
        %mul3A_132 = arith.constant 2 : i32
        %mul3A_133 = arith.muli %scan3A_131, %mul3A_132 : i32
        %add3A_134 = arith.constant 0 : i32
        %add3A_135 = arith.addi %add3A_134, %mul3A_133 : i32
        %add3A_136 = arith.constant 1 : i32
        %add3A_137 = arith.addi %add3A_135, %add3A_136 : i32
        %dma_start3A_138 = arith.constant 0 : i32
        %dma_start3A_139 = tpu.memref_slice %arg5[%add3A_137, %dma_start3A_138] : memref<40x128xi32, #tpu.memory_space<vmem>> -> memref<1x128xi32, #tpu.memory_space<vmem>>
        %dma_start3A_140 = tpu.memref_squeeze %dma_start3A_139 : memref<1x128xi32, #tpu.memory_space<vmem>> -> memref<128xi32, #tpu.memory_space<vmem>>
        %dma_start3A_141 = arith.constant 0 : i32
        %dma_start3A_142 = arith.constant 0 : i32
        %dma_start3A_143 = tpu.memref_slice %arg2[%dma_start3A_141, %dma_start3A_142] : memref<10000x128xf32, #tpu.memory_space<hbm>> -> memref<10000x128xf32, #tpu.memory_space<hbm>>
        tpu.enqueue_indirect_dma source(%dma_start3A_143 : memref<10000x128xf32, #tpu.memory_space<hbm>>) target(%arg7 : memref<128x128xf32, #tpu.memory_space<vmem>>) offsets(%dma_start3A_140 : memref<128xi32, #tpu.memory_space<vmem>>) semaphore(%arg10 : memref<!tpu.dma_semaphore, #tpu.memory_space<semaphore_mem>>)
        %dma_wait3A = arith.constant 0 : i32
        %dma_wait3A_144 = arith.constant 0 : i32
        %dma_wait3A_145 = tpu.memref_slice %arg5[%dma_wait3A, %dma_wait3A_144] : memref<40x128xi32, #tpu.memory_space<vmem>> -> memref<1x128xi32, #tpu.memory_space<vmem>>
        %dma_wait3A_146 = tpu.memref_squeeze %dma_wait3A_145 : memref<1x128xi32, #tpu.memory_space<vmem>> -> memref<128xi32, #tpu.memory_space<vmem>>
        %dma_wait3A_147 = arith.constant 0 : i32
        %dma_wait3A_148 = arith.constant 0 : i32
        %dma_wait3A_149 = tpu.memref_slice %arg2[%dma_wait3A_147, %dma_wait3A_148] : memref<10000x128xf32, #tpu.memory_space<hbm>> -> memref<10000x128xf32, #tpu.memory_space<hbm>>
        tpu.wait_indirect_dma semaphore(%arg11 : memref<!tpu.dma_semaphore, #tpu.memory_space<semaphore_mem>>) src(%dma_wait3A_149 : memref<10000x128xf32, #tpu.memory_space<hbm>>) dst(%arg8 : memref<128x128xf32, #tpu.memory_space<vmem>>)
        "tpu.region"() ({
          %run_scoped3A_166 = tpu.sem_alloc : memref<!tpu.dma_semaphore, #tpu.memory_space<semaphore_mem>>
          %dma_start3A_167 = arith.constant 0 : i32
          %dma_start3A_168 = tpu.memref_slice %arg6[%add3A_135, %dma_start3A_167] : memref<40x128xi32, #tpu.memory_space<vmem>> -> memref<1x128xi32, #tpu.memory_space<vmem>>
          %dma_start3A_169 = tpu.memref_squeeze %dma_start3A_168 : memref<1x128xi32, #tpu.memory_space<vmem>> -> memref<128xi32, #tpu.memory_space<vmem>>
          %dma_start3A_170 = arith.constant 0 : i32
          %dma_start3A_171 = arith.constant 0 : i32
          %dma_start3A_172 = tpu.memref_slice %arg9[%dma_start3A_170, %dma_start3A_171] : memref<10000x128xf32, #tpu.memory_space<vmem_shared>> -> memref<10000x128xf32, #tpu.memory_space<vmem_shared>>
          tpu.enqueue_indirect_dma source(%arg8 : memref<128x128xf32, #tpu.memory_space<vmem>>) target(%dma_start3A_172 : memref<10000x128xf32, #tpu.memory_space<vmem_shared>>) offsets(%dma_start3A_169 : memref<128xi32, #tpu.memory_space<vmem>>) semaphore(%run_scoped3A_166 : memref<!tpu.dma_semaphore, #tpu.memory_space<semaphore_mem>>) {add = true}
          %dma_wait3A_173 = arith.constant 0 : i32
          %dma_wait3A_174 = tpu.memref_slice %arg6[%add3A_135, %dma_wait3A_173] : memref<40x128xi32, #tpu.memory_space<vmem>> -> memref<1x128xi32, #tpu.memory_space<vmem>>
          %dma_wait3A_175 = tpu.memref_squeeze %dma_wait3A_174 : memref<1x128xi32, #tpu.memory_space<vmem>> -> memref<128xi32, #tpu.memory_space<vmem>>
          %dma_wait3A_176 = arith.constant 0 : i32
          %dma_wait3A_177 = arith.constant 0 : i32
          %dma_wait3A_178 = tpu.memref_slice %arg9[%dma_wait3A_176, %dma_wait3A_177] : memref<10000x128xf32, #tpu.memory_space<vmem_shared>> -> memref<10000x128xf32, #tpu.memory_space<vmem_shared>>
          tpu.wait_indirect_dma semaphore(%run_scoped3A_166 : memref<!tpu.dma_semaphore, #tpu.memory_space<semaphore_mem>>) src(%arg8 : memref<128x128xf32, #tpu.memory_space<vmem>>) dst(%dma_wait3A_178 : memref<10000x128xf32, #tpu.memory_space<vmem_shared>>)
          tpu.yield
        }) : () -> ()
        %add3A_150 = arith.constant 2 : i32
        %add3A_151 = arith.addi %add3A_135, %add3A_150 : i32
        %lt3A_152 = arith.constant 20 : i32
        %lt3A_153 = arith.cmpi slt, %add3A_151, %lt3A_152 : i32
        %convert_element_type3A_154 = arith.extui %lt3A_153 : i1 to i32
        %cond3A_155 = arith.constant 0 : i32
        %cond3A_156 = arith.cmpi ne, %convert_element_type3A_154, %cond3A_155 : i32
        scf.if %cond3A_156 {
          %add3A_166 = arith.constant 2 : i32
          %add3A_167 = arith.addi %add3A_135, %add3A_166 : i32
          %dma_start3A_168 = arith.constant 0 : i32
          %dma_start3A_169 = tpu.memref_slice %arg5[%add3A_167, %dma_start3A_168] : memref<40x128xi32, #tpu.memory_space<vmem>> -> memref<1x128xi32, #tpu.memory_space<vmem>>
          %dma_start3A_170 = tpu.memref_squeeze %dma_start3A_169 : memref<1x128xi32, #tpu.memory_space<vmem>> -> memref<128xi32, #tpu.memory_space<vmem>>
          %dma_start3A_171 = arith.constant 0 : i32
          %dma_start3A_172 = arith.constant 0 : i32
          %dma_start3A_173 = tpu.memref_slice %arg2[%dma_start3A_171, %dma_start3A_172] : memref<10000x128xf32, #tpu.memory_space<hbm>> -> memref<10000x128xf32, #tpu.memory_space<hbm>>
          tpu.enqueue_indirect_dma source(%dma_start3A_173 : memref<10000x128xf32, #tpu.memory_space<hbm>>) target(%arg8 : memref<128x128xf32, #tpu.memory_space<vmem>>) offsets(%dma_start3A_170 : memref<128xi32, #tpu.memory_space<vmem>>) semaphore(%arg11 : memref<!tpu.dma_semaphore, #tpu.memory_space<semaphore_mem>>)
        } else {
        }
        %dma_wait3A_157 = arith.constant 0 : i32
        %dma_wait3A_158 = arith.constant 0 : i32
        %dma_wait3A_159 = tpu.memref_slice %arg5[%dma_wait3A_157, %dma_wait3A_158] : memref<40x128xi32, #tpu.memory_space<vmem>> -> memref<1x128xi32, #tpu.memory_space<vmem>>
        %dma_wait3A_160 = tpu.memref_squeeze %dma_wait3A_159 : memref<1x128xi32, #tpu.memory_space<vmem>> -> memref<128xi32, #tpu.memory_space<vmem>>
        %dma_wait3A_161 = arith.constant 0 : i32
        %dma_wait3A_162 = arith.constant 0 : i32
        %dma_wait3A_163 = tpu.memref_slice %arg2[%dma_wait3A_161, %dma_wait3A_162] : memref<10000x128xf32, #tpu.memory_space<hbm>> -> memref<10000x128xf32, #tpu.memory_space<hbm>>
        tpu.wait_indirect_dma semaphore(%arg10 : memref<!tpu.dma_semaphore, #tpu.memory_space<semaphore_mem>>) src(%dma_wait3A_163 : memref<10000x128xf32, #tpu.memory_space<hbm>>) dst(%arg7 : memref<128x128xf32, #tpu.memory_space<vmem>>)
        %add3A_164 = arith.constant 1 : i32
        %add3A_165 = arith.addi %add3A_135, %add3A_164 : i32
        "tpu.region"() ({
          %run_scoped3A_166 = tpu.sem_alloc : memref<!tpu.dma_semaphore, #tpu.memory_space<semaphore_mem>>
          %dma_start3A_167 = arith.constant 0 : i32
          %dma_start3A_168 = tpu.memref_slice %arg6[%add3A_165, %dma_start3A_167] : memref<40x128xi32, #tpu.memory_space<vmem>> -> memref<1x128xi32, #tpu.memory_space<vmem>>
          %dma_start3A_169 = tpu.memref_squeeze %dma_start3A_168 : memref<1x128xi32, #tpu.memory_space<vmem>> -> memref<128xi32, #tpu.memory_space<vmem>>
          %dma_start3A_170 = arith.constant 0 : i32
          %dma_start3A_171 = arith.constant 0 : i32
          %dma_start3A_172 = tpu.memref_slice %arg9[%dma_start3A_170, %dma_start3A_171] : memref<10000x128xf32, #tpu.memory_space<vmem_shared>> -> memref<10000x128xf32, #tpu.memory_space<vmem_shared>>
          tpu.enqueue_indirect_dma source(%arg7 : memref<128x128xf32, #tpu.memory_space<vmem>>) target(%dma_start3A_172 : memref<10000x128xf32, #tpu.memory_space<vmem_shared>>) offsets(%dma_start3A_169 : memref<128xi32, #tpu.memory_space<vmem>>) semaphore(%run_scoped3A_166 : memref<!tpu.dma_semaphore, #tpu.memory_space<semaphore_mem>>) {add = true}
          %dma_wait3A_173 = arith.constant 0 : i32
          %dma_wait3A_174 = tpu.memref_slice %arg6[%add3A_165, %dma_wait3A_173] : memref<40x128xi32, #tpu.memory_space<vmem>> -> memref<1x128xi32, #tpu.memory_space<vmem>>
          %dma_wait3A_175 = tpu.memref_squeeze %dma_wait3A_174 : memref<1x128xi32, #tpu.memory_space<vmem>> -> memref<128xi32, #tpu.memory_space<vmem>>
          %dma_wait3A_176 = arith.constant 0 : i32
          %dma_wait3A_177 = arith.constant 0 : i32
          %dma_wait3A_178 = tpu.memref_slice %arg9[%dma_wait3A_176, %dma_wait3A_177] : memref<10000x128xf32, #tpu.memory_space<vmem_shared>> -> memref<10000x128xf32, #tpu.memory_space<vmem_shared>>
          tpu.wait_indirect_dma semaphore(%run_scoped3A_166 : memref<!tpu.dma_semaphore, #tpu.memory_space<semaphore_mem>>) src(%arg7 : memref<128x128xf32, #tpu.memory_space<vmem>>) dst(%dma_wait3A_178 : memref<10000x128xf32, #tpu.memory_space<vmem_shared>>)
          tpu.yield
        }) : () -> ()
      }
      %scan3A_130 = arith.constant 10 : i32
    } else {
    }
    %barrier3A_93 = arith.constant 0 : index
    tpu.barrier barrier_id(%barrier3A_93)
    %mul3A_94 = arith.constant 624 : i32
    %mul3A_95 = arith.muli %arg1, %mul3A_94 : i32
    %mul3A_96 = arith.constant 624 : i32
    %mul3A_97 = arith.muli %arg1, %mul3A_96 : i32
    "tpu.region"() ({
      %run_scoped3A_103 = tpu.sem_alloc : memref<!tpu.dma_semaphore, #tpu.memory_space<semaphore_mem>>
      %dma_start3A_104 = arith.constant 0 : i32
      %dma_start3A_105 = tpu.memref_slice %arg4[%arg0, %mul3A_97, %dma_start3A_104] : memref<2x10000x128xf32, #tpu.memory_space<hbm>> -> memref<1x624x128xf32, #tpu.memory_space<hbm>>
      %dma_start3A_106 = tpu.memref_squeeze %dma_start3A_105 : memref<1x624x128xf32, #tpu.memory_space<hbm>> -> memref<624x128xf32, #tpu.memory_space<hbm>>
      %dma_start3A_107 = arith.constant 0 : i32
      %dma_start3A_108 = tpu.memref_slice %arg9[%mul3A_95, %dma_start3A_107] : memref<10000x128xf32, #tpu.memory_space<vmem_shared>> -> memref<624x128xf32, #tpu.memory_space<vmem_shared>>
      tpu.enqueue_dma source(%dma_start3A_108 : memref<624x128xf32, #tpu.memory_space<vmem_shared>>) target(%dma_start3A_106 : memref<624x128xf32, #tpu.memory_space<hbm>>) target_semaphore(%run_scoped3A_103 : memref<!tpu.dma_semaphore, #tpu.memory_space<semaphore_mem>>)
      %dma_wait3A = arith.constant 0 : i32
      %dma_wait3A_109 = tpu.memref_slice %arg4[%arg0, %mul3A_97, %dma_wait3A] : memref<2x10000x128xf32, #tpu.memory_space<hbm>> -> memref<1x624x128xf32, #tpu.memory_space<hbm>>
      %dma_wait3A_110 = tpu.memref_squeeze %dma_wait3A_109 : memref<1x624x128xf32, #tpu.memory_space<hbm>> -> memref<624x128xf32, #tpu.memory_space<hbm>>
      %dma_wait3A_111 = arith.constant 0 : i32
      %dma_wait3A_112 = tpu.memref_slice %arg9[%mul3A_95, %dma_wait3A_111] : memref<10000x128xf32, #tpu.memory_space<vmem_shared>> -> memref<624x128xf32, #tpu.memory_space<vmem_shared>>
      tpu.wait_dma2 semaphore(%run_scoped3A_103 : memref<!tpu.dma_semaphore, #tpu.memory_space<semaphore_mem>>) src(%dma_wait3A_112 : memref<624x128xf32, #tpu.memory_space<vmem_shared>>) dst(%dma_wait3A_110 : memref<624x128xf32, #tpu.memory_space<hbm>>)
      tpu.yield
    }) : () -> ()
    %eq3A_98 = arith.constant 0 : i32
    %eq3A_99 = arith.cmpi eq, %arg1, %eq3A_98 : i32
    %convert_element_type3A_100 = arith.extui %eq3A_99 : i1 to i32
    %cond3A_101 = arith.constant 0 : i32
    %cond3A_102 = arith.cmpi ne, %convert_element_type3A_100, %cond3A_101 : i32
    scf.if %cond3A_102 {
      "tpu.region"() ({
        %run_scoped3A_103 = tpu.sem_alloc : memref<!tpu.dma_semaphore, #tpu.memory_space<semaphore_mem>>
        %dma_start3A_104 = arith.constant 9984 : i32
        %dma_start3A_105 = arith.constant 0 : i32
        %dma_start3A_106 = tpu.memref_slice %arg4[%arg0, %dma_start3A_104, %dma_start3A_105] : memref<2x10000x128xf32, #tpu.memory_space<hbm>> -> memref<1x16x128xf32, #tpu.memory_space<hbm>>
        %dma_start3A_107 = tpu.memref_squeeze %dma_start3A_106 : memref<1x16x128xf32, #tpu.memory_space<hbm>> -> memref<16x128xf32, #tpu.memory_space<hbm>>
        %dma_start3A_108 = arith.constant 9984 : i32
        %dma_start3A_109 = arith.constant 0 : i32
        %dma_start3A_110 = tpu.memref_slice %arg9[%dma_start3A_108, %dma_start3A_109] : memref<10000x128xf32, #tpu.memory_space<vmem_shared>> -> memref<16x128xf32, #tpu.memory_space<vmem_shared>>
        tpu.enqueue_dma source(%dma_start3A_110 : memref<16x128xf32, #tpu.memory_space<vmem_shared>>) target(%dma_start3A_107 : memref<16x128xf32, #tpu.memory_space<hbm>>) target_semaphore(%run_scoped3A_103 : memref<!tpu.dma_semaphore, #tpu.memory_space<semaphore_mem>>)
        %dma_wait3A = arith.constant 9984 : i32
        %dma_wait3A_111 = arith.constant 0 : i32
        %dma_wait3A_112 = tpu.memref_slice %arg4[%arg0, %dma_wait3A, %dma_wait3A_111] : memref<2x10000x128xf32, #tpu.memory_space<hbm>> -> memref<1x16x128xf32, #tpu.memory_space<hbm>>
        %dma_wait3A_113 = tpu.memref_squeeze %dma_wait3A_112 : memref<1x16x128xf32, #tpu.memory_space<hbm>> -> memref<16x128xf32, #tpu.memory_space<hbm>>
        %dma_wait3A_114 = arith.constant 9984 : i32
        %dma_wait3A_115 = arith.constant 0 : i32
        %dma_wait3A_116 = tpu.memref_slice %arg9[%dma_wait3A_114, %dma_wait3A_115] : memref<10000x128xf32, #tpu.memory_space<vmem_shared>> -> memref<16x128xf32, #tpu.memory_space<vmem_shared>>
        tpu.wait_dma2 semaphore(%run_scoped3A_103 : memref<!tpu.dma_semaphore, #tpu.memory_space<semaphore_mem>>) src(%dma_wait3A_116 : memref<16x128xf32, #tpu.memory_space<vmem_shared>>) dst(%dma_wait3A_113 : memref<16x128xf32, #tpu.memory_space<hbm>>)
        tpu.yield
      }) : () -> ()
    } else {
    }
    return
  }
}

#map = affine_map<(d0, d1) -> (0, 0)>
#map1 = affine_map<(d0, d1) -> (0, 0, 0)>
module attributes {stable_mosaic.version = 14 : i64} {
  func.func @_agg_body(%arg0: i32, %arg1: i32, %arg2: memref<10000x128xf32, #tpu.memory_space<hbm>>, %arg3: memref<2x2500x128xi32, #tpu.memory_space<hbm>>, %arg4: memref<2x10000x128xf32, #tpu.memory_space<hbm>>, %arg5: memref<40x128xi32, #tpu.memory_space<vmem>>, %arg6: memref<40x128xi32, #tpu.memory_space<vmem>>, %arg7: memref<128x128xf32, #tpu.memory_space<vmem>>, %arg8: memref<128x128xf32, #tpu.memory_space<vmem>>, %arg9: memref<10000x128xf32, #tpu.memory_space<vmem_shared>>, %arg10: memref<!tpu.dma_semaphore, #tpu.memory_space<semaphore_mem>>, %arg11: memref<!tpu.dma_semaphore, #tpu.memory_space<semaphore_mem>>) attributes {dimension_semantics = [#tpu.dimension_semantics<core_parallel>, #tpu.dimension_semantics<subcore_parallel>], iteration_bounds = array<i64: 2, 16>, scalar_prefetch = 0 : i64, scratch_operands = 7 : i64, tpu.core_type = #tpu.core_type<sc_vector_subcore>, window_params = [{transform_indices = #map}, {transform_indices = #map1}, {transform_indices = #map1}]} {
    %mul3A = arith.constant 16 : i32
    %mul3A_0 = arith.muli %arg0, %mul3A : i32
    %add3A = arith.addi %mul3A_0, %arg1 : i32
    %broadcast_in_dim3A = arith.constant 0.000000e+00 : f32
    %broadcast_in_dim3A_1 = vector.broadcast %broadcast_in_dim3A : f32 to vector<16xf32>
    %scan3A = arith.constant 0 : i32
    %scan3A_2 = arith.constant 128 : i32
    %scan3A_3 = arith.addi %scan3A, %scan3A_2 : i32
    %scan3A_4 = arith.constant 1 : i32
    scf.for %scan3A_103 = %scan3A to %scan3A_3 step %scan3A_4  : i32 {
      %mul3A_104 = arith.constant 1 : i32
      %mul3A_105 = arith.muli %scan3A_103, %mul3A_104 : i32
      %add3A_106 = arith.constant 0 : i32
      %add3A_107 = arith.addi %add3A_106, %mul3A_105 : i32
      %swap3A = arith.index_cast %add3A_107 : i32 to index
      %swap3A_108 = arith.constant 0 : index
      %swap3A_109 = tpu.vector_load %arg7[%swap3A, %swap3A_108] {strides = array<i32>} : memref<128x128xf32, #tpu.memory_space<vmem>>, vector<1x16xf32>,
      %swap3A_110 = vector.shape_cast %swap3A_109 : vector<1x16xf32> to vector<16xf32>
      %swap3A_111 = vector.shape_cast %broadcast_in_dim3A_1 : vector<16xf32> to vector<1x16xf32>
      tpu.vector_store %arg7[%swap3A, %swap3A_108], %swap3A_111 {strides = array<i32>} : memref<128x128xf32, #tpu.memory_space<vmem>>, vector<1x16xf32>,
      %swap3A_112 = arith.index_cast %add3A_107 : i32 to index
      %swap3A_113 = arith.constant 16 : index
      %swap3A_114 = tpu.vector_load %arg7[%swap3A_112, %swap3A_113] {strides = array<i32>} : memref<128x128xf32, #tpu.memory_space<vmem>>, vector<1x16xf32>,
      %swap3A_115 = vector.shape_cast %swap3A_114 : vector<1x16xf32> to vector<16xf32>
      %swap3A_116 = vector.shape_cast %broadcast_in_dim3A_1 : vector<16xf32> to vector<1x16xf32>
      tpu.vector_store %arg7[%swap3A_112, %swap3A_113], %swap3A_116 {strides = array<i32>} : memref<128x128xf32, #tpu.memory_space<vmem>>, vector<1x16xf32>,
      %swap3A_117 = arith.index_cast %add3A_107 : i32 to index
      %swap3A_118 = arith.constant 32 : index
      %swap3A_119 = tpu.vector_load %arg7[%swap3A_117, %swap3A_118] {strides = array<i32>} : memref<128x128xf32, #tpu.memory_space<vmem>>, vector<1x16xf32>,
      %swap3A_120 = vector.shape_cast %swap3A_119 : vector<1x16xf32> to vector<16xf32>
      %swap3A_121 = vector.shape_cast %broadcast_in_dim3A_1 : vector<16xf32> to vector<1x16xf32>
      tpu.vector_store %arg7[%swap3A_117, %swap3A_118], %swap3A_121 {strides = array<i32>} : memref<128x128xf32, #tpu.memory_space<vmem>>, vector<1x16xf32>,
      %swap3A_122 = arith.index_cast %add3A_107 : i32 to index
      %swap3A_123 = arith.constant 48 : index
      %swap3A_124 = tpu.vector_load %arg7[%swap3A_122, %swap3A_123] {strides = array<i32>} : memref<128x128xf32, #tpu.memory_space<vmem>>, vector<1x16xf32>,
      %swap3A_125 = vector.shape_cast %swap3A_124 : vector<1x16xf32> to vector<16xf32>
      %swap3A_126 = vector.shape_cast %broadcast_in_dim3A_1 : vector<16xf32> to vector<1x16xf32>
      tpu.vector_store %arg7[%swap3A_122, %swap3A_123], %swap3A_126 {strides = array<i32>} : memref<128x128xf32, #tpu.memory_space<vmem>>, vector<1x16xf32>,
      %swap3A_127 = arith.index_cast %add3A_107 : i32 to index
      %swap3A_128 = arith.constant 64 : index
      %swap3A_129 = tpu.vector_load %arg7[%swap3A_127, %swap3A_128] {strides = array<i32>} : memref<128x128xf32, #tpu.memory_space<vmem>>, vector<1x16xf32>,
      %swap3A_130 = vector.shape_cast %swap3A_129 : vector<1x16xf32> to vector<16xf32>
      %swap3A_131 = vector.shape_cast %broadcast_in_dim3A_1 : vector<16xf32> to vector<1x16xf32>
      tpu.vector_store %arg7[%swap3A_127, %swap3A_128], %swap3A_131 {strides = array<i32>} : memref<128x128xf32, #tpu.memory_space<vmem>>, vector<1x16xf32>,
      %swap3A_132 = arith.index_cast %add3A_107 : i32 to index
      %swap3A_133 = arith.constant 80 : index
      %swap3A_134 = tpu.vector_load %arg7[%swap3A_132, %swap3A_133] {strides = array<i32>} : memref<128x128xf32, #tpu.memory_space<vmem>>, vector<1x16xf32>,
      %swap3A_135 = vector.shape_cast %swap3A_134 : vector<1x16xf32> to vector<16xf32>
      %swap3A_136 = vector.shape_cast %broadcast_in_dim3A_1 : vector<16xf32> to vector<1x16xf32>
      tpu.vector_store %arg7[%swap3A_132, %swap3A_133], %swap3A_136 {strides = array<i32>} : memref<128x128xf32, #tpu.memory_space<vmem>>, vector<1x16xf32>,
      %swap3A_137 = arith.index_cast %add3A_107 : i32 to index
      %swap3A_138 = arith.constant 96 : index
      %swap3A_139 = tpu.vector_load %arg7[%swap3A_137, %swap3A_138] {strides = array<i32>} : memref<128x128xf32, #tpu.memory_space<vmem>>, vector<1x16xf32>,
      %swap3A_140 = vector.shape_cast %swap3A_139 : vector<1x16xf32> to vector<16xf32>
      %swap3A_141 = vector.shape_cast %broadcast_in_dim3A_1 : vector<16xf32> to vector<1x16xf32>
      tpu.vector_store %arg7[%swap3A_137, %swap3A_138], %swap3A_141 {strides = array<i32>} : memref<128x128xf32, #tpu.memory_space<vmem>>, vector<1x16xf32>,
      %swap3A_142 = arith.index_cast %add3A_107 : i32 to index
      %swap3A_143 = arith.constant 112 : index
      %swap3A_144 = tpu.vector_load %arg7[%swap3A_142, %swap3A_143] {strides = array<i32>} : memref<128x128xf32, #tpu.memory_space<vmem>>, vector<1x16xf32>,
      %swap3A_145 = vector.shape_cast %swap3A_144 : vector<1x16xf32> to vector<16xf32>
      %swap3A_146 = vector.shape_cast %broadcast_in_dim3A_1 : vector<16xf32> to vector<1x16xf32>
      tpu.vector_store %arg7[%swap3A_142, %swap3A_143], %swap3A_146 {strides = array<i32>} : memref<128x128xf32, #tpu.memory_space<vmem>>, vector<1x16xf32>,
    }
    %scan3A_5 = arith.constant 128 : i32
    %mul3A_6 = arith.constant 80 : i32
    %mul3A_7 = arith.muli %mul3A_6, %add3A : i32
    %ge3A = arith.constant 12 : i32
    %ge3A_8 = arith.cmpi sge, %add3A, %ge3A : i32
    %sub3A = arith.constant 12 : i32
    %sub3A_9 = arith.subi %add3A, %sub3A : i32
    %mul3A_10 = arith.constant 72 : i32
    %mul3A_11 = arith.muli %mul3A_10, %sub3A_9 : i32
    %add3A_12 = arith.constant 960 : i32
    %add3A_13 = arith.addi %add3A_12, %mul3A_11 : i32
    %select_n3A = arith.select %ge3A_8, %add3A_13, %mul3A_7 : i32
    %ge3A_14 = arith.constant 16 : i32
    %ge3A_15 = arith.cmpi sge, %add3A, %ge3A_14 : i32
    %sub3A_16 = arith.constant 16 : i32
    %sub3A_17 = arith.subi %add3A, %sub3A_16 : i32
    %mul3A_18 = arith.constant 80 : i32
    %mul3A_19 = arith.muli %mul3A_18, %sub3A_17 : i32
    %add3A_20 = arith.constant 1248 : i32
    %add3A_21 = arith.addi %add3A_20, %mul3A_19 : i32
    %select_n3A_22 = arith.select %ge3A_15, %add3A_21, %select_n3A : i32
    %ge3A_23 = arith.constant 28 : i32
    %ge3A_24 = arith.cmpi sge, %add3A, %ge3A_23 : i32
    %sub3A_25 = arith.constant 28 : i32
    %sub3A_26 = arith.subi %add3A, %sub3A_25 : i32
    %mul3A_27 = arith.constant 72 : i32
    %mul3A_28 = arith.muli %mul3A_27, %sub3A_26 : i32
    %add3A_29 = arith.constant 2208 : i32
    %add3A_30 = arith.addi %add3A_29, %mul3A_28 : i32
    %select_n3A_31 = arith.select %ge3A_24, %add3A_30, %select_n3A_22 : i32
    %lt3A = arith.constant 12 : i32
    %lt3A_32 = arith.cmpi slt, %add3A, %lt3A : i32
    %ge3A_33 = arith.constant 16 : i32
    %ge3A_34 = arith.cmpi sge, %add3A, %ge3A_33 : i32
    %lt3A_35 = arith.constant 28 : i32
    %lt3A_36 = arith.cmpi slt, %add3A, %lt3A_35 : i32
    %and3A = arith.andi %ge3A_34, %lt3A_36 : i1
    %or3A = arith.ori %lt3A_32, %and3A : i1
    %ge3A_37 = arith.constant 12 : i32
    %ge3A_38 = arith.cmpi sge, %add3A, %ge3A_37 : i32
    %lt3A_39 = arith.constant 16 : i32
    %lt3A_40 = arith.cmpi slt, %add3A, %lt3A_39 : i32
    %and3A_41 = arith.andi %ge3A_38, %lt3A_40 : i1
    %ge3A_42 = arith.constant 28 : i32
    %ge3A_43 = arith.cmpi sge, %add3A, %ge3A_42 : i32
    %lt3A_44 = arith.constant 31 : i32
    %lt3A_45 = arith.cmpi slt, %add3A, %lt3A_44 : i32
    %and3A_46 = arith.andi %ge3A_43, %lt3A_45 : i1
    %or3A_47 = arith.ori %and3A_41, %and3A_46 : i1
    %run_scoped3A = arith.constant 0 : i32
    "tpu.region"() ({
      %run_scoped3A_103 = tpu.sem_alloc : memref<!tpu.dma_semaphore, #tpu.memory_space<semaphore_mem>>
      %dma_start3A_104 = arith.constant 0 : i32
      %dma_start3A_105 = arith.constant 0 : i32
      %dma_start3A_106 = tpu.memref_slice %arg5[%dma_start3A_104, %dma_start3A_105] : memref<40x128xi32, #tpu.memory_space<vmem>> -> memref<40x128xi32, #tpu.memory_space<vmem>>
      %dma_start3A_107 = arith.constant 0 : i32
      %dma_start3A_108 = tpu.memref_slice %arg3[%run_scoped3A, %select_n3A_31, %dma_start3A_107] : memref<2x2500x128xi32, #tpu.memory_space<hbm>> -> memref<1x40x128xi32, #tpu.memory_space<hbm>>
      %dma_start3A_109 = tpu.memref_squeeze %dma_start3A_108 : memref<1x40x128xi32, #tpu.memory_space<hbm>> -> memref<40x128xi32, #tpu.memory_space<hbm>>
      %dma_start3A_110 = arith.constant 0 : i32
      %dma_start3A_111 = arith.constant 0 : i32
      %dma_start3A_112 = tpu.memref_slice %arg5[%dma_start3A_110, %dma_start3A_111] : memref<40x128xi32, #tpu.memory_space<vmem>> -> memref<40x128xi32, #tpu.memory_space<vmem>>
      %dma_start3A_113 = arith.constant 0 : i32
      %dma_start3A_114 = tpu.memref_slice %arg3[%run_scoped3A, %select_n3A_31, %dma_start3A_113] : memref<2x2500x128xi32, #tpu.memory_space<hbm>> -> memref<1x40x128xi32, #tpu.memory_space<hbm>>
      %dma_start3A_115 = tpu.memref_squeeze %dma_start3A_114 : memref<1x40x128xi32, #tpu.memory_space<hbm>> -> memref<40x128xi32, #tpu.memory_space<hbm>>
      tpu.enqueue_dma source(%dma_start3A_115 : memref<40x128xi32, #tpu.memory_space<hbm>>) target(%dma_start3A_112 : memref<40x128xi32, #tpu.memory_space<vmem>>) target_semaphore(%run_scoped3A_103 : memref<!tpu.dma_semaphore, #tpu.memory_space<semaphore_mem>>)
      %dma_wait3A = arith.constant 0 : i32
      %dma_wait3A_116 = arith.constant 0 : i32
      %dma_wait3A_117 = tpu.memref_slice %arg5[%dma_wait3A, %dma_wait3A_116] : memref<40x128xi32, #tpu.memory_space<vmem>> -> memref<40x128xi32, #tpu.memory_space<vmem>>
      %dma_wait3A_118 = arith.constant 0 : i32
      %dma_wait3A_119 = tpu.memref_slice %arg3[%run_scoped3A, %select_n3A_31, %dma_wait3A_118] : memref<2x2500x128xi32, #tpu.memory_space<hbm>> -> memref<1x40x128xi32, #tpu.memory_space<hbm>>
      %dma_wait3A_120 = tpu.memref_squeeze %dma_wait3A_119 : memref<1x40x128xi32, #tpu.memory_space<hbm>> -> memref<40x128xi32, #tpu.memory_space<hbm>>
      %dma_wait3A_121 = arith.constant 0 : i32
      %dma_wait3A_122 = arith.constant 0 : i32
      %dma_wait3A_123 = tpu.memref_slice %arg5[%dma_wait3A_121, %dma_wait3A_122] : memref<40x128xi32, #tpu.memory_space<vmem>> -> memref<40x128xi32, #tpu.memory_space<vmem>>
      %dma_wait3A_124 = arith.constant 0 : i32
      %dma_wait3A_125 = tpu.memref_slice %arg3[%run_scoped3A, %select_n3A_31, %dma_wait3A_124] : memref<2x2500x128xi32, #tpu.memory_space<hbm>> -> memref<1x40x128xi32, #tpu.memory_space<hbm>>
      %dma_wait3A_126 = tpu.memref_squeeze %dma_wait3A_125 : memref<1x40x128xi32, #tpu.memory_space<hbm>> -> memref<40x128xi32, #tpu.memory_space<hbm>>
      tpu.wait_dma2 semaphore(%run_scoped3A_103 : memref<!tpu.dma_semaphore, #tpu.memory_space<semaphore_mem>>) src(%dma_wait3A_126 : memref<40x128xi32, #tpu.memory_space<hbm>>) dst(%dma_wait3A_123 : memref<40x128xi32, #tpu.memory_space<vmem>>)
      tpu.yield
    }) : () -> ()
    %run_scoped3A_48 = arith.constant 1 : i32
    "tpu.region"() ({
      %run_scoped3A_103 = tpu.sem_alloc : memref<!tpu.dma_semaphore, #tpu.memory_space<semaphore_mem>>
      %dma_start3A_104 = arith.constant 0 : i32
      %dma_start3A_105 = arith.constant 0 : i32
      %dma_start3A_106 = tpu.memref_slice %arg6[%dma_start3A_104, %dma_start3A_105] : memref<40x128xi32, #tpu.memory_space<vmem>> -> memref<40x128xi32, #tpu.memory_space<vmem>>
      %dma_start3A_107 = arith.constant 0 : i32
      %dma_start3A_108 = tpu.memref_slice %arg3[%run_scoped3A_48, %select_n3A_31, %dma_start3A_107] : memref<2x2500x128xi32, #tpu.memory_space<hbm>> -> memref<1x40x128xi32, #tpu.memory_space<hbm>>
      %dma_start3A_109 = tpu.memref_squeeze %dma_start3A_108 : memref<1x40x128xi32, #tpu.memory_space<hbm>> -> memref<40x128xi32, #tpu.memory_space<hbm>>
      %dma_start3A_110 = arith.constant 0 : i32
      %dma_start3A_111 = arith.constant 0 : i32
      %dma_start3A_112 = tpu.memref_slice %arg6[%dma_start3A_110, %dma_start3A_111] : memref<40x128xi32, #tpu.memory_space<vmem>> -> memref<40x128xi32, #tpu.memory_space<vmem>>
      %dma_start3A_113 = arith.constant 0 : i32
      %dma_start3A_114 = tpu.memref_slice %arg3[%run_scoped3A_48, %select_n3A_31, %dma_start3A_113] : memref<2x2500x128xi32, #tpu.memory_space<hbm>> -> memref<1x40x128xi32, #tpu.memory_space<hbm>>
      %dma_start3A_115 = tpu.memref_squeeze %dma_start3A_114 : memref<1x40x128xi32, #tpu.memory_space<hbm>> -> memref<40x128xi32, #tpu.memory_space<hbm>>
      tpu.enqueue_dma source(%dma_start3A_115 : memref<40x128xi32, #tpu.memory_space<hbm>>) target(%dma_start3A_112 : memref<40x128xi32, #tpu.memory_space<vmem>>) target_semaphore(%run_scoped3A_103 : memref<!tpu.dma_semaphore, #tpu.memory_space<semaphore_mem>>)
      %dma_wait3A = arith.constant 0 : i32
      %dma_wait3A_116 = arith.constant 0 : i32
      %dma_wait3A_117 = tpu.memref_slice %arg6[%dma_wait3A, %dma_wait3A_116] : memref<40x128xi32, #tpu.memory_space<vmem>> -> memref<40x128xi32, #tpu.memory_space<vmem>>
      %dma_wait3A_118 = arith.constant 0 : i32
      %dma_wait3A_119 = tpu.memref_slice %arg3[%run_scoped3A_48, %select_n3A_31, %dma_wait3A_118] : memref<2x2500x128xi32, #tpu.memory_space<hbm>> -> memref<1x40x128xi32, #tpu.memory_space<hbm>>
      %dma_wait3A_120 = tpu.memref_squeeze %dma_wait3A_119 : memref<1x40x128xi32, #tpu.memory_space<hbm>> -> memref<40x128xi32, #tpu.memory_space<hbm>>
      %dma_wait3A_121 = arith.constant 0 : i32
      %dma_wait3A_122 = arith.constant 0 : i32
      %dma_wait3A_123 = tpu.memref_slice %arg6[%dma_wait3A_121, %dma_wait3A_122] : memref<40x128xi32, #tpu.memory_space<vmem>> -> memref<40x128xi32, #tpu.memory_space<vmem>>
      %dma_wait3A_124 = arith.constant 0 : i32
      %dma_wait3A_125 = tpu.memref_slice %arg3[%run_scoped3A_48, %select_n3A_31, %dma_wait3A_124] : memref<2x2500x128xi32, #tpu.memory_space<hbm>> -> memref<1x40x128xi32, #tpu.memory_space<hbm>>
      %dma_wait3A_126 = tpu.memref_squeeze %dma_wait3A_125 : memref<1x40x128xi32, #tpu.memory_space<hbm>> -> memref<40x128xi32, #tpu.memory_space<hbm>>
      tpu.wait_dma2 semaphore(%run_scoped3A_103 : memref<!tpu.dma_semaphore, #tpu.memory_space<semaphore_mem>>) src(%dma_wait3A_126 : memref<40x128xi32, #tpu.memory_space<hbm>>) dst(%dma_wait3A_123 : memref<40x128xi32, #tpu.memory_space<vmem>>)
      tpu.yield
    }) : () -> ()
    %dma_start3A = arith.constant 0 : i32
    %dma_start3A_49 = arith.constant 0 : i32
    %dma_start3A_50 = tpu.memref_slice %arg5[%dma_start3A, %dma_start3A_49] : memref<40x128xi32, #tpu.memory_space<vmem>> -> memref<1x128xi32, #tpu.memory_space<vmem>>
    %dma_start3A_51 = tpu.memref_squeeze %dma_start3A_50 : memref<1x128xi32, #tpu.memory_space<vmem>> -> memref<128xi32, #tpu.memory_space<vmem>>
    %dma_start3A_52 = arith.constant 0 : i32
    %dma_start3A_53 = arith.constant 0 : i32
    %dma_start3A_54 = tpu.memref_slice %arg2[%dma_start3A_52, %dma_start3A_53] : memref<10000x128xf32, #tpu.memory_space<hbm>> -> memref<10000x128xf32, #tpu.memory_space<hbm>>
    tpu.enqueue_indirect_dma source(%dma_start3A_54 : memref<10000x128xf32, #tpu.memory_space<hbm>>) target(%arg8 : memref<128x128xf32, #tpu.memory_space<vmem>>) offsets(%dma_start3A_51 : memref<128xi32, #tpu.memory_space<vmem>>) semaphore(%arg11 : memref<!tpu.dma_semaphore, #tpu.memory_space<semaphore_mem>>)
    %mul3A_55 = arith.constant 624 : i32
    %mul3A_56 = arith.muli %arg1, %mul3A_55 : i32
    %add3A_57 = arith.constant 0 : i32
    %add3A_58 = arith.addi %mul3A_56, %add3A_57 : i32
    "tpu.region"() ({
      %run_scoped3A_103 = tpu.sem_alloc : memref<!tpu.dma_semaphore, #tpu.memory_space<semaphore_mem>>
      %dma_start3A_104 = arith.constant 0 : i32
      %dma_start3A_105 = tpu.memref_slice %arg9[%add3A_58, %dma_start3A_104] : memref<10000x128xf32, #tpu.memory_space<vmem_shared>> -> memref<128x128xf32, #tpu.memory_space<vmem_shared>>
      %dma_start3A_106 = arith.constant 0 : i32
      %dma_start3A_107 = tpu.memref_slice %arg9[%add3A_58, %dma_start3A_106] : memref<10000x128xf32, #tpu.memory_space<vmem_shared>> -> memref<128x128xf32, #tpu.memory_space<vmem_shared>>
      tpu.enqueue_dma source(%arg7 : memref<128x128xf32, #tpu.memory_space<vmem>>) target(%dma_start3A_107 : memref<128x128xf32, #tpu.memory_space<vmem_shared>>) target_semaphore(%run_scoped3A_103 : memref<!tpu.dma_semaphore, #tpu.memory_space<semaphore_mem>>)
      %dma_wait3A = arith.constant 0 : i32
      %dma_wait3A_108 = tpu.memref_slice %arg9[%add3A_58, %dma_wait3A] : memref<10000x128xf32, #tpu.memory_space<vmem_shared>> -> memref<128x128xf32, #tpu.memory_space<vmem_shared>>
      %dma_wait3A_109 = arith.constant 0 : i32
      %dma_wait3A_110 = tpu.memref_slice %arg9[%add3A_58, %dma_wait3A_109] : memref<10000x128xf32, #tpu.memory_space<vmem_shared>> -> memref<128x128xf32, #tpu.memory_space<vmem_shared>>
      tpu.wait_dma2 semaphore(%run_scoped3A_103 : memref<!tpu.dma_semaphore, #tpu.memory_space<semaphore_mem>>) src(%arg7 : memref<128x128xf32, #tpu.memory_space<vmem>>) dst(%dma_wait3A_110 : memref<128x128xf32, #tpu.memory_space<vmem_shared>>)
      tpu.yield
    }) : () -> ()
    %mul3A_59 = arith.constant 624 : i32
    %mul3A_60 = arith.muli %arg1, %mul3A_59 : i32
    %add3A_61 = arith.constant 128 : i32
    %add3A_62 = arith.addi %mul3A_60, %add3A_61 : i32
    "tpu.region"() ({
      %run_scoped3A_103 = tpu.sem_alloc : memref<!tpu.dma_semaphore, #tpu.memory_space<semaphore_mem>>
      %dma_start3A_104 = arith.constant 0 : i32
      %dma_start3A_105 = tpu.memref_slice %arg9[%add3A_62, %dma_start3A_104] : memref<10000x128xf32, #tpu.memory_space<vmem_shared>> -> memref<128x128xf32, #tpu.memory_space<vmem_shared>>
      %dma_start3A_106 = arith.constant 0 : i32
      %dma_start3A_107 = tpu.memref_slice %arg9[%add3A_62, %dma_start3A_106] : memref<10000x128xf32, #tpu.memory_space<vmem_shared>> -> memref<128x128xf32, #tpu.memory_space<vmem_shared>>
      tpu.enqueue_dma source(%arg7 : memref<128x128xf32, #tpu.memory_space<vmem>>) target(%dma_start3A_107 : memref<128x128xf32, #tpu.memory_space<vmem_shared>>) target_semaphore(%run_scoped3A_103 : memref<!tpu.dma_semaphore, #tpu.memory_space<semaphore_mem>>)
      %dma_wait3A = arith.constant 0 : i32
      %dma_wait3A_108 = tpu.memref_slice %arg9[%add3A_62, %dma_wait3A] : memref<10000x128xf32, #tpu.memory_space<vmem_shared>> -> memref<128x128xf32, #tpu.memory_space<vmem_shared>>
      %dma_wait3A_109 = arith.constant 0 : i32
      %dma_wait3A_110 = tpu.memref_slice %arg9[%add3A_62, %dma_wait3A_109] : memref<10000x128xf32, #tpu.memory_space<vmem_shared>> -> memref<128x128xf32, #tpu.memory_space<vmem_shared>>
      tpu.wait_dma2 semaphore(%run_scoped3A_103 : memref<!tpu.dma_semaphore, #tpu.memory_space<semaphore_mem>>) src(%arg7 : memref<128x128xf32, #tpu.memory_space<vmem>>) dst(%dma_wait3A_110 : memref<128x128xf32, #tpu.memory_space<vmem_shared>>)
      tpu.yield
    }) : () -> ()
    %mul3A_63 = arith.constant 624 : i32
    %mul3A_64 = arith.muli %arg1, %mul3A_63 : i32
    %add3A_65 = arith.constant 256 : i32
    %add3A_66 = arith.addi %mul3A_64, %add3A_65 : i32
    "tpu.region"() ({
      %run_scoped3A_103 = tpu.sem_alloc : memref<!tpu.dma_semaphore, #tpu.memory_space<semaphore_mem>>
      %dma_start3A_104 = arith.constant 0 : i32
      %dma_start3A_105 = tpu.memref_slice %arg9[%add3A_66, %dma_start3A_104] : memref<10000x128xf32, #tpu.memory_space<vmem_shared>> -> memref<128x128xf32, #tpu.memory_space<vmem_shared>>
      %dma_start3A_106 = arith.constant 0 : i32
      %dma_start3A_107 = tpu.memref_slice %arg9[%add3A_66, %dma_start3A_106] : memref<10000x128xf32, #tpu.memory_space<vmem_shared>> -> memref<128x128xf32, #tpu.memory_space<vmem_shared>>
      tpu.enqueue_dma source(%arg7 : memref<128x128xf32, #tpu.memory_space<vmem>>) target(%dma_start3A_107 : memref<128x128xf32, #tpu.memory_space<vmem_shared>>) target_semaphore(%run_scoped3A_103 : memref<!tpu.dma_semaphore, #tpu.memory_space<semaphore_mem>>)
      %dma_wait3A = arith.constant 0 : i32
      %dma_wait3A_108 = tpu.memref_slice %arg9[%add3A_66, %dma_wait3A] : memref<10000x128xf32, #tpu.memory_space<vmem_shared>> -> memref<128x128xf32, #tpu.memory_space<vmem_shared>>
      %dma_wait3A_109 = arith.constant 0 : i32
      %dma_wait3A_110 = tpu.memref_slice %arg9[%add3A_66, %dma_wait3A_109] : memref<10000x128xf32, #tpu.memory_space<vmem_shared>> -> memref<128x128xf32, #tpu.memory_space<vmem_shared>>
      tpu.wait_dma2 semaphore(%run_scoped3A_103 : memref<!tpu.dma_semaphore, #tpu.memory_space<semaphore_mem>>) src(%arg7 : memref<128x128xf32, #tpu.memory_space<vmem>>) dst(%dma_wait3A_110 : memref<128x128xf32, #tpu.memory_space<vmem_shared>>)
      tpu.yield
    }) : () -> ()
    %mul3A_67 = arith.constant 624 : i32
    %mul3A_68 = arith.muli %arg1, %mul3A_67 : i32
    %add3A_69 = arith.constant 384 : i32
    %add3A_70 = arith.addi %mul3A_68, %add3A_69 : i32
    "tpu.region"() ({
      %run_scoped3A_103 = tpu.sem_alloc : memref<!tpu.dma_semaphore, #tpu.memory_space<semaphore_mem>>
      %dma_start3A_104 = arith.constant 0 : i32
      %dma_start3A_105 = tpu.memref_slice %arg9[%add3A_70, %dma_start3A_104] : memref<10000x128xf32, #tpu.memory_space<vmem_shared>> -> memref<128x128xf32, #tpu.memory_space<vmem_shared>>
      %dma_start3A_106 = arith.constant 0 : i32
      %dma_start3A_107 = tpu.memref_slice %arg9[%add3A_70, %dma_start3A_106] : memref<10000x128xf32, #tpu.memory_space<vmem_shared>> -> memref<128x128xf32, #tpu.memory_space<vmem_shared>>
      tpu.enqueue_dma source(%arg7 : memref<128x128xf32, #tpu.memory_space<vmem>>) target(%dma_start3A_107 : memref<128x128xf32, #tpu.memory_space<vmem_shared>>) target_semaphore(%run_scoped3A_103 : memref<!tpu.dma_semaphore, #tpu.memory_space<semaphore_mem>>)
      %dma_wait3A = arith.constant 0 : i32
      %dma_wait3A_108 = tpu.memref_slice %arg9[%add3A_70, %dma_wait3A] : memref<10000x128xf32, #tpu.memory_space<vmem_shared>> -> memref<128x128xf32, #tpu.memory_space<vmem_shared>>
      %dma_wait3A_109 = arith.constant 0 : i32
      %dma_wait3A_110 = tpu.memref_slice %arg9[%add3A_70, %dma_wait3A_109] : memref<10000x128xf32, #tpu.memory_space<vmem_shared>> -> memref<128x128xf32, #tpu.memory_space<vmem_shared>>
      tpu.wait_dma2 semaphore(%run_scoped3A_103 : memref<!tpu.dma_semaphore, #tpu.memory_space<semaphore_mem>>) src(%arg7 : memref<128x128xf32, #tpu.memory_space<vmem>>) dst(%dma_wait3A_110 : memref<128x128xf32, #tpu.memory_space<vmem_shared>>)
      tpu.yield
    }) : () -> ()
    %mul3A_71 = arith.constant 624 : i32
    %mul3A_72 = arith.muli %arg1, %mul3A_71 : i32
    %add3A_73 = arith.constant 512 : i32
    %add3A_74 = arith.addi %mul3A_72, %add3A_73 : i32
    "tpu.region"() ({
      %run_scoped3A_103 = tpu.sem_alloc : memref<!tpu.dma_semaphore, #tpu.memory_space<semaphore_mem>>
      %dma_start3A_104 = arith.constant 0 : i32
      %dma_start3A_105 = arith.constant 0 : i32
      %dma_start3A_106 = tpu.memref_slice %arg7[%dma_start3A_104, %dma_start3A_105] : memref<128x128xf32, #tpu.memory_space<vmem>> -> memref<112x128xf32, #tpu.memory_space<vmem>>
      %dma_start3A_107 = arith.constant 0 : i32
      %dma_start3A_108 = tpu.memref_slice %arg9[%add3A_74, %dma_start3A_107] : memref<10000x128xf32, #tpu.memory_space<vmem_shared>> -> memref<112x128xf32, #tpu.memory_space<vmem_shared>>
      %dma_start3A_109 = arith.constant 0 : i32
      %dma_start3A_110 = tpu.memref_slice %arg9[%add3A_74, %dma_start3A_109] : memref<10000x128xf32, #tpu.memory_space<vmem_shared>> -> memref<112x128xf32, #tpu.memory_space<vmem_shared>>
      %dma_start3A_111 = arith.constant 0 : i32
      %dma_start3A_112 = arith.constant 0 : i32
      %dma_start3A_113 = tpu.memref_slice %arg7[%dma_start3A_111, %dma_start3A_112] : memref<128x128xf32, #tpu.memory_space<vmem>> -> memref<112x128xf32, #tpu.memory_space<vmem>>
      tpu.enqueue_dma source(%dma_start3A_113 : memref<112x128xf32, #tpu.memory_space<vmem>>) target(%dma_start3A_110 : memref<112x128xf32, #tpu.memory_space<vmem_shared>>) target_semaphore(%run_scoped3A_103 : memref<!tpu.dma_semaphore, #tpu.memory_space<semaphore_mem>>)
      %dma_wait3A = arith.constant 0 : i32
      %dma_wait3A_114 = arith.constant 0 : i32
      %dma_wait3A_115 = tpu.memref_slice %arg7[%dma_wait3A, %dma_wait3A_114] : memref<128x128xf32, #tpu.memory_space<vmem>> -> memref<112x128xf32, #tpu.memory_space<vmem>>
      %dma_wait3A_116 = arith.constant 0 : i32
      %dma_wait3A_117 = tpu.memref_slice %arg9[%add3A_74, %dma_wait3A_116] : memref<10000x128xf32, #tpu.memory_space<vmem_shared>> -> memref<112x128xf32, #tpu.memory_space<vmem_shared>>
      %dma_wait3A_118 = arith.constant 0 : i32
      %dma_wait3A_119 = tpu.memref_slice %arg9[%add3A_74, %dma_wait3A_118] : memref<10000x128xf32, #tpu.memory_space<vmem_shared>> -> memref<112x128xf32, #tpu.memory_space<vmem_shared>>
      %dma_wait3A_120 = arith.constant 0 : i32
      %dma_wait3A_121 = arith.constant 0 : i32
      %dma_wait3A_122 = tpu.memref_slice %arg7[%dma_wait3A_120, %dma_wait3A_121] : memref<128x128xf32, #tpu.memory_space<vmem>> -> memref<112x128xf32, #tpu.memory_space<vmem>>
      tpu.wait_dma2 semaphore(%run_scoped3A_103 : memref<!tpu.dma_semaphore, #tpu.memory_space<semaphore_mem>>) src(%dma_wait3A_122 : memref<112x128xf32, #tpu.memory_space<vmem>>) dst(%dma_wait3A_119 : memref<112x128xf32, #tpu.memory_space<vmem_shared>>)
      tpu.yield
    }) : () -> ()
    %eq3A = arith.constant 0 : i32
    %eq3A_75 = arith.cmpi eq, %arg1, %eq3A : i32
    %convert_element_type3A = arith.extui %eq3A_75 : i1 to i32
    %cond3A = arith.constant 0 : i32
    %cond3A_76 = arith.cmpi ne, %convert_element_type3A, %cond3A : i32
    scf.if %cond3A_76 {
      "tpu.region"() ({
        %run_scoped3A_103 = tpu.sem_alloc : memref<!tpu.dma_semaphore, #tpu.memory_space<semaphore_mem>>
        %dma_start3A_104 = arith.constant 0 : i32
        %dma_start3A_105 = arith.constant 0 : i32
        %dma_start3A_106 = tpu.memref_slice %arg7[%dma_start3A_104, %dma_start3A_105] : memref<128x128xf32, #tpu.memory_space<vmem>> -> memref<16x128xf32, #tpu.memory_space<vmem>>
        %dma_start3A_107 = arith.constant 9984 : i32
        %dma_start3A_108 = arith.constant 0 : i32
        %dma_start3A_109 = tpu.memref_slice %arg9[%dma_start3A_107, %dma_start3A_108] : memref<10000x128xf32, #tpu.memory_space<vmem_shared>> -> memref<16x128xf32, #tpu.memory_space<vmem_shared>>
        %dma_start3A_110 = arith.constant 9984 : i32
        %dma_start3A_111 = arith.constant 0 : i32
        %dma_start3A_112 = tpu.memref_slice %arg9[%dma_start3A_110, %dma_start3A_111] : memref<10000x128xf32, #tpu.memory_space<vmem_shared>> -> memref<16x128xf32, #tpu.memory_space<vmem_shared>>
        %dma_start3A_113 = arith.constant 0 : i32
        %dma_start3A_114 = arith.constant 0 : i32
        %dma_start3A_115 = tpu.memref_slice %arg7[%dma_start3A_113, %dma_start3A_114] : memref<128x128xf32, #tpu.memory_space<vmem>> -> memref<16x128xf32, #tpu.memory_space<vmem>>
        tpu.enqueue_dma source(%dma_start3A_115 : memref<16x128xf32, #tpu.memory_space<vmem>>) target(%dma_start3A_112 : memref<16x128xf32, #tpu.memory_space<vmem_shared>>) target_semaphore(%run_scoped3A_103 : memref<!tpu.dma_semaphore, #tpu.memory_space<semaphore_mem>>)
        %dma_wait3A = arith.constant 0 : i32
        %dma_wait3A_116 = arith.constant 0 : i32
        %dma_wait3A_117 = tpu.memref_slice %arg7[%dma_wait3A, %dma_wait3A_116] : memref<128x128xf32, #tpu.memory_space<vmem>> -> memref<16x128xf32, #tpu.memory_space<vmem>>
        %dma_wait3A_118 = arith.constant 9984 : i32
        %dma_wait3A_119 = arith.constant 0 : i32
        %dma_wait3A_120 = tpu.memref_slice %arg9[%dma_wait3A_118, %dma_wait3A_119] : memref<10000x128xf32, #tpu.memory_space<vmem_shared>> -> memref<16x128xf32, #tpu.memory_space<vmem_shared>>
        %dma_wait3A_121 = arith.constant 9984 : i32
        %dma_wait3A_122 = arith.constant 0 : i32
        %dma_wait3A_123 = tpu.memref_slice %arg9[%dma_wait3A_121, %dma_wait3A_122] : memref<10000x128xf32, #tpu.memory_space<vmem_shared>> -> memref<16x128xf32, #tpu.memory_space<vmem_shared>>
        %dma_wait3A_124 = arith.constant 0 : i32
        %dma_wait3A_125 = arith.constant 0 : i32
        %dma_wait3A_126 = tpu.memref_slice %arg7[%dma_wait3A_124, %dma_wait3A_125] : memref<128x128xf32, #tpu.memory_space<vmem>> -> memref<16x128xf32, #tpu.memory_space<vmem>>
        tpu.wait_dma2 semaphore(%run_scoped3A_103 : memref<!tpu.dma_semaphore, #tpu.memory_space<semaphore_mem>>) src(%dma_wait3A_126 : memref<16x128xf32, #tpu.memory_space<vmem>>) dst(%dma_wait3A_123 : memref<16x128xf32, #tpu.memory_space<vmem_shared>>)
        tpu.yield
      }) : () -> ()
    } else {
    }
    %barrier3A = arith.constant 0 : index
    tpu.barrier barrier_id(%barrier3A)
    %scan3A_77 = arith.constant 0 : i32
    %scan3A_78 = arith.constant 20 : i32
    %scan3A_79 = arith.addi %scan3A_77, %scan3A_78 : i32
    %scan3A_80 = arith.constant 1 : i32
    scf.for %scan3A_103 = %scan3A_77 to %scan3A_79 step %scan3A_80  : i32 {
      %mul3A_104 = arith.constant 2 : i32
      %mul3A_105 = arith.muli %scan3A_103, %mul3A_104 : i32
      %add3A_106 = arith.constant 0 : i32
      %add3A_107 = arith.addi %add3A_106, %mul3A_105 : i32
      %add3A_108 = arith.constant 1 : i32
      %add3A_109 = arith.addi %add3A_107, %add3A_108 : i32
      %dma_start3A_110 = arith.constant 0 : i32
      %dma_start3A_111 = tpu.memref_slice %arg5[%add3A_109, %dma_start3A_110] : memref<40x128xi32, #tpu.memory_space<vmem>> -> memref<1x128xi32, #tpu.memory_space<vmem>>
      %dma_start3A_112 = tpu.memref_squeeze %dma_start3A_111 : memref<1x128xi32, #tpu.memory_space<vmem>> -> memref<128xi32, #tpu.memory_space<vmem>>
      %dma_start3A_113 = arith.constant 0 : i32
      %dma_start3A_114 = arith.constant 0 : i32
      %dma_start3A_115 = tpu.memref_slice %arg2[%dma_start3A_113, %dma_start3A_114] : memref<10000x128xf32, #tpu.memory_space<hbm>> -> memref<10000x128xf32, #tpu.memory_space<hbm>>
      tpu.enqueue_indirect_dma source(%dma_start3A_115 : memref<10000x128xf32, #tpu.memory_space<hbm>>) target(%arg7 : memref<128x128xf32, #tpu.memory_space<vmem>>) offsets(%dma_start3A_112 : memref<128xi32, #tpu.memory_space<vmem>>) semaphore(%arg10 : memref<!tpu.dma_semaphore, #tpu.memory_space<semaphore_mem>>)
      %dma_wait3A = arith.constant 0 : i32
      %dma_wait3A_116 = arith.constant 0 : i32
      %dma_wait3A_117 = tpu.memref_slice %arg5[%dma_wait3A, %dma_wait3A_116] : memref<40x128xi32, #tpu.memory_space<vmem>> -> memref<1x128xi32, #tpu.memory_space<vmem>>
      %dma_wait3A_118 = tpu.memref_squeeze %dma_wait3A_117 : memref<1x128xi32, #tpu.memory_space<vmem>> -> memref<128xi32, #tpu.memory_space<vmem>>
      %dma_wait3A_119 = arith.constant 0 : i32
      %dma_wait3A_120 = arith.constant 0 : i32
      %dma_wait3A_121 = tpu.memref_slice %arg2[%dma_wait3A_119, %dma_wait3A_120] : memref<10000x128xf32, #tpu.memory_space<hbm>> -> memref<10000x128xf32, #tpu.memory_space<hbm>>
      tpu.wait_indirect_dma semaphore(%arg11 : memref<!tpu.dma_semaphore, #tpu.memory_space<semaphore_mem>>) src(%dma_wait3A_121 : memref<10000x128xf32, #tpu.memory_space<hbm>>) dst(%arg8 : memref<128x128xf32, #tpu.memory_space<vmem>>)
      "tpu.region"() ({
        %run_scoped3A_138 = tpu.sem_alloc : memref<!tpu.dma_semaphore, #tpu.memory_space<semaphore_mem>>
        %dma_start3A_139 = arith.constant 0 : i32
        %dma_start3A_140 = tpu.memref_slice %arg6[%add3A_107, %dma_start3A_139] : memref<40x128xi32, #tpu.memory_space<vmem>> -> memref<1x128xi32, #tpu.memory_space<vmem>>
        %dma_start3A_141 = tpu.memref_squeeze %dma_start3A_140 : memref<1x128xi32, #tpu.memory_space<vmem>> -> memref<128xi32, #tpu.memory_space<vmem>>
        %dma_start3A_142 = arith.constant 0 : i32
        %dma_start3A_143 = arith.constant 0 : i32
        %dma_start3A_144 = tpu.memref_slice %arg9[%dma_start3A_142, %dma_start3A_143] : memref<10000x128xf32, #tpu.memory_space<vmem_shared>> -> memref<10000x128xf32, #tpu.memory_space<vmem_shared>>
        tpu.enqueue_indirect_dma source(%arg8 : memref<128x128xf32, #tpu.memory_space<vmem>>) target(%dma_start3A_144 : memref<10000x128xf32, #tpu.memory_space<vmem_shared>>) offsets(%dma_start3A_141 : memref<128xi32, #tpu.memory_space<vmem>>) semaphore(%run_scoped3A_138 : memref<!tpu.dma_semaphore, #tpu.memory_space<semaphore_mem>>) {add = true}
        %dma_wait3A_145 = arith.constant 0 : i32
        %dma_wait3A_146 = tpu.memref_slice %arg6[%add3A_107, %dma_wait3A_145] : memref<40x128xi32, #tpu.memory_space<vmem>> -> memref<1x128xi32, #tpu.memory_space<vmem>>
        %dma_wait3A_147 = tpu.memref_squeeze %dma_wait3A_146 : memref<1x128xi32, #tpu.memory_space<vmem>> -> memref<128xi32, #tpu.memory_space<vmem>>
        %dma_wait3A_148 = arith.constant 0 : i32
        %dma_wait3A_149 = arith.constant 0 : i32
        %dma_wait3A_150 = tpu.memref_slice %arg9[%dma_wait3A_148, %dma_wait3A_149] : memref<10000x128xf32, #tpu.memory_space<vmem_shared>> -> memref<10000x128xf32, #tpu.memory_space<vmem_shared>>
        tpu.wait_indirect_dma semaphore(%run_scoped3A_138 : memref<!tpu.dma_semaphore, #tpu.memory_space<semaphore_mem>>) src(%arg8 : memref<128x128xf32, #tpu.memory_space<vmem>>) dst(%dma_wait3A_150 : memref<10000x128xf32, #tpu.memory_space<vmem_shared>>)
        tpu.yield
      }) : () -> ()
      %add3A_122 = arith.constant 2 : i32
      %add3A_123 = arith.addi %add3A_107, %add3A_122 : i32
      %lt3A_124 = arith.constant 40 : i32
      %lt3A_125 = arith.cmpi slt, %add3A_123, %lt3A_124 : i32
      %convert_element_type3A_126 = arith.extui %lt3A_125 : i1 to i32
      %cond3A_127 = arith.constant 0 : i32
      %cond3A_128 = arith.cmpi ne, %convert_element_type3A_126, %cond3A_127 : i32
      scf.if %cond3A_128 {
        %add3A_138 = arith.constant 2 : i32
        %add3A_139 = arith.addi %add3A_107, %add3A_138 : i32
        %dma_start3A_140 = arith.constant 0 : i32
        %dma_start3A_141 = tpu.memref_slice %arg5[%add3A_139, %dma_start3A_140] : memref<40x128xi32, #tpu.memory_space<vmem>> -> memref<1x128xi32, #tpu.memory_space<vmem>>
        %dma_start3A_142 = tpu.memref_squeeze %dma_start3A_141 : memref<1x128xi32, #tpu.memory_space<vmem>> -> memref<128xi32, #tpu.memory_space<vmem>>
        %dma_start3A_143 = arith.constant 0 : i32
        %dma_start3A_144 = arith.constant 0 : i32
        %dma_start3A_145 = tpu.memref_slice %arg2[%dma_start3A_143, %dma_start3A_144] : memref<10000x128xf32, #tpu.memory_space<hbm>> -> memref<10000x128xf32, #tpu.memory_space<hbm>>
        tpu.enqueue_indirect_dma source(%dma_start3A_145 : memref<10000x128xf32, #tpu.memory_space<hbm>>) target(%arg8 : memref<128x128xf32, #tpu.memory_space<vmem>>) offsets(%dma_start3A_142 : memref<128xi32, #tpu.memory_space<vmem>>) semaphore(%arg11 : memref<!tpu.dma_semaphore, #tpu.memory_space<semaphore_mem>>)
      } else {
      }
      %dma_wait3A_129 = arith.constant 0 : i32
      %dma_wait3A_130 = arith.constant 0 : i32
      %dma_wait3A_131 = tpu.memref_slice %arg5[%dma_wait3A_129, %dma_wait3A_130] : memref<40x128xi32, #tpu.memory_space<vmem>> -> memref<1x128xi32, #tpu.memory_space<vmem>>
      %dma_wait3A_132 = tpu.memref_squeeze %dma_wait3A_131 : memref<1x128xi32, #tpu.memory_space<vmem>> -> memref<128xi32, #tpu.memory_space<vmem>>
      %dma_wait3A_133 = arith.constant 0 : i32
      %dma_wait3A_134 = arith.constant 0 : i32
      %dma_wait3A_135 = tpu.memref_slice %arg2[%dma_wait3A_133, %dma_wait3A_134] : memref<10000x128xf32, #tpu.memory_space<hbm>> -> memref<10000x128xf32, #tpu.memory_space<hbm>>
      tpu.wait_indirect_dma semaphore(%arg10 : memref<!tpu.dma_semaphore, #tpu.memory_space<semaphore_mem>>) src(%dma_wait3A_135 : memref<10000x128xf32, #tpu.memory_space<hbm>>) dst(%arg7 : memref<128x128xf32, #tpu.memory_space<vmem>>)
      %add3A_136 = arith.constant 1 : i32
      %add3A_137 = arith.addi %add3A_107, %add3A_136 : i32
      "tpu.region"() ({
        %run_scoped3A_138 = tpu.sem_alloc : memref<!tpu.dma_semaphore, #tpu.memory_space<semaphore_mem>>
        %dma_start3A_139 = arith.constant 0 : i32
        %dma_start3A_140 = tpu.memref_slice %arg6[%add3A_137, %dma_start3A_139] : memref<40x128xi32, #tpu.memory_space<vmem>> -> memref<1x128xi32, #tpu.memory_space<vmem>>
        %dma_start3A_141 = tpu.memref_squeeze %dma_start3A_140 : memref<1x128xi32, #tpu.memory_space<vmem>> -> memref<128xi32, #tpu.memory_space<vmem>>
        %dma_start3A_142 = arith.constant 0 : i32
        %dma_start3A_143 = arith.constant 0 : i32
        %dma_start3A_144 = tpu.memref_slice %arg9[%dma_start3A_142, %dma_start3A_143] : memref<10000x128xf32, #tpu.memory_space<vmem_shared>> -> memref<10000x128xf32, #tpu.memory_space<vmem_shared>>
        tpu.enqueue_indirect_dma source(%arg7 : memref<128x128xf32, #tpu.memory_space<vmem>>) target(%dma_start3A_144 : memref<10000x128xf32, #tpu.memory_space<vmem_shared>>) offsets(%dma_start3A_141 : memref<128xi32, #tpu.memory_space<vmem>>) semaphore(%run_scoped3A_138 : memref<!tpu.dma_semaphore, #tpu.memory_space<semaphore_mem>>) {add = true}
        %dma_wait3A_145 = arith.constant 0 : i32
        %dma_wait3A_146 = tpu.memref_slice %arg6[%add3A_137, %dma_wait3A_145] : memref<40x128xi32, #tpu.memory_space<vmem>> -> memref<1x128xi32, #tpu.memory_space<vmem>>
        %dma_wait3A_147 = tpu.memref_squeeze %dma_wait3A_146 : memref<1x128xi32, #tpu.memory_space<vmem>> -> memref<128xi32, #tpu.memory_space<vmem>>
        %dma_wait3A_148 = arith.constant 0 : i32
        %dma_wait3A_149 = arith.constant 0 : i32
        %dma_wait3A_150 = tpu.memref_slice %arg9[%dma_wait3A_148, %dma_wait3A_149] : memref<10000x128xf32, #tpu.memory_space<vmem_shared>> -> memref<10000x128xf32, #tpu.memory_space<vmem_shared>>
        tpu.wait_indirect_dma semaphore(%run_scoped3A_138 : memref<!tpu.dma_semaphore, #tpu.memory_space<semaphore_mem>>) src(%arg7 : memref<128x128xf32, #tpu.memory_space<vmem>>) dst(%dma_wait3A_150 : memref<10000x128xf32, #tpu.memory_space<vmem_shared>>)
        tpu.yield
      }) : () -> ()
    }
    %scan3A_81 = arith.constant 20 : i32
    %convert_element_type3A_82 = arith.extui %or3A : i1 to i32
    %cond3A_83 = arith.constant 0 : i32
    %cond3A_84 = arith.cmpi ne, %convert_element_type3A_82, %cond3A_83 : i32
    scf.if %cond3A_84 {
      %add3A_103 = arith.constant 40 : i32
      %add3A_104 = arith.addi %select_n3A_31, %add3A_103 : i32
      %run_scoped3A_105 = arith.constant 0 : i32
      "tpu.region"() ({
        %run_scoped3A_119 = tpu.sem_alloc : memref<!tpu.dma_semaphore, #tpu.memory_space<semaphore_mem>>
        %dma_start3A_120 = arith.constant 0 : i32
        %dma_start3A_121 = arith.constant 0 : i32
        %dma_start3A_122 = tpu.memref_slice %arg5[%dma_start3A_120, %dma_start3A_121] : memref<40x128xi32, #tpu.memory_space<vmem>> -> memref<40x128xi32, #tpu.memory_space<vmem>>
        %dma_start3A_123 = arith.constant 0 : i32
        %dma_start3A_124 = tpu.memref_slice %arg3[%run_scoped3A_105, %add3A_104, %dma_start3A_123] : memref<2x2500x128xi32, #tpu.memory_space<hbm>> -> memref<1x40x128xi32, #tpu.memory_space<hbm>>
        %dma_start3A_125 = tpu.memref_squeeze %dma_start3A_124 : memref<1x40x128xi32, #tpu.memory_space<hbm>> -> memref<40x128xi32, #tpu.memory_space<hbm>>
        %dma_start3A_126 = arith.constant 0 : i32
        %dma_start3A_127 = arith.constant 0 : i32
        %dma_start3A_128 = tpu.memref_slice %arg5[%dma_start3A_126, %dma_start3A_127] : memref<40x128xi32, #tpu.memory_space<vmem>> -> memref<40x128xi32, #tpu.memory_space<vmem>>
        %dma_start3A_129 = arith.constant 0 : i32
        %dma_start3A_130 = tpu.memref_slice %arg3[%run_scoped3A_105, %add3A_104, %dma_start3A_129] : memref<2x2500x128xi32, #tpu.memory_space<hbm>> -> memref<1x40x128xi32, #tpu.memory_space<hbm>>
        %dma_start3A_131 = tpu.memref_squeeze %dma_start3A_130 : memref<1x40x128xi32, #tpu.memory_space<hbm>> -> memref<40x128xi32, #tpu.memory_space<hbm>>
        tpu.enqueue_dma source(%dma_start3A_131 : memref<40x128xi32, #tpu.memory_space<hbm>>) target(%dma_start3A_128 : memref<40x128xi32, #tpu.memory_space<vmem>>) target_semaphore(%run_scoped3A_119 : memref<!tpu.dma_semaphore, #tpu.memory_space<semaphore_mem>>)
        %dma_wait3A = arith.constant 0 : i32
        %dma_wait3A_132 = arith.constant 0 : i32
        %dma_wait3A_133 = tpu.memref_slice %arg5[%dma_wait3A, %dma_wait3A_132] : memref<40x128xi32, #tpu.memory_space<vmem>> -> memref<40x128xi32, #tpu.memory_space<vmem>>
        %dma_wait3A_134 = arith.constant 0 : i32
        %dma_wait3A_135 = tpu.memref_slice %arg3[%run_scoped3A_105, %add3A_104, %dma_wait3A_134] : memref<2x2500x128xi32, #tpu.memory_space<hbm>> -> memref<1x40x128xi32, #tpu.memory_space<hbm>>
        %dma_wait3A_136 = tpu.memref_squeeze %dma_wait3A_135 : memref<1x40x128xi32, #tpu.memory_space<hbm>> -> memref<40x128xi32, #tpu.memory_space<hbm>>
        %dma_wait3A_137 = arith.constant 0 : i32
        %dma_wait3A_138 = arith.constant 0 : i32
        %dma_wait3A_139 = tpu.memref_slice %arg5[%dma_wait3A_137, %dma_wait3A_138] : memref<40x128xi32, #tpu.memory_space<vmem>> -> memref<40x128xi32, #tpu.memory_space<vmem>>
        %dma_wait3A_140 = arith.constant 0 : i32
        %dma_wait3A_141 = tpu.memref_slice %arg3[%run_scoped3A_105, %add3A_104, %dma_wait3A_140] : memref<2x2500x128xi32, #tpu.memory_space<hbm>> -> memref<1x40x128xi32, #tpu.memory_space<hbm>>
        %dma_wait3A_142 = tpu.memref_squeeze %dma_wait3A_141 : memref<1x40x128xi32, #tpu.memory_space<hbm>> -> memref<40x128xi32, #tpu.memory_space<hbm>>
        tpu.wait_dma2 semaphore(%run_scoped3A_119 : memref<!tpu.dma_semaphore, #tpu.memory_space<semaphore_mem>>) src(%dma_wait3A_142 : memref<40x128xi32, #tpu.memory_space<hbm>>) dst(%dma_wait3A_139 : memref<40x128xi32, #tpu.memory_space<vmem>>)
        tpu.yield
      }) : () -> ()
      %run_scoped3A_106 = arith.constant 1 : i32
      "tpu.region"() ({
        %run_scoped3A_119 = tpu.sem_alloc : memref<!tpu.dma_semaphore, #tpu.memory_space<semaphore_mem>>
        %dma_start3A_120 = arith.constant 0 : i32
        %dma_start3A_121 = arith.constant 0 : i32
        %dma_start3A_122 = tpu.memref_slice %arg6[%dma_start3A_120, %dma_start3A_121] : memref<40x128xi32, #tpu.memory_space<vmem>> -> memref<40x128xi32, #tpu.memory_space<vmem>>
        %dma_start3A_123 = arith.constant 0 : i32
        %dma_start3A_124 = tpu.memref_slice %arg3[%run_scoped3A_106, %add3A_104, %dma_start3A_123] : memref<2x2500x128xi32, #tpu.memory_space<hbm>> -> memref<1x40x128xi32, #tpu.memory_space<hbm>>
        %dma_start3A_125 = tpu.memref_squeeze %dma_start3A_124 : memref<1x40x128xi32, #tpu.memory_space<hbm>> -> memref<40x128xi32, #tpu.memory_space<hbm>>
        %dma_start3A_126 = arith.constant 0 : i32
        %dma_start3A_127 = arith.constant 0 : i32
        %dma_start3A_128 = tpu.memref_slice %arg6[%dma_start3A_126, %dma_start3A_127] : memref<40x128xi32, #tpu.memory_space<vmem>> -> memref<40x128xi32, #tpu.memory_space<vmem>>
        %dma_start3A_129 = arith.constant 0 : i32
        %dma_start3A_130 = tpu.memref_slice %arg3[%run_scoped3A_106, %add3A_104, %dma_start3A_129] : memref<2x2500x128xi32, #tpu.memory_space<hbm>> -> memref<1x40x128xi32, #tpu.memory_space<hbm>>
        %dma_start3A_131 = tpu.memref_squeeze %dma_start3A_130 : memref<1x40x128xi32, #tpu.memory_space<hbm>> -> memref<40x128xi32, #tpu.memory_space<hbm>>
        tpu.enqueue_dma source(%dma_start3A_131 : memref<40x128xi32, #tpu.memory_space<hbm>>) target(%dma_start3A_128 : memref<40x128xi32, #tpu.memory_space<vmem>>) target_semaphore(%run_scoped3A_119 : memref<!tpu.dma_semaphore, #tpu.memory_space<semaphore_mem>>)
        %dma_wait3A = arith.constant 0 : i32
        %dma_wait3A_132 = arith.constant 0 : i32
        %dma_wait3A_133 = tpu.memref_slice %arg6[%dma_wait3A, %dma_wait3A_132] : memref<40x128xi32, #tpu.memory_space<vmem>> -> memref<40x128xi32, #tpu.memory_space<vmem>>
        %dma_wait3A_134 = arith.constant 0 : i32
        %dma_wait3A_135 = tpu.memref_slice %arg3[%run_scoped3A_106, %add3A_104, %dma_wait3A_134] : memref<2x2500x128xi32, #tpu.memory_space<hbm>> -> memref<1x40x128xi32, #tpu.memory_space<hbm>>
        %dma_wait3A_136 = tpu.memref_squeeze %dma_wait3A_135 : memref<1x40x128xi32, #tpu.memory_space<hbm>> -> memref<40x128xi32, #tpu.memory_space<hbm>>
        %dma_wait3A_137 = arith.constant 0 : i32
        %dma_wait3A_138 = arith.constant 0 : i32
        %dma_wait3A_139 = tpu.memref_slice %arg6[%dma_wait3A_137, %dma_wait3A_138] : memref<40x128xi32, #tpu.memory_space<vmem>> -> memref<40x128xi32, #tpu.memory_space<vmem>>
        %dma_wait3A_140 = arith.constant 0 : i32
        %dma_wait3A_141 = tpu.memref_slice %arg3[%run_scoped3A_106, %add3A_104, %dma_wait3A_140] : memref<2x2500x128xi32, #tpu.memory_space<hbm>> -> memref<1x40x128xi32, #tpu.memory_space<hbm>>
        %dma_wait3A_142 = tpu.memref_squeeze %dma_wait3A_141 : memref<1x40x128xi32, #tpu.memory_space<hbm>> -> memref<40x128xi32, #tpu.memory_space<hbm>>
        tpu.wait_dma2 semaphore(%run_scoped3A_119 : memref<!tpu.dma_semaphore, #tpu.memory_space<semaphore_mem>>) src(%dma_wait3A_142 : memref<40x128xi32, #tpu.memory_space<hbm>>) dst(%dma_wait3A_139 : memref<40x128xi32, #tpu.memory_space<vmem>>)
        tpu.yield
      }) : () -> ()
      %dma_start3A_107 = arith.constant 0 : i32
      %dma_start3A_108 = arith.constant 0 : i32
      %dma_start3A_109 = tpu.memref_slice %arg5[%dma_start3A_107, %dma_start3A_108] : memref<40x128xi32, #tpu.memory_space<vmem>> -> memref<1x128xi32, #tpu.memory_space<vmem>>
      %dma_start3A_110 = tpu.memref_squeeze %dma_start3A_109 : memref<1x128xi32, #tpu.memory_space<vmem>> -> memref<128xi32, #tpu.memory_space<vmem>>
      %dma_start3A_111 = arith.constant 0 : i32
      %dma_start3A_112 = arith.constant 0 : i32
      %dma_start3A_113 = tpu.memref_slice %arg2[%dma_start3A_111, %dma_start3A_112] : memref<10000x128xf32, #tpu.memory_space<hbm>> -> memref<10000x128xf32, #tpu.memory_space<hbm>>
      tpu.enqueue_indirect_dma source(%dma_start3A_113 : memref<10000x128xf32, #tpu.memory_space<hbm>>) target(%arg8 : memref<128x128xf32, #tpu.memory_space<vmem>>) offsets(%dma_start3A_110 : memref<128xi32, #tpu.memory_space<vmem>>) semaphore(%arg11 : memref<!tpu.dma_semaphore, #tpu.memory_space<semaphore_mem>>)
      %scan3A_114 = arith.constant 0 : i32
      %scan3A_115 = arith.constant 20 : i32
      %scan3A_116 = arith.addi %scan3A_114, %scan3A_115 : i32
      %scan3A_117 = arith.constant 1 : i32
      scf.for %scan3A_119 = %scan3A_114 to %scan3A_116 step %scan3A_117  : i32 {
        %mul3A_120 = arith.constant 2 : i32
        %mul3A_121 = arith.muli %scan3A_119, %mul3A_120 : i32
        %add3A_122 = arith.constant 0 : i32
        %add3A_123 = arith.addi %add3A_122, %mul3A_121 : i32
        %add3A_124 = arith.constant 1 : i32
        %add3A_125 = arith.addi %add3A_123, %add3A_124 : i32
        %dma_start3A_126 = arith.constant 0 : i32
        %dma_start3A_127 = tpu.memref_slice %arg5[%add3A_125, %dma_start3A_126] : memref<40x128xi32, #tpu.memory_space<vmem>> -> memref<1x128xi32, #tpu.memory_space<vmem>>
        %dma_start3A_128 = tpu.memref_squeeze %dma_start3A_127 : memref<1x128xi32, #tpu.memory_space<vmem>> -> memref<128xi32, #tpu.memory_space<vmem>>
        %dma_start3A_129 = arith.constant 0 : i32
        %dma_start3A_130 = arith.constant 0 : i32
        %dma_start3A_131 = tpu.memref_slice %arg2[%dma_start3A_129, %dma_start3A_130] : memref<10000x128xf32, #tpu.memory_space<hbm>> -> memref<10000x128xf32, #tpu.memory_space<hbm>>
        tpu.enqueue_indirect_dma source(%dma_start3A_131 : memref<10000x128xf32, #tpu.memory_space<hbm>>) target(%arg7 : memref<128x128xf32, #tpu.memory_space<vmem>>) offsets(%dma_start3A_128 : memref<128xi32, #tpu.memory_space<vmem>>) semaphore(%arg10 : memref<!tpu.dma_semaphore, #tpu.memory_space<semaphore_mem>>)
        %dma_wait3A = arith.constant 0 : i32
        %dma_wait3A_132 = arith.constant 0 : i32
        %dma_wait3A_133 = tpu.memref_slice %arg5[%dma_wait3A, %dma_wait3A_132] : memref<40x128xi32, #tpu.memory_space<vmem>> -> memref<1x128xi32, #tpu.memory_space<vmem>>
        %dma_wait3A_134 = tpu.memref_squeeze %dma_wait3A_133 : memref<1x128xi32, #tpu.memory_space<vmem>> -> memref<128xi32, #tpu.memory_space<vmem>>
        %dma_wait3A_135 = arith.constant 0 : i32
        %dma_wait3A_136 = arith.constant 0 : i32
        %dma_wait3A_137 = tpu.memref_slice %arg2[%dma_wait3A_135, %dma_wait3A_136] : memref<10000x128xf32, #tpu.memory_space<hbm>> -> memref<10000x128xf32, #tpu.memory_space<hbm>>
        tpu.wait_indirect_dma semaphore(%arg11 : memref<!tpu.dma_semaphore, #tpu.memory_space<semaphore_mem>>) src(%dma_wait3A_137 : memref<10000x128xf32, #tpu.memory_space<hbm>>) dst(%arg8 : memref<128x128xf32, #tpu.memory_space<vmem>>)
        "tpu.region"() ({
          %run_scoped3A_154 = tpu.sem_alloc : memref<!tpu.dma_semaphore, #tpu.memory_space<semaphore_mem>>
          %dma_start3A_155 = arith.constant 0 : i32
          %dma_start3A_156 = tpu.memref_slice %arg6[%add3A_123, %dma_start3A_155] : memref<40x128xi32, #tpu.memory_space<vmem>> -> memref<1x128xi32, #tpu.memory_space<vmem>>
          %dma_start3A_157 = tpu.memref_squeeze %dma_start3A_156 : memref<1x128xi32, #tpu.memory_space<vmem>> -> memref<128xi32, #tpu.memory_space<vmem>>
          %dma_start3A_158 = arith.constant 0 : i32
          %dma_start3A_159 = arith.constant 0 : i32
          %dma_start3A_160 = tpu.memref_slice %arg9[%dma_start3A_158, %dma_start3A_159] : memref<10000x128xf32, #tpu.memory_space<vmem_shared>> -> memref<10000x128xf32, #tpu.memory_space<vmem_shared>>
          tpu.enqueue_indirect_dma source(%arg8 : memref<128x128xf32, #tpu.memory_space<vmem>>) target(%dma_start3A_160 : memref<10000x128xf32, #tpu.memory_space<vmem_shared>>) offsets(%dma_start3A_157 : memref<128xi32, #tpu.memory_space<vmem>>) semaphore(%run_scoped3A_154 : memref<!tpu.dma_semaphore, #tpu.memory_space<semaphore_mem>>) {add = true}
          %dma_wait3A_161 = arith.constant 0 : i32
          %dma_wait3A_162 = tpu.memref_slice %arg6[%add3A_123, %dma_wait3A_161] : memref<40x128xi32, #tpu.memory_space<vmem>> -> memref<1x128xi32, #tpu.memory_space<vmem>>
          %dma_wait3A_163 = tpu.memref_squeeze %dma_wait3A_162 : memref<1x128xi32, #tpu.memory_space<vmem>> -> memref<128xi32, #tpu.memory_space<vmem>>
          %dma_wait3A_164 = arith.constant 0 : i32
          %dma_wait3A_165 = arith.constant 0 : i32
          %dma_wait3A_166 = tpu.memref_slice %arg9[%dma_wait3A_164, %dma_wait3A_165] : memref<10000x128xf32, #tpu.memory_space<vmem_shared>> -> memref<10000x128xf32, #tpu.memory_space<vmem_shared>>
          tpu.wait_indirect_dma semaphore(%run_scoped3A_154 : memref<!tpu.dma_semaphore, #tpu.memory_space<semaphore_mem>>) src(%arg8 : memref<128x128xf32, #tpu.memory_space<vmem>>) dst(%dma_wait3A_166 : memref<10000x128xf32, #tpu.memory_space<vmem_shared>>)
          tpu.yield
        }) : () -> ()
        %add3A_138 = arith.constant 2 : i32
        %add3A_139 = arith.addi %add3A_123, %add3A_138 : i32
        %lt3A_140 = arith.constant 40 : i32
        %lt3A_141 = arith.cmpi slt, %add3A_139, %lt3A_140 : i32
        %convert_element_type3A_142 = arith.extui %lt3A_141 : i1 to i32
        %cond3A_143 = arith.constant 0 : i32
        %cond3A_144 = arith.cmpi ne, %convert_element_type3A_142, %cond3A_143 : i32
        scf.if %cond3A_144 {
          %add3A_154 = arith.constant 2 : i32
          %add3A_155 = arith.addi %add3A_123, %add3A_154 : i32
          %dma_start3A_156 = arith.constant 0 : i32
          %dma_start3A_157 = tpu.memref_slice %arg5[%add3A_155, %dma_start3A_156] : memref<40x128xi32, #tpu.memory_space<vmem>> -> memref<1x128xi32, #tpu.memory_space<vmem>>
          %dma_start3A_158 = tpu.memref_squeeze %dma_start3A_157 : memref<1x128xi32, #tpu.memory_space<vmem>> -> memref<128xi32, #tpu.memory_space<vmem>>
          %dma_start3A_159 = arith.constant 0 : i32
          %dma_start3A_160 = arith.constant 0 : i32
          %dma_start3A_161 = tpu.memref_slice %arg2[%dma_start3A_159, %dma_start3A_160] : memref<10000x128xf32, #tpu.memory_space<hbm>> -> memref<10000x128xf32, #tpu.memory_space<hbm>>
          tpu.enqueue_indirect_dma source(%dma_start3A_161 : memref<10000x128xf32, #tpu.memory_space<hbm>>) target(%arg8 : memref<128x128xf32, #tpu.memory_space<vmem>>) offsets(%dma_start3A_158 : memref<128xi32, #tpu.memory_space<vmem>>) semaphore(%arg11 : memref<!tpu.dma_semaphore, #tpu.memory_space<semaphore_mem>>)
        } else {
        }
        %dma_wait3A_145 = arith.constant 0 : i32
        %dma_wait3A_146 = arith.constant 0 : i32
        %dma_wait3A_147 = tpu.memref_slice %arg5[%dma_wait3A_145, %dma_wait3A_146] : memref<40x128xi32, #tpu.memory_space<vmem>> -> memref<1x128xi32, #tpu.memory_space<vmem>>
        %dma_wait3A_148 = tpu.memref_squeeze %dma_wait3A_147 : memref<1x128xi32, #tpu.memory_space<vmem>> -> memref<128xi32, #tpu.memory_space<vmem>>
        %dma_wait3A_149 = arith.constant 0 : i32
        %dma_wait3A_150 = arith.constant 0 : i32
        %dma_wait3A_151 = tpu.memref_slice %arg2[%dma_wait3A_149, %dma_wait3A_150] : memref<10000x128xf32, #tpu.memory_space<hbm>> -> memref<10000x128xf32, #tpu.memory_space<hbm>>
        tpu.wait_indirect_dma semaphore(%arg10 : memref<!tpu.dma_semaphore, #tpu.memory_space<semaphore_mem>>) src(%dma_wait3A_151 : memref<10000x128xf32, #tpu.memory_space<hbm>>) dst(%arg7 : memref<128x128xf32, #tpu.memory_space<vmem>>)
        %add3A_152 = arith.constant 1 : i32
        %add3A_153 = arith.addi %add3A_123, %add3A_152 : i32
        "tpu.region"() ({
          %run_scoped3A_154 = tpu.sem_alloc : memref<!tpu.dma_semaphore, #tpu.memory_space<semaphore_mem>>
          %dma_start3A_155 = arith.constant 0 : i32
          %dma_start3A_156 = tpu.memref_slice %arg6[%add3A_153, %dma_start3A_155] : memref<40x128xi32, #tpu.memory_space<vmem>> -> memref<1x128xi32, #tpu.memory_space<vmem>>
          %dma_start3A_157 = tpu.memref_squeeze %dma_start3A_156 : memref<1x128xi32, #tpu.memory_space<vmem>> -> memref<128xi32, #tpu.memory_space<vmem>>
          %dma_start3A_158 = arith.constant 0 : i32
          %dma_start3A_159 = arith.constant 0 : i32
          %dma_start3A_160 = tpu.memref_slice %arg9[%dma_start3A_158, %dma_start3A_159] : memref<10000x128xf32, #tpu.memory_space<vmem_shared>> -> memref<10000x128xf32, #tpu.memory_space<vmem_shared>>
          tpu.enqueue_indirect_dma source(%arg7 : memref<128x128xf32, #tpu.memory_space<vmem>>) target(%dma_start3A_160 : memref<10000x128xf32, #tpu.memory_space<vmem_shared>>) offsets(%dma_start3A_157 : memref<128xi32, #tpu.memory_space<vmem>>) semaphore(%run_scoped3A_154 : memref<!tpu.dma_semaphore, #tpu.memory_space<semaphore_mem>>) {add = true}
          %dma_wait3A_161 = arith.constant 0 : i32
          %dma_wait3A_162 = tpu.memref_slice %arg6[%add3A_153, %dma_wait3A_161] : memref<40x128xi32, #tpu.memory_space<vmem>> -> memref<1x128xi32, #tpu.memory_space<vmem>>
          %dma_wait3A_163 = tpu.memref_squeeze %dma_wait3A_162 : memref<1x128xi32, #tpu.memory_space<vmem>> -> memref<128xi32, #tpu.memory_space<vmem>>
          %dma_wait3A_164 = arith.constant 0 : i32
          %dma_wait3A_165 = arith.constant 0 : i32
          %dma_wait3A_166 = tpu.memref_slice %arg9[%dma_wait3A_164, %dma_wait3A_165] : memref<10000x128xf32, #tpu.memory_space<vmem_shared>> -> memref<10000x128xf32, #tpu.memory_space<vmem_shared>>
          tpu.wait_indirect_dma semaphore(%run_scoped3A_154 : memref<!tpu.dma_semaphore, #tpu.memory_space<semaphore_mem>>) src(%arg7 : memref<128x128xf32, #tpu.memory_space<vmem>>) dst(%dma_wait3A_166 : memref<10000x128xf32, #tpu.memory_space<vmem_shared>>)
          tpu.yield
        }) : () -> ()
      }
      %scan3A_118 = arith.constant 20 : i32
    } else {
    }
    %convert_element_type3A_85 = arith.extui %or3A_47 : i1 to i32
    %cond3A_86 = arith.constant 0 : i32
    %cond3A_87 = arith.cmpi ne, %convert_element_type3A_85, %cond3A_86 : i32
    scf.if %cond3A_87 {
      %add3A_103 = arith.constant 40 : i32
      %add3A_104 = arith.addi %select_n3A_31, %add3A_103 : i32
      %run_scoped3A_105 = arith.constant 0 : i32
      "tpu.region"() ({
        %run_scoped3A_119 = tpu.sem_alloc : memref<!tpu.dma_semaphore, #tpu.memory_space<semaphore_mem>>
        %dma_start3A_120 = arith.constant 0 : i32
        %dma_start3A_121 = arith.constant 0 : i32
        %dma_start3A_122 = tpu.memref_slice %arg5[%dma_start3A_120, %dma_start3A_121] : memref<40x128xi32, #tpu.memory_space<vmem>> -> memref<32x128xi32, #tpu.memory_space<vmem>>
        %dma_start3A_123 = arith.constant 0 : i32
        %dma_start3A_124 = tpu.memref_slice %arg3[%run_scoped3A_105, %add3A_104, %dma_start3A_123] : memref<2x2500x128xi32, #tpu.memory_space<hbm>> -> memref<1x32x128xi32, #tpu.memory_space<hbm>>
        %dma_start3A_125 = tpu.memref_squeeze %dma_start3A_124 : memref<1x32x128xi32, #tpu.memory_space<hbm>> -> memref<32x128xi32, #tpu.memory_space<hbm>>
        %dma_start3A_126 = arith.constant 0 : i32
        %dma_start3A_127 = arith.constant 0 : i32
        %dma_start3A_128 = tpu.memref_slice %arg5[%dma_start3A_126, %dma_start3A_127] : memref<40x128xi32, #tpu.memory_space<vmem>> -> memref<32x128xi32, #tpu.memory_space<vmem>>
        %dma_start3A_129 = arith.constant 0 : i32
        %dma_start3A_130 = tpu.memref_slice %arg3[%run_scoped3A_105, %add3A_104, %dma_start3A_129] : memref<2x2500x128xi32, #tpu.memory_space<hbm>> -> memref<1x32x128xi32, #tpu.memory_space<hbm>>
        %dma_start3A_131 = tpu.memref_squeeze %dma_start3A_130 : memref<1x32x128xi32, #tpu.memory_space<hbm>> -> memref<32x128xi32, #tpu.memory_space<hbm>>
        tpu.enqueue_dma source(%dma_start3A_131 : memref<32x128xi32, #tpu.memory_space<hbm>>) target(%dma_start3A_128 : memref<32x128xi32, #tpu.memory_space<vmem>>) target_semaphore(%run_scoped3A_119 : memref<!tpu.dma_semaphore, #tpu.memory_space<semaphore_mem>>)
        %dma_wait3A = arith.constant 0 : i32
        %dma_wait3A_132 = arith.constant 0 : i32
        %dma_wait3A_133 = tpu.memref_slice %arg5[%dma_wait3A, %dma_wait3A_132] : memref<40x128xi32, #tpu.memory_space<vmem>> -> memref<32x128xi32, #tpu.memory_space<vmem>>
        %dma_wait3A_134 = arith.constant 0 : i32
        %dma_wait3A_135 = tpu.memref_slice %arg3[%run_scoped3A_105, %add3A_104, %dma_wait3A_134] : memref<2x2500x128xi32, #tpu.memory_space<hbm>> -> memref<1x32x128xi32, #tpu.memory_space<hbm>>
        %dma_wait3A_136 = tpu.memref_squeeze %dma_wait3A_135 : memref<1x32x128xi32, #tpu.memory_space<hbm>> -> memref<32x128xi32, #tpu.memory_space<hbm>>
        %dma_wait3A_137 = arith.constant 0 : i32
        %dma_wait3A_138 = arith.constant 0 : i32
        %dma_wait3A_139 = tpu.memref_slice %arg5[%dma_wait3A_137, %dma_wait3A_138] : memref<40x128xi32, #tpu.memory_space<vmem>> -> memref<32x128xi32, #tpu.memory_space<vmem>>
        %dma_wait3A_140 = arith.constant 0 : i32
        %dma_wait3A_141 = tpu.memref_slice %arg3[%run_scoped3A_105, %add3A_104, %dma_wait3A_140] : memref<2x2500x128xi32, #tpu.memory_space<hbm>> -> memref<1x32x128xi32, #tpu.memory_space<hbm>>
        %dma_wait3A_142 = tpu.memref_squeeze %dma_wait3A_141 : memref<1x32x128xi32, #tpu.memory_space<hbm>> -> memref<32x128xi32, #tpu.memory_space<hbm>>
        tpu.wait_dma2 semaphore(%run_scoped3A_119 : memref<!tpu.dma_semaphore, #tpu.memory_space<semaphore_mem>>) src(%dma_wait3A_142 : memref<32x128xi32, #tpu.memory_space<hbm>>) dst(%dma_wait3A_139 : memref<32x128xi32, #tpu.memory_space<vmem>>)
        tpu.yield
      }) : () -> ()
      %run_scoped3A_106 = arith.constant 1 : i32
      "tpu.region"() ({
        %run_scoped3A_119 = tpu.sem_alloc : memref<!tpu.dma_semaphore, #tpu.memory_space<semaphore_mem>>
        %dma_start3A_120 = arith.constant 0 : i32
        %dma_start3A_121 = arith.constant 0 : i32
        %dma_start3A_122 = tpu.memref_slice %arg6[%dma_start3A_120, %dma_start3A_121] : memref<40x128xi32, #tpu.memory_space<vmem>> -> memref<32x128xi32, #tpu.memory_space<vmem>>
        %dma_start3A_123 = arith.constant 0 : i32
        %dma_start3A_124 = tpu.memref_slice %arg3[%run_scoped3A_106, %add3A_104, %dma_start3A_123] : memref<2x2500x128xi32, #tpu.memory_space<hbm>> -> memref<1x32x128xi32, #tpu.memory_space<hbm>>
        %dma_start3A_125 = tpu.memref_squeeze %dma_start3A_124 : memref<1x32x128xi32, #tpu.memory_space<hbm>> -> memref<32x128xi32, #tpu.memory_space<hbm>>
        %dma_start3A_126 = arith.constant 0 : i32
        %dma_start3A_127 = arith.constant 0 : i32
        %dma_start3A_128 = tpu.memref_slice %arg6[%dma_start3A_126, %dma_start3A_127] : memref<40x128xi32, #tpu.memory_space<vmem>> -> memref<32x128xi32, #tpu.memory_space<vmem>>
        %dma_start3A_129 = arith.constant 0 : i32
        %dma_start3A_130 = tpu.memref_slice %arg3[%run_scoped3A_106, %add3A_104, %dma_start3A_129] : memref<2x2500x128xi32, #tpu.memory_space<hbm>> -> memref<1x32x128xi32, #tpu.memory_space<hbm>>
        %dma_start3A_131 = tpu.memref_squeeze %dma_start3A_130 : memref<1x32x128xi32, #tpu.memory_space<hbm>> -> memref<32x128xi32, #tpu.memory_space<hbm>>
        tpu.enqueue_dma source(%dma_start3A_131 : memref<32x128xi32, #tpu.memory_space<hbm>>) target(%dma_start3A_128 : memref<32x128xi32, #tpu.memory_space<vmem>>) target_semaphore(%run_scoped3A_119 : memref<!tpu.dma_semaphore, #tpu.memory_space<semaphore_mem>>)
        %dma_wait3A = arith.constant 0 : i32
        %dma_wait3A_132 = arith.constant 0 : i32
        %dma_wait3A_133 = tpu.memref_slice %arg6[%dma_wait3A, %dma_wait3A_132] : memref<40x128xi32, #tpu.memory_space<vmem>> -> memref<32x128xi32, #tpu.memory_space<vmem>>
        %dma_wait3A_134 = arith.constant 0 : i32
        %dma_wait3A_135 = tpu.memref_slice %arg3[%run_scoped3A_106, %add3A_104, %dma_wait3A_134] : memref<2x2500x128xi32, #tpu.memory_space<hbm>> -> memref<1x32x128xi32, #tpu.memory_space<hbm>>
        %dma_wait3A_136 = tpu.memref_squeeze %dma_wait3A_135 : memref<1x32x128xi32, #tpu.memory_space<hbm>> -> memref<32x128xi32, #tpu.memory_space<hbm>>
        %dma_wait3A_137 = arith.constant 0 : i32
        %dma_wait3A_138 = arith.constant 0 : i32
        %dma_wait3A_139 = tpu.memref_slice %arg6[%dma_wait3A_137, %dma_wait3A_138] : memref<40x128xi32, #tpu.memory_space<vmem>> -> memref<32x128xi32, #tpu.memory_space<vmem>>
        %dma_wait3A_140 = arith.constant 0 : i32
        %dma_wait3A_141 = tpu.memref_slice %arg3[%run_scoped3A_106, %add3A_104, %dma_wait3A_140] : memref<2x2500x128xi32, #tpu.memory_space<hbm>> -> memref<1x32x128xi32, #tpu.memory_space<hbm>>
        %dma_wait3A_142 = tpu.memref_squeeze %dma_wait3A_141 : memref<1x32x128xi32, #tpu.memory_space<hbm>> -> memref<32x128xi32, #tpu.memory_space<hbm>>
        tpu.wait_dma2 semaphore(%run_scoped3A_119 : memref<!tpu.dma_semaphore, #tpu.memory_space<semaphore_mem>>) src(%dma_wait3A_142 : memref<32x128xi32, #tpu.memory_space<hbm>>) dst(%dma_wait3A_139 : memref<32x128xi32, #tpu.memory_space<vmem>>)
        tpu.yield
      }) : () -> ()
      %dma_start3A_107 = arith.constant 0 : i32
      %dma_start3A_108 = arith.constant 0 : i32
      %dma_start3A_109 = tpu.memref_slice %arg5[%dma_start3A_107, %dma_start3A_108] : memref<40x128xi32, #tpu.memory_space<vmem>> -> memref<1x128xi32, #tpu.memory_space<vmem>>
      %dma_start3A_110 = tpu.memref_squeeze %dma_start3A_109 : memref<1x128xi32, #tpu.memory_space<vmem>> -> memref<128xi32, #tpu.memory_space<vmem>>
      %dma_start3A_111 = arith.constant 0 : i32
      %dma_start3A_112 = arith.constant 0 : i32
      %dma_start3A_113 = tpu.memref_slice %arg2[%dma_start3A_111, %dma_start3A_112] : memref<10000x128xf32, #tpu.memory_space<hbm>> -> memref<10000x128xf32, #tpu.memory_space<hbm>>
      tpu.enqueue_indirect_dma source(%dma_start3A_113 : memref<10000x128xf32, #tpu.memory_space<hbm>>) target(%arg8 : memref<128x128xf32, #tpu.memory_space<vmem>>) offsets(%dma_start3A_110 : memref<128xi32, #tpu.memory_space<vmem>>) semaphore(%arg11 : memref<!tpu.dma_semaphore, #tpu.memory_space<semaphore_mem>>)
      %scan3A_114 = arith.constant 0 : i32
      %scan3A_115 = arith.constant 16 : i32
      %scan3A_116 = arith.addi %scan3A_114, %scan3A_115 : i32
      %scan3A_117 = arith.constant 1 : i32
      scf.for %scan3A_119 = %scan3A_114 to %scan3A_116 step %scan3A_117  : i32 {
        %mul3A_120 = arith.constant 2 : i32
        %mul3A_121 = arith.muli %scan3A_119, %mul3A_120 : i32
        %add3A_122 = arith.constant 0 : i32
        %add3A_123 = arith.addi %add3A_122, %mul3A_121 : i32
        %add3A_124 = arith.constant 1 : i32
        %add3A_125 = arith.addi %add3A_123, %add3A_124 : i32
        %dma_start3A_126 = arith.constant 0 : i32
        %dma_start3A_127 = tpu.memref_slice %arg5[%add3A_125, %dma_start3A_126] : memref<40x128xi32, #tpu.memory_space<vmem>> -> memref<1x128xi32, #tpu.memory_space<vmem>>
        %dma_start3A_128 = tpu.memref_squeeze %dma_start3A_127 : memref<1x128xi32, #tpu.memory_space<vmem>> -> memref<128xi32, #tpu.memory_space<vmem>>
        %dma_start3A_129 = arith.constant 0 : i32
        %dma_start3A_130 = arith.constant 0 : i32
        %dma_start3A_131 = tpu.memref_slice %arg2[%dma_start3A_129, %dma_start3A_130] : memref<10000x128xf32, #tpu.memory_space<hbm>> -> memref<10000x128xf32, #tpu.memory_space<hbm>>
        tpu.enqueue_indirect_dma source(%dma_start3A_131 : memref<10000x128xf32, #tpu.memory_space<hbm>>) target(%arg7 : memref<128x128xf32, #tpu.memory_space<vmem>>) offsets(%dma_start3A_128 : memref<128xi32, #tpu.memory_space<vmem>>) semaphore(%arg10 : memref<!tpu.dma_semaphore, #tpu.memory_space<semaphore_mem>>)
        %dma_wait3A = arith.constant 0 : i32
        %dma_wait3A_132 = arith.constant 0 : i32
        %dma_wait3A_133 = tpu.memref_slice %arg5[%dma_wait3A, %dma_wait3A_132] : memref<40x128xi32, #tpu.memory_space<vmem>> -> memref<1x128xi32, #tpu.memory_space<vmem>>
        %dma_wait3A_134 = tpu.memref_squeeze %dma_wait3A_133 : memref<1x128xi32, #tpu.memory_space<vmem>> -> memref<128xi32, #tpu.memory_space<vmem>>
        %dma_wait3A_135 = arith.constant 0 : i32
        %dma_wait3A_136 = arith.constant 0 : i32
        %dma_wait3A_137 = tpu.memref_slice %arg2[%dma_wait3A_135, %dma_wait3A_136] : memref<10000x128xf32, #tpu.memory_space<hbm>> -> memref<10000x128xf32, #tpu.memory_space<hbm>>
        tpu.wait_indirect_dma semaphore(%arg11 : memref<!tpu.dma_semaphore, #tpu.memory_space<semaphore_mem>>) src(%dma_wait3A_137 : memref<10000x128xf32, #tpu.memory_space<hbm>>) dst(%arg8 : memref<128x128xf32, #tpu.memory_space<vmem>>)
        "tpu.region"() ({
          %run_scoped3A_154 = tpu.sem_alloc : memref<!tpu.dma_semaphore, #tpu.memory_space<semaphore_mem>>
          %dma_start3A_155 = arith.constant 0 : i32
          %dma_start3A_156 = tpu.memref_slice %arg6[%add3A_123, %dma_start3A_155] : memref<40x128xi32, #tpu.memory_space<vmem>> -> memref<1x128xi32, #tpu.memory_space<vmem>>
          %dma_start3A_157 = tpu.memref_squeeze %dma_start3A_156 : memref<1x128xi32, #tpu.memory_space<vmem>> -> memref<128xi32, #tpu.memory_space<vmem>>
          %dma_start3A_158 = arith.constant 0 : i32
          %dma_start3A_159 = arith.constant 0 : i32
          %dma_start3A_160 = tpu.memref_slice %arg9[%dma_start3A_158, %dma_start3A_159] : memref<10000x128xf32, #tpu.memory_space<vmem_shared>> -> memref<10000x128xf32, #tpu.memory_space<vmem_shared>>
          tpu.enqueue_indirect_dma source(%arg8 : memref<128x128xf32, #tpu.memory_space<vmem>>) target(%dma_start3A_160 : memref<10000x128xf32, #tpu.memory_space<vmem_shared>>) offsets(%dma_start3A_157 : memref<128xi32, #tpu.memory_space<vmem>>) semaphore(%run_scoped3A_154 : memref<!tpu.dma_semaphore, #tpu.memory_space<semaphore_mem>>) {add = true}
          %dma_wait3A_161 = arith.constant 0 : i32
          %dma_wait3A_162 = tpu.memref_slice %arg6[%add3A_123, %dma_wait3A_161] : memref<40x128xi32, #tpu.memory_space<vmem>> -> memref<1x128xi32, #tpu.memory_space<vmem>>
          %dma_wait3A_163 = tpu.memref_squeeze %dma_wait3A_162 : memref<1x128xi32, #tpu.memory_space<vmem>> -> memref<128xi32, #tpu.memory_space<vmem>>
          %dma_wait3A_164 = arith.constant 0 : i32
          %dma_wait3A_165 = arith.constant 0 : i32
          %dma_wait3A_166 = tpu.memref_slice %arg9[%dma_wait3A_164, %dma_wait3A_165] : memref<10000x128xf32, #tpu.memory_space<vmem_shared>> -> memref<10000x128xf32, #tpu.memory_space<vmem_shared>>
          tpu.wait_indirect_dma semaphore(%run_scoped3A_154 : memref<!tpu.dma_semaphore, #tpu.memory_space<semaphore_mem>>) src(%arg8 : memref<128x128xf32, #tpu.memory_space<vmem>>) dst(%dma_wait3A_166 : memref<10000x128xf32, #tpu.memory_space<vmem_shared>>)
          tpu.yield
        }) : () -> ()
        %add3A_138 = arith.constant 2 : i32
        %add3A_139 = arith.addi %add3A_123, %add3A_138 : i32
        %lt3A_140 = arith.constant 32 : i32
        %lt3A_141 = arith.cmpi slt, %add3A_139, %lt3A_140 : i32
        %convert_element_type3A_142 = arith.extui %lt3A_141 : i1 to i32
        %cond3A_143 = arith.constant 0 : i32
        %cond3A_144 = arith.cmpi ne, %convert_element_type3A_142, %cond3A_143 : i32
        scf.if %cond3A_144 {
          %add3A_154 = arith.constant 2 : i32
          %add3A_155 = arith.addi %add3A_123, %add3A_154 : i32
          %dma_start3A_156 = arith.constant 0 : i32
          %dma_start3A_157 = tpu.memref_slice %arg5[%add3A_155, %dma_start3A_156] : memref<40x128xi32, #tpu.memory_space<vmem>> -> memref<1x128xi32, #tpu.memory_space<vmem>>
          %dma_start3A_158 = tpu.memref_squeeze %dma_start3A_157 : memref<1x128xi32, #tpu.memory_space<vmem>> -> memref<128xi32, #tpu.memory_space<vmem>>
          %dma_start3A_159 = arith.constant 0 : i32
          %dma_start3A_160 = arith.constant 0 : i32
          %dma_start3A_161 = tpu.memref_slice %arg2[%dma_start3A_159, %dma_start3A_160] : memref<10000x128xf32, #tpu.memory_space<hbm>> -> memref<10000x128xf32, #tpu.memory_space<hbm>>
          tpu.enqueue_indirect_dma source(%dma_start3A_161 : memref<10000x128xf32, #tpu.memory_space<hbm>>) target(%arg8 : memref<128x128xf32, #tpu.memory_space<vmem>>) offsets(%dma_start3A_158 : memref<128xi32, #tpu.memory_space<vmem>>) semaphore(%arg11 : memref<!tpu.dma_semaphore, #tpu.memory_space<semaphore_mem>>)
        } else {
        }
        %dma_wait3A_145 = arith.constant 0 : i32
        %dma_wait3A_146 = arith.constant 0 : i32
        %dma_wait3A_147 = tpu.memref_slice %arg5[%dma_wait3A_145, %dma_wait3A_146] : memref<40x128xi32, #tpu.memory_space<vmem>> -> memref<1x128xi32, #tpu.memory_space<vmem>>
        %dma_wait3A_148 = tpu.memref_squeeze %dma_wait3A_147 : memref<1x128xi32, #tpu.memory_space<vmem>> -> memref<128xi32, #tpu.memory_space<vmem>>
        %dma_wait3A_149 = arith.constant 0 : i32
        %dma_wait3A_150 = arith.constant 0 : i32
        %dma_wait3A_151 = tpu.memref_slice %arg2[%dma_wait3A_149, %dma_wait3A_150] : memref<10000x128xf32, #tpu.memory_space<hbm>> -> memref<10000x128xf32, #tpu.memory_space<hbm>>
        tpu.wait_indirect_dma semaphore(%arg10 : memref<!tpu.dma_semaphore, #tpu.memory_space<semaphore_mem>>) src(%dma_wait3A_151 : memref<10000x128xf32, #tpu.memory_space<hbm>>) dst(%arg7 : memref<128x128xf32, #tpu.memory_space<vmem>>)
        %add3A_152 = arith.constant 1 : i32
        %add3A_153 = arith.addi %add3A_123, %add3A_152 : i32
        "tpu.region"() ({
          %run_scoped3A_154 = tpu.sem_alloc : memref<!tpu.dma_semaphore, #tpu.memory_space<semaphore_mem>>
          %dma_start3A_155 = arith.constant 0 : i32
          %dma_start3A_156 = tpu.memref_slice %arg6[%add3A_153, %dma_start3A_155] : memref<40x128xi32, #tpu.memory_space<vmem>> -> memref<1x128xi32, #tpu.memory_space<vmem>>
          %dma_start3A_157 = tpu.memref_squeeze %dma_start3A_156 : memref<1x128xi32, #tpu.memory_space<vmem>> -> memref<128xi32, #tpu.memory_space<vmem>>
          %dma_start3A_158 = arith.constant 0 : i32
          %dma_start3A_159 = arith.constant 0 : i32
          %dma_start3A_160 = tpu.memref_slice %arg9[%dma_start3A_158, %dma_start3A_159] : memref<10000x128xf32, #tpu.memory_space<vmem_shared>> -> memref<10000x128xf32, #tpu.memory_space<vmem_shared>>
          tpu.enqueue_indirect_dma source(%arg7 : memref<128x128xf32, #tpu.memory_space<vmem>>) target(%dma_start3A_160 : memref<10000x128xf32, #tpu.memory_space<vmem_shared>>) offsets(%dma_start3A_157 : memref<128xi32, #tpu.memory_space<vmem>>) semaphore(%run_scoped3A_154 : memref<!tpu.dma_semaphore, #tpu.memory_space<semaphore_mem>>) {add = true}
          %dma_wait3A_161 = arith.constant 0 : i32
          %dma_wait3A_162 = tpu.memref_slice %arg6[%add3A_153, %dma_wait3A_161] : memref<40x128xi32, #tpu.memory_space<vmem>> -> memref<1x128xi32, #tpu.memory_space<vmem>>
          %dma_wait3A_163 = tpu.memref_squeeze %dma_wait3A_162 : memref<1x128xi32, #tpu.memory_space<vmem>> -> memref<128xi32, #tpu.memory_space<vmem>>
          %dma_wait3A_164 = arith.constant 0 : i32
          %dma_wait3A_165 = arith.constant 0 : i32
          %dma_wait3A_166 = tpu.memref_slice %arg9[%dma_wait3A_164, %dma_wait3A_165] : memref<10000x128xf32, #tpu.memory_space<vmem_shared>> -> memref<10000x128xf32, #tpu.memory_space<vmem_shared>>
          tpu.wait_indirect_dma semaphore(%run_scoped3A_154 : memref<!tpu.dma_semaphore, #tpu.memory_space<semaphore_mem>>) src(%arg7 : memref<128x128xf32, #tpu.memory_space<vmem>>) dst(%dma_wait3A_166 : memref<10000x128xf32, #tpu.memory_space<vmem_shared>>)
          tpu.yield
        }) : () -> ()
      }
      %scan3A_118 = arith.constant 16 : i32
    } else {
    }
    %eq3A_88 = arith.constant 31 : i32
    %eq3A_89 = arith.cmpi eq, %add3A, %eq3A_88 : i32
    %convert_element_type3A_90 = arith.extui %eq3A_89 : i1 to i32
    %cond3A_91 = arith.constant 0 : i32
    %cond3A_92 = arith.cmpi ne, %convert_element_type3A_90, %cond3A_91 : i32
    scf.if %cond3A_92 {
      %run_scoped3A_103 = arith.constant 0 : i32
      "tpu.region"() ({
        %run_scoped3A_131 = tpu.sem_alloc : memref<!tpu.dma_semaphore, #tpu.memory_space<semaphore_mem>>
        %dma_start3A_132 = arith.constant 0 : i32
        %dma_start3A_133 = arith.constant 0 : i32
        %dma_start3A_134 = tpu.memref_slice %arg5[%dma_start3A_132, %dma_start3A_133] : memref<40x128xi32, #tpu.memory_space<vmem>> -> memref<16x128xi32, #tpu.memory_space<vmem>>
        %dma_start3A_135 = arith.constant 2464 : i32
        %dma_start3A_136 = arith.constant 0 : i32
        %dma_start3A_137 = tpu.memref_slice %arg3[%run_scoped3A_103, %dma_start3A_135, %dma_start3A_136] : memref<2x2500x128xi32, #tpu.memory_space<hbm>> -> memref<1x16x128xi32, #tpu.memory_space<hbm>>
        %dma_start3A_138 = tpu.memref_squeeze %dma_start3A_137 : memref<1x16x128xi32, #tpu.memory_space<hbm>> -> memref<16x128xi32, #tpu.memory_space<hbm>>
        %dma_start3A_139 = arith.constant 0 : i32
        %dma_start3A_140 = arith.constant 0 : i32
        %dma_start3A_141 = tpu.memref_slice %arg5[%dma_start3A_139, %dma_start3A_140] : memref<40x128xi32, #tpu.memory_space<vmem>> -> memref<16x128xi32, #tpu.memory_space<vmem>>
        %dma_start3A_142 = arith.constant 2464 : i32
        %dma_start3A_143 = arith.constant 0 : i32
        %dma_start3A_144 = tpu.memref_slice %arg3[%run_scoped3A_103, %dma_start3A_142, %dma_start3A_143] : memref<2x2500x128xi32, #tpu.memory_space<hbm>> -> memref<1x16x128xi32, #tpu.memory_space<hbm>>
        %dma_start3A_145 = tpu.memref_squeeze %dma_start3A_144 : memref<1x16x128xi32, #tpu.memory_space<hbm>> -> memref<16x128xi32, #tpu.memory_space<hbm>>
        tpu.enqueue_dma source(%dma_start3A_145 : memref<16x128xi32, #tpu.memory_space<hbm>>) target(%dma_start3A_141 : memref<16x128xi32, #tpu.memory_space<vmem>>) target_semaphore(%run_scoped3A_131 : memref<!tpu.dma_semaphore, #tpu.memory_space<semaphore_mem>>)
        %dma_wait3A = arith.constant 0 : i32
        %dma_wait3A_146 = arith.constant 0 : i32
        %dma_wait3A_147 = tpu.memref_slice %arg5[%dma_wait3A, %dma_wait3A_146] : memref<40x128xi32, #tpu.memory_space<vmem>> -> memref<16x128xi32, #tpu.memory_space<vmem>>
        %dma_wait3A_148 = arith.constant 2464 : i32
        %dma_wait3A_149 = arith.constant 0 : i32
        %dma_wait3A_150 = tpu.memref_slice %arg3[%run_scoped3A_103, %dma_wait3A_148, %dma_wait3A_149] : memref<2x2500x128xi32, #tpu.memory_space<hbm>> -> memref<1x16x128xi32, #tpu.memory_space<hbm>>
        %dma_wait3A_151 = tpu.memref_squeeze %dma_wait3A_150 : memref<1x16x128xi32, #tpu.memory_space<hbm>> -> memref<16x128xi32, #tpu.memory_space<hbm>>
        %dma_wait3A_152 = arith.constant 0 : i32
        %dma_wait3A_153 = arith.constant 0 : i32
        %dma_wait3A_154 = tpu.memref_slice %arg5[%dma_wait3A_152, %dma_wait3A_153] : memref<40x128xi32, #tpu.memory_space<vmem>> -> memref<16x128xi32, #tpu.memory_space<vmem>>
        %dma_wait3A_155 = arith.constant 2464 : i32
        %dma_wait3A_156 = arith.constant 0 : i32
        %dma_wait3A_157 = tpu.memref_slice %arg3[%run_scoped3A_103, %dma_wait3A_155, %dma_wait3A_156] : memref<2x2500x128xi32, #tpu.memory_space<hbm>> -> memref<1x16x128xi32, #tpu.memory_space<hbm>>
        %dma_wait3A_158 = tpu.memref_squeeze %dma_wait3A_157 : memref<1x16x128xi32, #tpu.memory_space<hbm>> -> memref<16x128xi32, #tpu.memory_space<hbm>>
        tpu.wait_dma2 semaphore(%run_scoped3A_131 : memref<!tpu.dma_semaphore, #tpu.memory_space<semaphore_mem>>) src(%dma_wait3A_158 : memref<16x128xi32, #tpu.memory_space<hbm>>) dst(%dma_wait3A_154 : memref<16x128xi32, #tpu.memory_space<vmem>>)
        tpu.yield
      }) : () -> ()
      %run_scoped3A_104 = arith.constant 1 : i32
      "tpu.region"() ({
        %run_scoped3A_131 = tpu.sem_alloc : memref<!tpu.dma_semaphore, #tpu.memory_space<semaphore_mem>>
        %dma_start3A_132 = arith.constant 0 : i32
        %dma_start3A_133 = arith.constant 0 : i32
        %dma_start3A_134 = tpu.memref_slice %arg6[%dma_start3A_132, %dma_start3A_133] : memref<40x128xi32, #tpu.memory_space<vmem>> -> memref<16x128xi32, #tpu.memory_space<vmem>>
        %dma_start3A_135 = arith.constant 2464 : i32
        %dma_start3A_136 = arith.constant 0 : i32
        %dma_start3A_137 = tpu.memref_slice %arg3[%run_scoped3A_104, %dma_start3A_135, %dma_start3A_136] : memref<2x2500x128xi32, #tpu.memory_space<hbm>> -> memref<1x16x128xi32, #tpu.memory_space<hbm>>
        %dma_start3A_138 = tpu.memref_squeeze %dma_start3A_137 : memref<1x16x128xi32, #tpu.memory_space<hbm>> -> memref<16x128xi32, #tpu.memory_space<hbm>>
        %dma_start3A_139 = arith.constant 0 : i32
        %dma_start3A_140 = arith.constant 0 : i32
        %dma_start3A_141 = tpu.memref_slice %arg6[%dma_start3A_139, %dma_start3A_140] : memref<40x128xi32, #tpu.memory_space<vmem>> -> memref<16x128xi32, #tpu.memory_space<vmem>>
        %dma_start3A_142 = arith.constant 2464 : i32
        %dma_start3A_143 = arith.constant 0 : i32
        %dma_start3A_144 = tpu.memref_slice %arg3[%run_scoped3A_104, %dma_start3A_142, %dma_start3A_143] : memref<2x2500x128xi32, #tpu.memory_space<hbm>> -> memref<1x16x128xi32, #tpu.memory_space<hbm>>
        %dma_start3A_145 = tpu.memref_squeeze %dma_start3A_144 : memref<1x16x128xi32, #tpu.memory_space<hbm>> -> memref<16x128xi32, #tpu.memory_space<hbm>>
        tpu.enqueue_dma source(%dma_start3A_145 : memref<16x128xi32, #tpu.memory_space<hbm>>) target(%dma_start3A_141 : memref<16x128xi32, #tpu.memory_space<vmem>>) target_semaphore(%run_scoped3A_131 : memref<!tpu.dma_semaphore, #tpu.memory_space<semaphore_mem>>)
        %dma_wait3A = arith.constant 0 : i32
        %dma_wait3A_146 = arith.constant 0 : i32
        %dma_wait3A_147 = tpu.memref_slice %arg6[%dma_wait3A, %dma_wait3A_146] : memref<40x128xi32, #tpu.memory_space<vmem>> -> memref<16x128xi32, #tpu.memory_space<vmem>>
        %dma_wait3A_148 = arith.constant 2464 : i32
        %dma_wait3A_149 = arith.constant 0 : i32
        %dma_wait3A_150 = tpu.memref_slice %arg3[%run_scoped3A_104, %dma_wait3A_148, %dma_wait3A_149] : memref<2x2500x128xi32, #tpu.memory_space<hbm>> -> memref<1x16x128xi32, #tpu.memory_space<hbm>>
        %dma_wait3A_151 = tpu.memref_squeeze %dma_wait3A_150 : memref<1x16x128xi32, #tpu.memory_space<hbm>> -> memref<16x128xi32, #tpu.memory_space<hbm>>
        %dma_wait3A_152 = arith.constant 0 : i32
        %dma_wait3A_153 = arith.constant 0 : i32
        %dma_wait3A_154 = tpu.memref_slice %arg6[%dma_wait3A_152, %dma_wait3A_153] : memref<40x128xi32, #tpu.memory_space<vmem>> -> memref<16x128xi32, #tpu.memory_space<vmem>>
        %dma_wait3A_155 = arith.constant 2464 : i32
        %dma_wait3A_156 = arith.constant 0 : i32
        %dma_wait3A_157 = tpu.memref_slice %arg3[%run_scoped3A_104, %dma_wait3A_155, %dma_wait3A_156] : memref<2x2500x128xi32, #tpu.memory_space<hbm>> -> memref<1x16x128xi32, #tpu.memory_space<hbm>>
        %dma_wait3A_158 = tpu.memref_squeeze %dma_wait3A_157 : memref<1x16x128xi32, #tpu.memory_space<hbm>> -> memref<16x128xi32, #tpu.memory_space<hbm>>
        tpu.wait_dma2 semaphore(%run_scoped3A_131 : memref<!tpu.dma_semaphore, #tpu.memory_space<semaphore_mem>>) src(%dma_wait3A_158 : memref<16x128xi32, #tpu.memory_space<hbm>>) dst(%dma_wait3A_154 : memref<16x128xi32, #tpu.memory_space<vmem>>)
        tpu.yield
      }) : () -> ()
      %dma_start3A_105 = arith.constant 0 : i32
      %dma_start3A_106 = arith.constant 0 : i32
      %dma_start3A_107 = tpu.memref_slice %arg5[%dma_start3A_105, %dma_start3A_106] : memref<40x128xi32, #tpu.memory_space<vmem>> -> memref<1x128xi32, #tpu.memory_space<vmem>>
      %dma_start3A_108 = tpu.memref_squeeze %dma_start3A_107 : memref<1x128xi32, #tpu.memory_space<vmem>> -> memref<128xi32, #tpu.memory_space<vmem>>
      %dma_start3A_109 = arith.constant 0 : i32
      %dma_start3A_110 = arith.constant 0 : i32
      %dma_start3A_111 = tpu.memref_slice %arg2[%dma_start3A_109, %dma_start3A_110] : memref<10000x128xf32, #tpu.memory_space<hbm>> -> memref<10000x128xf32, #tpu.memory_space<hbm>>
      tpu.enqueue_indirect_dma source(%dma_start3A_111 : memref<10000x128xf32, #tpu.memory_space<hbm>>) target(%arg8 : memref<128x128xf32, #tpu.memory_space<vmem>>) offsets(%dma_start3A_108 : memref<128xi32, #tpu.memory_space<vmem>>) semaphore(%arg11 : memref<!tpu.dma_semaphore, #tpu.memory_space<semaphore_mem>>)
      %scan3A_112 = arith.constant 0 : i32
      %scan3A_113 = arith.constant 8 : i32
      %scan3A_114 = arith.addi %scan3A_112, %scan3A_113 : i32
      %scan3A_115 = arith.constant 1 : i32
      scf.for %scan3A_131 = %scan3A_112 to %scan3A_114 step %scan3A_115  : i32 {
        %mul3A_132 = arith.constant 2 : i32
        %mul3A_133 = arith.muli %scan3A_131, %mul3A_132 : i32
        %add3A_134 = arith.constant 0 : i32
        %add3A_135 = arith.addi %add3A_134, %mul3A_133 : i32
        %add3A_136 = arith.constant 1 : i32
        %add3A_137 = arith.addi %add3A_135, %add3A_136 : i32
        %dma_start3A_138 = arith.constant 0 : i32
        %dma_start3A_139 = tpu.memref_slice %arg5[%add3A_137, %dma_start3A_138] : memref<40x128xi32, #tpu.memory_space<vmem>> -> memref<1x128xi32, #tpu.memory_space<vmem>>
        %dma_start3A_140 = tpu.memref_squeeze %dma_start3A_139 : memref<1x128xi32, #tpu.memory_space<vmem>> -> memref<128xi32, #tpu.memory_space<vmem>>
        %dma_start3A_141 = arith.constant 0 : i32
        %dma_start3A_142 = arith.constant 0 : i32
        %dma_start3A_143 = tpu.memref_slice %arg2[%dma_start3A_141, %dma_start3A_142] : memref<10000x128xf32, #tpu.memory_space<hbm>> -> memref<10000x128xf32, #tpu.memory_space<hbm>>
        tpu.enqueue_indirect_dma source(%dma_start3A_143 : memref<10000x128xf32, #tpu.memory_space<hbm>>) target(%arg7 : memref<128x128xf32, #tpu.memory_space<vmem>>) offsets(%dma_start3A_140 : memref<128xi32, #tpu.memory_space<vmem>>) semaphore(%arg10 : memref<!tpu.dma_semaphore, #tpu.memory_space<semaphore_mem>>)
        %dma_wait3A = arith.constant 0 : i32
        %dma_wait3A_144 = arith.constant 0 : i32
        %dma_wait3A_145 = tpu.memref_slice %arg5[%dma_wait3A, %dma_wait3A_144] : memref<40x128xi32, #tpu.memory_space<vmem>> -> memref<1x128xi32, #tpu.memory_space<vmem>>
        %dma_wait3A_146 = tpu.memref_squeeze %dma_wait3A_145 : memref<1x128xi32, #tpu.memory_space<vmem>> -> memref<128xi32, #tpu.memory_space<vmem>>
        %dma_wait3A_147 = arith.constant 0 : i32
        %dma_wait3A_148 = arith.constant 0 : i32
        %dma_wait3A_149 = tpu.memref_slice %arg2[%dma_wait3A_147, %dma_wait3A_148] : memref<10000x128xf32, #tpu.memory_space<hbm>> -> memref<10000x128xf32, #tpu.memory_space<hbm>>
        tpu.wait_indirect_dma semaphore(%arg11 : memref<!tpu.dma_semaphore, #tpu.memory_space<semaphore_mem>>) src(%dma_wait3A_149 : memref<10000x128xf32, #tpu.memory_space<hbm>>) dst(%arg8 : memref<128x128xf32, #tpu.memory_space<vmem>>)
        "tpu.region"() ({
          %run_scoped3A_166 = tpu.sem_alloc : memref<!tpu.dma_semaphore, #tpu.memory_space<semaphore_mem>>
          %dma_start3A_167 = arith.constant 0 : i32
          %dma_start3A_168 = tpu.memref_slice %arg6[%add3A_135, %dma_start3A_167] : memref<40x128xi32, #tpu.memory_space<vmem>> -> memref<1x128xi32, #tpu.memory_space<vmem>>
          %dma_start3A_169 = tpu.memref_squeeze %dma_start3A_168 : memref<1x128xi32, #tpu.memory_space<vmem>> -> memref<128xi32, #tpu.memory_space<vmem>>
          %dma_start3A_170 = arith.constant 0 : i32
          %dma_start3A_171 = arith.constant 0 : i32
          %dma_start3A_172 = tpu.memref_slice %arg9[%dma_start3A_170, %dma_start3A_171] : memref<10000x128xf32, #tpu.memory_space<vmem_shared>> -> memref<10000x128xf32, #tpu.memory_space<vmem_shared>>
          tpu.enqueue_indirect_dma source(%arg8 : memref<128x128xf32, #tpu.memory_space<vmem>>) target(%dma_start3A_172 : memref<10000x128xf32, #tpu.memory_space<vmem_shared>>) offsets(%dma_start3A_169 : memref<128xi32, #tpu.memory_space<vmem>>) semaphore(%run_scoped3A_166 : memref<!tpu.dma_semaphore, #tpu.memory_space<semaphore_mem>>) {add = true}
          %dma_wait3A_173 = arith.constant 0 : i32
          %dma_wait3A_174 = tpu.memref_slice %arg6[%add3A_135, %dma_wait3A_173] : memref<40x128xi32, #tpu.memory_space<vmem>> -> memref<1x128xi32, #tpu.memory_space<vmem>>
          %dma_wait3A_175 = tpu.memref_squeeze %dma_wait3A_174 : memref<1x128xi32, #tpu.memory_space<vmem>> -> memref<128xi32, #tpu.memory_space<vmem>>
          %dma_wait3A_176 = arith.constant 0 : i32
          %dma_wait3A_177 = arith.constant 0 : i32
          %dma_wait3A_178 = tpu.memref_slice %arg9[%dma_wait3A_176, %dma_wait3A_177] : memref<10000x128xf32, #tpu.memory_space<vmem_shared>> -> memref<10000x128xf32, #tpu.memory_space<vmem_shared>>
          tpu.wait_indirect_dma semaphore(%run_scoped3A_166 : memref<!tpu.dma_semaphore, #tpu.memory_space<semaphore_mem>>) src(%arg8 : memref<128x128xf32, #tpu.memory_space<vmem>>) dst(%dma_wait3A_178 : memref<10000x128xf32, #tpu.memory_space<vmem_shared>>)
          tpu.yield
        }) : () -> ()
        %add3A_150 = arith.constant 2 : i32
        %add3A_151 = arith.addi %add3A_135, %add3A_150 : i32
        %lt3A_152 = arith.constant 16 : i32
        %lt3A_153 = arith.cmpi slt, %add3A_151, %lt3A_152 : i32
        %convert_element_type3A_154 = arith.extui %lt3A_153 : i1 to i32
        %cond3A_155 = arith.constant 0 : i32
        %cond3A_156 = arith.cmpi ne, %convert_element_type3A_154, %cond3A_155 : i32
        scf.if %cond3A_156 {
          %add3A_166 = arith.constant 2 : i32
          %add3A_167 = arith.addi %add3A_135, %add3A_166 : i32
          %dma_start3A_168 = arith.constant 0 : i32
          %dma_start3A_169 = tpu.memref_slice %arg5[%add3A_167, %dma_start3A_168] : memref<40x128xi32, #tpu.memory_space<vmem>> -> memref<1x128xi32, #tpu.memory_space<vmem>>
          %dma_start3A_170 = tpu.memref_squeeze %dma_start3A_169 : memref<1x128xi32, #tpu.memory_space<vmem>> -> memref<128xi32, #tpu.memory_space<vmem>>
          %dma_start3A_171 = arith.constant 0 : i32
          %dma_start3A_172 = arith.constant 0 : i32
          %dma_start3A_173 = tpu.memref_slice %arg2[%dma_start3A_171, %dma_start3A_172] : memref<10000x128xf32, #tpu.memory_space<hbm>> -> memref<10000x128xf32, #tpu.memory_space<hbm>>
          tpu.enqueue_indirect_dma source(%dma_start3A_173 : memref<10000x128xf32, #tpu.memory_space<hbm>>) target(%arg8 : memref<128x128xf32, #tpu.memory_space<vmem>>) offsets(%dma_start3A_170 : memref<128xi32, #tpu.memory_space<vmem>>) semaphore(%arg11 : memref<!tpu.dma_semaphore, #tpu.memory_space<semaphore_mem>>)
        } else {
        }
        %dma_wait3A_157 = arith.constant 0 : i32
        %dma_wait3A_158 = arith.constant 0 : i32
        %dma_wait3A_159 = tpu.memref_slice %arg5[%dma_wait3A_157, %dma_wait3A_158] : memref<40x128xi32, #tpu.memory_space<vmem>> -> memref<1x128xi32, #tpu.memory_space<vmem>>
        %dma_wait3A_160 = tpu.memref_squeeze %dma_wait3A_159 : memref<1x128xi32, #tpu.memory_space<vmem>> -> memref<128xi32, #tpu.memory_space<vmem>>
        %dma_wait3A_161 = arith.constant 0 : i32
        %dma_wait3A_162 = arith.constant 0 : i32
        %dma_wait3A_163 = tpu.memref_slice %arg2[%dma_wait3A_161, %dma_wait3A_162] : memref<10000x128xf32, #tpu.memory_space<hbm>> -> memref<10000x128xf32, #tpu.memory_space<hbm>>
        tpu.wait_indirect_dma semaphore(%arg10 : memref<!tpu.dma_semaphore, #tpu.memory_space<semaphore_mem>>) src(%dma_wait3A_163 : memref<10000x128xf32, #tpu.memory_space<hbm>>) dst(%arg7 : memref<128x128xf32, #tpu.memory_space<vmem>>)
        %add3A_164 = arith.constant 1 : i32
        %add3A_165 = arith.addi %add3A_135, %add3A_164 : i32
        "tpu.region"() ({
          %run_scoped3A_166 = tpu.sem_alloc : memref<!tpu.dma_semaphore, #tpu.memory_space<semaphore_mem>>
          %dma_start3A_167 = arith.constant 0 : i32
          %dma_start3A_168 = tpu.memref_slice %arg6[%add3A_165, %dma_start3A_167] : memref<40x128xi32, #tpu.memory_space<vmem>> -> memref<1x128xi32, #tpu.memory_space<vmem>>
          %dma_start3A_169 = tpu.memref_squeeze %dma_start3A_168 : memref<1x128xi32, #tpu.memory_space<vmem>> -> memref<128xi32, #tpu.memory_space<vmem>>
          %dma_start3A_170 = arith.constant 0 : i32
          %dma_start3A_171 = arith.constant 0 : i32
          %dma_start3A_172 = tpu.memref_slice %arg9[%dma_start3A_170, %dma_start3A_171] : memref<10000x128xf32, #tpu.memory_space<vmem_shared>> -> memref<10000x128xf32, #tpu.memory_space<vmem_shared>>
          tpu.enqueue_indirect_dma source(%arg7 : memref<128x128xf32, #tpu.memory_space<vmem>>) target(%dma_start3A_172 : memref<10000x128xf32, #tpu.memory_space<vmem_shared>>) offsets(%dma_start3A_169 : memref<128xi32, #tpu.memory_space<vmem>>) semaphore(%run_scoped3A_166 : memref<!tpu.dma_semaphore, #tpu.memory_space<semaphore_mem>>) {add = true}
          %dma_wait3A_173 = arith.constant 0 : i32
          %dma_wait3A_174 = tpu.memref_slice %arg6[%add3A_165, %dma_wait3A_173] : memref<40x128xi32, #tpu.memory_space<vmem>> -> memref<1x128xi32, #tpu.memory_space<vmem>>
          %dma_wait3A_175 = tpu.memref_squeeze %dma_wait3A_174 : memref<1x128xi32, #tpu.memory_space<vmem>> -> memref<128xi32, #tpu.memory_space<vmem>>
          %dma_wait3A_176 = arith.constant 0 : i32
          %dma_wait3A_177 = arith.constant 0 : i32
          %dma_wait3A_178 = tpu.memref_slice %arg9[%dma_wait3A_176, %dma_wait3A_177] : memref<10000x128xf32, #tpu.memory_space<vmem_shared>> -> memref<10000x128xf32, #tpu.memory_space<vmem_shared>>
          tpu.wait_indirect_dma semaphore(%run_scoped3A_166 : memref<!tpu.dma_semaphore, #tpu.memory_space<semaphore_mem>>) src(%arg7 : memref<128x128xf32, #tpu.memory_space<vmem>>) dst(%dma_wait3A_178 : memref<10000x128xf32, #tpu.memory_space<vmem_shared>>)
          tpu.yield
        }) : () -> ()
      }
      %scan3A_116 = arith.constant 8 : i32
      %run_scoped3A_117 = arith.constant 0 : i32
      "tpu.region"() ({
        %run_scoped3A_131 = tpu.sem_alloc : memref<!tpu.dma_semaphore, #tpu.memory_space<semaphore_mem>>
        %dma_start3A_132 = arith.constant 0 : i32
        %dma_start3A_133 = arith.constant 0 : i32
        %dma_start3A_134 = tpu.memref_slice %arg5[%dma_start3A_132, %dma_start3A_133] : memref<40x128xi32, #tpu.memory_space<vmem>> -> memref<20x128xi32, #tpu.memory_space<vmem>>
        %dma_start3A_135 = arith.constant 2480 : i32
        %dma_start3A_136 = arith.constant 0 : i32
        %dma_start3A_137 = tpu.memref_slice %arg3[%run_scoped3A_117, %dma_start3A_135, %dma_start3A_136] : memref<2x2500x128xi32, #tpu.memory_space<hbm>> -> memref<1x20x128xi32, #tpu.memory_space<hbm>>
        %dma_start3A_138 = tpu.memref_squeeze %dma_start3A_137 : memref<1x20x128xi32, #tpu.memory_space<hbm>> -> memref<20x128xi32, #tpu.memory_space<hbm>>
        %dma_start3A_139 = arith.constant 0 : i32
        %dma_start3A_140 = arith.constant 0 : i32
        %dma_start3A_141 = tpu.memref_slice %arg5[%dma_start3A_139, %dma_start3A_140] : memref<40x128xi32, #tpu.memory_space<vmem>> -> memref<20x128xi32, #tpu.memory_space<vmem>>
        %dma_start3A_142 = arith.constant 2480 : i32
        %dma_start3A_143 = arith.constant 0 : i32
        %dma_start3A_144 = tpu.memref_slice %arg3[%run_scoped3A_117, %dma_start3A_142, %dma_start3A_143] : memref<2x2500x128xi32, #tpu.memory_space<hbm>> -> memref<1x20x128xi32, #tpu.memory_space<hbm>>
        %dma_start3A_145 = tpu.memref_squeeze %dma_start3A_144 : memref<1x20x128xi32, #tpu.memory_space<hbm>> -> memref<20x128xi32, #tpu.memory_space<hbm>>
        tpu.enqueue_dma source(%dma_start3A_145 : memref<20x128xi32, #tpu.memory_space<hbm>>) target(%dma_start3A_141 : memref<20x128xi32, #tpu.memory_space<vmem>>) target_semaphore(%run_scoped3A_131 : memref<!tpu.dma_semaphore, #tpu.memory_space<semaphore_mem>>)
        %dma_wait3A = arith.constant 0 : i32
        %dma_wait3A_146 = arith.constant 0 : i32
        %dma_wait3A_147 = tpu.memref_slice %arg5[%dma_wait3A, %dma_wait3A_146] : memref<40x128xi32, #tpu.memory_space<vmem>> -> memref<20x128xi32, #tpu.memory_space<vmem>>
        %dma_wait3A_148 = arith.constant 2480 : i32
        %dma_wait3A_149 = arith.constant 0 : i32
        %dma_wait3A_150 = tpu.memref_slice %arg3[%run_scoped3A_117, %dma_wait3A_148, %dma_wait3A_149] : memref<2x2500x128xi32, #tpu.memory_space<hbm>> -> memref<1x20x128xi32, #tpu.memory_space<hbm>>
        %dma_wait3A_151 = tpu.memref_squeeze %dma_wait3A_150 : memref<1x20x128xi32, #tpu.memory_space<hbm>> -> memref<20x128xi32, #tpu.memory_space<hbm>>
        %dma_wait3A_152 = arith.constant 0 : i32
        %dma_wait3A_153 = arith.constant 0 : i32
        %dma_wait3A_154 = tpu.memref_slice %arg5[%dma_wait3A_152, %dma_wait3A_153] : memref<40x128xi32, #tpu.memory_space<vmem>> -> memref<20x128xi32, #tpu.memory_space<vmem>>
        %dma_wait3A_155 = arith.constant 2480 : i32
        %dma_wait3A_156 = arith.constant 0 : i32
        %dma_wait3A_157 = tpu.memref_slice %arg3[%run_scoped3A_117, %dma_wait3A_155, %dma_wait3A_156] : memref<2x2500x128xi32, #tpu.memory_space<hbm>> -> memref<1x20x128xi32, #tpu.memory_space<hbm>>
        %dma_wait3A_158 = tpu.memref_squeeze %dma_wait3A_157 : memref<1x20x128xi32, #tpu.memory_space<hbm>> -> memref<20x128xi32, #tpu.memory_space<hbm>>
        tpu.wait_dma2 semaphore(%run_scoped3A_131 : memref<!tpu.dma_semaphore, #tpu.memory_space<semaphore_mem>>) src(%dma_wait3A_158 : memref<20x128xi32, #tpu.memory_space<hbm>>) dst(%dma_wait3A_154 : memref<20x128xi32, #tpu.memory_space<vmem>>)
        tpu.yield
      }) : () -> ()
      %run_scoped3A_118 = arith.constant 1 : i32
      "tpu.region"() ({
        %run_scoped3A_131 = tpu.sem_alloc : memref<!tpu.dma_semaphore, #tpu.memory_space<semaphore_mem>>
        %dma_start3A_132 = arith.constant 0 : i32
        %dma_start3A_133 = arith.constant 0 : i32
        %dma_start3A_134 = tpu.memref_slice %arg6[%dma_start3A_132, %dma_start3A_133] : memref<40x128xi32, #tpu.memory_space<vmem>> -> memref<20x128xi32, #tpu.memory_space<vmem>>
        %dma_start3A_135 = arith.constant 2480 : i32
        %dma_start3A_136 = arith.constant 0 : i32
        %dma_start3A_137 = tpu.memref_slice %arg3[%run_scoped3A_118, %dma_start3A_135, %dma_start3A_136] : memref<2x2500x128xi32, #tpu.memory_space<hbm>> -> memref<1x20x128xi32, #tpu.memory_space<hbm>>
        %dma_start3A_138 = tpu.memref_squeeze %dma_start3A_137 : memref<1x20x128xi32, #tpu.memory_space<hbm>> -> memref<20x128xi32, #tpu.memory_space<hbm>>
        %dma_start3A_139 = arith.constant 0 : i32
        %dma_start3A_140 = arith.constant 0 : i32
        %dma_start3A_141 = tpu.memref_slice %arg6[%dma_start3A_139, %dma_start3A_140] : memref<40x128xi32, #tpu.memory_space<vmem>> -> memref<20x128xi32, #tpu.memory_space<vmem>>
        %dma_start3A_142 = arith.constant 2480 : i32
        %dma_start3A_143 = arith.constant 0 : i32
        %dma_start3A_144 = tpu.memref_slice %arg3[%run_scoped3A_118, %dma_start3A_142, %dma_start3A_143] : memref<2x2500x128xi32, #tpu.memory_space<hbm>> -> memref<1x20x128xi32, #tpu.memory_space<hbm>>
        %dma_start3A_145 = tpu.memref_squeeze %dma_start3A_144 : memref<1x20x128xi32, #tpu.memory_space<hbm>> -> memref<20x128xi32, #tpu.memory_space<hbm>>
        tpu.enqueue_dma source(%dma_start3A_145 : memref<20x128xi32, #tpu.memory_space<hbm>>) target(%dma_start3A_141 : memref<20x128xi32, #tpu.memory_space<vmem>>) target_semaphore(%run_scoped3A_131 : memref<!tpu.dma_semaphore, #tpu.memory_space<semaphore_mem>>)
        %dma_wait3A = arith.constant 0 : i32
        %dma_wait3A_146 = arith.constant 0 : i32
        %dma_wait3A_147 = tpu.memref_slice %arg6[%dma_wait3A, %dma_wait3A_146] : memref<40x128xi32, #tpu.memory_space<vmem>> -> memref<20x128xi32, #tpu.memory_space<vmem>>
        %dma_wait3A_148 = arith.constant 2480 : i32
        %dma_wait3A_149 = arith.constant 0 : i32
        %dma_wait3A_150 = tpu.memref_slice %arg3[%run_scoped3A_118, %dma_wait3A_148, %dma_wait3A_149] : memref<2x2500x128xi32, #tpu.memory_space<hbm>> -> memref<1x20x128xi32, #tpu.memory_space<hbm>>
        %dma_wait3A_151 = tpu.memref_squeeze %dma_wait3A_150 : memref<1x20x128xi32, #tpu.memory_space<hbm>> -> memref<20x128xi32, #tpu.memory_space<hbm>>
        %dma_wait3A_152 = arith.constant 0 : i32
        %dma_wait3A_153 = arith.constant 0 : i32
        %dma_wait3A_154 = tpu.memref_slice %arg6[%dma_wait3A_152, %dma_wait3A_153] : memref<40x128xi32, #tpu.memory_space<vmem>> -> memref<20x128xi32, #tpu.memory_space<vmem>>
        %dma_wait3A_155 = arith.constant 2480 : i32
        %dma_wait3A_156 = arith.constant 0 : i32
        %dma_wait3A_157 = tpu.memref_slice %arg3[%run_scoped3A_118, %dma_wait3A_155, %dma_wait3A_156] : memref<2x2500x128xi32, #tpu.memory_space<hbm>> -> memref<1x20x128xi32, #tpu.memory_space<hbm>>
        %dma_wait3A_158 = tpu.memref_squeeze %dma_wait3A_157 : memref<1x20x128xi32, #tpu.memory_space<hbm>> -> memref<20x128xi32, #tpu.memory_space<hbm>>
        tpu.wait_dma2 semaphore(%run_scoped3A_131 : memref<!tpu.dma_semaphore, #tpu.memory_space<semaphore_mem>>) src(%dma_wait3A_158 : memref<20x128xi32, #tpu.memory_space<hbm>>) dst(%dma_wait3A_154 : memref<20x128xi32, #tpu.memory_space<vmem>>)
        tpu.yield
      }) : () -> ()
      %dma_start3A_119 = arith.constant 0 : i32
      %dma_start3A_120 = arith.constant 0 : i32
      %dma_start3A_121 = tpu.memref_slice %arg5[%dma_start3A_119, %dma_start3A_120] : memref<40x128xi32, #tpu.memory_space<vmem>> -> memref<1x128xi32, #tpu.memory_space<vmem>>
      %dma_start3A_122 = tpu.memref_squeeze %dma_start3A_121 : memref<1x128xi32, #tpu.memory_space<vmem>> -> memref<128xi32, #tpu.memory_space<vmem>>
      %dma_start3A_123 = arith.constant 0 : i32
      %dma_start3A_124 = arith.constant 0 : i32
      %dma_start3A_125 = tpu.memref_slice %arg2[%dma_start3A_123, %dma_start3A_124] : memref<10000x128xf32, #tpu.memory_space<hbm>> -> memref<10000x128xf32, #tpu.memory_space<hbm>>
      tpu.enqueue_indirect_dma source(%dma_start3A_125 : memref<10000x128xf32, #tpu.memory_space<hbm>>) target(%arg8 : memref<128x128xf32, #tpu.memory_space<vmem>>) offsets(%dma_start3A_122 : memref<128xi32, #tpu.memory_space<vmem>>) semaphore(%arg11 : memref<!tpu.dma_semaphore, #tpu.memory_space<semaphore_mem>>)
      %scan3A_126 = arith.constant 0 : i32
      %scan3A_127 = arith.constant 10 : i32
      %scan3A_128 = arith.addi %scan3A_126, %scan3A_127 : i32
      %scan3A_129 = arith.constant 1 : i32
      scf.for %scan3A_131 = %scan3A_126 to %scan3A_128 step %scan3A_129  : i32 {
        %mul3A_132 = arith.constant 2 : i32
        %mul3A_133 = arith.muli %scan3A_131, %mul3A_132 : i32
        %add3A_134 = arith.constant 0 : i32
        %add3A_135 = arith.addi %add3A_134, %mul3A_133 : i32
        %add3A_136 = arith.constant 1 : i32
        %add3A_137 = arith.addi %add3A_135, %add3A_136 : i32
        %dma_start3A_138 = arith.constant 0 : i32
        %dma_start3A_139 = tpu.memref_slice %arg5[%add3A_137, %dma_start3A_138] : memref<40x128xi32, #tpu.memory_space<vmem>> -> memref<1x128xi32, #tpu.memory_space<vmem>>
        %dma_start3A_140 = tpu.memref_squeeze %dma_start3A_139 : memref<1x128xi32, #tpu.memory_space<vmem>> -> memref<128xi32, #tpu.memory_space<vmem>>
        %dma_start3A_141 = arith.constant 0 : i32
        %dma_start3A_142 = arith.constant 0 : i32
        %dma_start3A_143 = tpu.memref_slice %arg2[%dma_start3A_141, %dma_start3A_142] : memref<10000x128xf32, #tpu.memory_space<hbm>> -> memref<10000x128xf32, #tpu.memory_space<hbm>>
        tpu.enqueue_indirect_dma source(%dma_start3A_143 : memref<10000x128xf32, #tpu.memory_space<hbm>>) target(%arg7 : memref<128x128xf32, #tpu.memory_space<vmem>>) offsets(%dma_start3A_140 : memref<128xi32, #tpu.memory_space<vmem>>) semaphore(%arg10 : memref<!tpu.dma_semaphore, #tpu.memory_space<semaphore_mem>>)
        %dma_wait3A = arith.constant 0 : i32
        %dma_wait3A_144 = arith.constant 0 : i32
        %dma_wait3A_145 = tpu.memref_slice %arg5[%dma_wait3A, %dma_wait3A_144] : memref<40x128xi32, #tpu.memory_space<vmem>> -> memref<1x128xi32, #tpu.memory_space<vmem>>
        %dma_wait3A_146 = tpu.memref_squeeze %dma_wait3A_145 : memref<1x128xi32, #tpu.memory_space<vmem>> -> memref<128xi32, #tpu.memory_space<vmem>>
        %dma_wait3A_147 = arith.constant 0 : i32
        %dma_wait3A_148 = arith.constant 0 : i32
        %dma_wait3A_149 = tpu.memref_slice %arg2[%dma_wait3A_147, %dma_wait3A_148] : memref<10000x128xf32, #tpu.memory_space<hbm>> -> memref<10000x128xf32, #tpu.memory_space<hbm>>
        tpu.wait_indirect_dma semaphore(%arg11 : memref<!tpu.dma_semaphore, #tpu.memory_space<semaphore_mem>>) src(%dma_wait3A_149 : memref<10000x128xf32, #tpu.memory_space<hbm>>) dst(%arg8 : memref<128x128xf32, #tpu.memory_space<vmem>>)
        "tpu.region"() ({
          %run_scoped3A_166 = tpu.sem_alloc : memref<!tpu.dma_semaphore, #tpu.memory_space<semaphore_mem>>
          %dma_start3A_167 = arith.constant 0 : i32
          %dma_start3A_168 = tpu.memref_slice %arg6[%add3A_135, %dma_start3A_167] : memref<40x128xi32, #tpu.memory_space<vmem>> -> memref<1x128xi32, #tpu.memory_space<vmem>>
          %dma_start3A_169 = tpu.memref_squeeze %dma_start3A_168 : memref<1x128xi32, #tpu.memory_space<vmem>> -> memref<128xi32, #tpu.memory_space<vmem>>
          %dma_start3A_170 = arith.constant 0 : i32
          %dma_start3A_171 = arith.constant 0 : i32
          %dma_start3A_172 = tpu.memref_slice %arg9[%dma_start3A_170, %dma_start3A_171] : memref<10000x128xf32, #tpu.memory_space<vmem_shared>> -> memref<10000x128xf32, #tpu.memory_space<vmem_shared>>
          tpu.enqueue_indirect_dma source(%arg8 : memref<128x128xf32, #tpu.memory_space<vmem>>) target(%dma_start3A_172 : memref<10000x128xf32, #tpu.memory_space<vmem_shared>>) offsets(%dma_start3A_169 : memref<128xi32, #tpu.memory_space<vmem>>) semaphore(%run_scoped3A_166 : memref<!tpu.dma_semaphore, #tpu.memory_space<semaphore_mem>>) {add = true}
          %dma_wait3A_173 = arith.constant 0 : i32
          %dma_wait3A_174 = tpu.memref_slice %arg6[%add3A_135, %dma_wait3A_173] : memref<40x128xi32, #tpu.memory_space<vmem>> -> memref<1x128xi32, #tpu.memory_space<vmem>>
          %dma_wait3A_175 = tpu.memref_squeeze %dma_wait3A_174 : memref<1x128xi32, #tpu.memory_space<vmem>> -> memref<128xi32, #tpu.memory_space<vmem>>
          %dma_wait3A_176 = arith.constant 0 : i32
          %dma_wait3A_177 = arith.constant 0 : i32
          %dma_wait3A_178 = tpu.memref_slice %arg9[%dma_wait3A_176, %dma_wait3A_177] : memref<10000x128xf32, #tpu.memory_space<vmem_shared>> -> memref<10000x128xf32, #tpu.memory_space<vmem_shared>>
          tpu.wait_indirect_dma semaphore(%run_scoped3A_166 : memref<!tpu.dma_semaphore, #tpu.memory_space<semaphore_mem>>) src(%arg8 : memref<128x128xf32, #tpu.memory_space<vmem>>) dst(%dma_wait3A_178 : memref<10000x128xf32, #tpu.memory_space<vmem_shared>>)
          tpu.yield
        }) : () -> ()
        %add3A_150 = arith.constant 2 : i32
        %add3A_151 = arith.addi %add3A_135, %add3A_150 : i32
        %lt3A_152 = arith.constant 20 : i32
        %lt3A_153 = arith.cmpi slt, %add3A_151, %lt3A_152 : i32
        %convert_element_type3A_154 = arith.extui %lt3A_153 : i1 to i32
        %cond3A_155 = arith.constant 0 : i32
        %cond3A_156 = arith.cmpi ne, %convert_element_type3A_154, %cond3A_155 : i32
        scf.if %cond3A_156 {
          %add3A_166 = arith.constant 2 : i32
          %add3A_167 = arith.addi %add3A_135, %add3A_166 : i32
          %dma_start3A_168 = arith.constant 0 : i32
          %dma_start3A_169 = tpu.memref_slice %arg5[%add3A_167, %dma_start3A_168] : memref<40x128xi32, #tpu.memory_space<vmem>> -> memref<1x128xi32, #tpu.memory_space<vmem>>
          %dma_start3A_170 = tpu.memref_squeeze %dma_start3A_169 : memref<1x128xi32, #tpu.memory_space<vmem>> -> memref<128xi32, #tpu.memory_space<vmem>>
          %dma_start3A_171 = arith.constant 0 : i32
          %dma_start3A_172 = arith.constant 0 : i32
          %dma_start3A_173 = tpu.memref_slice %arg2[%dma_start3A_171, %dma_start3A_172] : memref<10000x128xf32, #tpu.memory_space<hbm>> -> memref<10000x128xf32, #tpu.memory_space<hbm>>
          tpu.enqueue_indirect_dma source(%dma_start3A_173 : memref<10000x128xf32, #tpu.memory_space<hbm>>) target(%arg8 : memref<128x128xf32, #tpu.memory_space<vmem>>) offsets(%dma_start3A_170 : memref<128xi32, #tpu.memory_space<vmem>>) semaphore(%arg11 : memref<!tpu.dma_semaphore, #tpu.memory_space<semaphore_mem>>)
        } else {
        }
        %dma_wait3A_157 = arith.constant 0 : i32
        %dma_wait3A_158 = arith.constant 0 : i32
        %dma_wait3A_159 = tpu.memref_slice %arg5[%dma_wait3A_157, %dma_wait3A_158] : memref<40x128xi32, #tpu.memory_space<vmem>> -> memref<1x128xi32, #tpu.memory_space<vmem>>
        %dma_wait3A_160 = tpu.memref_squeeze %dma_wait3A_159 : memref<1x128xi32, #tpu.memory_space<vmem>> -> memref<128xi32, #tpu.memory_space<vmem>>
        %dma_wait3A_161 = arith.constant 0 : i32
        %dma_wait3A_162 = arith.constant 0 : i32
        %dma_wait3A_163 = tpu.memref_slice %arg2[%dma_wait3A_161, %dma_wait3A_162] : memref<10000x128xf32, #tpu.memory_space<hbm>> -> memref<10000x128xf32, #tpu.memory_space<hbm>>
        tpu.wait_indirect_dma semaphore(%arg10 : memref<!tpu.dma_semaphore, #tpu.memory_space<semaphore_mem>>) src(%dma_wait3A_163 : memref<10000x128xf32, #tpu.memory_space<hbm>>) dst(%arg7 : memref<128x128xf32, #tpu.memory_space<vmem>>)
        %add3A_164 = arith.constant 1 : i32
        %add3A_165 = arith.addi %add3A_135, %add3A_164 : i32
        "tpu.region"() ({
          %run_scoped3A_166 = tpu.sem_alloc : memref<!tpu.dma_semaphore, #tpu.memory_space<semaphore_mem>>
          %dma_start3A_167 = arith.constant 0 : i32
          %dma_start3A_168 = tpu.memref_slice %arg6[%add3A_165, %dma_start3A_167] : memref<40x128xi32, #tpu.memory_space<vmem>> -> memref<1x128xi32, #tpu.memory_space<vmem>>
          %dma_start3A_169 = tpu.memref_squeeze %dma_start3A_168 : memref<1x128xi32, #tpu.memory_space<vmem>> -> memref<128xi32, #tpu.memory_space<vmem>>
          %dma_start3A_170 = arith.constant 0 : i32
          %dma_start3A_171 = arith.constant 0 : i32
          %dma_start3A_172 = tpu.memref_slice %arg9[%dma_start3A_170, %dma_start3A_171] : memref<10000x128xf32, #tpu.memory_space<vmem_shared>> -> memref<10000x128xf32, #tpu.memory_space<vmem_shared>>
          tpu.enqueue_indirect_dma source(%arg7 : memref<128x128xf32, #tpu.memory_space<vmem>>) target(%dma_start3A_172 : memref<10000x128xf32, #tpu.memory_space<vmem_shared>>) offsets(%dma_start3A_169 : memref<128xi32, #tpu.memory_space<vmem>>) semaphore(%run_scoped3A_166 : memref<!tpu.dma_semaphore, #tpu.memory_space<semaphore_mem>>) {add = true}
          %dma_wait3A_173 = arith.constant 0 : i32
          %dma_wait3A_174 = tpu.memref_slice %arg6[%add3A_165, %dma_wait3A_173] : memref<40x128xi32, #tpu.memory_space<vmem>> -> memref<1x128xi32, #tpu.memory_space<vmem>>
          %dma_wait3A_175 = tpu.memref_squeeze %dma_wait3A_174 : memref<1x128xi32, #tpu.memory_space<vmem>> -> memref<128xi32, #tpu.memory_space<vmem>>
          %dma_wait3A_176 = arith.constant 0 : i32
          %dma_wait3A_177 = arith.constant 0 : i32
          %dma_wait3A_178 = tpu.memref_slice %arg9[%dma_wait3A_176, %dma_wait3A_177] : memref<10000x128xf32, #tpu.memory_space<vmem_shared>> -> memref<10000x128xf32, #tpu.memory_space<vmem_shared>>
          tpu.wait_indirect_dma semaphore(%run_scoped3A_166 : memref<!tpu.dma_semaphore, #tpu.memory_space<semaphore_mem>>) src(%arg7 : memref<128x128xf32, #tpu.memory_space<vmem>>) dst(%dma_wait3A_178 : memref<10000x128xf32, #tpu.memory_space<vmem_shared>>)
          tpu.yield
        }) : () -> ()
      }
      %scan3A_130 = arith.constant 10 : i32
    } else {
    }
    %barrier3A_93 = arith.constant 0 : index
    tpu.barrier barrier_id(%barrier3A_93)
    %mul3A_94 = arith.constant 624 : i32
    %mul3A_95 = arith.muli %arg1, %mul3A_94 : i32
    %mul3A_96 = arith.constant 624 : i32
    %mul3A_97 = arith.muli %arg1, %mul3A_96 : i32
    "tpu.region"() ({
      %run_scoped3A_103 = tpu.sem_alloc : memref<!tpu.dma_semaphore, #tpu.memory_space<semaphore_mem>>
      %dma_start3A_104 = arith.constant 0 : i32
      %dma_start3A_105 = tpu.memref_slice %arg4[%arg0, %mul3A_97, %dma_start3A_104] : memref<2x10000x128xf32, #tpu.memory_space<hbm>> -> memref<1x624x128xf32, #tpu.memory_space<hbm>>
      %dma_start3A_106 = tpu.memref_squeeze %dma_start3A_105 : memref<1x624x128xf32, #tpu.memory_space<hbm>> -> memref<624x128xf32, #tpu.memory_space<hbm>>
      %dma_start3A_107 = arith.constant 0 : i32
      %dma_start3A_108 = tpu.memref_slice %arg9[%mul3A_95, %dma_start3A_107] : memref<10000x128xf32, #tpu.memory_space<vmem_shared>> -> memref<624x128xf32, #tpu.memory_space<vmem_shared>>
      tpu.enqueue_dma source(%dma_start3A_108 : memref<624x128xf32, #tpu.memory_space<vmem_shared>>) target(%dma_start3A_106 : memref<624x128xf32, #tpu.memory_space<hbm>>) target_semaphore(%run_scoped3A_103 : memref<!tpu.dma_semaphore, #tpu.memory_space<semaphore_mem>>)
      %dma_wait3A = arith.constant 0 : i32
      %dma_wait3A_109 = tpu.memref_slice %arg4[%arg0, %mul3A_97, %dma_wait3A] : memref<2x10000x128xf32, #tpu.memory_space<hbm>> -> memref<1x624x128xf32, #tpu.memory_space<hbm>>
      %dma_wait3A_110 = tpu.memref_squeeze %dma_wait3A_109 : memref<1x624x128xf32, #tpu.memory_space<hbm>> -> memref<624x128xf32, #tpu.memory_space<hbm>>
      %dma_wait3A_111 = arith.constant 0 : i32
      %dma_wait3A_112 = tpu.memref_slice %arg9[%mul3A_95, %dma_wait3A_111] : memref<10000x128xf32, #tpu.memory_space<vmem_shared>> -> memref<624x128xf32, #tpu.memory_space<vmem_shared>>
      tpu.wait_dma2 semaphore(%run_scoped3A_103 : memref<!tpu.dma_semaphore, #tpu.memory_space<semaphore_mem>>) src(%dma_wait3A_112 : memref<624x128xf32, #tpu.memory_space<vmem_shared>>) dst(%dma_wait3A_110 : memref<624x128xf32, #tpu.memory_space<hbm>>)
      tpu.yield
    }) : () -> ()
    %eq3A_98 = arith.constant 0 : i32
    %eq3A_99 = arith.cmpi eq, %arg1, %eq3A_98 : i32
    %convert_element_type3A_100 = arith.extui %eq3A_99 : i1 to i32
    %cond3A_101 = arith.constant 0 : i32
    %cond3A_102 = arith.cmpi ne, %convert_element_type3A_100, %cond3A_101 : i32
    scf.if %cond3A_102 {
      "tpu.region"() ({
        %run_scoped3A_103 = tpu.sem_alloc : memref<!tpu.dma_semaphore, #tpu.memory_space<semaphore_mem>>
        %dma_start3A_104 = arith.constant 9984 : i32
        %dma_start3A_105 = arith.constant 0 : i32
        %dma_start3A_106 = tpu.memref_slice %arg4[%arg0, %dma_start3A_104, %dma_start3A_105] : memref<2x10000x128xf32, #tpu.memory_space<hbm>> -> memref<1x16x128xf32, #tpu.memory_space<hbm>>
        %dma_start3A_107 = tpu.memref_squeeze %dma_start3A_106 : memref<1x16x128xf32, #tpu.memory_space<hbm>> -> memref<16x128xf32, #tpu.memory_space<hbm>>
        %dma_start3A_108 = arith.constant 9984 : i32
        %dma_start3A_109 = arith.constant 0 : i32
        %dma_start3A_110 = tpu.memref_slice %arg9[%dma_start3A_108, %dma_start3A_109] : memref<10000x128xf32, #tpu.memory_space<vmem_shared>> -> memref<16x128xf32, #tpu.memory_space<vmem_shared>>
        tpu.enqueue_dma source(%dma_start3A_110 : memref<16x128xf32, #tpu.memory_space<vmem_shared>>) target(%dma_start3A_107 : memref<16x128xf32, #tpu.memory_space<hbm>>) target_semaphore(%run_scoped3A_103 : memref<!tpu.dma_semaphore, #tpu.memory_space<semaphore_mem>>)
        %dma_wait3A = arith.constant 9984 : i32
        %dma_wait3A_111 = arith.constant 0 : i32
        %dma_wait3A_112 = tpu.memref_slice %arg4[%arg0, %dma_wait3A, %dma_wait3A_111] : memref<2x10000x128xf32, #tpu.memory_space<hbm>> -> memref<1x16x128xf32, #tpu.memory_space<hbm>>
        %dma_wait3A_113 = tpu.memref_squeeze %dma_wait3A_112 : memref<1x16x128xf32, #tpu.memory_space<hbm>> -> memref<16x128xf32, #tpu.memory_space<hbm>>
        %dma_wait3A_114 = arith.constant 9984 : i32
        %dma_wait3A_115 = arith.constant 0 : i32
        %dma_wait3A_116 = tpu.memref_slice %arg9[%dma_wait3A_114, %dma_wait3A_115] : memref<10000x128xf32, #tpu.memory_space<vmem_shared>> -> memref<16x128xf32, #tpu.memory_space<vmem_shared>>
        tpu.wait_dma2 semaphore(%run_scoped3A_103 : memref<!tpu.dma_semaphore, #tpu.memory_space<semaphore_mem>>) src(%dma_wait3A_116 : memref<16x128xf32, #tpu.memory_space<vmem_shared>>) dst(%dma_wait3A_113 : memref<16x128xf32, #tpu.memory_space<hbm>>)
        tpu.yield
      }) : () -> ()
    } else {
    }
    return
  }
}

module attributes {stable_mosaic.version = 14 : i64} {
  func.func @_mlp1_body(%arg0: i32, %arg1: memref<1xf32, #tpu.memory_space<smem>>, %arg2: memref<2000x128xf32, #tpu.memory_space<vmem>>, %arg3: memref<2x2000x128xf32, #tpu.memory_space<vmem>>, %arg4: memref<128x128xf32, #tpu.memory_space<vmem>>, %arg5: memref<1x128xf32, #tpu.memory_space<vmem>>, %arg6: memref<128x128xf32, #tpu.memory_space<vmem>>, %arg7: memref<1x128xf32, #tpu.memory_space<vmem>>, %arg8: memref<2000x128xf32, #tpu.memory_space<vmem>>) attributes {dimension_semantics = [#tpu.dimension_semantics<arbitrary>], iteration_bounds = array<i64: 5>, scalar_prefetch = 0 : i64, scratch_operands = 0 : i64, tpu.core_type = #tpu.core_type<tc>, window_params = [{transform_indices = @transform_0, window_bounds = array<i64: 1>}, {transform_indices = @transform_1, window_bounds = array<i64: 2000, 128>}, {transform_indices = @transform_2, window_bounds = array<i64: 2, 2000, 128>}, {pipeline_mode = #tpu.pipeline_mode<synchronous>, transform_indices = @transform_3, window_bounds = array<i64: 128, 128>}, {pipeline_mode = #tpu.pipeline_mode<synchronous>, transform_indices = @transform_4, window_bounds = array<i64: 1, 128>}, {pipeline_mode = #tpu.pipeline_mode<synchronous>, transform_indices = @transform_5, window_bounds = array<i64: 128, 128>}, {pipeline_mode = #tpu.pipeline_mode<synchronous>, transform_indices = @transform_6, window_bounds = array<i64: 1, 128>}, {transform_indices = @transform_7, window_bounds = array<i64: 2000, 128>}]} {
    %get3A = arith.constant 0 : index
    %get3A_0 = arith.constant 0 : index
    %get3A_1 = vector.load %arg2[%get3A, %get3A_0] : memref<2000x128xf32, #tpu.memory_space<vmem>>, vector<2000x128xf32>
    %get3A_2 = arith.constant 0 : index
    %get3A_3 = memref.load %arg1[%get3A_2] : memref<1xf32, #tpu.memory_space<smem>>
    %mul3A = vector.broadcast %get3A_3 : f32 to vector<2000x128xf32>
    %mul3A_4 = arith.mulf %get3A_1, %mul3A : vector<2000x128xf32>
    %get3A_5 = arith.constant 0 : index
    %get3A_6 = arith.constant 0 : index
    %get3A_7 = arith.constant 0 : index
    %get3A_8 = vector.load %arg3[%get3A_5, %get3A_6, %get3A_7] : memref<2x2000x128xf32, #tpu.memory_space<vmem>>, vector<1x2000x128xf32>
    %get3A_9 = vector.shape_cast %get3A_8 : vector<1x2000x128xf32> to vector<2000x128xf32>
    %add3A = arith.addf %mul3A_4, %get3A_9 : vector<2000x128xf32>
    %get3A_10 = arith.constant 1 : index
    %get3A_11 = arith.constant 0 : index
    %get3A_12 = arith.constant 0 : index
    %get3A_13 = vector.load %arg3[%get3A_10, %get3A_11, %get3A_12] : memref<2x2000x128xf32, #tpu.memory_space<vmem>>, vector<1x2000x128xf32>
    %get3A_14 = vector.shape_cast %get3A_13 : vector<1x2000x128xf32> to vector<2000x128xf32>
    %add3A_15 = arith.addf %add3A, %get3A_14 : vector<2000x128xf32>
    %get3A_16 = arith.constant 0 : index
    %get3A_17 = arith.constant 0 : index
    %get3A_18 = vector.load %arg4[%get3A_16, %get3A_17] : memref<128x128xf32, #tpu.memory_space<vmem>>, vector<128x128xf32>
    %dot_general3A = arith.constant dense<0.000000e+00> : vector<2000x128xf32>
    %dot_general3A_19 = tpu.matmul %add3A_15, %get3A_18, %dot_general3A {dimension_numbers = #tpu.dot_dimension_numbers<[1], [0], [0], [1], [0, 0, 1, 1], [], []>, transpose_lhs_hint = false} : vector<2000x128xf32>, vector<128x128xf32>, vector<2000x128xf32> -> vector<2000x128xf32>
    %get3A_20 = arith.constant 0 : index
    %get3A_21 = arith.constant 0 : index
    %get3A_22 = vector.load %arg5[%get3A_20, %get3A_21] : memref<1x128xf32, #tpu.memory_space<vmem>>, vector<1x128xf32>
    %add3A_23 = vector.broadcast %get3A_22 : vector<1x128xf32> to vector<2000x128xf32>
    %add3A_24 = arith.addf %dot_general3A_19, %add3A_23 : vector<2000x128xf32>
    %max3A = arith.constant 0.000000e+00 : f32
    %max3A_25 = vector.broadcast %max3A : f32 to vector<2000x128xf32>
    %max3A_26 = arith.maximumf %add3A_24, %max3A_25 : vector<2000x128xf32>
    %get3A_27 = arith.constant 0 : index
    %get3A_28 = arith.constant 0 : index
    %get3A_29 = vector.load %arg6[%get3A_27, %get3A_28] : memref<128x128xf32, #tpu.memory_space<vmem>>, vector<128x128xf32>
    %dot_general3A_30 = arith.constant dense<0.000000e+00> : vector<2000x128xf32>
    %dot_general3A_31 = tpu.matmul %max3A_26, %get3A_29, %dot_general3A_30 {dimension_numbers = #tpu.dot_dimension_numbers<[1], [0], [0], [1], [0, 0, 1, 1], [], []>, transpose_lhs_hint = false} : vector<2000x128xf32>, vector<128x128xf32>, vector<2000x128xf32> -> vector<2000x128xf32>
    %get3A_32 = arith.constant 0 : index
    %get3A_33 = arith.constant 0 : index
    %get3A_34 = vector.load %arg7[%get3A_32, %get3A_33] : memref<1x128xf32, #tpu.memory_space<vmem>>, vector<1x128xf32>
    %add3A_35 = vector.broadcast %get3A_34 : vector<1x128xf32> to vector<2000x128xf32>
    %add3A_36 = arith.addf %dot_general3A_31, %add3A_35 : vector<2000x128xf32>
    %max3A_37 = arith.constant 0.000000e+00 : f32
    %max3A_38 = vector.broadcast %max3A_37 : f32 to vector<2000x128xf32>
    %max3A_39 = arith.maximumf %add3A_36, %max3A_38 : vector<2000x128xf32>
    %swap3A = arith.constant 0 : index
    %swap3A_40 = arith.constant 0 : index
    %swap3A_41 = vector.load %arg8[%swap3A, %swap3A_40] : memref<2000x128xf32, #tpu.memory_space<vmem>>, vector<2000x128xf32>
    tpu.vector_store %arg8[%swap3A, %swap3A_40], %max3A_39 {strides = array<i32>} : memref<2000x128xf32, #tpu.memory_space<vmem>>, vector<2000x128xf32>,
    return
  }
  func.func @transform_0(%arg0: i32) -> i32 {
    %c0_i32 = arith.constant 0 : i32
    %c0_i32_0 = arith.constant 0 : i32
    return %c0_i32 : i32
  }
  func.func @transform_1(%arg0: i32) -> (i32, i32) {
    %c0_i32 = arith.constant 0 : i32
    %c0_i32_0 = arith.constant 0 : i32
    return %arg0, %c0_i32 : i32, i32
  }
  func.func @transform_2(%arg0: i32) -> (i32, i32, i32) {
    %c0_i32 = arith.constant 0 : i32
    %c0_i32_0 = arith.constant 0 : i32
    %c0_i32_1 = arith.constant 0 : i32
    return %c0_i32, %arg0, %c0_i32_0 : i32, i32, i32
  }
  func.func @transform_3(%arg0: i32) -> (i32, i32) {
    %c0_i32 = arith.constant 0 : i32
    %c0_i32_0 = arith.constant 0 : i32
    %c0_i32_1 = arith.constant 0 : i32
    return %c0_i32, %c0_i32_0 : i32, i32
  }
  func.func @transform_4(%arg0: i32) -> (i32, i32) {
    %c0_i32 = arith.constant 0 : i32
    %c0_i32_0 = arith.constant 0 : i32
    %c0_i32_1 = arith.constant 0 : i32
    return %c0_i32, %c0_i32_0 : i32, i32
  }
  func.func @transform_5(%arg0: i32) -> (i32, i32) {
    %c0_i32 = arith.constant 0 : i32
    %c0_i32_0 = arith.constant 0 : i32
    %c0_i32_1 = arith.constant 0 : i32
    return %c0_i32, %c0_i32_0 : i32, i32
  }
  func.func @transform_6(%arg0: i32) -> (i32, i32) {
    %c0_i32 = arith.constant 0 : i32
    %c0_i32_0 = arith.constant 0 : i32
    %c0_i32_1 = arith.constant 0 : i32
    return %c0_i32, %c0_i32_0 : i32, i32
  }
  func.func @transform_7(%arg0: i32) -> (i32, i32) {
    %c0_i32 = arith.constant 0 : i32
    %c0_i32_0 = arith.constant 0 : i32
    return %arg0, %c0_i32 : i32, i32
  }
}

module attributes {stable_mosaic.version = 14 : i64} {
  func.func @_mlp2_body(%arg0: i32, %arg1: memref<1xf32, #tpu.memory_space<smem>>, %arg2: memref<2000x128xf32, #tpu.memory_space<vmem>>, %arg3: memref<2x2000x128xf32, #tpu.memory_space<vmem>>, %arg4: memref<128x128xf32, #tpu.memory_space<vmem>>, %arg5: memref<1x128xf32, #tpu.memory_space<vmem>>, %arg6: memref<128x128xf32, #tpu.memory_space<vmem>>, %arg7: memref<1x128xf32, #tpu.memory_space<vmem>>, %arg8: memref<128x128xf32, #tpu.memory_space<vmem>>, %arg9: memref<1x128xf32, #tpu.memory_space<vmem>>, %arg10: memref<2000x40xf32, #tpu.memory_space<vmem>>) attributes {dimension_semantics = [#tpu.dimension_semantics<arbitrary>], iteration_bounds = array<i64: 5>, scalar_prefetch = 0 : i64, scratch_operands = 0 : i64, tpu.core_type = #tpu.core_type<tc>, window_params = [{transform_indices = @transform_0, window_bounds = array<i64: 1>}, {transform_indices = @transform_1, window_bounds = array<i64: 2000, 128>}, {transform_indices = @transform_2, window_bounds = array<i64: 2, 2000, 128>}, {pipeline_mode = #tpu.pipeline_mode<synchronous>, transform_indices = @transform_3, window_bounds = array<i64: 128, 128>}, {pipeline_mode = #tpu.pipeline_mode<synchronous>, transform_indices = @transform_4, window_bounds = array<i64: 1, 128>}, {pipeline_mode = #tpu.pipeline_mode<synchronous>, transform_indices = @transform_5, window_bounds = array<i64: 128, 128>}, {pipeline_mode = #tpu.pipeline_mode<synchronous>, transform_indices = @transform_6, window_bounds = array<i64: 1, 128>}, {pipeline_mode = #tpu.pipeline_mode<synchronous>, transform_indices = @transform_7, window_bounds = array<i64: 128, 128>}, {pipeline_mode = #tpu.pipeline_mode<synchronous>, transform_indices = @transform_8, window_bounds = array<i64: 1, 128>}, {transform_indices = @transform_9, window_bounds = array<i64: 2000, 40>}]} {
    %get3A = arith.constant 0 : index
    %get3A_0 = arith.constant 0 : index
    %get3A_1 = vector.load %arg2[%get3A, %get3A_0] : memref<2000x128xf32, #tpu.memory_space<vmem>>, vector<2000x128xf32>
    %get3A_2 = arith.constant 0 : index
    %get3A_3 = memref.load %arg1[%get3A_2] : memref<1xf32, #tpu.memory_space<smem>>
    %mul3A = vector.broadcast %get3A_3 : f32 to vector<2000x128xf32>
    %mul3A_4 = arith.mulf %get3A_1, %mul3A : vector<2000x128xf32>
    %get3A_5 = arith.constant 0 : index
    %get3A_6 = arith.constant 0 : index
    %get3A_7 = arith.constant 0 : index
    %get3A_8 = vector.load %arg3[%get3A_5, %get3A_6, %get3A_7] : memref<2x2000x128xf32, #tpu.memory_space<vmem>>, vector<1x2000x128xf32>
    %get3A_9 = vector.shape_cast %get3A_8 : vector<1x2000x128xf32> to vector<2000x128xf32>
    %add3A = arith.addf %mul3A_4, %get3A_9 : vector<2000x128xf32>
    %get3A_10 = arith.constant 1 : index
    %get3A_11 = arith.constant 0 : index
    %get3A_12 = arith.constant 0 : index
    %get3A_13 = vector.load %arg3[%get3A_10, %get3A_11, %get3A_12] : memref<2x2000x128xf32, #tpu.memory_space<vmem>>, vector<1x2000x128xf32>
    %get3A_14 = vector.shape_cast %get3A_13 : vector<1x2000x128xf32> to vector<2000x128xf32>
    %add3A_15 = arith.addf %add3A, %get3A_14 : vector<2000x128xf32>
    %get3A_16 = arith.constant 0 : index
    %get3A_17 = arith.constant 0 : index
    %get3A_18 = vector.load %arg4[%get3A_16, %get3A_17] : memref<128x128xf32, #tpu.memory_space<vmem>>, vector<128x128xf32>
    %dot_general3A = arith.constant dense<0.000000e+00> : vector<2000x128xf32>
    %dot_general3A_19 = tpu.matmul %add3A_15, %get3A_18, %dot_general3A {dimension_numbers = #tpu.dot_dimension_numbers<[1], [0], [0], [1], [0, 0, 1, 1], [], []>, transpose_lhs_hint = false} : vector<2000x128xf32>, vector<128x128xf32>, vector<2000x128xf32> -> vector<2000x128xf32>
    %get3A_20 = arith.constant 0 : index
    %get3A_21 = arith.constant 0 : index
    %get3A_22 = vector.load %arg5[%get3A_20, %get3A_21] : memref<1x128xf32, #tpu.memory_space<vmem>>, vector<1x128xf32>
    %add3A_23 = vector.broadcast %get3A_22 : vector<1x128xf32> to vector<2000x128xf32>
    %add3A_24 = arith.addf %dot_general3A_19, %add3A_23 : vector<2000x128xf32>
    %max3A = arith.constant 0.000000e+00 : f32
    %max3A_25 = vector.broadcast %max3A : f32 to vector<2000x128xf32>
    %max3A_26 = arith.maximumf %add3A_24, %max3A_25 : vector<2000x128xf32>
    %get3A_27 = arith.constant 0 : index
    %get3A_28 = arith.constant 0 : index
    %get3A_29 = vector.load %arg6[%get3A_27, %get3A_28] : memref<128x128xf32, #tpu.memory_space<vmem>>, vector<128x128xf32>
    %dot_general3A_30 = arith.constant dense<0.000000e+00> : vector<2000x128xf32>
    %dot_general3A_31 = tpu.matmul %max3A_26, %get3A_29, %dot_general3A_30 {dimension_numbers = #tpu.dot_dimension_numbers<[1], [0], [0], [1], [0, 0, 1, 1], [], []>, transpose_lhs_hint = false} : vector<2000x128xf32>, vector<128x128xf32>, vector<2000x128xf32> -> vector<2000x128xf32>
    %get3A_32 = arith.constant 0 : index
    %get3A_33 = arith.constant 0 : index
    %get3A_34 = vector.load %arg7[%get3A_32, %get3A_33] : memref<1x128xf32, #tpu.memory_space<vmem>>, vector<1x128xf32>
    %add3A_35 = vector.broadcast %get3A_34 : vector<1x128xf32> to vector<2000x128xf32>
    %add3A_36 = arith.addf %dot_general3A_31, %add3A_35 : vector<2000x128xf32>
    %max3A_37 = arith.constant 0.000000e+00 : f32
    %max3A_38 = vector.broadcast %max3A_37 : f32 to vector<2000x128xf32>
    %max3A_39 = arith.maximumf %add3A_36, %max3A_38 : vector<2000x128xf32>
    %get3A_40 = arith.constant 0 : index
    %get3A_41 = arith.constant 0 : index
    %get3A_42 = vector.load %arg8[%get3A_40, %get3A_41] : memref<128x128xf32, #tpu.memory_space<vmem>>, vector<128x128xf32>
    %dot_general3A_43 = arith.constant dense<0.000000e+00> : vector<2000x128xf32>
    %dot_general3A_44 = tpu.matmul %max3A_39, %get3A_42, %dot_general3A_43 {dimension_numbers = #tpu.dot_dimension_numbers<[1], [0], [0], [1], [0, 0, 1, 1], [], []>, transpose_lhs_hint = false} : vector<2000x128xf32>, vector<128x128xf32>, vector<2000x128xf32> -> vector<2000x128xf32>
    %get3A_45 = arith.constant 0 : index
    %get3A_46 = arith.constant 0 : index
    %get3A_47 = vector.load %arg9[%get3A_45, %get3A_46] : memref<1x128xf32, #tpu.memory_space<vmem>>, vector<1x128xf32>
    %add3A_48 = vector.broadcast %get3A_47 : vector<1x128xf32> to vector<2000x128xf32>
    %add3A_49 = arith.addf %dot_general3A_44, %add3A_48 : vector<2000x128xf32>
    %reduce_max3A = arith.constant dense<0xFF800000> : vector<2000xf32>
    %reduce_max3A_50 = vector.multi_reduction <maximumf>, %add3A_49, %reduce_max3A [1] : vector<2000x128xf32> to vector<2000xf32>
    %broadcast_in_dim3A = vector.shape_cast %reduce_max3A_50 : vector<2000xf32> to vector<2000x1xf32>
    %sub3A = vector.broadcast %broadcast_in_dim3A : vector<2000x1xf32> to vector<2000x128xf32>
    %sub3A_51 = arith.subf %add3A_49, %sub3A : vector<2000x128xf32>
    %exp3A = math.exp %sub3A_51 : vector<2000x128xf32>
    %reduce_sum3A = arith.constant dense<0.000000e+00> : vector<2000xf32>
    %reduce_sum3A_52 = vector.multi_reduction <add>, %exp3A, %reduce_sum3A [1] : vector<2000x128xf32> to vector<2000xf32>
    %broadcast_in_dim3A_53 = vector.shape_cast %reduce_sum3A_52 : vector<2000xf32> to vector<2000x1xf32>
    %log3A = math.log %broadcast_in_dim3A_53 : vector<2000x1xf32>
    %sub3A_54 = vector.broadcast %broadcast_in_dim3A : vector<2000x1xf32> to vector<2000x128xf32>
    %sub3A_55 = arith.subf %add3A_49, %sub3A_54 : vector<2000x128xf32>
    %sub3A_56 = vector.broadcast %log3A : vector<2000x1xf32> to vector<2000x128xf32>
    %sub3A_57 = arith.subf %sub3A_55, %sub3A_56 : vector<2000x128xf32>
    %slice3A = vector.extract_strided_slice %sub3A_57 {offsets = [0, 0], sizes = [2000, 40], strides = [1, 1]} : vector<2000x128xf32> to vector<2000x40xf32>
    %swap3A = arith.constant 0 : index
    %swap3A_58 = arith.constant 0 : index
    %swap3A_59 = vector.load %arg10[%swap3A, %swap3A_58] : memref<2000x40xf32, #tpu.memory_space<vmem>>, vector<2000x40xf32>
    tpu.vector_store %arg10[%swap3A, %swap3A_58], %slice3A {strides = array<i32>} : memref<2000x40xf32, #tpu.memory_space<vmem>>, vector<2000x40xf32>,
    return
  }
  func.func @transform_0(%arg0: i32) -> i32 {
    %c0_i32 = arith.constant 0 : i32
    %c0_i32_0 = arith.constant 0 : i32
    return %c0_i32 : i32
  }
  func.func @transform_1(%arg0: i32) -> (i32, i32) {
    %c0_i32 = arith.constant 0 : i32
    %c0_i32_0 = arith.constant 0 : i32
    return %arg0, %c0_i32 : i32, i32
  }
  func.func @transform_2(%arg0: i32) -> (i32, i32, i32) {
    %c0_i32 = arith.constant 0 : i32
    %c0_i32_0 = arith.constant 0 : i32
    %c0_i32_1 = arith.constant 0 : i32
    return %c0_i32, %arg0, %c0_i32_0 : i32, i32, i32
  }
  func.func @transform_3(%arg0: i32) -> (i32, i32) {
    %c0_i32 = arith.constant 0 : i32
    %c0_i32_0 = arith.constant 0 : i32
    %c0_i32_1 = arith.constant 0 : i32
    return %c0_i32, %c0_i32_0 : i32, i32
  }
  func.func @transform_4(%arg0: i32) -> (i32, i32) {
    %c0_i32 = arith.constant 0 : i32
    %c0_i32_0 = arith.constant 0 : i32
    %c0_i32_1 = arith.constant 0 : i32
    return %c0_i32, %c0_i32_0 : i32, i32
  }
  func.func @transform_5(%arg0: i32) -> (i32, i32) {
    %c0_i32 = arith.constant 0 : i32
    %c0_i32_0 = arith.constant 0 : i32
    %c0_i32_1 = arith.constant 0 : i32
    return %c0_i32, %c0_i32_0 : i32, i32
  }
  func.func @transform_6(%arg0: i32) -> (i32, i32) {
    %c0_i32 = arith.constant 0 : i32
    %c0_i32_0 = arith.constant 0 : i32
    %c0_i32_1 = arith.constant 0 : i32
    return %c0_i32, %c0_i32_0 : i32, i32
  }
  func.func @transform_7(%arg0: i32) -> (i32, i32) {
    %c0_i32 = arith.constant 0 : i32
    %c0_i32_0 = arith.constant 0 : i32
    %c0_i32_1 = arith.constant 0 : i32
    return %c0_i32, %c0_i32_0 : i32, i32
  }
  func.func @transform_8(%arg0: i32) -> (i32, i32) {
    %c0_i32 = arith.constant 0 : i32
    %c0_i32_0 = arith.constant 0 : i32
    %c0_i32_1 = arith.constant 0 : i32
    return %c0_i32, %c0_i32_0 : i32, i32
  }
  func.func @transform_9(%arg0: i32) -> (i32, i32) {
    %c0_i32 = arith.constant 0 : i32
    %c0_i32_0 = arith.constant 0 : i32
    return %arg0, %c0_i32 : i32, i32
  }
}

</mosaic_0001>

<sc_bundles>
// kernel: kernel.6.cloned.1.call-start
scs
__scs_entry_jumppad:
0x0: {  	(pc) =	sbr.rel $0x88, $3  }
0x1: {  	(tag) =	ssettag $0x0;
	lr =	simm.s32 $0x1  }
0x2: {  	[smem:$0x3F93] =	sst lr;
	_ =	strace $0xD0000000  }
0x3: {  	_ = 	snop  }
0x4: {  	_ = 	snop  }
0x5: {  	_ = 	snop  }
0x6: {  	_ = 	snop  }
0x7: {  	_ = 	snop  }
__scs_overlays_trampoline_lowered:
0x8: {  	[smem:$0x3FA2] =	sst s0  }
0x9: {  	[smem:$0x3FA3] =	sst s1  }
0xa: {  	[smem:$0x3FA4] =	sst s2  }
0xb: {  	[smem:$0x3FA5] =	sst s3  }
0xc: {  	[smem:$0x3FA6] =	sst s4  }
0xd: {  	[smem:$0x3FA7] =	sst s5  }
0xe: {  	[smem:$0x3FA8] =	sst s6  }
0xf: {  	[smem:$0x3FA9] =	sst s7  }
0x10: {  	[smem:$0x3FAA] =	sst s8  }
0x11: {  	[smem:$0x3FAB] =	sst s9;
	s0 =	simm.s32 @!p0 $0x0  }
0x12: {  	s1 =	sld [smem:$0x3F91];
	s0 =	simm.s32 @p0 $0x1  }
0x13: {  	[smem:$0x3FAC] =	sst s0;
	s0 =	simm.s32 @!p1 $0x0  }
0x14: {  	s2 =	sld [smem:$0x3F90];
	s0 =	simm.s32 @p1 $0x1  }
0x15: {  	[smem:$0x3FAD] =	sst s0;
	s0 =	simm.s32 @!p2 $0x0  }
0x16: {  	s3 =	sld [smem:$0x3FDB];
	s0 =	simm.s32 @p2 $0x1  }
0x17: {  	s4 =	simm.s32 $0x1BF5;
	[smem:$0x3FAF] =	sst s0  }
0x18: {  	s0 =	sld [smem:$0x3F92];
	_ =	swait.ge [sflag:s4], $0x0  }
0x19: {  	s7 =	sld [smem:$0x3F93]  }
0x1a: {  	s8 =	sadd.s32 $0xFFFFE003, lr  }
0x1b: {  	s9 =	sadd.s32 $0xFFFFFEF7, lr;
	s5 =	simm.s32 $0xFFFFFFFF;
	p2 =	slt.u32 s8, $0xFFFFF086  }
0x1c: {  	p1 =	slt.u32 s9, $0xF7A;
	s5 =	simm.s32 @!p2 $0x0  }
0x1d: {  	s5 =	simm.s32 @p1 $0x1;
	p0 =	seq.s32 s7, s2  }
0x1e: {  	s7 =	smul.u32 @!p0 $0xF7A, s2;
	p2 =	seq.s32 @!p0 s5, $0x0  }
0x1f: {  	s9 =	smul.u32 $0xF7A, s1;
	s8 =	simm.s32 @!p0 $0x1BF5;
	p2 =	por !p2, p0  }
0x20: {  	[sflag:s8] =	ssyncset.s32 @!p0 $0xFFFFF086;
	s6 =	sadd.s32 @!p0 s3, s7;
	s7 =	simm.s32 @!p0 $0x108  }
0x21: {  	s3 =	sadd.s32 s3, s9;
	s6 =	sadd.s32 @!p0 $0x88, s6;
	s7 =	simm.s32 @p2 $0x1082  }
0x22: {  	[simem:s7], [sflag:s8] =	dma.local @!p0 [hbm:s6], $0xF7A  }
0x23: {  	s9 =	sor.u32 $0xD0000000, s2;
	s6 =	simm.s32 $0x108;
	_ =	swait.ge @!p0 [sflag:s8], $0x0  }
0x24: {  	s3 =	sadd.s32 $0x88, s3;
	s6 =	simm.s32 @!p1 $0x1082;
	[sflag:s4] =	ssyncset.s32 $0xFFFFF086  }
0x25: {  	[simem:s6], [sflag:s4] =	dma.local [hbm:s3], $0xF7A  }
0x26: {  	[smem:$0x3F93] =	sst s1;
	(tag) =	ssettag s2;
	_ =	strace s9  }
0x27: {  	s1 =	sld [smem:$0x3FA3]  }
0x28: {  	s2 =	sld [smem:$0x3FA4]  }
0x29: {  	s4 =	sld [smem:$0x3FA6]  }
0x2a: {  	p0 =	seq.s32 s5, $0x0;
	s5 =	sld [smem:$0x3FA7]  }
0x2b: {  	s6 =	sld [smem:$0x3FA8]  }
0x2c: {  	s7 =	sld [smem:$0x3FA9]  }
0x2d: {  	s3 =	simm.s32 $0x108;
	s8 =	sld [smem:$0x3FAA]  }
0x2e: {  	s3 =	simm.s32 @!p0 $0x1082;
	s9 =	sld [smem:$0x3FAB]  }
0x2f: {  	lr =	sadd.s32 s0, s3;
	s0 =	sld [smem:$0x3FA2]  }
0x30: {  	s3 =	sld [smem:$0x3FA5]  }
0x31: {  	[smem:$0x3FAE] =	sst s10  }
0x32: {  	s10 =	sld [smem:$0x3FAC];
	_ =	sdelay $0x3  }
0x33: {  	p0 =	seq.s32 s10, $0x1;
	s10 =	sld [smem:$0x3FAE];
	_ =	sdelay $0x3  }
0x34: {  	[smem:$0x3FAE] =	sst s10  }
0x35: {  	s10 =	sld [smem:$0x3FAD];
	_ =	sdelay $0x3  }
0x36: {  	p1 =	seq.s32 s10, $0x1;
	s10 =	sld [smem:$0x3FAE];
	_ =	sdelay $0x3  }
0x37: {  	[smem:$0x3FAE] =	sst s10  }
0x38: {  	s10 =	sld [smem:$0x3FAF]  }
0x39: {  	_ = 	snop;
	(pc) =	sbr.ind lr, $3  }
0x3a: {  	_ = 	snop  }
0x3b: {  	_ = 	snop  }
0x3c: {  	p2 =	seq.s32 s10, $0x1;
	s10 =	sld [smem:$0x3FAE]  }
0x3d: {  	_ =	shalt  }
0x3e: {  	_ =	shalt  }
0x3f: {  	_ =	shalt  }
0x40: {  	_ =	shalt  }
0x41: {  	_ =	shalt  }
0x42: {  	_ =	shalt  }
0x43: {  	_ =	shalt  }
0x44: {  	_ =	shalt  }
0x45: {  	_ =	shalt  }
0x46: {  	_ =	shalt  }
0x47: {  	_ =	shalt  }
0x48: {  	_ =	shalt  }
0x49: {  	_ =	shalt  }
0x4a: {  	_ =	shalt  }
0x4b: {  	_ =	shalt  }
0x4c: {  	_ =	shalt  }
0x4d: {  	_ =	shalt  }
0x4e: {  	_ =	shalt  }
0x4f: {  	_ =	shalt  }
0x50: {  	_ =	shalt  }
0x51: {  	_ =	shalt  }
0x52: {  	_ =	shalt  }
0x53: {  	_ =	shalt  }
0x54: {  	_ =	shalt  }
0x55: {  	_ =	shalt  }
0x56: {  	_ =	shalt  }
0x57: {  	_ =	shalt  }
0x58: {  	_ =	shalt  }
0x59: {  	_ =	shalt  }
0x5a: {  	_ =	shalt  }
0x5b: {  	_ =	shalt  }
0x5c: {  	_ =	shalt  }
0x5d: {  	_ =	shalt  }
0x5e: {  	_ =	shalt  }
0x5f: {  	_ =	shalt  }
0x60: {  	_ =	shalt  }
0x61: {  	_ =	shalt  }
0x62: {  	_ =	shalt  }
0x63: {  	_ =	shalt  }
0x64: {  	_ =	shalt  }
0x65: {  	_ =	shalt  }
0x66: {  	_ =	shalt  }
0x67: {  	_ =	shalt  }
0x68: {  	_ =	shalt  }
0x69: {  	_ =	shalt  }
0x6a: {  	_ =	shalt  }
0x6b: {  	_ =	shalt  }
0x6c: {  	_ =	shalt  }
0x6d: {  	_ =	shalt  }
0x6e: {  	_ =	shalt  }
0x6f: {  	_ =	shalt  }
0x70: {  	_ =	shalt  }
0x71: {  	_ =	shalt  }
0x72: {  	_ =	shalt  }
0x73: {  	_ =	shalt  }
0x74: {  	_ =	shalt  }
0x75: {  	_ =	shalt  }
0x76: {  	_ =	shalt  }
0x77: {  	_ =	shalt  }
0x78: {  	_ =	shalt  }
0x79: {  	_ =	shalt  }
0x7a: {  	_ =	shalt  }
0x7b: {  	_ =	shalt  }
0x7c: {  	_ =	shalt  }
0x7d: {  	_ =	shalt  }
0x7e: {  	_ =	shalt  }
0x7f: {  	_ =	shalt  }
0x80: {  	_ =	shalt  }
0x81: {  	_ =	shalt  }
0x82: {  	_ =	shalt  }
0x83: {  	_ =	shalt  }
0x84: {  	_ =	shalt  }
0x85: {  	_ =	shalt  }
0x86: {  	_ =	shalt  }
0x87: {  	_ =	shalt  }
.Lfunc_end0:
.L_simem_size_0:
called_computation_lowered:
.L_overlay_start_0:
0x88: {  	s2 =	sld [smem:$0x3FD9]  }
0x89: {  	s3 =	sld [smem:$0x3FFE];
	_ =	sdelay $0x1  }
0x8a: {  	s1 =	srdreg.scid  }
0x8b: {  	s0 =	sand.u32 $0x1, s1  }
0x8c: {  	s17 =	sshll.u32 s0, $0xA;
	s2 =	sadd.s32 s3, s2  }
0x8d: {  	s2 =	sadd.s32 s2, s17  }
0x8e: {  	[smem:$0x3FBA] =	sst s2  }
0x8f: {  	_ = 	snop  }
0x90: {  	s2 =	sld [smem:$0x3FC9];
	(tm) =	ssettm $0x1  }
0x91: {  	s18 =	sld [smem:$0x3FFB];
	_ =	sdelay $0x3  }
0x92: {  	_ =	strace s18  }
0x93: {  	s3 =	sld [smem:$0x3FFC];
	_ =	sdelay $0x3  }
0x94: {  	_ =	strace s3  }
0x95: {  	s3 =	sld [smem:$0x3FFD];
	_ =	sdelay $0x3  }
0x96: {  	_ =	strace s3  }
0x97: {  	_ =	strace $0x8FFFFFFF  }
0x98: {  	s19 =	sld [smem:$0x3FDB];
	_ =	sdelay $0x1  }
0x99: {  	s4 =	simm.s32 $_scs_section_size  }
0x9a: {  	s5 =	simm.s32 $_size__tile_overlayer_lowered;
	s6 =	simm.s32 $_tile_overlayer_lowered  }
0x9b: {  	s22 =	simm.s32 $0x1BFF;
	s21 =	sshll.u32 s6, $0x1;
	s3 =	sadd.s32 s4, s19  }
0x9c: {  	s7 =	simm.s32 $0x0;
	s20 =	sshll.u32 s5, $0x1;
	s5 =	sadd.s32 s21, s3  }
0x9d: {  	[timem:s7], [sflag:s22] =	dma.local [hbm:s5], s20  }
0x9e: {  	_ =	swait.ge [sflag:s22], s20  }
0x9f: {  	s4 =	ssub.s32 $0x0, s20;
	[sflag:s22] =	ssyncset.done $0x0  }
0xa0: {  	[sflag:s22] =	ssyncadd.s32 s4;
	_ =	sdelay $0x1  }
0xa1: {  	s23 =	simm.s32 $0x1B8B  }
0xa2: {  	_ =	swait.ge [sflag:s23], $0x1  }
0xa3: {  	[sflag:s23] =	ssyncset.done $0x0  }
0xa4: {  	s25 =	simm.s32 $0x1B8E;
	s24 =	sld [smem:$0x3FFE];
	[sflag:s23] =	ssyncadd.s32 $0xFFFFFFFF  }
0xa5: {  	s26 =	simm.s32 $execute0_lowered;
	[smem:$0x3FD2] =	sst s25  }
0xa6: {  	s5 =	sshll.u32 s26, $0x1;
	_ =	strace $0x80000046;
	[dreg:$0x1] =	wrdreg $0xFFFFFFFF  }
0xa7: {  	s28 =	simm.s32 $_size_execute0_lowered;
	s3 =	sadd.s32 s3, s5;
	[dreg:$0x0] =	wrdreg $0x0  }
0xa8: {  	s5 =	sshll.u32 s28, $0x1;
	[dreg:$0x2] =	wrdreg s3  }
0xa9: {  	[dreg:$0x3] =	wrdreg s5  }
0xaa: {  	[dreg:$0x4] =	wrdreg $0xC0  }
0xab: {  	_ =	task [dreg:s7], $0x5FFFF  }
0xac: {  	[dreg:$0x1] =	wrdreg $0xFFFFFFFF  }
0xad: {  	[dreg:$0x0] =	wrdreg $0x60  }
0xae: {  	[dreg:$0x2] =	wrdreg s2  }
0xaf: {  	[dreg:$0x3] =	wrdreg s24  }
0xb0: {  	[dreg:$0x4] =	wrdreg $0xA8000  }
0xb1: {  	[dreg:$0x5] =	wrdreg $0x9  }
0xb2: {  	_ =	task.clear_ibuf [dreg:s7], $0x6FFFF;
	_ =	strace $0x90000046  }
0xb3: {  	s29 =	simm.s32 $0x9;
	_ =	strace $0x80000048  }
0xb4: {  	_ =	swait.ge [sflag:s29], $0x1  }
0xb5: {  	[sflag:s29] =	ssyncadd.s32 $0xFFFFFFFF  }
0xb6: {  	_ =	strace $0x90000048  }
0xb7: {  	_ =	sfence  }
0xb8: {  	s30 =	sld [smem:$0x0];
	_ =	sdelay $0x2  }
0xb9: {  	s31 =	sshll.u32 s1, $0xD;
	s1 =	sshrl.u32 s1, $0x2  }
0xba: {  	s3 =	sand.u32 $0x4000, s31;
	s1 =	sadd.s32 s1, s30  }
0xbb: {  	s0 =	sor.u32 s3, s0;
	s1 =	sshll.u32 s1, $0x11  }
0xbc: {  	s0 =	sor.u32 s1, s0  }
0xbd: {  	s0 =	sadd.s32 $0x8F2B, s0  }
0xbe: {  	[sflag:s0] =	ssyncadd.remote.s32 $0x1  }
0xbf: {  	_ =	sfence.sel $0xFFFF  }
0xc0: {  	[dreg:$0x0] =	wrdreg $0xFFFFFFFF;
	(pc) =	sbr.abs _section_cstart, $3  }
0xc1: {  	[dreg:$0x1] =	wrdreg $0xFFFFFFFF  }
0xc2: {  	_ =	task.clear_ibuf [dreg:s7], $0x2FFFF;
	_ =	strace $0x9FFFFFFF  }
0xc3: {  	(tm) =	ssettm $0x7FFFFFFF  }
tec
execute0_lowered:
.L_overlay_start_1:
0x0: {  	(tag) =	ssettag $0x1  }
0x1: {  	s0 =	rddreg [dreg:$0x0]  }
0x2: {  	s1 =	srdreg.scid;
	s15 =	rddreg [dreg:$0x1]  }
0x3: {  	s2 =	stileid.u32;
	s3 =	rddreg [dreg:$0x2]  }
0x4: {  	s4 =	simm.s32 $0x0;
	s28 =	simm.s32 $0x2;
	s29 =	simm.s32 $0x1  }
0x5: {  	s31 =	simm.s32 $0x2700;
	s13 =	sand.u32 $0x1, s1;
	[smem:$0x7FF] =	sst s4  }
0x6: {  	s14 =	sadd.s32 $0x2C00, s15;
	s16 =	sadd.s32 $0x16600, s15;
	s23 =	smul.u32 $0x4E000, s2  }
0x7: {  	s12 =	sadd.s32 $0x138000, s3;
	s30 =	smul.u32 $0x13800, s2;
	p3 =	sgt.u32 s2, $0xB  }
0x8: {  	s1 =	sshll.u32 s13, $0x4;
	_ =	strace $0x80000047;
	s9 =	ssub.s32 $0x2, s13  }
0x9: {  	p1 =	seq.s32 s13, $0x0;
	s1 =	sor.u32 s2, s1;
	s20 =	sshrl.u32 s9, $0x1  }
0xa: {  	s26 =	sshrl.u32 s23, $0x2;
	s23 =	sadd.s32 $0xC700, s15;
	s5 =	smul.u32 $0x50, s1  }
0xb: {  	s6 =	smul.u32 $0x48, s1;
	p0 =	sgt.u32 s1, $0xB;
	s21 =	sand.u32 $0x1C, s1  }
0xc: {  	s22 =	sadd.s32 $0xFFFFFFE4, s1;
	s18 =	ssub.s32 s9, s20;
	s20 =	smul.u32 $0x138800, s13  }
0xd: {  	[dreg:$0x6] =	wrdreg s23;
	s23 =	simm.s32 $0x1400;
	p2 =	sne.s32 s1, $0x1F  }
0xe: {  	p5 =	seq.s32 s21, $0xC;
	p6 =	slt.u32 s22, $0x3;
	s21 =	sadd.s32 $0xC600, s15  }
0xf: {  	s22 =	sadd.s32 $0x16280, s15;
	s15 =	sadd.s32 $0x16380, s15;
	[dreg:$0x4] =	wrdreg s21  }
0x10: {  	s7 =	sadd.s32 $0x60, s6;
	s8 =	sadd.s32 $0xFFFFFFE0, s5;
	[dreg:$0x5] =	wrdreg s22  }
0x11: {  	[dreg:$0x7] =	wrdreg s15;
	s21 =	smax.u32 s18, $0x1;
	s22 =	simm.s32 $0x3  }
0x12: {  	s18 =	simm.s32 $0x0;
	s5 =	smov.u32 @p0 s7;
	p0 =	sgt.u32 s1, $0x1B  }
0x13: {  	s7 =	sadd.s32 s26, s3;
	s1 =	simm.s32 $0x2780;
	s8 =	smov.u32 @p1 s5  }
0x14: {  	s5 =	sadd.s32 $0xC0, s6;
	s9 =	sadd.s32 $0x8000, s7;
	s10 =	sadd.s32 $0xC000, s7  }
0x15: {  	s11 =	sadd.s32 $0x10000, s7;
	p1 =	sne.s32 s2, $0x0;
	s8 =	smov.u32 @p0 s5  }
0x16: {  	p0 =	por p5, p6;
	s17 =	sshll.u32 s8, $0x7;
	s25 =	sshll.u32 s8, $0x4  }
0x17: {  	s8 =	sadd.s32 $0x4000, s7;
	s24 =	sshrl.u32 s17, $0x3;
	s5 =	sadd.s32 s14, s25  }
0x18: {  	s19 =	sadd.s32 $0x1400, s17;
	s17 =	sadd.s32 $0x4F800, s17;
	s25 =	sshrl.u32 s20, $0x3  }
.Ltmp0:
0x19: {  	s6 =	sadd.s32 s14, s24;
	s19 =	sshrl.u32 s19, $0x3;
	(pc) =	sbr.rel .LBB2_1-.Ltmp0, $4  }
0x1a: {  	s17 =	sshrl.u32 s17, $0x3;
	s24 =	sadd.s32 s30, s20;
	s30 =	sadd.s32 s16, s25  }
0x1b: {  	s25 =	simm.s32 $0x6800;
	s6 =	sadd.s32 $0x9C80, s6;
	s13 =	sadd.s32 s14, s19  }
0x1c: {  	s14 =	sadd.s32 s14, s17;
	s26 =	sshrl.u32 s24, $0x3;
	s20 =	sadd.s32 $0x27000, s30  }
0x1d: {  	v0 =	vimm.f32 $0.0e+00;
	s24 =	simm.s32 $0x80;
	s19 =	sadd.s32 s16, s26;
	s26 =	simm.s32 $0x2800  }
.LBB2_15:
0x1e: {  	s2 =	stileid.u32  }
0x1f: {  	s2 =	sshll.u32 s2, $0x6  }
0x20: {  	[bflag:$0x0] =	sbarrier.arrive $0xFFFF;
	s15 =	sshrl.u32 s7, $0x3;
	s2 =	sor.u32 $0x1C03, s2  }
0x21: {  	[hbm:s19], [sflag:s2] =	dma.local [spmem:s15], $0x2700  }
0x22: {  	_ =	swait.ge [sflag:s22], $0x2700  }
0x23: {  	s18 =	sadd.s32 $0x1, s18;
	[sflag:s22] =	ssyncset.done $0x0  }
0x24: {  	p4 =	sne.s32 s18, s21;
	s15 =	sshrl.u32 @!p1 s12, $0x3;
	[sflag:s22] =	ssyncadd.s32 $0xFFFFD900  }
0x25: {  	[hbm:s20], [sflag:s2] =	dma.local @!p1 [spmem:s15], $0x100  }
.Ltmp1:
0x26: {  	_ = 	snop;
	(pc) =	sbr.rel @!p4 .LBB2_16-.Ltmp1, $4  }
0x27: {  	s2 =	simm.s32 @!p1 $0x3  }
0x28: {  	_ =	swait.ge @!p1 [sflag:s2], $0x100  }
0x29: {  	[sflag:s2] =	ssyncset.done @!p1 $0x0  }
0x2a: {  	[sflag:s2] =	ssyncadd.s32 @!p1 $0xFFFFFF00  }
.LBB2_1:
0x2b: {  	s17 =	simm.s32 $0x0;
	s15 =	simm.s32 $0x200  }
.LBB2_2:
0x2c: {  	p4 =	sne.s32 s15, $0xFE00;
	[tilespmem:s17+$0x2870] =	vst v0  }
0x2d: {  	[tilespmem:s17+$0x2800] =	vst v0  }
0x2e: {  	[tilespmem:s17+$0x2810] =	vst v0  }
.Ltmp2:
0x2f: {  	[tilespmem:s17+$0x2820] =	vst v0;
	(pc) =	sbr.rel @p4 .LBB2_2-.Ltmp2, $4  }
0x30: {  	[tilespmem:s17+$0x2830] =	vst v0  }
0x31: {  	[tilespmem:s17+$0x2840] =	vst v0  }
0x32: {  	[tilespmem:s17+$0x2850] =	vst v0  }
0x33: {  	[tilespmem:s17+$0x2860] =	vst v0;
	s17 =	sshra.s32 s15, $0x2;
	s15 =	sadd.s32 $0x200, s15  }
0x34: {  	[tilespmem:s17+$0x2870] =	vst v0  }
0x35: {  	[tilespmem:s17+$0x2800] =	vst v0  }
0x36: {  	[tilespmem:s17+$0x2810] =	vst v0  }
0x37: {  	[tilespmem:s17+$0x2820] =	vst v0  }
0x38: {  	[tilespmem:s17+$0x2830] =	vst v0  }
0x39: {  	[tilespmem:s17+$0x2840] =	vst v0  }
0x3a: {  	[tilespmem:s17+$0x2850] =	vst v0  }
0x3b: {  	[tilespmem:s17+$0x2860] =	vst v0  }
0x3c: {  	[tilespmem:s4], [sflag:$0x3] =	stream.linear.gather [hbm4b:s5+s4], $0x1400, $0x38;
	[tilespmem:$0x1E080] =	vst v63  }
0x3d: {  	_ =	swait.ge [sflag:s22], $0x1400  }
0x3e: {  	[sflag:s22] =	ssyncset.done $0x0  }
0x3f: {  	[sflag:s22] =	ssyncadd.s32 $0xFFFFEC00  }
0x40: {  	[tilespmem:s23], [sflag:$0x3] =	stream.linear.gather [hbm4b:s6+s4], $0x1400, $0x38;
	[tilespmem:$0x1E080] =	vst v63  }
0x41: {  	_ =	swait.ge [sflag:s22], $0x1400  }
0x42: {  	[sflag:s22] =	ssyncset.done $0x0  }
0x43: {  	[sflag:s22] =	ssyncadd.s32 $0xFFFFEC00  }
0x44: {  	[tilespmem:s25], [sflag:$0x2] =	stream.indirect.gather [hbm4b:s0+s24], $0x80, s4, s24, $0xb8;
	[tilespmem:$0x1E080] =	vst v63  }
0x45: {  	_ = 	snop  }
0x46: {  	[spmem:s7] =	stream.linear.scatter [tilespmem:s26], [sflag:$0x3], $0x4000, $0x38;
	[tilespmem:$0x1E080] =	vst v63  }
0x47: {  	_ =	swait.ge [sflag:s22], $0x4000  }
0x48: {  	[sflag:s22] =	ssyncset.done $0x0  }
0x49: {  	[sflag:s22] =	ssyncadd.s32 $0xFFFFC000  }
0x4a: {  	[spmem:s8] =	stream.linear.scatter [tilespmem:s26], [sflag:$0x3], $0x4000, $0x38;
	[tilespmem:$0x1E080] =	vst v63  }
0x4b: {  	_ =	swait.ge [sflag:s22], $0x4000  }
0x4c: {  	[sflag:s22] =	ssyncset.done $0x0  }
0x4d: {  	[sflag:s22] =	ssyncadd.s32 $0xFFFFC000  }
0x4e: {  	[spmem:s9] =	stream.linear.scatter [tilespmem:s26], [sflag:$0x3], $0x4000, $0x38;
	[tilespmem:$0x1E080] =	vst v63  }
0x4f: {  	_ =	swait.ge [sflag:s22], $0x4000  }
0x50: {  	[sflag:s22] =	ssyncset.done $0x0  }
0x51: {  	[sflag:s22] =	ssyncadd.s32 $0xFFFFC000  }
0x52: {  	[spmem:s10] =	stream.linear.scatter [tilespmem:s26], [sflag:$0x3], $0x4000, $0x38;
	[tilespmem:$0x1E080] =	vst v63  }
0x53: {  	_ =	swait.ge [sflag:s22], $0x4000  }
0x54: {  	[sflag:s22] =	ssyncset.done $0x0  }
0x55: {  	[sflag:s22] =	ssyncadd.s32 $0xFFFFC000  }
0x56: {  	[spmem:s11] =	stream.linear.scatter [tilespmem:s26], [sflag:$0x3], $0x3800, $0x38;
	[tilespmem:$0x1E080] =	vst v63  }
0x57: {  	_ =	swait.ge [sflag:s22], $0x3800  }
0x58: {  	[sflag:s22] =	ssyncset.done $0x0  }
0x59: {  	s15 =	simm.s32 @!p1 $0x2800;
	[sflag:s22] =	ssyncadd.s32 $0xFFFFC800  }
0x5a: {  	[spmem:s12] =	stream.linear.scatter @!p1 [tilespmem:s15], [sflag:$0x3], $0x800, $0x38;
	[tilespmem:$0x1E080] =	vst v63  }
0x5b: {  	s15 =	simm.s32 @!p1 $0x3  }
0x5c: {  	_ =	swait.ge @!p1 [sflag:s15], $0x800  }
0x5d: {  	[sflag:s15] =	ssyncset.done @!p1 $0x0  }
0x5e: {  	[sflag:s15] =	ssyncadd.s32 @!p1 $0xFFFFF800  }
0x5f: {  	s2 =	simm.s32 $0x80;
	[bflag:$0x0] =	sbarrier.arrive $0xFFFF  }
0x60: {  	[tilespmem:s26], [sflag:$0x1] =	stream.indirect.gather [hbm4b:s0+s24], $0x80, s2, s24, $0xb8;
	[tilespmem:$0x1E080] =	vst v63  }
0x61: {  	_ =	swait.ge [sflag:s28], $0x4000  }
0x62: {  	[sflag:s28] =	ssyncset.done $0x0  }
0x63: {  	s16 =	simm.s32 $0x1400;
	[sflag:s28] =	ssyncadd.s32 $0xFFFFC000  }
0x64: {  	[spmem:s3] =	stream.indirect.scatter.add.f32 [tilespmem:s25], [sflag:$0x3], $0x80, s16, s24, $0xb8;
	[tilespmem:$0x1E080] =	vst v63  }
0x65: {  	_ =	swait.ge [sflag:s22], $0x4000  }
0x66: {  	[sflag:s22] =	ssyncset.done $0x0  }
0x67: {  	s17 =	simm.s32 $0x100;
	[sflag:s22] =	ssyncadd.s32 $0xFFFFC000  }
0x68: {  	[tilespmem:s25], [sflag:$0x2] =	stream.indirect.gather [hbm4b:s0+s24], $0x80, s17, s24, $0xb8;
	[tilespmem:$0x1E080] =	vst v63  }
0x69: {  	_ =	swait.ge [sflag:s29], $0x4000  }
0x6a: {  	[sflag:s29] =	ssyncset.done $0x0  }
0x6b: {  	s30 =	simm.s32 $0x1480;
	[sflag:s29] =	ssyncadd.s32 $0xFFFFC000  }
0x6c: {  	[spmem:s3] =	stream.indirect.scatter.add.f32 [tilespmem:s26], [sflag:$0x3], $0x80, s30, s24, $0xb8;
	[tilespmem:$0x1E080] =	vst v63  }
0x6d: {  	_ =	swait.ge [sflag:s22], $0x4000  }
0x6e: {  	s15 =	simm.s32 $0x800;
	s17 =	simm.s32 $0x100;
	[sflag:s22] =	ssyncset.done $0x0  }
.LBB2_4:
0x6f: {  	s16 =	sadd.s32 $0x80, s17  }
0x70: {  	[sflag:s22] =	ssyncadd.s32 $0xFFFFC000;
	s2 =	smov.u32 s15;
	s30 =	sadd.s32 $0x400, s15  }
0x71: {  	[tilespmem:s26], [sflag:$0x1] =	stream.indirect.gather [hbm4b:s0+s24], $0x80, s16, s24, $0xb8;
	[tilespmem:$0x1E080] =	vst v63  }
0x72: {  	p4 =	sne.s32 s15, $0x4800;
	_ =	swait.ge [sflag:s28], $0x4000  }
0x73: {  	[sflag:s28] =	ssyncset.done $0x0  }
0x74: {  	s15 =	sadd.s32 $0x1400, s17;
	[sflag:s28] =	ssyncadd.s32 $0xFFFFC000  }
0x75: {  	[spmem:s3] =	stream.indirect.scatter.add.f32 [tilespmem:s25], [sflag:$0x3], $0x80, s15, s24, $0xb8;
	[tilespmem:$0x1E080] =	vst v63  }
0x76: {  	_ =	swait.ge [sflag:s22], $0x4000  }
0x77: {  	[sflag:s22] =	ssyncset.done $0x0  }
0x78: {  	s15 =	sadd.s32 $0x100, s17;
	[sflag:s22] =	ssyncadd.s32 $0xFFFFC000  }
0x79: {  	[tilespmem:s25], [sflag:$0x2] =	stream.indirect.gather [hbm4b:s0+s24], $0x80, s15, s24, $0xb8;
	[tilespmem:$0x1E080] =	vst v63  }
0x7a: {  	_ =	swait.ge [sflag:s29], $0x4000  }
.Ltmp3:
0x7b: {  	[sflag:s29] =	ssyncset.done $0x0;
	(pc) =	sbr.rel @p4 .LBB2_4-.Ltmp3, $4  }
0x7c: {  	s15 =	sadd.s32 $0x1480, s17;
	[sflag:s29] =	ssyncadd.s32 $0xFFFFC000  }
0x7d: {  	[spmem:s3] =	stream.indirect.scatter.add.f32 [tilespmem:s26], [sflag:$0x3], $0x80, s15, s24, $0xb8;
	[tilespmem:$0x1E080] =	vst v63  }
0x7e: {  	_ =	swait.ge [sflag:s22], $0x4000  }
0x7f: {  	s17 =	sshra.s32 s2, $0x2;
	s15 =	smov.u32 s30;
	[sflag:s22] =	ssyncset.done $0x0  }
0x80: {  	s2 =	sadd.s32 $0x80, s17;
	[sflag:s22] =	ssyncadd.s32 $0xFFFFC000  }
0x81: {  	[tilespmem:s26], [sflag:$0x1] =	stream.indirect.gather [hbm4b:s0+s24], $0x80, s2, s24, $0xb8;
	[tilespmem:$0x1E080] =	vst v63  }
0x82: {  	_ =	swait.ge [sflag:s28], $0x4000  }
0x83: {  	[sflag:s28] =	ssyncset.done $0x0  }
0x84: {  	s15 =	sadd.s32 $0x1400, s17;
	[sflag:s28] =	ssyncadd.s32 $0xFFFFC000  }
0x85: {  	[spmem:s3] =	stream.indirect.scatter.add.f32 [tilespmem:s25], [sflag:$0x3], $0x80, s15, s24, $0xb8;
	[tilespmem:$0x1E080] =	vst v63  }
0x86: {  	_ =	swait.ge [sflag:s22], $0x4000  }
0x87: {  	[sflag:s22] =	ssyncset.done $0x0  }
0x88: {  	s16 =	sadd.s32 $0x100, s17;
	[sflag:s22] =	ssyncadd.s32 $0xFFFFC000  }
0x89: {  	[tilespmem:s25], [sflag:$0x2] =	stream.indirect.gather [hbm4b:s0+s24], $0x80, s16, s24, $0xb8;
	[tilespmem:$0x1E080] =	vst v63  }
0x8a: {  	_ =	swait.ge [sflag:s29], $0x4000  }
0x8b: {  	[sflag:s29] =	ssyncset.done $0x0  }
0x8c: {  	s17 =	sadd.s32 $0x1480, s17;
	[sflag:s29] =	ssyncadd.s32 $0xFFFFC000  }
0x8d: {  	[spmem:s3] =	stream.indirect.scatter.add.f32 [tilespmem:s26], [sflag:$0x3], $0x80, s17, s24, $0xb8;
	[tilespmem:$0x1E080] =	vst v63  }
0x8e: {  	_ =	swait.ge [sflag:s22], $0x4000  }
0x8f: {  	[sflag:s22] =	ssyncset.done $0x0  }
0x90: {  	s30 =	simm.s32 $0x1380;
	[sflag:s22] =	ssyncadd.s32 $0xFFFFC000  }
0x91: {  	[tilespmem:s26], [sflag:$0x1] =	stream.indirect.gather [hbm4b:s0+s24], $0x80, s30, s24, $0xb8;
	[tilespmem:$0x1E080] =	vst v63  }
0x92: {  	_ =	swait.ge [sflag:s28], $0x4000  }
0x93: {  	[sflag:s28] =	ssyncset.done $0x0  }
0x94: {  	[sflag:s28] =	ssyncadd.s32 $0xFFFFC000  }
0x95: {  	[spmem:s3] =	stream.indirect.scatter.add.f32 [tilespmem:s25], [sflag:$0x3], $0x80, s31, s24, $0xb8;
	[tilespmem:$0x1E080] =	vst v63  }
0x96: {  	_ =	swait.ge [sflag:s22], $0x4000  }
0x97: {  	[sflag:s22] =	ssyncset.done $0x0  }
0x98: {  	[sflag:s22] =	ssyncadd.s32 $0xFFFFC000  }
0x99: {  	_ =	swait.ge [sflag:s29], $0x4000  }
0x9a: {  	[sflag:s29] =	ssyncset.done $0x0  }
.Ltmp4:
0x9b: {  	[sflag:s29] =	ssyncadd.s32 $0xFFFFC000;
	(pc) =	sbr.rel @p3 .LBB2_9-.Ltmp4, $4  }
0x9c: {  	[spmem:s3] =	stream.indirect.scatter.add.f32 [tilespmem:s26], [sflag:$0x3], $0x80, s1, s24, $0xb8;
	[tilespmem:$0x1E080] =	vst v63  }
0x9d: {  	_ =	swait.ge [sflag:s22], $0x4000  }
0x9e: {  	[sflag:s22] =	ssyncset.done $0x0  }
0x9f: {  	[sflag:s22] =	ssyncadd.s32 $0xFFFFC000  }
0xa0: {  	s2 =	simm.s32 $0x0  }
0xa1: {  	[tilespmem:s2], [sflag:$0x3] =	stream.linear.gather [hbm4b:s13+s2], $0x1400, $0x38;
	[tilespmem:$0x1E080] =	vst v63  }
0xa2: {  	_ =	swait.ge [sflag:s22], $0x1400  }
0xa3: {  	[sflag:s22] =	ssyncset.done $0x0  }
0xa4: {  	[sflag:s22] =	ssyncadd.s32 $0xFFFFEC00  }
0xa5: {  	[tilespmem:s23], [sflag:$0x3] =	stream.linear.gather [hbm4b:s14+s2], $0x1400, $0x38;
	[tilespmem:$0x1E080] =	vst v63  }
0xa6: {  	_ =	swait.ge [sflag:s22], $0x1400  }
0xa7: {  	[sflag:s22] =	ssyncset.done $0x0  }
0xa8: {  	[sflag:s22] =	ssyncadd.s32 $0xFFFFEC00  }
0xa9: {  	[tilespmem:s25], [sflag:$0x2] =	stream.indirect.gather [hbm4b:s0+s24], $0x80, s2, s24, $0xb8;
	[tilespmem:$0x1E080] =	vst v63  }
0xaa: {  	s15 =	simm.s32 $0x80  }
0xab: {  	[tilespmem:s26], [sflag:$0x1] =	stream.indirect.gather [hbm4b:s0+s24], $0x80, s15, s24, $0xb8;
	[tilespmem:$0x1E080] =	vst v63  }
0xac: {  	_ =	swait.ge [sflag:s28], $0x4000  }
0xad: {  	[sflag:s28] =	ssyncset.done $0x0  }
0xae: {  	s16 =	simm.s32 $0x1400;
	[sflag:s28] =	ssyncadd.s32 $0xFFFFC000  }
0xaf: {  	[spmem:s3] =	stream.indirect.scatter.add.f32 [tilespmem:s25], [sflag:$0x3], $0x80, s16, s24, $0xb8;
	[tilespmem:$0x1E080] =	vst v63  }
0xb0: {  	_ =	swait.ge [sflag:s22], $0x4000  }
0xb1: {  	[sflag:s22] =	ssyncset.done $0x0  }
0xb2: {  	s17 =	simm.s32 $0x100;
	[sflag:s22] =	ssyncadd.s32 $0xFFFFC000  }
0xb3: {  	[tilespmem:s25], [sflag:$0x2] =	stream.indirect.gather [hbm4b:s0+s24], $0x80, s17, s24, $0xb8;
	[tilespmem:$0x1E080] =	vst v63  }
0xb4: {  	_ =	swait.ge [sflag:s29], $0x4000  }
0xb5: {  	[sflag:s29] =	ssyncset.done $0x0  }
0xb6: {  	s30 =	simm.s32 $0x1480;
	[sflag:s29] =	ssyncadd.s32 $0xFFFFC000  }
0xb7: {  	[spmem:s3] =	stream.indirect.scatter.add.f32 [tilespmem:s26], [sflag:$0x3], $0x80, s30, s24, $0xb8;
	[tilespmem:$0x1E080] =	vst v63  }
0xb8: {  	_ =	swait.ge [sflag:s22], $0x4000  }
0xb9: {  	s15 =	simm.s32 $0x800;
	s17 =	simm.s32 $0x100;
	[sflag:s22] =	ssyncset.done $0x0  }
.LBB2_7:
0xba: {  	s2 =	sadd.s32 $0x80, s17  }
0xbb: {  	[sflag:s22] =	ssyncadd.s32 $0xFFFFC000;
	s16 =	smov.u32 s15;
	s30 =	sadd.s32 $0x400, s15  }
0xbc: {  	[tilespmem:s26], [sflag:$0x1] =	stream.indirect.gather [hbm4b:s0+s24], $0x80, s2, s24, $0xb8;
	[tilespmem:$0x1E080] =	vst v63  }
0xbd: {  	p4 =	sne.s32 s15, $0x4800;
	_ =	swait.ge [sflag:s28], $0x4000  }
0xbe: {  	[sflag:s28] =	ssyncset.done $0x0  }
0xbf: {  	s2 =	sadd.s32 $0x1400, s17;
	[sflag:s28] =	ssyncadd.s32 $0xFFFFC000  }
0xc0: {  	[spmem:s3] =	stream.indirect.scatter.add.f32 [tilespmem:s25], [sflag:$0x3], $0x80, s2, s24, $0xb8;
	[tilespmem:$0x1E080] =	vst v63  }
0xc1: {  	_ =	swait.ge [sflag:s22], $0x4000  }
0xc2: {  	[sflag:s22] =	ssyncset.done $0x0  }
0xc3: {  	s2 =	sadd.s32 $0x100, s17;
	[sflag:s22] =	ssyncadd.s32 $0xFFFFC000  }
0xc4: {  	[tilespmem:s25], [sflag:$0x2] =	stream.indirect.gather [hbm4b:s0+s24], $0x80, s2, s24, $0xb8;
	[tilespmem:$0x1E080] =	vst v63  }
0xc5: {  	_ =	swait.ge [sflag:s29], $0x4000  }
.Ltmp5:
0xc6: {  	[sflag:s29] =	ssyncset.done $0x0;
	(pc) =	sbr.rel @p4 .LBB2_7-.Ltmp5, $4  }
0xc7: {  	s2 =	sadd.s32 $0x1480, s17;
	[sflag:s29] =	ssyncadd.s32 $0xFFFFC000  }
0xc8: {  	[spmem:s3] =	stream.indirect.scatter.add.f32 [tilespmem:s26], [sflag:$0x3], $0x80, s2, s24, $0xb8;
	[tilespmem:$0x1E080] =	vst v63  }
0xc9: {  	_ =	swait.ge [sflag:s22], $0x4000  }
0xca: {  	s15 =	smov.u32 s30;
	s17 =	sshra.s32 s16, $0x2;
	[sflag:s22] =	ssyncset.done $0x0  }
0xcb: {  	s2 =	sadd.s32 $0x80, s17;
	[sflag:s22] =	ssyncadd.s32 $0xFFFFC000  }
0xcc: {  	[tilespmem:s26], [sflag:$0x1] =	stream.indirect.gather [hbm4b:s0+s24], $0x80, s2, s24, $0xb8;
	[tilespmem:$0x1E080] =	vst v63  }
0xcd: {  	_ =	swait.ge [sflag:s28], $0x4000  }
0xce: {  	[sflag:s28] =	ssyncset.done $0x0  }
0xcf: {  	s15 =	sadd.s32 $0x1400, s17;
	[sflag:s28] =	ssyncadd.s32 $0xFFFFC000  }
0xd0: {  	[spmem:s3] =	stream.indirect.scatter.add.f32 [tilespmem:s25], [sflag:$0x3], $0x80, s15, s24, $0xb8;
	[tilespmem:$0x1E080] =	vst v63  }
0xd1: {  	_ =	swait.ge [sflag:s22], $0x4000  }
0xd2: {  	[sflag:s22] =	ssyncset.done $0x0  }
0xd3: {  	s16 =	sadd.s32 $0x100, s17;
	[sflag:s22] =	ssyncadd.s32 $0xFFFFC000  }
0xd4: {  	[tilespmem:s25], [sflag:$0x2] =	stream.indirect.gather [hbm4b:s0+s24], $0x80, s16, s24, $0xb8;
	[tilespmem:$0x1E080] =	vst v63  }
0xd5: {  	_ =	swait.ge [sflag:s29], $0x4000  }
0xd6: {  	[sflag:s29] =	ssyncset.done $0x0  }
0xd7: {  	s17 =	sadd.s32 $0x1480, s17;
	[sflag:s29] =	ssyncadd.s32 $0xFFFFC000  }
0xd8: {  	[spmem:s3] =	stream.indirect.scatter.add.f32 [tilespmem:s26], [sflag:$0x3], $0x80, s17, s24, $0xb8;
	[tilespmem:$0x1E080] =	vst v63  }
0xd9: {  	_ =	swait.ge [sflag:s22], $0x4000  }
0xda: {  	[sflag:s22] =	ssyncset.done $0x0  }
0xdb: {  	s30 =	simm.s32 $0x1380;
	[sflag:s22] =	ssyncadd.s32 $0xFFFFC000  }
0xdc: {  	[tilespmem:s26], [sflag:$0x1] =	stream.indirect.gather [hbm4b:s0+s24], $0x80, s30, s24, $0xb8;
	[tilespmem:$0x1E080] =	vst v63  }
0xdd: {  	_ =	swait.ge [sflag:s28], $0x4000  }
0xde: {  	[sflag:s28] =	ssyncset.done $0x0  }
0xdf: {  	[sflag:s28] =	ssyncadd.s32 $0xFFFFC000  }
0xe0: {  	[spmem:s3] =	stream.indirect.scatter.add.f32 [tilespmem:s25], [sflag:$0x3], $0x80, s31, s24, $0xb8;
	[tilespmem:$0x1E080] =	vst v63  }
0xe1: {  	_ =	swait.ge [sflag:s22], $0x4000  }
0xe2: {  	[sflag:s22] =	ssyncset.done $0x0  }
0xe3: {  	[sflag:s22] =	ssyncadd.s32 $0xFFFFC000  }
0xe4: {  	_ =	swait.ge [sflag:s29], $0x4000  }
0xe5: {  	[sflag:s29] =	ssyncset.done $0x0  }
0xe6: {  	[sflag:s29] =	ssyncadd.s32 $0xFFFFC000  }
0xe7: {  	[spmem:s3] =	stream.indirect.scatter.add.f32 [tilespmem:s26], [sflag:$0x3], $0x80, s1, s24, $0xb8;
	[tilespmem:$0x1E080] =	vst v63  }
0xe8: {  	_ =	swait.ge [sflag:s22], $0x4000  }
0xe9: {  	[sflag:s22] =	ssyncset.done $0x0  }
0xea: {  	[sflag:s22] =	ssyncadd.s32 $0xFFFFC000  }
.LBB2_9:
.Ltmp6:
0xeb: {  	(pc) =	sbr.rel @!p0 .LBB2_13-.Ltmp6, $1  }
0xec: {  	_ =	sdelay $0x3  }
0xed: {  	s2 =	simm.s32 $0x0  }
0xee: {  	[tilespmem:s2], [sflag:$0x3] =	stream.linear.gather [hbm4b:s13+s2], $0x1000, $0x38;
	[tilespmem:$0x1E080] =	vst v63  }
0xef: {  	_ =	swait.ge [sflag:s22], $0x1000  }
0xf0: {  	[sflag:s22] =	ssyncset.done $0x0  }
0xf1: {  	[sflag:s22] =	ssyncadd.s32 $0xFFFFF000  }
0xf2: {  	[tilespmem:s23], [sflag:$0x3] =	stream.linear.gather [hbm4b:s14+s2], $0x1000, $0x38;
	[tilespmem:$0x1E080] =	vst v63  }
0xf3: {  	_ =	swait.ge [sflag:s22], $0x1000  }
0xf4: {  	[sflag:s22] =	ssyncset.done $0x0  }
0xf5: {  	[sflag:s22] =	ssyncadd.s32 $0xFFFFF000  }
0xf6: {  	[tilespmem:s25], [sflag:$0x2] =	stream.indirect.gather [hbm4b:s0+s24], $0x80, s2, s24, $0xb8;
	[tilespmem:$0x1E080] =	vst v63  }
0xf7: {  	s15 =	simm.s32 $0x80  }
0xf8: {  	[tilespmem:s26], [sflag:$0x1] =	stream.indirect.gather [hbm4b:s0+s24], $0x80, s15, s24, $0xb8;
	[tilespmem:$0x1E080] =	vst v63  }
0xf9: {  	_ =	swait.ge [sflag:s28], $0x4000  }
0xfa: {  	[sflag:s28] =	ssyncset.done $0x0  }
0xfb: {  	s16 =	simm.s32 $0x1400;
	[sflag:s28] =	ssyncadd.s32 $0xFFFFC000  }
0xfc: {  	[spmem:s3] =	stream.indirect.scatter.add.f32 [tilespmem:s25], [sflag:$0x3], $0x80, s16, s24, $0xb8;
	[tilespmem:$0x1E080] =	vst v63  }
0xfd: {  	_ =	swait.ge [sflag:s22], $0x4000  }
0xfe: {  	[sflag:s22] =	ssyncset.done $0x0  }
0xff: {  	s17 =	simm.s32 $0x100;
	[sflag:s22] =	ssyncadd.s32 $0xFFFFC000  }
0x100: {  	[tilespmem:s25], [sflag:$0x2] =	stream.indirect.gather [hbm4b:s0+s24], $0x80, s17, s24, $0xb8;
	[tilespmem:$0x1E080] =	vst v63  }
0x101: {  	_ =	swait.ge [sflag:s29], $0x4000  }
0x102: {  	[sflag:s29] =	ssyncset.done $0x0  }
0x103: {  	s30 =	simm.s32 $0x1480;
	[sflag:s29] =	ssyncadd.s32 $0xFFFFC000  }
0x104: {  	[spmem:s3] =	stream.indirect.scatter.add.f32 [tilespmem:s26], [sflag:$0x3], $0x80, s30, s24, $0xb8;
	[tilespmem:$0x1E080] =	vst v63  }
0x105: {  	_ =	swait.ge [sflag:s22], $0x4000  }
0x106: {  	s15 =	simm.s32 $0x800;
	s17 =	simm.s32 $0x100;
	[sflag:s22] =	ssyncset.done $0x0  }
.LBB2_11:
0x107: {  	s2 =	sadd.s32 $0x80, s17  }
0x108: {  	[sflag:s22] =	ssyncadd.s32 $0xFFFFC000;
	s16 =	smov.u32 s15;
	s30 =	sadd.s32 $0x400, s15  }
0x109: {  	[tilespmem:s26], [sflag:$0x1] =	stream.indirect.gather [hbm4b:s0+s24], $0x80, s2, s24, $0xb8;
	[tilespmem:$0x1E080] =	vst v63  }
0x10a: {  	p4 =	sne.s32 s15, $0x3800;
	_ =	swait.ge [sflag:s28], $0x4000  }
0x10b: {  	[sflag:s28] =	ssyncset.done $0x0  }
0x10c: {  	s2 =	sadd.s32 $0x1400, s17;
	[sflag:s28] =	ssyncadd.s32 $0xFFFFC000  }
0x10d: {  	[spmem:s3] =	stream.indirect.scatter.add.f32 [tilespmem:s25], [sflag:$0x3], $0x80, s2, s24, $0xb8;
	[tilespmem:$0x1E080] =	vst v63  }
0x10e: {  	_ =	swait.ge [sflag:s22], $0x4000  }
0x10f: {  	[sflag:s22] =	ssyncset.done $0x0  }
0x110: {  	s2 =	sadd.s32 $0x100, s17;
	[sflag:s22] =	ssyncadd.s32 $0xFFFFC000  }
0x111: {  	[tilespmem:s25], [sflag:$0x2] =	stream.indirect.gather [hbm4b:s0+s24], $0x80, s2, s24, $0xb8;
	[tilespmem:$0x1E080] =	vst v63  }
0x112: {  	_ =	swait.ge [sflag:s29], $0x4000  }
.Ltmp7:
0x113: {  	[sflag:s29] =	ssyncset.done $0x0;
	(pc) =	sbr.rel @p4 .LBB2_11-.Ltmp7, $4  }
0x114: {  	s2 =	sadd.s32 $0x1480, s17;
	[sflag:s29] =	ssyncadd.s32 $0xFFFFC000  }
0x115: {  	[spmem:s3] =	stream.indirect.scatter.add.f32 [tilespmem:s26], [sflag:$0x3], $0x80, s2, s24, $0xb8;
	[tilespmem:$0x1E080] =	vst v63  }
0x116: {  	_ =	swait.ge [sflag:s22], $0x4000  }
0x117: {  	s15 =	smov.u32 s30;
	s17 =	sshra.s32 s16, $0x2;
	[sflag:s22] =	ssyncset.done $0x0  }
0x118: {  	s2 =	sadd.s32 $0x80, s17;
	[sflag:s22] =	ssyncadd.s32 $0xFFFFC000  }
0x119: {  	[tilespmem:s26], [sflag:$0x1] =	stream.indirect.gather [hbm4b:s0+s24], $0x80, s2, s24, $0xb8;
	[tilespmem:$0x1E080] =	vst v63  }
0x11a: {  	_ =	swait.ge [sflag:s28], $0x4000  }
0x11b: {  	[sflag:s28] =	ssyncset.done $0x0  }
0x11c: {  	s16 =	sadd.s32 $0x1400, s17;
	[sflag:s28] =	ssyncadd.s32 $0xFFFFC000  }
0x11d: {  	[spmem:s3] =	stream.indirect.scatter.add.f32 [tilespmem:s25], [sflag:$0x3], $0x80, s16, s24, $0xb8;
	[tilespmem:$0x1E080] =	vst v63  }
0x11e: {  	_ =	swait.ge [sflag:s22], $0x4000  }
0x11f: {  	[sflag:s22] =	ssyncset.done $0x0  }
0x120: {  	s30 =	sadd.s32 $0x100, s17;
	[sflag:s22] =	ssyncadd.s32 $0xFFFFC000  }
0x121: {  	[tilespmem:s25], [sflag:$0x2] =	stream.indirect.gather [hbm4b:s0+s24], $0x80, s30, s24, $0xb8;
	[tilespmem:$0x1E080] =	vst v63  }
0x122: {  	_ =	swait.ge [sflag:s29], $0x4000  }
0x123: {  	[sflag:s29] =	ssyncset.done $0x0  }
0x124: {  	s15 =	sadd.s32 $0x1480, s17;
	[sflag:s29] =	ssyncadd.s32 $0xFFFFC000  }
0x125: {  	[spmem:s3] =	stream.indirect.scatter.add.f32 [tilespmem:s26], [sflag:$0x3], $0x80, s15, s24, $0xb8;
	[tilespmem:$0x1E080] =	vst v63  }
0x126: {  	_ =	swait.ge [sflag:s22], $0x4000  }
0x127: {  	[sflag:s22] =	ssyncset.done $0x0  }
0x128: {  	s16 =	simm.s32 $0xF80;
	[sflag:s22] =	ssyncadd.s32 $0xFFFFC000  }
0x129: {  	[tilespmem:s26], [sflag:$0x1] =	stream.indirect.gather [hbm4b:s0+s24], $0x80, s16, s24, $0xb8;
	[tilespmem:$0x1E080] =	vst v63  }
0x12a: {  	_ =	swait.ge [sflag:s28], $0x4000  }
0x12b: {  	[sflag:s28] =	ssyncset.done $0x0  }
0x12c: {  	s17 =	simm.s32 $0x2300;
	[sflag:s28] =	ssyncadd.s32 $0xFFFFC000  }
0x12d: {  	[spmem:s3] =	stream.indirect.scatter.add.f32 [tilespmem:s25], [sflag:$0x3], $0x80, s17, s24, $0xb8;
	[tilespmem:$0x1E080] =	vst v63  }
0x12e: {  	_ =	swait.ge [sflag:s22], $0x4000  }
0x12f: {  	[sflag:s22] =	ssyncset.done $0x0  }
0x130: {  	[sflag:s22] =	ssyncadd.s32 $0xFFFFC000  }
0x131: {  	_ =	swait.ge [sflag:s29], $0x4000  }
0x132: {  	[sflag:s29] =	ssyncset.done $0x0  }
0x133: {  	s30 =	simm.s32 $0x2380;
	[sflag:s29] =	ssyncadd.s32 $0xFFFFC000  }
0x134: {  	[spmem:s3] =	stream.indirect.scatter.add.f32 [tilespmem:s26], [sflag:$0x3], $0x80, s30, s24, $0xb8;
	[tilespmem:$0x1E080] =	vst v63  }
0x135: {  	_ =	swait.ge [sflag:s22], $0x4000  }
0x136: {  	[sflag:s22] =	ssyncset.done $0x0  }
0x137: {  	[sflag:s22] =	ssyncadd.s32 $0xFFFFC000  }
.LBB2_13:
.Ltmp8:
0x138: {  	(pc) =	sbr.rel @p2 .LBB2_15-.Ltmp8, $1  }
0x139: {  	_ =	sdelay $0x3  }
0x13a: {  	s2 =	rddreg [dreg:$0x4]  }
0x13b: {  	[tilespmem:s4], [sflag:$0x3] =	stream.linear.gather [hbm4b:s2+s4], $0x800, $0x38;
	[tilespmem:$0x1E080] =	vst v63  }
0x13c: {  	_ =	swait.ge [sflag:s22], $0x800  }
0x13d: {  	[sflag:s22] =	ssyncset.done $0x0  }
0x13e: {  	s15 =	rddreg [dreg:$0x5];
	[sflag:s22] =	ssyncadd.s32 $0xFFFFF800  }
0x13f: {  	[tilespmem:s23], [sflag:$0x3] =	stream.linear.gather [hbm4b:s15+s4], $0x800, $0x38;
	[tilespmem:$0x1E080] =	vst v63  }
0x140: {  	_ =	swait.ge [sflag:s22], $0x800  }
0x141: {  	[sflag:s22] =	ssyncset.done $0x0  }
0x142: {  	[sflag:s22] =	ssyncadd.s32 $0xFFFFF800  }
0x143: {  	[tilespmem:s25], [sflag:$0x2] =	stream.indirect.gather [hbm4b:s0+s24], $0x80, s4, s24, $0xb8;
	[tilespmem:$0x1E080] =	vst v63  }
0x144: {  	_ = 	snop  }
0x145: {  	[tilespmem:s26], [sflag:$0x1] =	stream.indirect.gather [hbm4b:s0+s24], $0x80, s24, s24, $0xb8;
	[tilespmem:$0x1E080] =	vst v63  }
0x146: {  	_ =	swait.ge [sflag:s28], $0x4000  }
0x147: {  	[sflag:s28] =	ssyncset.done $0x0  }
0x148: {  	[sflag:s28] =	ssyncadd.s32 $0xFFFFC000  }
0x149: {  	[spmem:s3] =	stream.indirect.scatter.add.f32 [tilespmem:s25], [sflag:$0x3], $0x80, s23, s24, $0xb8;
	[tilespmem:$0x1E080] =	vst v63  }
0x14a: {  	_ =	swait.ge [sflag:s22], $0x4000  }
0x14b: {  	[sflag:s22] =	ssyncset.done $0x0  }
0x14c: {  	s15 =	simm.s32 $0x100;
	[sflag:s22] =	ssyncadd.s32 $0xFFFFC000  }
0x14d: {  	[tilespmem:s25], [sflag:$0x2] =	stream.indirect.gather [hbm4b:s0+s24], $0x80, s15, s24, $0xb8;
	[tilespmem:$0x1E080] =	vst v63  }
0x14e: {  	_ =	swait.ge [sflag:s29], $0x4000  }
0x14f: {  	[sflag:s29] =	ssyncset.done $0x0  }
0x150: {  	s16 =	simm.s32 $0x1480;
	[sflag:s29] =	ssyncadd.s32 $0xFFFFC000  }
0x151: {  	[spmem:s3] =	stream.indirect.scatter.add.f32 [tilespmem:s26], [sflag:$0x3], $0x80, s16, s24, $0xb8;
	[tilespmem:$0x1E080] =	vst v63  }
0x152: {  	_ =	swait.ge [sflag:s22], $0x4000  }
0x153: {  	[sflag:s22] =	ssyncset.done $0x0  }
0x154: {  	s17 =	simm.s32 $0x180;
	[sflag:s22] =	ssyncadd.s32 $0xFFFFC000  }
0x155: {  	[tilespmem:s26], [sflag:$0x1] =	stream.indirect.gather [hbm4b:s0+s24], $0x80, s17, s24, $0xb8;
	[tilespmem:$0x1E080] =	vst v63  }
0x156: {  	_ =	swait.ge [sflag:s28], $0x4000  }
0x157: {  	[sflag:s28] =	ssyncset.done $0x0  }
0x158: {  	s30 =	simm.s32 $0x1500;
	[sflag:s28] =	ssyncadd.s32 $0xFFFFC000  }
0x159: {  	[spmem:s3] =	stream.indirect.scatter.add.f32 [tilespmem:s25], [sflag:$0x3], $0x80, s30, s24, $0xb8;
	[tilespmem:$0x1E080] =	vst v63  }
0x15a: {  	_ =	swait.ge [sflag:s22], $0x4000  }
0x15b: {  	[sflag:s22] =	ssyncset.done $0x0  }
0x15c: {  	s31 =	simm.s32 $0x200;
	[sflag:s22] =	ssyncadd.s32 $0xFFFFC000  }
0x15d: {  	[tilespmem:s25], [sflag:$0x2] =	stream.indirect.gather [hbm4b:s0+s24], $0x80, s31, s24, $0xb8;
	[tilespmem:$0x1E080] =	vst v63  }
0x15e: {  	_ =	swait.ge [sflag:s29], $0x4000  }
0x15f: {  	[sflag:s29] =	ssyncset.done $0x0  }
0x160: {  	s1 =	simm.s32 $0x1580;
	[sflag:s29] =	ssyncadd.s32 $0xFFFFC000  }
0x161: {  	[spmem:s3] =	stream.indirect.scatter.add.f32 [tilespmem:s26], [sflag:$0x3], $0x80, s1, s24, $0xb8;
	[tilespmem:$0x1E080] =	vst v63  }
0x162: {  	_ =	swait.ge [sflag:s22], $0x4000  }
0x163: {  	[sflag:s22] =	ssyncset.done $0x0  }
0x164: {  	s23 =	simm.s32 $0x280;
	[sflag:s22] =	ssyncadd.s32 $0xFFFFC000  }
0x165: {  	[tilespmem:s26], [sflag:$0x1] =	stream.indirect.gather [hbm4b:s0+s24], $0x80, s23, s24, $0xb8;
	[tilespmem:$0x1E080] =	vst v63  }
0x166: {  	_ =	swait.ge [sflag:s28], $0x4000  }
0x167: {  	[sflag:s28] =	ssyncset.done $0x0  }
0x168: {  	s2 =	simm.s32 $0x1600;
	[sflag:s28] =	ssyncadd.s32 $0xFFFFC000  }
0x169: {  	[spmem:s3] =	stream.indirect.scatter.add.f32 [tilespmem:s25], [sflag:$0x3], $0x80, s2, s24, $0xb8;
	[tilespmem:$0x1E080] =	vst v63  }
0x16a: {  	_ =	swait.ge [sflag:s22], $0x4000  }
0x16b: {  	[sflag:s22] =	ssyncset.done $0x0  }
0x16c: {  	s2 =	simm.s32 $0x300;
	[sflag:s22] =	ssyncadd.s32 $0xFFFFC000  }
0x16d: {  	[tilespmem:s25], [sflag:$0x2] =	stream.indirect.gather [hbm4b:s0+s24], $0x80, s2, s24, $0xb8;
	[tilespmem:$0x1E080] =	vst v63  }
0x16e: {  	_ =	swait.ge [sflag:s29], $0x4000  }
0x16f: {  	[sflag:s29] =	ssyncset.done $0x0  }
0x170: {  	s2 =	simm.s32 $0x1680;
	[sflag:s29] =	ssyncadd.s32 $0xFFFFC000  }
0x171: {  	[spmem:s3] =	stream.indirect.scatter.add.f32 [tilespmem:s26], [sflag:$0x3], $0x80, s2, s24, $0xb8;
	[tilespmem:$0x1E080] =	vst v63  }
0x172: {  	_ =	swait.ge [sflag:s22], $0x4000  }
0x173: {  	[sflag:s22] =	ssyncset.done $0x0  }
0x174: {  	s2 =	simm.s32 $0x380;
	[sflag:s22] =	ssyncadd.s32 $0xFFFFC000  }
0x175: {  	[tilespmem:s26], [sflag:$0x1] =	stream.indirect.gather [hbm4b:s0+s24], $0x80, s2, s24, $0xb8;
	[tilespmem:$0x1E080] =	vst v63  }
0x176: {  	_ =	swait.ge [sflag:s28], $0x4000  }
0x177: {  	[sflag:s28] =	ssyncset.done $0x0  }
0x178: {  	s2 =	simm.s32 $0x1700;
	[sflag:s28] =	ssyncadd.s32 $0xFFFFC000  }
0x179: {  	[spmem:s3] =	stream.indirect.scatter.add.f32 [tilespmem:s25], [sflag:$0x3], $0x80, s2, s24, $0xb8;
	[tilespmem:$0x1E080] =	vst v63  }
0x17a: {  	_ =	swait.ge [sflag:s22], $0x4000  }
0x17b: {  	[sflag:s22] =	ssyncset.done $0x0  }
0x17c: {  	s2 =	simm.s32 $0x400;
	[sflag:s22] =	ssyncadd.s32 $0xFFFFC000  }
0x17d: {  	[tilespmem:s25], [sflag:$0x2] =	stream.indirect.gather [hbm4b:s0+s24], $0x80, s2, s24, $0xb8;
	[tilespmem:$0x1E080] =	vst v63  }
0x17e: {  	_ =	swait.ge [sflag:s29], $0x4000  }
0x17f: {  	[sflag:s29] =	ssyncset.done $0x0  }
0x180: {  	s2 =	simm.s32 $0x1780;
	[sflag:s29] =	ssyncadd.s32 $0xFFFFC000  }
0x181: {  	[spmem:s3] =	stream.indirect.scatter.add.f32 [tilespmem:s26], [sflag:$0x3], $0x80, s2, s24, $0xb8;
	[tilespmem:$0x1E080] =	vst v63  }
0x182: {  	_ =	swait.ge [sflag:s22], $0x4000  }
0x183: {  	[sflag:s22] =	ssyncset.done $0x0  }
0x184: {  	s2 =	simm.s32 $0x480;
	[sflag:s22] =	ssyncadd.s32 $0xFFFFC000  }
0x185: {  	[tilespmem:s26], [sflag:$0x1] =	stream.indirect.gather [hbm4b:s0+s24], $0x80, s2, s24, $0xb8;
	[tilespmem:$0x1E080] =	vst v63  }
0x186: {  	_ =	swait.ge [sflag:s28], $0x4000  }
0x187: {  	[sflag:s28] =	ssyncset.done $0x0  }
0x188: {  	s2 =	simm.s32 $0x1800;
	[sflag:s28] =	ssyncadd.s32 $0xFFFFC000  }
0x189: {  	[spmem:s3] =	stream.indirect.scatter.add.f32 [tilespmem:s25], [sflag:$0x3], $0x80, s2, s24, $0xb8;
	[tilespmem:$0x1E080] =	vst v63  }
0x18a: {  	_ =	swait.ge [sflag:s22], $0x4000  }
0x18b: {  	[sflag:s22] =	ssyncset.done $0x0  }
0x18c: {  	s2 =	simm.s32 $0x500;
	[sflag:s22] =	ssyncadd.s32 $0xFFFFC000  }
0x18d: {  	[tilespmem:s25], [sflag:$0x2] =	stream.indirect.gather [hbm4b:s0+s24], $0x80, s2, s24, $0xb8;
	[tilespmem:$0x1E080] =	vst v63  }
0x18e: {  	_ =	swait.ge [sflag:s29], $0x4000  }
0x18f: {  	[sflag:s29] =	ssyncset.done $0x0  }
0x190: {  	s2 =	simm.s32 $0x1880;
	[sflag:s29] =	ssyncadd.s32 $0xFFFFC000  }
0x191: {  	[spmem:s3] =	stream.indirect.scatter.add.f32 [tilespmem:s26], [sflag:$0x3], $0x80, s2, s24, $0xb8;
	[tilespmem:$0x1E080] =	vst v63  }
0x192: {  	_ =	swait.ge [sflag:s22], $0x4000  }
0x193: {  	[sflag:s22] =	ssyncset.done $0x0  }
0x194: {  	s2 =	simm.s32 $0x580;
	[sflag:s22] =	ssyncadd.s32 $0xFFFFC000  }
0x195: {  	[tilespmem:s26], [sflag:$0x1] =	stream.indirect.gather [hbm4b:s0+s24], $0x80, s2, s24, $0xb8;
	[tilespmem:$0x1E080] =	vst v63  }
0x196: {  	_ =	swait.ge [sflag:s28], $0x4000  }
0x197: {  	[sflag:s28] =	ssyncset.done $0x0  }
0x198: {  	s2 =	simm.s32 $0x1900;
	[sflag:s28] =	ssyncadd.s32 $0xFFFFC000  }
0x199: {  	[spmem:s3] =	stream.indirect.scatter.add.f32 [tilespmem:s25], [sflag:$0x3], $0x80, s2, s24, $0xb8;
	[tilespmem:$0x1E080] =	vst v63  }
0x19a: {  	_ =	swait.ge [sflag:s22], $0x4000  }
0x19b: {  	[sflag:s22] =	ssyncset.done $0x0  }
0x19c: {  	s2 =	simm.s32 $0x600;
	[sflag:s22] =	ssyncadd.s32 $0xFFFFC000  }
0x19d: {  	[tilespmem:s25], [sflag:$0x2] =	stream.indirect.gather [hbm4b:s0+s24], $0x80, s2, s24, $0xb8;
	[tilespmem:$0x1E080] =	vst v63  }
0x19e: {  	_ =	swait.ge [sflag:s29], $0x4000  }
0x19f: {  	[sflag:s29] =	ssyncset.done $0x0  }
0x1a0: {  	s2 =	simm.s32 $0x1980;
	[sflag:s29] =	ssyncadd.s32 $0xFFFFC000  }
0x1a1: {  	[spmem:s3] =	stream.indirect.scatter.add.f32 [tilespmem:s26], [sflag:$0x3], $0x80, s2, s24, $0xb8;
	[tilespmem:$0x1E080] =	vst v63  }
0x1a2: {  	_ =	swait.ge [sflag:s22], $0x4000  }
0x1a3: {  	[sflag:s22] =	ssyncset.done $0x0  }
0x1a4: {  	s2 =	simm.s32 $0x680;
	[sflag:s22] =	ssyncadd.s32 $0xFFFFC000  }
0x1a5: {  	[tilespmem:s26], [sflag:$0x1] =	stream.indirect.gather [hbm4b:s0+s24], $0x80, s2, s24, $0xb8;
	[tilespmem:$0x1E080] =	vst v63  }
0x1a6: {  	_ =	swait.ge [sflag:s28], $0x4000  }
0x1a7: {  	[sflag:s28] =	ssyncset.done $0x0  }
0x1a8: {  	s2 =	simm.s32 $0x1A00;
	[sflag:s28] =	ssyncadd.s32 $0xFFFFC000  }
0x1a9: {  	[spmem:s3] =	stream.indirect.scatter.add.f32 [tilespmem:s25], [sflag:$0x3], $0x80, s2, s24, $0xb8;
	[tilespmem:$0x1E080] =	vst v63  }
0x1aa: {  	_ =	swait.ge [sflag:s22], $0x4000  }
0x1ab: {  	[sflag:s22] =	ssyncset.done $0x0  }
0x1ac: {  	s2 =	simm.s32 $0x700;
	[sflag:s22] =	ssyncadd.s32 $0xFFFFC000  }
0x1ad: {  	[tilespmem:s25], [sflag:$0x2] =	stream.indirect.gather [hbm4b:s0+s24], $0x80, s2, s24, $0xb8;
	[tilespmem:$0x1E080] =	vst v63  }
0x1ae: {  	_ =	swait.ge [sflag:s29], $0x4000  }
0x1af: {  	[sflag:s29] =	ssyncset.done $0x0  }
0x1b0: {  	s2 =	simm.s32 $0x1A80;
	[sflag:s29] =	ssyncadd.s32 $0xFFFFC000  }
0x1b1: {  	[spmem:s3] =	stream.indirect.scatter.add.f32 [tilespmem:s26], [sflag:$0x3], $0x80, s2, s24, $0xb8;
	[tilespmem:$0x1E080] =	vst v63  }
0x1b2: {  	_ =	swait.ge [sflag:s22], $0x4000  }
0x1b3: {  	[sflag:s22] =	ssyncset.done $0x0  }
0x1b4: {  	s2 =	simm.s32 $0x780;
	[sflag:s22] =	ssyncadd.s32 $0xFFFFC000  }
0x1b5: {  	[tilespmem:s26], [sflag:$0x1] =	stream.indirect.gather [hbm4b:s0+s24], $0x80, s2, s24, $0xb8;
	[tilespmem:$0x1E080] =	vst v63  }
0x1b6: {  	_ =	swait.ge [sflag:s28], $0x4000  }
0x1b7: {  	[sflag:s28] =	ssyncset.done $0x0  }
0x1b8: {  	s2 =	simm.s32 $0x1B00;
	[sflag:s28] =	ssyncadd.s32 $0xFFFFC000  }
0x1b9: {  	[spmem:s3] =	stream.indirect.scatter.add.f32 [tilespmem:s25], [sflag:$0x3], $0x80, s2, s24, $0xb8;
	[tilespmem:$0x1E080] =	vst v63  }
0x1ba: {  	_ =	swait.ge [sflag:s22], $0x4000  }
0x1bb: {  	[sflag:s22] =	ssyncset.done $0x0  }
0x1bc: {  	[sflag:s22] =	ssyncadd.s32 $0xFFFFC000  }
0x1bd: {  	_ =	swait.ge [sflag:s29], $0x4000  }
0x1be: {  	[sflag:s29] =	ssyncset.done $0x0  }
0x1bf: {  	s2 =	simm.s32 $0x1B80;
	[sflag:s29] =	ssyncadd.s32 $0xFFFFC000  }
0x1c0: {  	[spmem:s3] =	stream.indirect.scatter.add.f32 [tilespmem:s26], [sflag:$0x3], $0x80, s2, s24, $0xb8;
	[tilespmem:$0x1E080] =	vst v63  }
0x1c1: {  	_ =	swait.ge [sflag:s22], $0x4000  }
0x1c2: {  	[sflag:s22] =	ssyncset.done $0x0  }
0x1c3: {  	s1 =	simm.s32 $0x0;
	s2 =	rddreg [dreg:$0x6];
	[sflag:s22] =	ssyncadd.s32 $0xFFFFC000  }
0x1c4: {  	[tilespmem:s1], [sflag:$0x3] =	stream.linear.gather [hbm4b:s2+s1], $0xA00, $0x38;
	[tilespmem:$0x1E080] =	vst v63  }
0x1c5: {  	_ =	swait.ge [sflag:s22], $0xA00  }
0x1c6: {  	[sflag:s22] =	ssyncset.done $0x0  }
0x1c7: {  	s4 =	simm.s32 $0x1400;
	s2 =	rddreg [dreg:$0x7];
	[sflag:s22] =	ssyncadd.s32 $0xFFFFF600  }
0x1c8: {  	[tilespmem:s4], [sflag:$0x3] =	stream.linear.gather [hbm4b:s2+s1], $0xA00, $0x38;
	[tilespmem:$0x1E080] =	vst v63  }
0x1c9: {  	_ =	swait.ge [sflag:s22], $0xA00  }
0x1ca: {  	[sflag:s22] =	ssyncset.done $0x0  }
0x1cb: {  	[sflag:s22] =	ssyncadd.s32 $0xFFFFF600  }
0x1cc: {  	[tilespmem:s25], [sflag:$0x2] =	stream.indirect.gather [hbm4b:s0+s24], $0x80, s1, s24, $0xb8;
	[tilespmem:$0x1E080] =	vst v63  }
0x1cd: {  	_ = 	snop  }
0x1ce: {  	[tilespmem:s26], [sflag:$0x1] =	stream.indirect.gather [hbm4b:s0+s24], $0x80, s24, s24, $0xb8;
	[tilespmem:$0x1E080] =	vst v63  }
0x1cf: {  	_ =	swait.ge [sflag:s28], $0x4000  }
0x1d0: {  	[sflag:s28] =	ssyncset.done $0x0  }
0x1d1: {  	[sflag:s28] =	ssyncadd.s32 $0xFFFFC000  }
0x1d2: {  	[spmem:s3] =	stream.indirect.scatter.add.f32 [tilespmem:s25], [sflag:$0x3], $0x80, s4, s24, $0xb8;
	[tilespmem:$0x1E080] =	vst v63  }
0x1d3: {  	_ =	swait.ge [sflag:s22], $0x4000  }
0x1d4: {  	[sflag:s22] =	ssyncset.done $0x0  }
0x1d5: {  	[sflag:s22] =	ssyncadd.s32 $0xFFFFC000  }
0x1d6: {  	[tilespmem:s25], [sflag:$0x2] =	stream.indirect.gather [hbm4b:s0+s24], $0x80, s15, s24, $0xb8;
	[tilespmem:$0x1E080] =	vst v63  }
0x1d7: {  	_ =	swait.ge [sflag:s29], $0x4000  }
0x1d8: {  	[sflag:s29] =	ssyncset.done $0x0  }
0x1d9: {  	[sflag:s29] =	ssyncadd.s32 $0xFFFFC000  }
0x1da: {  	[spmem:s3] =	stream.indirect.scatter.add.f32 [tilespmem:s26], [sflag:$0x3], $0x80, s16, s24, $0xb8;
	[tilespmem:$0x1E080] =	vst v63  }
0x1db: {  	_ =	swait.ge [sflag:s22], $0x4000  }
0x1dc: {  	[sflag:s22] =	ssyncset.done $0x0  }
0x1dd: {  	[sflag:s22] =	ssyncadd.s32 $0xFFFFC000  }
0x1de: {  	[tilespmem:s26], [sflag:$0x1] =	stream.indirect.gather [hbm4b:s0+s24], $0x80, s17, s24, $0xb8;
	[tilespmem:$0x1E080] =	vst v63  }
0x1df: {  	_ =	swait.ge [sflag:s28], $0x4000  }
0x1e0: {  	[sflag:s28] =	ssyncset.done $0x0  }
0x1e1: {  	[sflag:s28] =	ssyncadd.s32 $0xFFFFC000  }
0x1e2: {  	[spmem:s3] =	stream.indirect.scatter.add.f32 [tilespmem:s25], [sflag:$0x3], $0x80, s30, s24, $0xb8;
	[tilespmem:$0x1E080] =	vst v63  }
0x1e3: {  	_ =	swait.ge [sflag:s22], $0x4000  }
0x1e4: {  	[sflag:s22] =	ssyncset.done $0x0  }
0x1e5: {  	[sflag:s22] =	ssyncadd.s32 $0xFFFFC000  }
0x1e6: {  	[tilespmem:s25], [sflag:$0x2] =	stream.indirect.gather [hbm4b:s0+s24], $0x80, s31, s24, $0xb8;
	[tilespmem:$0x1E080] =	vst v63  }
0x1e7: {  	_ =	swait.ge [sflag:s29], $0x4000  }
0x1e8: {  	[sflag:s29] =	ssyncset.done $0x0  }
0x1e9: {  	s16 =	simm.s32 $0x1580;
	[sflag:s29] =	ssyncadd.s32 $0xFFFFC000  }
0x1ea: {  	[spmem:s3] =	stream.indirect.scatter.add.f32 [tilespmem:s26], [sflag:$0x3], $0x80, s16, s24, $0xb8;
	[tilespmem:$0x1E080] =	vst v63  }
0x1eb: {  	_ =	swait.ge [sflag:s22], $0x4000  }
0x1ec: {  	[sflag:s22] =	ssyncset.done $0x0  }
0x1ed: {  	[sflag:s22] =	ssyncadd.s32 $0xFFFFC000  }
0x1ee: {  	[tilespmem:s26], [sflag:$0x1] =	stream.indirect.gather [hbm4b:s0+s24], $0x80, s23, s24, $0xb8;
	[tilespmem:$0x1E080] =	vst v63  }
0x1ef: {  	_ =	swait.ge [sflag:s28], $0x4000  }
0x1f0: {  	[sflag:s28] =	ssyncset.done $0x0  }
0x1f1: {  	s17 =	simm.s32 $0x1600;
	[sflag:s28] =	ssyncadd.s32 $0xFFFFC000  }
0x1f2: {  	[spmem:s3] =	stream.indirect.scatter.add.f32 [tilespmem:s25], [sflag:$0x3], $0x80, s17, s24, $0xb8;
	[tilespmem:$0x1E080] =	vst v63  }
0x1f3: {  	_ =	swait.ge [sflag:s22], $0x4000  }
0x1f4: {  	[sflag:s22] =	ssyncset.done $0x0  }
0x1f5: {  	s30 =	simm.s32 $0x300;
	[sflag:s22] =	ssyncadd.s32 $0xFFFFC000  }
0x1f6: {  	[tilespmem:s25], [sflag:$0x2] =	stream.indirect.gather [hbm4b:s0+s24], $0x80, s30, s24, $0xb8;
	[tilespmem:$0x1E080] =	vst v63  }
0x1f7: {  	_ =	swait.ge [sflag:s29], $0x4000  }
0x1f8: {  	[sflag:s29] =	ssyncset.done $0x0  }
0x1f9: {  	s15 =	simm.s32 $0x1680;
	[sflag:s29] =	ssyncadd.s32 $0xFFFFC000  }
0x1fa: {  	[spmem:s3] =	stream.indirect.scatter.add.f32 [tilespmem:s26], [sflag:$0x3], $0x80, s15, s24, $0xb8;
	[tilespmem:$0x1E080] =	vst v63  }
0x1fb: {  	_ =	swait.ge [sflag:s22], $0x4000  }
0x1fc: {  	[sflag:s22] =	ssyncset.done $0x0  }
0x1fd: {  	s16 =	simm.s32 $0x380;
	[sflag:s22] =	ssyncadd.s32 $0xFFFFC000  }
0x1fe: {  	[tilespmem:s26], [sflag:$0x1] =	stream.indirect.gather [hbm4b:s0+s24], $0x80, s16, s24, $0xb8;
	[tilespmem:$0x1E080] =	vst v63  }
0x1ff: {  	_ =	swait.ge [sflag:s28], $0x4000  }
0x200: {  	[sflag:s28] =	ssyncset.done $0x0  }
0x201: {  	s17 =	simm.s32 $0x1700;
	[sflag:s28] =	ssyncadd.s32 $0xFFFFC000  }
0x202: {  	[spmem:s3] =	stream.indirect.scatter.add.f32 [tilespmem:s25], [sflag:$0x3], $0x80, s17, s24, $0xb8;
	[tilespmem:$0x1E080] =	vst v63  }
0x203: {  	_ =	swait.ge [sflag:s22], $0x4000  }
0x204: {  	[sflag:s22] =	ssyncset.done $0x0  }
0x205: {  	s30 =	simm.s32 $0x400;
	[sflag:s22] =	ssyncadd.s32 $0xFFFFC000  }
0x206: {  	[tilespmem:s25], [sflag:$0x2] =	stream.indirect.gather [hbm4b:s0+s24], $0x80, s30, s24, $0xb8;
	[tilespmem:$0x1E080] =	vst v63  }
0x207: {  	_ =	swait.ge [sflag:s29], $0x4000  }
0x208: {  	[sflag:s29] =	ssyncset.done $0x0  }
0x209: {  	s15 =	simm.s32 $0x1780;
	[sflag:s29] =	ssyncadd.s32 $0xFFFFC000  }
0x20a: {  	[spmem:s3] =	stream.indirect.scatter.add.f32 [tilespmem:s26], [sflag:$0x3], $0x80, s15, s24, $0xb8;
	[tilespmem:$0x1E080] =	vst v63  }
0x20b: {  	_ =	swait.ge [sflag:s22], $0x4000  }
0x20c: {  	[sflag:s22] =	ssyncset.done $0x0  }
0x20d: {  	s16 =	simm.s32 $0x480;
	[sflag:s22] =	ssyncadd.s32 $0xFFFFC000  }
0x20e: {  	[tilespmem:s26], [sflag:$0x1] =	stream.indirect.gather [hbm4b:s0+s24], $0x80, s16, s24, $0xb8;
	[tilespmem:$0x1E080] =	vst v63  }
0x20f: {  	_ =	swait.ge [sflag:s28], $0x4000  }
0x210: {  	[sflag:s28] =	ssyncset.done $0x0  }
0x211: {  	s17 =	simm.s32 $0x1800;
	[sflag:s28] =	ssyncadd.s32 $0xFFFFC000  }
0x212: {  	[spmem:s3] =	stream.indirect.scatter.add.f32 [tilespmem:s25], [sflag:$0x3], $0x80, s17, s24, $0xb8;
	[tilespmem:$0x1E080] =	vst v63  }
0x213: {  	_ =	swait.ge [sflag:s22], $0x4000  }
0x214: {  	[sflag:s22] =	ssyncset.done $0x0  }
0x215: {  	s30 =	simm.s32 $0x500;
	[sflag:s22] =	ssyncadd.s32 $0xFFFFC000  }
0x216: {  	[tilespmem:s25], [sflag:$0x2] =	stream.indirect.gather [hbm4b:s0+s24], $0x80, s30, s24, $0xb8;
	[tilespmem:$0x1E080] =	vst v63  }
0x217: {  	_ =	swait.ge [sflag:s29], $0x4000  }
0x218: {  	[sflag:s29] =	ssyncset.done $0x0  }
0x219: {  	s15 =	simm.s32 $0x1880;
	[sflag:s29] =	ssyncadd.s32 $0xFFFFC000  }
0x21a: {  	[spmem:s3] =	stream.indirect.scatter.add.f32 [tilespmem:s26], [sflag:$0x3], $0x80, s15, s24, $0xb8;
	[tilespmem:$0x1E080] =	vst v63  }
0x21b: {  	_ =	swait.ge [sflag:s22], $0x4000  }
0x21c: {  	[sflag:s22] =	ssyncset.done $0x0  }
0x21d: {  	s16 =	simm.s32 $0x580;
	[sflag:s22] =	ssyncadd.s32 $0xFFFFC000  }
0x21e: {  	[tilespmem:s26], [sflag:$0x1] =	stream.indirect.gather [hbm4b:s0+s24], $0x80, s16, s24, $0xb8;
	[tilespmem:$0x1E080] =	vst v63  }
0x21f: {  	_ =	swait.ge [sflag:s28], $0x4000  }
0x220: {  	[sflag:s28] =	ssyncset.done $0x0  }
0x221: {  	s17 =	simm.s32 $0x1900;
	[sflag:s28] =	ssyncadd.s32 $0xFFFFC000  }
0x222: {  	[spmem:s3] =	stream.indirect.scatter.add.f32 [tilespmem:s25], [sflag:$0x3], $0x80, s17, s24, $0xb8;
	[tilespmem:$0x1E080] =	vst v63  }
0x223: {  	_ =	swait.ge [sflag:s22], $0x4000  }
0x224: {  	[sflag:s22] =	ssyncset.done $0x0  }
0x225: {  	s30 =	simm.s32 $0x600;
	[sflag:s22] =	ssyncadd.s32 $0xFFFFC000  }
0x226: {  	[tilespmem:s25], [sflag:$0x2] =	stream.indirect.gather [hbm4b:s0+s24], $0x80, s30, s24, $0xb8;
	[tilespmem:$0x1E080] =	vst v63  }
0x227: {  	_ =	swait.ge [sflag:s29], $0x4000  }
0x228: {  	[sflag:s29] =	ssyncset.done $0x0  }
0x229: {  	s15 =	simm.s32 $0x1980;
	[sflag:s29] =	ssyncadd.s32 $0xFFFFC000  }
0x22a: {  	[spmem:s3] =	stream.indirect.scatter.add.f32 [tilespmem:s26], [sflag:$0x3], $0x80, s15, s24, $0xb8;
	[tilespmem:$0x1E080] =	vst v63  }
0x22b: {  	_ =	swait.ge [sflag:s22], $0x4000  }
0x22c: {  	[sflag:s22] =	ssyncset.done $0x0  }
0x22d: {  	s16 =	simm.s32 $0x680;
	[sflag:s22] =	ssyncadd.s32 $0xFFFFC000  }
0x22e: {  	[tilespmem:s26], [sflag:$0x1] =	stream.indirect.gather [hbm4b:s0+s24], $0x80, s16, s24, $0xb8;
	[tilespmem:$0x1E080] =	vst v63  }
0x22f: {  	_ =	swait.ge [sflag:s28], $0x4000  }
0x230: {  	[sflag:s28] =	ssyncset.done $0x0  }
0x231: {  	s17 =	simm.s32 $0x1A00;
	[sflag:s28] =	ssyncadd.s32 $0xFFFFC000  }
0x232: {  	[spmem:s3] =	stream.indirect.scatter.add.f32 [tilespmem:s25], [sflag:$0x3], $0x80, s17, s24, $0xb8;
	[tilespmem:$0x1E080] =	vst v63  }
0x233: {  	_ =	swait.ge [sflag:s22], $0x4000  }
0x234: {  	[sflag:s22] =	ssyncset.done $0x0  }
0x235: {  	s30 =	simm.s32 $0x700;
	[sflag:s22] =	ssyncadd.s32 $0xFFFFC000  }
0x236: {  	[tilespmem:s25], [sflag:$0x2] =	stream.indirect.gather [hbm4b:s0+s24], $0x80, s30, s24, $0xb8;
	[tilespmem:$0x1E080] =	vst v63  }
0x237: {  	_ =	swait.ge [sflag:s29], $0x4000  }
0x238: {  	[sflag:s29] =	ssyncset.done $0x0  }
0x239: {  	s15 =	simm.s32 $0x1A80;
	[sflag:s29] =	ssyncadd.s32 $0xFFFFC000  }
0x23a: {  	[spmem:s3] =	stream.indirect.scatter.add.f32 [tilespmem:s26], [sflag:$0x3], $0x80, s15, s24, $0xb8;
	[tilespmem:$0x1E080] =	vst v63  }
0x23b: {  	_ =	swait.ge [sflag:s22], $0x4000  }
0x23c: {  	[sflag:s22] =	ssyncset.done $0x0  }
0x23d: {  	s16 =	simm.s32 $0x780;
	[sflag:s22] =	ssyncadd.s32 $0xFFFFC000  }
0x23e: {  	[tilespmem:s26], [sflag:$0x1] =	stream.indirect.gather [hbm4b:s0+s24], $0x80, s16, s24, $0xb8;
	[tilespmem:$0x1E080] =	vst v63  }
0x23f: {  	_ =	swait.ge [sflag:s28], $0x4000  }
0x240: {  	[sflag:s28] =	ssyncset.done $0x0  }
0x241: {  	s17 =	simm.s32 $0x1B00;
	[sflag:s28] =	ssyncadd.s32 $0xFFFFC000  }
0x242: {  	[spmem:s3] =	stream.indirect.scatter.add.f32 [tilespmem:s25], [sflag:$0x3], $0x80, s17, s24, $0xb8;
	[tilespmem:$0x1E080] =	vst v63  }
0x243: {  	_ =	swait.ge [sflag:s22], $0x4000  }
0x244: {  	[sflag:s22] =	ssyncset.done $0x0  }
0x245: {  	s30 =	simm.s32 $0x800;
	[sflag:s22] =	ssyncadd.s32 $0xFFFFC000  }
0x246: {  	[tilespmem:s25], [sflag:$0x2] =	stream.indirect.gather [hbm4b:s0+s24], $0x80, s30, s24, $0xb8;
	[tilespmem:$0x1E080] =	vst v63  }
0x247: {  	_ =	swait.ge [sflag:s29], $0x4000  }
0x248: {  	[sflag:s29] =	ssyncset.done $0x0  }
0x249: {  	s15 =	simm.s32 $0x1B80;
	[sflag:s29] =	ssyncadd.s32 $0xFFFFC000  }
0x24a: {  	[spmem:s3] =	stream.indirect.scatter.add.f32 [tilespmem:s26], [sflag:$0x3], $0x80, s15, s24, $0xb8;
	[tilespmem:$0x1E080] =	vst v63  }
0x24b: {  	_ =	swait.ge [sflag:s22], $0x4000  }
0x24c: {  	[sflag:s22] =	ssyncset.done $0x0  }
0x24d: {  	s16 =	simm.s32 $0x880;
	[sflag:s22] =	ssyncadd.s32 $0xFFFFC000  }
0x24e: {  	[tilespmem:s26], [sflag:$0x1] =	stream.indirect.gather [hbm4b:s0+s24], $0x80, s16, s24, $0xb8;
	[tilespmem:$0x1E080] =	vst v63  }
0x24f: {  	_ =	swait.ge [sflag:s28], $0x4000  }
0x250: {  	[sflag:s28] =	ssyncset.done $0x0  }
0x251: {  	s17 =	simm.s32 $0x1C00;
	[sflag:s28] =	ssyncadd.s32 $0xFFFFC000  }
0x252: {  	[spmem:s3] =	stream.indirect.scatter.add.f32 [tilespmem:s25], [sflag:$0x3], $0x80, s17, s24, $0xb8;
	[tilespmem:$0x1E080] =	vst v63  }
0x253: {  	_ =	swait.ge [sflag:s22], $0x4000  }
0x254: {  	[sflag:s22] =	ssyncset.done $0x0  }
0x255: {  	s30 =	simm.s32 $0x900;
	[sflag:s22] =	ssyncadd.s32 $0xFFFFC000  }
0x256: {  	[tilespmem:s25], [sflag:$0x2] =	stream.indirect.gather [hbm4b:s0+s24], $0x80, s30, s24, $0xb8;
	[tilespmem:$0x1E080] =	vst v63  }
0x257: {  	_ =	swait.ge [sflag:s29], $0x4000  }
0x258: {  	[sflag:s29] =	ssyncset.done $0x0  }
0x259: {  	s15 =	simm.s32 $0x1C80;
	[sflag:s29] =	ssyncadd.s32 $0xFFFFC000  }
0x25a: {  	[spmem:s3] =	stream.indirect.scatter.add.f32 [tilespmem:s26], [sflag:$0x3], $0x80, s15, s24, $0xb8;
	[tilespmem:$0x1E080] =	vst v63  }
0x25b: {  	_ =	swait.ge [sflag:s22], $0x4000  }
0x25c: {  	[sflag:s22] =	ssyncset.done $0x0  }
0x25d: {  	s16 =	simm.s32 $0x980;
	[sflag:s22] =	ssyncadd.s32 $0xFFFFC000  }
0x25e: {  	[tilespmem:s26], [sflag:$0x1] =	stream.indirect.gather [hbm4b:s0+s24], $0x80, s16, s24, $0xb8;
	[tilespmem:$0x1E080] =	vst v63  }
0x25f: {  	_ =	swait.ge [sflag:s28], $0x4000  }
0x260: {  	[sflag:s28] =	ssyncset.done $0x0  }
0x261: {  	s17 =	simm.s32 $0x1D00;
	[sflag:s28] =	ssyncadd.s32 $0xFFFFC000  }
0x262: {  	[spmem:s3] =	stream.indirect.scatter.add.f32 [tilespmem:s25], [sflag:$0x3], $0x80, s17, s24, $0xb8;
	[tilespmem:$0x1E080] =	vst v63  }
0x263: {  	_ =	swait.ge [sflag:s22], $0x4000  }
0x264: {  	[sflag:s22] =	ssyncset.done $0x0  }
0x265: {  	[sflag:s22] =	ssyncadd.s32 $0xFFFFC000  }
0x266: {  	_ =	swait.ge [sflag:s29], $0x4000  }
0x267: {  	[sflag:s29] =	ssyncset.done $0x0  }
.Ltmp9:
0x268: {  	s30 =	simm.s32 $0x1D80;
	[sflag:s29] =	ssyncadd.s32 $0xFFFFC000;
	(pc) =	sbr.rel .LBB2_15-.Ltmp9, $4  }
0x269: {  	[spmem:s3] =	stream.indirect.scatter.add.f32 [tilespmem:s26], [sflag:$0x3], $0x80, s30, s24, $0xb8;
	[tilespmem:$0x1E080] =	vst v63  }
0x26a: {  	_ =	swait.ge [sflag:s22], $0x4000  }
0x26b: {  	s1 =	simm.s32 $0x2780;
	s4 =	simm.s32 $0x0;
	[sflag:s22] =	ssyncset.done $0x0  }
0x26c: {  	s31 =	simm.s32 $0x2700;
	s23 =	simm.s32 $0x1400;
	[sflag:s22] =	ssyncadd.s32 $0xFFFFC000  }
.LBB2_16:
0x26d: {  	_ =	sfence.sel $0x180000  }
0x26e: {  	[bflag:$0x0] =	sbarrier.arrive $0xFFFF  }
0x26f: {  	_ =	strace $0x90000047  }
0x270: {  	[bflag:$0x2] =	sbarrier.arrive $0xFFFF  }
0x271: {  	s0 =	rddreg [dreg:$0x3]  }
0x272: {  	s0 =	sadd.s32 @!p1 $0x100000, s0  }
0x273: {  	[sflag:s0] =	ssyncadd.tile.s32 @!p1 $0x1;
	_ =	shalt  }
.Lfunc_end2:
_tile_overlayer_lowered:
.L_overlay_start_2:
0x274: {  	(tag) =	ssettag $0x2  }
0x275: {  	s0 =	rddreg [dreg:$0x0];
	s2 =	stileid.u32  }
0x276: {  	s1 =	rddreg [dreg:$0x1];
	p0 =	sne.s32 s2, $0x0  }
0x277: {  	s3 =	rddreg [dreg:$0x2];
	[bflag:$0x3] =	sbarrier.arrive $0xFFFF;
	s2 =	simm.s32 @!p0 $0x1C03  }
0x278: {  	[timem:s3], [sflag:s2] =	dma.local @!p0 [hbm:s0], s1  }
0x279: {  	s0 =	simm.s32 @!p0 $0x3  }
0x27a: {  	_ =	swait.ge @!p0 [sflag:s0], s1  }
0x27b: {  	s1 =	ssub.s32 @!p0 $0x0, s1;
	[sflag:s0] =	ssyncset.done @!p0 $0x0  }
0x27c: {  	[sflag:s0] =	ssyncadd.s32 @!p0 s1  }
0x27d: {  	[bflag:$0x3] =	sbarrier.arrive $0xFFFF  }
0x27e: {  	_ =	shalt  }

// kernel: kernel.9.cloned.1.call-start
scs
__scs_entry_jumppad:
0x0: {  	(pc) =	sbr.rel $0x88, $3  }
0x1: {  	(tag) =	ssettag $0x0;
	lr =	simm.s32 $0x1  }
0x2: {  	[smem:$0x3F93] =	sst lr;
	_ =	strace $0xD0000000  }
0x3: {  	_ = 	snop  }
0x4: {  	_ = 	snop  }
0x5: {  	_ = 	snop  }
0x6: {  	_ = 	snop  }
0x7: {  	_ = 	snop  }
__scs_overlays_trampoline_lowered:
0x8: {  	[smem:$0x3FA2] =	sst s0  }
0x9: {  	[smem:$0x3FA3] =	sst s1  }
0xa: {  	[smem:$0x3FA4] =	sst s2  }
0xb: {  	[smem:$0x3FA5] =	sst s3  }
0xc: {  	[smem:$0x3FA6] =	sst s4  }
0xd: {  	[smem:$0x3FA7] =	sst s5  }
0xe: {  	[smem:$0x3FA8] =	sst s6  }
0xf: {  	[smem:$0x3FA9] =	sst s7  }
0x10: {  	[smem:$0x3FAA] =	sst s8  }
0x11: {  	[smem:$0x3FAB] =	sst s9;
	s0 =	simm.s32 @!p0 $0x0  }
0x12: {  	s1 =	sld [smem:$0x3F91];
	s0 =	simm.s32 @p0 $0x1  }
0x13: {  	[smem:$0x3FAC] =	sst s0;
	s0 =	simm.s32 @!p1 $0x0  }
0x14: {  	s2 =	sld [smem:$0x3F90];
	s0 =	simm.s32 @p1 $0x1  }
0x15: {  	[smem:$0x3FAD] =	sst s0;
	s0 =	simm.s32 @!p2 $0x0  }
0x16: {  	s3 =	sld [smem:$0x3FDB];
	s0 =	simm.s32 @p2 $0x1  }
0x17: {  	s4 =	simm.s32 $0x1BF5;
	[smem:$0x3FAF] =	sst s0  }
0x18: {  	s0 =	sld [smem:$0x3F92];
	_ =	swait.ge [sflag:s4], $0x0  }
0x19: {  	s7 =	sld [smem:$0x3F93]  }
0x1a: {  	s8 =	sadd.s32 $0xFFFFE003, lr  }
0x1b: {  	s9 =	sadd.s32 $0xFFFFFEF7, lr;
	s5 =	simm.s32 $0xFFFFFFFF;
	p2 =	slt.u32 s8, $0xFFFFF086  }
0x1c: {  	p1 =	slt.u32 s9, $0xF7A;
	s5 =	simm.s32 @!p2 $0x0  }
0x1d: {  	s5 =	simm.s32 @p1 $0x1;
	p0 =	seq.s32 s7, s2  }
0x1e: {  	s7 =	smul.u32 @!p0 $0xF7A, s2;
	p2 =	seq.s32 @!p0 s5, $0x0  }
0x1f: {  	s9 =	smul.u32 $0xF7A, s1;
	s8 =	simm.s32 @!p0 $0x1BF5;
	p2 =	por !p2, p0  }
0x20: {  	[sflag:s8] =	ssyncset.s32 @!p0 $0xFFFFF086;
	s6 =	sadd.s32 @!p0 s3, s7;
	s7 =	simm.s32 @!p0 $0x108  }
0x21: {  	s3 =	sadd.s32 s3, s9;
	s6 =	sadd.s32 @!p0 $0x88, s6;
	s7 =	simm.s32 @p2 $0x1082  }
0x22: {  	[simem:s7], [sflag:s8] =	dma.local @!p0 [hbm:s6], $0xF7A  }
0x23: {  	s9 =	sor.u32 $0xD0000000, s2;
	s6 =	simm.s32 $0x108;
	_ =	swait.ge @!p0 [sflag:s8], $0x0  }
0x24: {  	s3 =	sadd.s32 $0x88, s3;
	s6 =	simm.s32 @!p1 $0x1082;
	[sflag:s4] =	ssyncset.s32 $0xFFFFF086  }
0x25: {  	[simem:s6], [sflag:s4] =	dma.local [hbm:s3], $0xF7A  }
0x26: {  	[smem:$0x3F93] =	sst s1;
	(tag) =	ssettag s2;
	_ =	strace s9  }
0x27: {  	s1 =	sld [smem:$0x3FA3]  }
0x28: {  	s2 =	sld [smem:$0x3FA4]  }
0x29: {  	s4 =	sld [smem:$0x3FA6]  }
0x2a: {  	p0 =	seq.s32 s5, $0x0;
	s5 =	sld [smem:$0x3FA7]  }
0x2b: {  	s6 =	sld [smem:$0x3FA8]  }
0x2c: {  	s7 =	sld [smem:$0x3FA9]  }
0x2d: {  	s3 =	simm.s32 $0x108;
	s8 =	sld [smem:$0x3FAA]  }
0x2e: {  	s3 =	simm.s32 @!p0 $0x1082;
	s9 =	sld [smem:$0x3FAB]  }
0x2f: {  	lr =	sadd.s32 s0, s3;
	s0 =	sld [smem:$0x3FA2]  }
0x30: {  	s3 =	sld [smem:$0x3FA5]  }
0x31: {  	[smem:$0x3FAE] =	sst s10  }
0x32: {  	s10 =	sld [smem:$0x3FAC];
	_ =	sdelay $0x3  }
0x33: {  	p0 =	seq.s32 s10, $0x1;
	s10 =	sld [smem:$0x3FAE];
	_ =	sdelay $0x3  }
0x34: {  	[smem:$0x3FAE] =	sst s10  }
0x35: {  	s10 =	sld [smem:$0x3FAD];
	_ =	sdelay $0x3  }
0x36: {  	p1 =	seq.s32 s10, $0x1;
	s10 =	sld [smem:$0x3FAE];
	_ =	sdelay $0x3  }
0x37: {  	[smem:$0x3FAE] =	sst s10  }
0x38: {  	s10 =	sld [smem:$0x3FAF]  }
0x39: {  	_ = 	snop;
	(pc) =	sbr.ind lr, $3  }
0x3a: {  	_ = 	snop  }
0x3b: {  	_ = 	snop  }
0x3c: {  	p2 =	seq.s32 s10, $0x1;
	s10 =	sld [smem:$0x3FAE]  }
0x3d: {  	_ =	shalt  }
0x3e: {  	_ =	shalt  }
0x3f: {  	_ =	shalt  }
0x40: {  	_ =	shalt  }
0x41: {  	_ =	shalt  }
0x42: {  	_ =	shalt  }
0x43: {  	_ =	shalt  }
0x44: {  	_ =	shalt  }
0x45: {  	_ =	shalt  }
0x46: {  	_ =	shalt  }
0x47: {  	_ =	shalt  }
0x48: {  	_ =	shalt  }
0x49: {  	_ =	shalt  }
0x4a: {  	_ =	shalt  }
0x4b: {  	_ =	shalt  }
0x4c: {  	_ =	shalt  }
0x4d: {  	_ =	shalt  }
0x4e: {  	_ =	shalt  }
0x4f: {  	_ =	shalt  }
0x50: {  	_ =	shalt  }
0x51: {  	_ =	shalt  }
0x52: {  	_ =	shalt  }
0x53: {  	_ =	shalt  }
0x54: {  	_ =	shalt  }
0x55: {  	_ =	shalt  }
0x56: {  	_ =	shalt  }
0x57: {  	_ =	shalt  }
0x58: {  	_ =	shalt  }
0x59: {  	_ =	shalt  }
0x5a: {  	_ =	shalt  }
0x5b: {  	_ =	shalt  }
0x5c: {  	_ =	shalt  }
0x5d: {  	_ =	shalt  }
0x5e: {  	_ =	shalt  }
0x5f: {  	_ =	shalt  }
0x60: {  	_ =	shalt  }
0x61: {  	_ =	shalt  }
0x62: {  	_ =	shalt  }
0x63: {  	_ =	shalt  }
0x64: {  	_ =	shalt  }
0x65: {  	_ =	shalt  }
0x66: {  	_ =	shalt  }
0x67: {  	_ =	shalt  }
0x68: {  	_ =	shalt  }
0x69: {  	_ =	shalt  }
0x6a: {  	_ =	shalt  }
0x6b: {  	_ =	shalt  }
0x6c: {  	_ =	shalt  }
0x6d: {  	_ =	shalt  }
0x6e: {  	_ =	shalt  }
0x6f: {  	_ =	shalt  }
0x70: {  	_ =	shalt  }
0x71: {  	_ =	shalt  }
0x72: {  	_ =	shalt  }
0x73: {  	_ =	shalt  }
0x74: {  	_ =	shalt  }
0x75: {  	_ =	shalt  }
0x76: {  	_ =	shalt  }
0x77: {  	_ =	shalt  }
0x78: {  	_ =	shalt  }
0x79: {  	_ =	shalt  }
0x7a: {  	_ =	shalt  }
0x7b: {  	_ =	shalt  }
0x7c: {  	_ =	shalt  }
0x7d: {  	_ =	shalt  }
0x7e: {  	_ =	shalt  }
0x7f: {  	_ =	shalt  }
0x80: {  	_ =	shalt  }
0x81: {  	_ =	shalt  }
0x82: {  	_ =	shalt  }
0x83: {  	_ =	shalt  }
0x84: {  	_ =	shalt  }
0x85: {  	_ =	shalt  }
0x86: {  	_ =	shalt  }
0x87: {  	_ =	shalt  }
.Lfunc_end0:
.L_simem_size_0:
called_computation.1_lowered:
.L_overlay_start_0:
0x88: {  	s2 =	sld [smem:$0x3FD9]  }
0x89: {  	s3 =	sld [smem:$0x3FFE];
	_ =	sdelay $0x1  }
0x8a: {  	s1 =	srdreg.scid  }
0x8b: {  	s0 =	sand.u32 $0x1, s1  }
0x8c: {  	s16 =	sshll.u32 s0, $0xA;
	s2 =	sadd.s32 s3, s2  }
0x8d: {  	s2 =	sadd.s32 s2, s16  }
0x8e: {  	[smem:$0x3FBA] =	sst s2  }
0x8f: {  	_ = 	snop  }
0x90: {  	(tm) =	ssettm $0x1  }
0x91: {  	s17 =	sld [smem:$0x3FFB];
	_ =	sdelay $0x3  }
0x92: {  	_ =	strace s17  }
0x93: {  	s2 =	sld [smem:$0x3FFC];
	_ =	sdelay $0x3  }
0x94: {  	_ =	strace s2  }
0x95: {  	s2 =	sld [smem:$0x3FFD];
	_ =	sdelay $0x3  }
0x96: {  	_ =	strace s2  }
0x97: {  	_ =	strace $0x8FFFFFFF  }
0x98: {  	s18 =	sld [smem:$0x3FDB];
	_ =	sdelay $0x1  }
0x99: {  	s19 =	simm.s32 $_scs_section_size  }
0x9a: {  	s4 =	simm.s32 $_size__tile_overlayer_lowered;
	s5 =	simm.s32 $_tile_overlayer_lowered  }
0x9b: {  	s22 =	simm.s32 $0x1BFF;
	s21 =	sshll.u32 s5, $0x1;
	s2 =	sadd.s32 s19, s18  }
0x9c: {  	s6 =	simm.s32 $0x0;
	s20 =	sshll.u32 s4, $0x1;
	s4 =	sadd.s32 s21, s2  }
0x9d: {  	[timem:s6], [sflag:s22] =	dma.local [hbm:s4], s20  }
0x9e: {  	_ =	swait.ge [sflag:s22], s20  }
0x9f: {  	s3 =	ssub.s32 $0x0, s20;
	[sflag:s22] =	ssyncset.done $0x0  }
0xa0: {  	[sflag:s22] =	ssyncadd.s32 s3;
	_ =	sdelay $0x1  }
0xa1: {  	s23 =	simm.s32 $0x1B8B  }
0xa2: {  	_ =	swait.ge [sflag:s23], $0x1  }
0xa3: {  	[sflag:s23] =	ssyncset.done $0x0  }
0xa4: {  	s25 =	simm.s32 $0x1B8E;
	s24 =	sld [smem:$0x3FFE];
	[sflag:s23] =	ssyncadd.s32 $0xFFFFFFFF  }
0xa5: {  	s26 =	simm.s32 $execute0_lowered;
	[smem:$0x3FD2] =	sst s25  }
0xa6: {  	s4 =	sshll.u32 s26, $0x1;
	_ =	strace $0x80000049;
	[dreg:$0x1] =	wrdreg $0xFFFFFFFF  }
0xa7: {  	s28 =	simm.s32 $_size_execute0_lowered;
	s2 =	sadd.s32 s2, s4;
	[dreg:$0x0] =	wrdreg $0x0  }
0xa8: {  	s4 =	sshll.u32 s28, $0x1;
	[dreg:$0x2] =	wrdreg s2  }
0xa9: {  	[dreg:$0x3] =	wrdreg s4  }
0xaa: {  	[dreg:$0x4] =	wrdreg $0xC0  }
0xab: {  	_ =	task [dreg:s6], $0x5FFFF  }
0xac: {  	[dreg:$0x1] =	wrdreg $0xFFFFFFFF  }
0xad: {  	[dreg:$0x0] =	wrdreg $0x60  }
0xae: {  	[dreg:$0x2] =	wrdreg s24  }
0xaf: {  	[dreg:$0x3] =	wrdreg $0xA8000  }
0xb0: {  	[dreg:$0x4] =	wrdreg $0x9  }
0xb1: {  	_ =	task.clear_ibuf [dreg:s6], $0x5FFFF;
	_ =	strace $0x90000049  }
0xb2: {  	s29 =	simm.s32 $0x9;
	_ =	strace $0x8000004B  }
0xb3: {  	_ =	swait.ge [sflag:s29], $0x1  }
0xb4: {  	[sflag:s29] =	ssyncadd.s32 $0xFFFFFFFF  }
0xb5: {  	_ =	strace $0x9000004B  }
0xb6: {  	_ =	sfence  }
0xb7: {  	s30 =	sld [smem:$0x0];
	_ =	sdelay $0x2  }
0xb8: {  	s31 =	sshll.u32 s1, $0xD;
	s1 =	sshrl.u32 s1, $0x2  }
0xb9: {  	s3 =	sand.u32 $0x4000, s31;
	s1 =	sadd.s32 s1, s30  }
0xba: {  	s0 =	sor.u32 s3, s0;
	s1 =	sshll.u32 s1, $0x11  }
0xbb: {  	s0 =	sor.u32 s1, s0  }
0xbc: {  	s0 =	sadd.s32 $0x8F2B, s0  }
0xbd: {  	[sflag:s0] =	ssyncadd.remote.s32 $0x1  }
0xbe: {  	_ =	sfence.sel $0xFFFF  }
0xbf: {  	[dreg:$0x0] =	wrdreg $0xFFFFFFFF;
	(pc) =	sbr.abs _section_cstart, $3  }
0xc0: {  	[dreg:$0x1] =	wrdreg $0xFFFFFFFF  }
0xc1: {  	_ =	task.clear_ibuf [dreg:s6], $0x2FFFF;
	_ =	strace $0x9FFFFFFF  }
0xc2: {  	(tm) =	ssettm $0x7FFFFFFF  }
0xc3: {  	_ =	shalt  }
tec
execute0_lowered:
.L_overlay_start_1:
0x0: {  	(tag) =	ssettag $0x1  }
0x1: {  	s0 =	srdreg.scid;
	s15 =	rddreg [dreg:$0x0]  }
0x2: {  	s1 =	stileid.u32;
	s2 =	rddreg [dreg:$0x1];
	s3 =	simm.s32 $0x0  }
0x3: {  	s28 =	simm.s32 $0x2;
	s29 =	simm.s32 $0x1;
	s31 =	simm.s32 $0x2700  }
0x4: {  	s13 =	sand.u32 $0x1, s0;
	[smem:$0x7FF] =	sst s3;
	s4 =	sadd.s32 $0x16600, s15  }
0x5: {  	s14 =	sadd.s32 $0x2C00, s15;
	s16 =	sadd.s32 $0x3D800, s15;
	s23 =	smul.u32 $0x4E000, s1  }
0x6: {  	s12 =	sadd.s32 $0x138000, s2;
	s30 =	smul.u32 $0x13800, s1;
	p3 =	sgt.u32 s1, $0xB  }
0x7: {  	s0 =	sshll.u32 s13, $0x4;
	_ =	strace $0x8000004A;
	s9 =	ssub.s32 $0x2, s13  }
0x8: {  	p1 =	seq.s32 s13, $0x0;
	s0 =	sor.u32 s1, s0;
	s20 =	sshrl.u32 s9, $0x1  }
0x9: {  	s26 =	sshrl.u32 s23, $0x2;
	s23 =	sadd.s32 $0xC700, s15;
	s5 =	smul.u32 $0x50, s0  }
0xa: {  	s6 =	smul.u32 $0x48, s0;
	p0 =	sgt.u32 s0, $0xB;
	s21 =	sand.u32 $0x1C, s0  }
0xb: {  	s22 =	sadd.s32 $0xFFFFFFE4, s0;
	s18 =	ssub.s32 s9, s20;
	s20 =	smul.u32 $0x138800, s13  }
0xc: {  	[dreg:$0x5] =	wrdreg s23;
	s23 =	simm.s32 $0x1400;
	p2 =	sne.s32 s0, $0x1F  }
0xd: {  	p5 =	seq.s32 s21, $0xC;
	p6 =	slt.u32 s22, $0x3;
	s21 =	sadd.s32 $0xC600, s15  }
0xe: {  	s22 =	sadd.s32 $0x16280, s15;
	s15 =	sadd.s32 $0x16380, s15;
	[dreg:$0x3] =	wrdreg s21  }
0xf: {  	s7 =	sadd.s32 $0x60, s6;
	s8 =	sadd.s32 $0xFFFFFFE0, s5;
	[dreg:$0x4] =	wrdreg s22  }
0x10: {  	[dreg:$0x6] =	wrdreg s15;
	s21 =	smax.u32 s18, $0x1;
	s22 =	simm.s32 $0x3  }
0x11: {  	s18 =	simm.s32 $0x0;
	s5 =	smov.u32 @p0 s7;
	p0 =	sgt.u32 s0, $0x1B  }
0x12: {  	s7 =	sadd.s32 s26, s2;
	s0 =	simm.s32 $0x2780;
	s8 =	smov.u32 @p1 s5  }
0x13: {  	s5 =	sadd.s32 $0xC0, s6;
	s9 =	sadd.s32 $0x8000, s7;
	s10 =	sadd.s32 $0xC000, s7  }
0x14: {  	s11 =	sadd.s32 $0x10000, s7;
	p1 =	sne.s32 s1, $0x0;
	s8 =	smov.u32 @p0 s5  }
0x15: {  	p0 =	por p5, p6;
	s17 =	sshll.u32 s8, $0x7;
	s25 =	sshll.u32 s8, $0x4  }
0x16: {  	s8 =	sadd.s32 $0x4000, s7;
	s24 =	sshrl.u32 s17, $0x3;
	s5 =	sadd.s32 s14, s25  }
0x17: {  	s19 =	sadd.s32 $0x1400, s17;
	s17 =	sadd.s32 $0x4F800, s17;
	s25 =	sshrl.u32 s20, $0x3  }
.Ltmp0:
0x18: {  	s6 =	sadd.s32 s14, s24;
	s19 =	sshrl.u32 s19, $0x3;
	(pc) =	sbr.rel .LBB2_1-.Ltmp0, $4  }
0x19: {  	s17 =	sshrl.u32 s17, $0x3;
	s24 =	sadd.s32 s30, s20;
	s30 =	sadd.s32 s16, s25  }
0x1a: {  	s25 =	simm.s32 $0x6800;
	s6 =	sadd.s32 $0x9C80, s6;
	s13 =	sadd.s32 s14, s19  }
0x1b: {  	s14 =	sadd.s32 s14, s17;
	s26 =	sshrl.u32 s24, $0x3;
	s20 =	sadd.s32 $0x27000, s30  }
0x1c: {  	v0 =	vimm.f32 $0.0e+00;
	s24 =	simm.s32 $0x80;
	s19 =	sadd.s32 s16, s26;
	s26 =	simm.s32 $0x2800  }
.LBB2_15:
0x1d: {  	s1 =	stileid.u32  }
0x1e: {  	s1 =	sshll.u32 s1, $0x6  }
0x1f: {  	[bflag:$0x0] =	sbarrier.arrive $0xFFFF;
	s15 =	sshrl.u32 s7, $0x3;
	s1 =	sor.u32 $0x1C03, s1  }
0x20: {  	[hbm:s19], [sflag:s1] =	dma.local [spmem:s15], $0x2700  }
0x21: {  	_ =	swait.ge [sflag:s22], $0x2700  }
0x22: {  	s18 =	sadd.s32 $0x1, s18;
	[sflag:s22] =	ssyncset.done $0x0  }
0x23: {  	p4 =	sne.s32 s18, s21;
	s15 =	sshrl.u32 @!p1 s12, $0x3;
	[sflag:s22] =	ssyncadd.s32 $0xFFFFD900  }
0x24: {  	[hbm:s20], [sflag:s1] =	dma.local @!p1 [spmem:s15], $0x100  }
.Ltmp1:
0x25: {  	_ = 	snop;
	(pc) =	sbr.rel @!p4 .LBB2_16-.Ltmp1, $4  }
0x26: {  	s1 =	simm.s32 @!p1 $0x3  }
0x27: {  	_ =	swait.ge @!p1 [sflag:s1], $0x100  }
0x28: {  	[sflag:s1] =	ssyncset.done @!p1 $0x0  }
0x29: {  	[sflag:s1] =	ssyncadd.s32 @!p1 $0xFFFFFF00  }
.LBB2_1:
0x2a: {  	s17 =	simm.s32 $0x0;
	s15 =	simm.s32 $0x200  }
.LBB2_2:
0x2b: {  	p4 =	sne.s32 s15, $0xFE00;
	[tilespmem:s17+$0x2870] =	vst v0  }
0x2c: {  	[tilespmem:s17+$0x2800] =	vst v0  }
0x2d: {  	[tilespmem:s17+$0x2810] =	vst v0  }
.Ltmp2:
0x2e: {  	[tilespmem:s17+$0x2820] =	vst v0;
	(pc) =	sbr.rel @p4 .LBB2_2-.Ltmp2, $4  }
0x2f: {  	[tilespmem:s17+$0x2830] =	vst v0  }
0x30: {  	[tilespmem:s17+$0x2840] =	vst v0  }
0x31: {  	[tilespmem:s17+$0x2850] =	vst v0  }
0x32: {  	[tilespmem:s17+$0x2860] =	vst v0;
	s17 =	sshra.s32 s15, $0x2;
	s15 =	sadd.s32 $0x200, s15  }
0x33: {  	[tilespmem:s17+$0x2870] =	vst v0  }
0x34: {  	[tilespmem:s17+$0x2800] =	vst v0  }
0x35: {  	[tilespmem:s17+$0x2810] =	vst v0  }
0x36: {  	[tilespmem:s17+$0x2820] =	vst v0  }
0x37: {  	[tilespmem:s17+$0x2830] =	vst v0  }
0x38: {  	[tilespmem:s17+$0x2840] =	vst v0  }
0x39: {  	[tilespmem:s17+$0x2850] =	vst v0  }
0x3a: {  	[tilespmem:s17+$0x2860] =	vst v0  }
0x3b: {  	[tilespmem:s3], [sflag:$0x3] =	stream.linear.gather [hbm4b:s5+s3], $0x1400, $0x38;
	[tilespmem:$0x1E080] =	vst v63  }
0x3c: {  	_ =	swait.ge [sflag:s22], $0x1400  }
0x3d: {  	[sflag:s22] =	ssyncset.done $0x0  }
0x3e: {  	[sflag:s22] =	ssyncadd.s32 $0xFFFFEC00  }
0x3f: {  	[tilespmem:s23], [sflag:$0x3] =	stream.linear.gather [hbm4b:s6+s3], $0x1400, $0x38;
	[tilespmem:$0x1E080] =	vst v63  }
0x40: {  	_ =	swait.ge [sflag:s22], $0x1400  }
0x41: {  	[sflag:s22] =	ssyncset.done $0x0  }
0x42: {  	[sflag:s22] =	ssyncadd.s32 $0xFFFFEC00  }
0x43: {  	[tilespmem:s25], [sflag:$0x2] =	stream.indirect.gather [hbm4b:s4+s24], $0x80, s3, s24, $0xb8;
	[tilespmem:$0x1E080] =	vst v63  }
0x44: {  	_ = 	snop  }
0x45: {  	[spmem:s7] =	stream.linear.scatter [tilespmem:s26], [sflag:$0x3], $0x4000, $0x38;
	[tilespmem:$0x1E080] =	vst v63  }
0x46: {  	_ =	swait.ge [sflag:s22], $0x4000  }
0x47: {  	[sflag:s22] =	ssyncset.done $0x0  }
0x48: {  	[sflag:s22] =	ssyncadd.s32 $0xFFFFC000  }
0x49: {  	[spmem:s8] =	stream.linear.scatter [tilespmem:s26], [sflag:$0x3], $0x4000, $0x38;
	[tilespmem:$0x1E080] =	vst v63  }
0x4a: {  	_ =	swait.ge [sflag:s22], $0x4000  }
0x4b: {  	[sflag:s22] =	ssyncset.done $0x0  }
0x4c: {  	[sflag:s22] =	ssyncadd.s32 $0xFFFFC000  }
0x4d: {  	[spmem:s9] =	stream.linear.scatter [tilespmem:s26], [sflag:$0x3], $0x4000, $0x38;
	[tilespmem:$0x1E080] =	vst v63  }
0x4e: {  	_ =	swait.ge [sflag:s22], $0x4000  }
0x4f: {  	[sflag:s22] =	ssyncset.done $0x0  }
0x50: {  	[sflag:s22] =	ssyncadd.s32 $0xFFFFC000  }
0x51: {  	[spmem:s10] =	stream.linear.scatter [tilespmem:s26], [sflag:$0x3], $0x4000, $0x38;
	[tilespmem:$0x1E080] =	vst v63  }
0x52: {  	_ =	swait.ge [sflag:s22], $0x4000  }
0x53: {  	[sflag:s22] =	ssyncset.done $0x0  }
0x54: {  	[sflag:s22] =	ssyncadd.s32 $0xFFFFC000  }
0x55: {  	[spmem:s11] =	stream.linear.scatter [tilespmem:s26], [sflag:$0x3], $0x3800, $0x38;
	[tilespmem:$0x1E080] =	vst v63  }
0x56: {  	_ =	swait.ge [sflag:s22], $0x3800  }
0x57: {  	[sflag:s22] =	ssyncset.done $0x0  }
0x58: {  	s15 =	simm.s32 @!p1 $0x2800;
	[sflag:s22] =	ssyncadd.s32 $0xFFFFC800  }
0x59: {  	[spmem:s12] =	stream.linear.scatter @!p1 [tilespmem:s15], [sflag:$0x3], $0x800, $0x38;
	[tilespmem:$0x1E080] =	vst v63  }
0x5a: {  	s15 =	simm.s32 @!p1 $0x3  }
0x5b: {  	_ =	swait.ge @!p1 [sflag:s15], $0x800  }
0x5c: {  	[sflag:s15] =	ssyncset.done @!p1 $0x0  }
0x5d: {  	[sflag:s15] =	ssyncadd.s32 @!p1 $0xFFFFF800  }
0x5e: {  	s1 =	simm.s32 $0x80;
	[bflag:$0x0] =	sbarrier.arrive $0xFFFF  }
0x5f: {  	[tilespmem:s26], [sflag:$0x1] =	stream.indirect.gather [hbm4b:s4+s24], $0x80, s1, s24, $0xb8;
	[tilespmem:$0x1E080] =	vst v63  }
0x60: {  	_ =	swait.ge [sflag:s28], $0x4000  }
0x61: {  	[sflag:s28] =	ssyncset.done $0x0  }
0x62: {  	s16 =	simm.s32 $0x1400;
	[sflag:s28] =	ssyncadd.s32 $0xFFFFC000  }
0x63: {  	[spmem:s2] =	stream.indirect.scatter.add.f32 [tilespmem:s25], [sflag:$0x3], $0x80, s16, s24, $0xb8;
	[tilespmem:$0x1E080] =	vst v63  }
0x64: {  	_ =	swait.ge [sflag:s22], $0x4000  }
0x65: {  	[sflag:s22] =	ssyncset.done $0x0  }
0x66: {  	s17 =	simm.s32 $0x100;
	[sflag:s22] =	ssyncadd.s32 $0xFFFFC000  }
0x67: {  	[tilespmem:s25], [sflag:$0x2] =	stream.indirect.gather [hbm4b:s4+s24], $0x80, s17, s24, $0xb8;
	[tilespmem:$0x1E080] =	vst v63  }
0x68: {  	_ =	swait.ge [sflag:s29], $0x4000  }
0x69: {  	[sflag:s29] =	ssyncset.done $0x0  }
0x6a: {  	s30 =	simm.s32 $0x1480;
	[sflag:s29] =	ssyncadd.s32 $0xFFFFC000  }
0x6b: {  	[spmem:s2] =	stream.indirect.scatter.add.f32 [tilespmem:s26], [sflag:$0x3], $0x80, s30, s24, $0xb8;
	[tilespmem:$0x1E080] =	vst v63  }
0x6c: {  	_ =	swait.ge [sflag:s22], $0x4000  }
0x6d: {  	s15 =	simm.s32 $0x800;
	s17 =	simm.s32 $0x100;
	[sflag:s22] =	ssyncset.done $0x0  }
.LBB2_4:
0x6e: {  	s16 =	sadd.s32 $0x80, s17  }
0x6f: {  	[sflag:s22] =	ssyncadd.s32 $0xFFFFC000;
	s1 =	smov.u32 s15;
	s30 =	sadd.s32 $0x400, s15  }
0x70: {  	[tilespmem:s26], [sflag:$0x1] =	stream.indirect.gather [hbm4b:s4+s24], $0x80, s16, s24, $0xb8;
	[tilespmem:$0x1E080] =	vst v63  }
0x71: {  	p4 =	sne.s32 s15, $0x4800;
	_ =	swait.ge [sflag:s28], $0x4000  }
0x72: {  	[sflag:s28] =	ssyncset.done $0x0  }
0x73: {  	s15 =	sadd.s32 $0x1400, s17;
	[sflag:s28] =	ssyncadd.s32 $0xFFFFC000  }
0x74: {  	[spmem:s2] =	stream.indirect.scatter.add.f32 [tilespmem:s25], [sflag:$0x3], $0x80, s15, s24, $0xb8;
	[tilespmem:$0x1E080] =	vst v63  }
0x75: {  	_ =	swait.ge [sflag:s22], $0x4000  }
0x76: {  	[sflag:s22] =	ssyncset.done $0x0  }
0x77: {  	s15 =	sadd.s32 $0x100, s17;
	[sflag:s22] =	ssyncadd.s32 $0xFFFFC000  }
0x78: {  	[tilespmem:s25], [sflag:$0x2] =	stream.indirect.gather [hbm4b:s4+s24], $0x80, s15, s24, $0xb8;
	[tilespmem:$0x1E080] =	vst v63  }
0x79: {  	_ =	swait.ge [sflag:s29], $0x4000  }
.Ltmp3:
0x7a: {  	[sflag:s29] =	ssyncset.done $0x0;
	(pc) =	sbr.rel @p4 .LBB2_4-.Ltmp3, $4  }
0x7b: {  	s15 =	sadd.s32 $0x1480, s17;
	[sflag:s29] =	ssyncadd.s32 $0xFFFFC000  }
0x7c: {  	[spmem:s2] =	stream.indirect.scatter.add.f32 [tilespmem:s26], [sflag:$0x3], $0x80, s15, s24, $0xb8;
	[tilespmem:$0x1E080] =	vst v63  }
0x7d: {  	_ =	swait.ge [sflag:s22], $0x4000  }
0x7e: {  	s17 =	sshra.s32 s1, $0x2;
	s15 =	smov.u32 s30;
	[sflag:s22] =	ssyncset.done $0x0  }
0x7f: {  	s1 =	sadd.s32 $0x80, s17;
	[sflag:s22] =	ssyncadd.s32 $0xFFFFC000  }
0x80: {  	[tilespmem:s26], [sflag:$0x1] =	stream.indirect.gather [hbm4b:s4+s24], $0x80, s1, s24, $0xb8;
	[tilespmem:$0x1E080] =	vst v63  }
0x81: {  	_ =	swait.ge [sflag:s28], $0x4000  }
0x82: {  	[sflag:s28] =	ssyncset.done $0x0  }
0x83: {  	s15 =	sadd.s32 $0x1400, s17;
	[sflag:s28] =	ssyncadd.s32 $0xFFFFC000  }
0x84: {  	[spmem:s2] =	stream.indirect.scatter.add.f32 [tilespmem:s25], [sflag:$0x3], $0x80, s15, s24, $0xb8;
	[tilespmem:$0x1E080] =	vst v63  }
0x85: {  	_ =	swait.ge [sflag:s22], $0x4000  }
0x86: {  	[sflag:s22] =	ssyncset.done $0x0  }
0x87: {  	s16 =	sadd.s32 $0x100, s17;
	[sflag:s22] =	ssyncadd.s32 $0xFFFFC000  }
0x88: {  	[tilespmem:s25], [sflag:$0x2] =	stream.indirect.gather [hbm4b:s4+s24], $0x80, s16, s24, $0xb8;
	[tilespmem:$0x1E080] =	vst v63  }
0x89: {  	_ =	swait.ge [sflag:s29], $0x4000  }
0x8a: {  	[sflag:s29] =	ssyncset.done $0x0  }
0x8b: {  	s17 =	sadd.s32 $0x1480, s17;
	[sflag:s29] =	ssyncadd.s32 $0xFFFFC000  }
0x8c: {  	[spmem:s2] =	stream.indirect.scatter.add.f32 [tilespmem:s26], [sflag:$0x3], $0x80, s17, s24, $0xb8;
	[tilespmem:$0x1E080] =	vst v63  }
0x8d: {  	_ =	swait.ge [sflag:s22], $0x4000  }
0x8e: {  	[sflag:s22] =	ssyncset.done $0x0  }
0x8f: {  	s30 =	simm.s32 $0x1380;
	[sflag:s22] =	ssyncadd.s32 $0xFFFFC000  }
0x90: {  	[tilespmem:s26], [sflag:$0x1] =	stream.indirect.gather [hbm4b:s4+s24], $0x80, s30, s24, $0xb8;
	[tilespmem:$0x1E080] =	vst v63  }
0x91: {  	_ =	swait.ge [sflag:s28], $0x4000  }
0x92: {  	[sflag:s28] =	ssyncset.done $0x0  }
0x93: {  	[sflag:s28] =	ssyncadd.s32 $0xFFFFC000  }
0x94: {  	[spmem:s2] =	stream.indirect.scatter.add.f32 [tilespmem:s25], [sflag:$0x3], $0x80, s31, s24, $0xb8;
	[tilespmem:$0x1E080] =	vst v63  }
0x95: {  	_ =	swait.ge [sflag:s22], $0x4000  }
0x96: {  	[sflag:s22] =	ssyncset.done $0x0  }
0x97: {  	[sflag:s22] =	ssyncadd.s32 $0xFFFFC000  }
0x98: {  	_ =	swait.ge [sflag:s29], $0x4000  }
0x99: {  	[sflag:s29] =	ssyncset.done $0x0  }
.Ltmp4:
0x9a: {  	[sflag:s29] =	ssyncadd.s32 $0xFFFFC000;
	(pc) =	sbr.rel @p3 .LBB2_9-.Ltmp4, $4  }
0x9b: {  	[spmem:s2] =	stream.indirect.scatter.add.f32 [tilespmem:s26], [sflag:$0x3], $0x80, s0, s24, $0xb8;
	[tilespmem:$0x1E080] =	vst v63  }
0x9c: {  	_ =	swait.ge [sflag:s22], $0x4000  }
0x9d: {  	[sflag:s22] =	ssyncset.done $0x0  }
0x9e: {  	[sflag:s22] =	ssyncadd.s32 $0xFFFFC000  }
0x9f: {  	s1 =	simm.s32 $0x0  }
0xa0: {  	[tilespmem:s1], [sflag:$0x3] =	stream.linear.gather [hbm4b:s13+s1], $0x1400, $0x38;
	[tilespmem:$0x1E080] =	vst v63  }
0xa1: {  	_ =	swait.ge [sflag:s22], $0x1400  }
0xa2: {  	[sflag:s22] =	ssyncset.done $0x0  }
0xa3: {  	[sflag:s22] =	ssyncadd.s32 $0xFFFFEC00  }
0xa4: {  	[tilespmem:s23], [sflag:$0x3] =	stream.linear.gather [hbm4b:s14+s1], $0x1400, $0x38;
	[tilespmem:$0x1E080] =	vst v63  }
0xa5: {  	_ =	swait.ge [sflag:s22], $0x1400  }
0xa6: {  	[sflag:s22] =	ssyncset.done $0x0  }
0xa7: {  	[sflag:s22] =	ssyncadd.s32 $0xFFFFEC00  }
0xa8: {  	[tilespmem:s25], [sflag:$0x2] =	stream.indirect.gather [hbm4b:s4+s24], $0x80, s1, s24, $0xb8;
	[tilespmem:$0x1E080] =	vst v63  }
0xa9: {  	s15 =	simm.s32 $0x80  }
0xaa: {  	[tilespmem:s26], [sflag:$0x1] =	stream.indirect.gather [hbm4b:s4+s24], $0x80, s15, s24, $0xb8;
	[tilespmem:$0x1E080] =	vst v63  }
0xab: {  	_ =	swait.ge [sflag:s28], $0x4000  }
0xac: {  	[sflag:s28] =	ssyncset.done $0x0  }
0xad: {  	s16 =	simm.s32 $0x1400;
	[sflag:s28] =	ssyncadd.s32 $0xFFFFC000  }
0xae: {  	[spmem:s2] =	stream.indirect.scatter.add.f32 [tilespmem:s25], [sflag:$0x3], $0x80, s16, s24, $0xb8;
	[tilespmem:$0x1E080] =	vst v63  }
0xaf: {  	_ =	swait.ge [sflag:s22], $0x4000  }
0xb0: {  	[sflag:s22] =	ssyncset.done $0x0  }
0xb1: {  	s17 =	simm.s32 $0x100;
	[sflag:s22] =	ssyncadd.s32 $0xFFFFC000  }
0xb2: {  	[tilespmem:s25], [sflag:$0x2] =	stream.indirect.gather [hbm4b:s4+s24], $0x80, s17, s24, $0xb8;
	[tilespmem:$0x1E080] =	vst v63  }
0xb3: {  	_ =	swait.ge [sflag:s29], $0x4000  }
0xb4: {  	[sflag:s29] =	ssyncset.done $0x0  }
0xb5: {  	s30 =	simm.s32 $0x1480;
	[sflag:s29] =	ssyncadd.s32 $0xFFFFC000  }
0xb6: {  	[spmem:s2] =	stream.indirect.scatter.add.f32 [tilespmem:s26], [sflag:$0x3], $0x80, s30, s24, $0xb8;
	[tilespmem:$0x1E080] =	vst v63  }
0xb7: {  	_ =	swait.ge [sflag:s22], $0x4000  }
0xb8: {  	s15 =	simm.s32 $0x800;
	s17 =	simm.s32 $0x100;
	[sflag:s22] =	ssyncset.done $0x0  }
.LBB2_7:
0xb9: {  	s1 =	sadd.s32 $0x80, s17  }
0xba: {  	[sflag:s22] =	ssyncadd.s32 $0xFFFFC000;
	s16 =	smov.u32 s15;
	s30 =	sadd.s32 $0x400, s15  }
0xbb: {  	[tilespmem:s26], [sflag:$0x1] =	stream.indirect.gather [hbm4b:s4+s24], $0x80, s1, s24, $0xb8;
	[tilespmem:$0x1E080] =	vst v63  }
0xbc: {  	p4 =	sne.s32 s15, $0x4800;
	_ =	swait.ge [sflag:s28], $0x4000  }
0xbd: {  	[sflag:s28] =	ssyncset.done $0x0  }
0xbe: {  	s1 =	sadd.s32 $0x1400, s17;
	[sflag:s28] =	ssyncadd.s32 $0xFFFFC000  }
0xbf: {  	[spmem:s2] =	stream.indirect.scatter.add.f32 [tilespmem:s25], [sflag:$0x3], $0x80, s1, s24, $0xb8;
	[tilespmem:$0x1E080] =	vst v63  }
0xc0: {  	_ =	swait.ge [sflag:s22], $0x4000  }
0xc1: {  	[sflag:s22] =	ssyncset.done $0x0  }
0xc2: {  	s1 =	sadd.s32 $0x100, s17;
	[sflag:s22] =	ssyncadd.s32 $0xFFFFC000  }
0xc3: {  	[tilespmem:s25], [sflag:$0x2] =	stream.indirect.gather [hbm4b:s4+s24], $0x80, s1, s24, $0xb8;
	[tilespmem:$0x1E080] =	vst v63  }
0xc4: {  	_ =	swait.ge [sflag:s29], $0x4000  }
.Ltmp5:
0xc5: {  	[sflag:s29] =	ssyncset.done $0x0;
	(pc) =	sbr.rel @p4 .LBB2_7-.Ltmp5, $4  }
0xc6: {  	s1 =	sadd.s32 $0x1480, s17;
	[sflag:s29] =	ssyncadd.s32 $0xFFFFC000  }
0xc7: {  	[spmem:s2] =	stream.indirect.scatter.add.f32 [tilespmem:s26], [sflag:$0x3], $0x80, s1, s24, $0xb8;
	[tilespmem:$0x1E080] =	vst v63  }
0xc8: {  	_ =	swait.ge [sflag:s22], $0x4000  }
0xc9: {  	s15 =	smov.u32 s30;
	s17 =	sshra.s32 s16, $0x2;
	[sflag:s22] =	ssyncset.done $0x0  }
0xca: {  	s1 =	sadd.s32 $0x80, s17;
	[sflag:s22] =	ssyncadd.s32 $0xFFFFC000  }
0xcb: {  	[tilespmem:s26], [sflag:$0x1] =	stream.indirect.gather [hbm4b:s4+s24], $0x80, s1, s24, $0xb8;
	[tilespmem:$0x1E080] =	vst v63  }
0xcc: {  	_ =	swait.ge [sflag:s28], $0x4000  }
0xcd: {  	[sflag:s28] =	ssyncset.done $0x0  }
0xce: {  	s15 =	sadd.s32 $0x1400, s17;
	[sflag:s28] =	ssyncadd.s32 $0xFFFFC000  }
0xcf: {  	[spmem:s2] =	stream.indirect.scatter.add.f32 [tilespmem:s25], [sflag:$0x3], $0x80, s15, s24, $0xb8;
	[tilespmem:$0x1E080] =	vst v63  }
0xd0: {  	_ =	swait.ge [sflag:s22], $0x4000  }
0xd1: {  	[sflag:s22] =	ssyncset.done $0x0  }
0xd2: {  	s16 =	sadd.s32 $0x100, s17;
	[sflag:s22] =	ssyncadd.s32 $0xFFFFC000  }
0xd3: {  	[tilespmem:s25], [sflag:$0x2] =	stream.indirect.gather [hbm4b:s4+s24], $0x80, s16, s24, $0xb8;
	[tilespmem:$0x1E080] =	vst v63  }
0xd4: {  	_ =	swait.ge [sflag:s29], $0x4000  }
0xd5: {  	[sflag:s29] =	ssyncset.done $0x0  }
0xd6: {  	s17 =	sadd.s32 $0x1480, s17;
	[sflag:s29] =	ssyncadd.s32 $0xFFFFC000  }
0xd7: {  	[spmem:s2] =	stream.indirect.scatter.add.f32 [tilespmem:s26], [sflag:$0x3], $0x80, s17, s24, $0xb8;
	[tilespmem:$0x1E080] =	vst v63  }
0xd8: {  	_ =	swait.ge [sflag:s22], $0x4000  }
0xd9: {  	[sflag:s22] =	ssyncset.done $0x0  }
0xda: {  	s30 =	simm.s32 $0x1380;
	[sflag:s22] =	ssyncadd.s32 $0xFFFFC000  }
0xdb: {  	[tilespmem:s26], [sflag:$0x1] =	stream.indirect.gather [hbm4b:s4+s24], $0x80, s30, s24, $0xb8;
	[tilespmem:$0x1E080] =	vst v63  }
0xdc: {  	_ =	swait.ge [sflag:s28], $0x4000  }
0xdd: {  	[sflag:s28] =	ssyncset.done $0x0  }
0xde: {  	[sflag:s28] =	ssyncadd.s32 $0xFFFFC000  }
0xdf: {  	[spmem:s2] =	stream.indirect.scatter.add.f32 [tilespmem:s25], [sflag:$0x3], $0x80, s31, s24, $0xb8;
	[tilespmem:$0x1E080] =	vst v63  }
0xe0: {  	_ =	swait.ge [sflag:s22], $0x4000  }
0xe1: {  	[sflag:s22] =	ssyncset.done $0x0  }
0xe2: {  	[sflag:s22] =	ssyncadd.s32 $0xFFFFC000  }
0xe3: {  	_ =	swait.ge [sflag:s29], $0x4000  }
0xe4: {  	[sflag:s29] =	ssyncset.done $0x0  }
0xe5: {  	[sflag:s29] =	ssyncadd.s32 $0xFFFFC000  }
0xe6: {  	[spmem:s2] =	stream.indirect.scatter.add.f32 [tilespmem:s26], [sflag:$0x3], $0x80, s0, s24, $0xb8;
	[tilespmem:$0x1E080] =	vst v63  }
0xe7: {  	_ =	swait.ge [sflag:s22], $0x4000  }
0xe8: {  	[sflag:s22] =	ssyncset.done $0x0  }
0xe9: {  	[sflag:s22] =	ssyncadd.s32 $0xFFFFC000  }
.LBB2_9:
.Ltmp6:
0xea: {  	(pc) =	sbr.rel @!p0 .LBB2_13-.Ltmp6, $1  }
0xeb: {  	_ =	sdelay $0x3  }
0xec: {  	s1 =	simm.s32 $0x0  }
0xed: {  	[tilespmem:s1], [sflag:$0x3] =	stream.linear.gather [hbm4b:s13+s1], $0x1000, $0x38;
	[tilespmem:$0x1E080] =	vst v63  }
0xee: {  	_ =	swait.ge [sflag:s22], $0x1000  }
0xef: {  	[sflag:s22] =	ssyncset.done $0x0  }
0xf0: {  	[sflag:s22] =	ssyncadd.s32 $0xFFFFF000  }
0xf1: {  	[tilespmem:s23], [sflag:$0x3] =	stream.linear.gather [hbm4b:s14+s1], $0x1000, $0x38;
	[tilespmem:$0x1E080] =	vst v63  }
0xf2: {  	_ =	swait.ge [sflag:s22], $0x1000  }
0xf3: {  	[sflag:s22] =	ssyncset.done $0x0  }
0xf4: {  	[sflag:s22] =	ssyncadd.s32 $0xFFFFF000  }
0xf5: {  	[tilespmem:s25], [sflag:$0x2] =	stream.indirect.gather [hbm4b:s4+s24], $0x80, s1, s24, $0xb8;
	[tilespmem:$0x1E080] =	vst v63  }
0xf6: {  	s15 =	simm.s32 $0x80  }
0xf7: {  	[tilespmem:s26], [sflag:$0x1] =	stream.indirect.gather [hbm4b:s4+s24], $0x80, s15, s24, $0xb8;
	[tilespmem:$0x1E080] =	vst v63  }
0xf8: {  	_ =	swait.ge [sflag:s28], $0x4000  }
0xf9: {  	[sflag:s28] =	ssyncset.done $0x0  }
0xfa: {  	s16 =	simm.s32 $0x1400;
	[sflag:s28] =	ssyncadd.s32 $0xFFFFC000  }
0xfb: {  	[spmem:s2] =	stream.indirect.scatter.add.f32 [tilespmem:s25], [sflag:$0x3], $0x80, s16, s24, $0xb8;
	[tilespmem:$0x1E080] =	vst v63  }
0xfc: {  	_ =	swait.ge [sflag:s22], $0x4000  }
0xfd: {  	[sflag:s22] =	ssyncset.done $0x0  }
0xfe: {  	s17 =	simm.s32 $0x100;
	[sflag:s22] =	ssyncadd.s32 $0xFFFFC000  }
0xff: {  	[tilespmem:s25], [sflag:$0x2] =	stream.indirect.gather [hbm4b:s4+s24], $0x80, s17, s24, $0xb8;
	[tilespmem:$0x1E080] =	vst v63  }
0x100: {  	_ =	swait.ge [sflag:s29], $0x4000  }
0x101: {  	[sflag:s29] =	ssyncset.done $0x0  }
0x102: {  	s30 =	simm.s32 $0x1480;
	[sflag:s29] =	ssyncadd.s32 $0xFFFFC000  }
0x103: {  	[spmem:s2] =	stream.indirect.scatter.add.f32 [tilespmem:s26], [sflag:$0x3], $0x80, s30, s24, $0xb8;
	[tilespmem:$0x1E080] =	vst v63  }
0x104: {  	_ =	swait.ge [sflag:s22], $0x4000  }
0x105: {  	s15 =	simm.s32 $0x800;
	s17 =	simm.s32 $0x100;
	[sflag:s22] =	ssyncset.done $0x0  }
.LBB2_11:
0x106: {  	s1 =	sadd.s32 $0x80, s17  }
0x107: {  	[sflag:s22] =	ssyncadd.s32 $0xFFFFC000;
	s16 =	smov.u32 s15;
	s30 =	sadd.s32 $0x400, s15  }
0x108: {  	[tilespmem:s26], [sflag:$0x1] =	stream.indirect.gather [hbm4b:s4+s24], $0x80, s1, s24, $0xb8;
	[tilespmem:$0x1E080] =	vst v63  }
0x109: {  	p4 =	sne.s32 s15, $0x3800;
	_ =	swait.ge [sflag:s28], $0x4000  }
0x10a: {  	[sflag:s28] =	ssyncset.done $0x0  }
0x10b: {  	s1 =	sadd.s32 $0x1400, s17;
	[sflag:s28] =	ssyncadd.s32 $0xFFFFC000  }
0x10c: {  	[spmem:s2] =	stream.indirect.scatter.add.f32 [tilespmem:s25], [sflag:$0x3], $0x80, s1, s24, $0xb8;
	[tilespmem:$0x1E080] =	vst v63  }
0x10d: {  	_ =	swait.ge [sflag:s22], $0x4000  }
0x10e: {  	[sflag:s22] =	ssyncset.done $0x0  }
0x10f: {  	s1 =	sadd.s32 $0x100, s17;
	[sflag:s22] =	ssyncadd.s32 $0xFFFFC000  }
0x110: {  	[tilespmem:s25], [sflag:$0x2] =	stream.indirect.gather [hbm4b:s4+s24], $0x80, s1, s24, $0xb8;
	[tilespmem:$0x1E080] =	vst v63  }
0x111: {  	_ =	swait.ge [sflag:s29], $0x4000  }
.Ltmp7:
0x112: {  	[sflag:s29] =	ssyncset.done $0x0;
	(pc) =	sbr.rel @p4 .LBB2_11-.Ltmp7, $4  }
0x113: {  	s1 =	sadd.s32 $0x1480, s17;
	[sflag:s29] =	ssyncadd.s32 $0xFFFFC000  }
0x114: {  	[spmem:s2] =	stream.indirect.scatter.add.f32 [tilespmem:s26], [sflag:$0x3], $0x80, s1, s24, $0xb8;
	[tilespmem:$0x1E080] =	vst v63  }
0x115: {  	_ =	swait.ge [sflag:s22], $0x4000  }
0x116: {  	s15 =	smov.u32 s30;
	s17 =	sshra.s32 s16, $0x2;
	[sflag:s22] =	ssyncset.done $0x0  }
0x117: {  	s1 =	sadd.s32 $0x80, s17;
	[sflag:s22] =	ssyncadd.s32 $0xFFFFC000  }
0x118: {  	[tilespmem:s26], [sflag:$0x1] =	stream.indirect.gather [hbm4b:s4+s24], $0x80, s1, s24, $0xb8;
	[tilespmem:$0x1E080] =	vst v63  }
0x119: {  	_ =	swait.ge [sflag:s28], $0x4000  }
0x11a: {  	[sflag:s28] =	ssyncset.done $0x0  }
0x11b: {  	s16 =	sadd.s32 $0x1400, s17;
	[sflag:s28] =	ssyncadd.s32 $0xFFFFC000  }
0x11c: {  	[spmem:s2] =	stream.indirect.scatter.add.f32 [tilespmem:s25], [sflag:$0x3], $0x80, s16, s24, $0xb8;
	[tilespmem:$0x1E080] =	vst v63  }
0x11d: {  	_ =	swait.ge [sflag:s22], $0x4000  }
0x11e: {  	[sflag:s22] =	ssyncset.done $0x0  }
0x11f: {  	s30 =	sadd.s32 $0x100, s17;
	[sflag:s22] =	ssyncadd.s32 $0xFFFFC000  }
0x120: {  	[tilespmem:s25], [sflag:$0x2] =	stream.indirect.gather [hbm4b:s4+s24], $0x80, s30, s24, $0xb8;
	[tilespmem:$0x1E080] =	vst v63  }
0x121: {  	_ =	swait.ge [sflag:s29], $0x4000  }
0x122: {  	[sflag:s29] =	ssyncset.done $0x0  }
0x123: {  	s15 =	sadd.s32 $0x1480, s17;
	[sflag:s29] =	ssyncadd.s32 $0xFFFFC000  }
0x124: {  	[spmem:s2] =	stream.indirect.scatter.add.f32 [tilespmem:s26], [sflag:$0x3], $0x80, s15, s24, $0xb8;
	[tilespmem:$0x1E080] =	vst v63  }
0x125: {  	_ =	swait.ge [sflag:s22], $0x4000  }
0x126: {  	[sflag:s22] =	ssyncset.done $0x0  }
0x127: {  	s16 =	simm.s32 $0xF80;
	[sflag:s22] =	ssyncadd.s32 $0xFFFFC000  }
0x128: {  	[tilespmem:s26], [sflag:$0x1] =	stream.indirect.gather [hbm4b:s4+s24], $0x80, s16, s24, $0xb8;
	[tilespmem:$0x1E080] =	vst v63  }
0x129: {  	_ =	swait.ge [sflag:s28], $0x4000  }
0x12a: {  	[sflag:s28] =	ssyncset.done $0x0  }
0x12b: {  	s17 =	simm.s32 $0x2300;
	[sflag:s28] =	ssyncadd.s32 $0xFFFFC000  }
0x12c: {  	[spmem:s2] =	stream.indirect.scatter.add.f32 [tilespmem:s25], [sflag:$0x3], $0x80, s17, s24, $0xb8;
	[tilespmem:$0x1E080] =	vst v63  }
0x12d: {  	_ =	swait.ge [sflag:s22], $0x4000  }
0x12e: {  	[sflag:s22] =	ssyncset.done $0x0  }
0x12f: {  	[sflag:s22] =	ssyncadd.s32 $0xFFFFC000  }
0x130: {  	_ =	swait.ge [sflag:s29], $0x4000  }
0x131: {  	[sflag:s29] =	ssyncset.done $0x0  }
0x132: {  	s30 =	simm.s32 $0x2380;
	[sflag:s29] =	ssyncadd.s32 $0xFFFFC000  }
0x133: {  	[spmem:s2] =	stream.indirect.scatter.add.f32 [tilespmem:s26], [sflag:$0x3], $0x80, s30, s24, $0xb8;
	[tilespmem:$0x1E080] =	vst v63  }
0x134: {  	_ =	swait.ge [sflag:s22], $0x4000  }
0x135: {  	[sflag:s22] =	ssyncset.done $0x0  }
0x136: {  	[sflag:s22] =	ssyncadd.s32 $0xFFFFC000  }
.LBB2_13:
.Ltmp8:
0x137: {  	(pc) =	sbr.rel @p2 .LBB2_15-.Ltmp8, $1  }
0x138: {  	_ =	sdelay $0x3  }
0x139: {  	s1 =	rddreg [dreg:$0x3]  }
0x13a: {  	[tilespmem:s3], [sflag:$0x3] =	stream.linear.gather [hbm4b:s1+s3], $0x800, $0x38;
	[tilespmem:$0x1E080] =	vst v63  }
0x13b: {  	_ =	swait.ge [sflag:s22], $0x800  }
0x13c: {  	[sflag:s22] =	ssyncset.done $0x0  }
0x13d: {  	s15 =	rddreg [dreg:$0x4];
	[sflag:s22] =	ssyncadd.s32 $0xFFFFF800  }
0x13e: {  	[tilespmem:s23], [sflag:$0x3] =	stream.linear.gather [hbm4b:s15+s3], $0x800, $0x38;
	[tilespmem:$0x1E080] =	vst v63  }
0x13f: {  	_ =	swait.ge [sflag:s22], $0x800  }
0x140: {  	[sflag:s22] =	ssyncset.done $0x0  }
0x141: {  	[sflag:s22] =	ssyncadd.s32 $0xFFFFF800  }
0x142: {  	[tilespmem:s25], [sflag:$0x2] =	stream.indirect.gather [hbm4b:s4+s24], $0x80, s3, s24, $0xb8;
	[tilespmem:$0x1E080] =	vst v63  }
0x143: {  	_ = 	snop  }
0x144: {  	[tilespmem:s26], [sflag:$0x1] =	stream.indirect.gather [hbm4b:s4+s24], $0x80, s24, s24, $0xb8;
	[tilespmem:$0x1E080] =	vst v63  }
0x145: {  	_ =	swait.ge [sflag:s28], $0x4000  }
0x146: {  	[sflag:s28] =	ssyncset.done $0x0  }
0x147: {  	[sflag:s28] =	ssyncadd.s32 $0xFFFFC000  }
0x148: {  	[spmem:s2] =	stream.indirect.scatter.add.f32 [tilespmem:s25], [sflag:$0x3], $0x80, s23, s24, $0xb8;
	[tilespmem:$0x1E080] =	vst v63  }
0x149: {  	_ =	swait.ge [sflag:s22], $0x4000  }
0x14a: {  	[sflag:s22] =	ssyncset.done $0x0  }
0x14b: {  	s15 =	simm.s32 $0x100;
	[sflag:s22] =	ssyncadd.s32 $0xFFFFC000  }
0x14c: {  	[tilespmem:s25], [sflag:$0x2] =	stream.indirect.gather [hbm4b:s4+s24], $0x80, s15, s24, $0xb8;
	[tilespmem:$0x1E080] =	vst v63  }
0x14d: {  	_ =	swait.ge [sflag:s29], $0x4000  }
0x14e: {  	[sflag:s29] =	ssyncset.done $0x0  }
0x14f: {  	s16 =	simm.s32 $0x1480;
	[sflag:s29] =	ssyncadd.s32 $0xFFFFC000  }
0x150: {  	[spmem:s2] =	stream.indirect.scatter.add.f32 [tilespmem:s26], [sflag:$0x3], $0x80, s16, s24, $0xb8;
	[tilespmem:$0x1E080] =	vst v63  }
0x151: {  	_ =	swait.ge [sflag:s22], $0x4000  }
0x152: {  	[sflag:s22] =	ssyncset.done $0x0  }
0x153: {  	s17 =	simm.s32 $0x180;
	[sflag:s22] =	ssyncadd.s32 $0xFFFFC000  }
0x154: {  	[tilespmem:s26], [sflag:$0x1] =	stream.indirect.gather [hbm4b:s4+s24], $0x80, s17, s24, $0xb8;
	[tilespmem:$0x1E080] =	vst v63  }
0x155: {  	_ =	swait.ge [sflag:s28], $0x4000  }
0x156: {  	[sflag:s28] =	ssyncset.done $0x0  }
0x157: {  	s30 =	simm.s32 $0x1500;
	[sflag:s28] =	ssyncadd.s32 $0xFFFFC000  }
0x158: {  	[spmem:s2] =	stream.indirect.scatter.add.f32 [tilespmem:s25], [sflag:$0x3], $0x80, s30, s24, $0xb8;
	[tilespmem:$0x1E080] =	vst v63  }
0x159: {  	_ =	swait.ge [sflag:s22], $0x4000  }
0x15a: {  	[sflag:s22] =	ssyncset.done $0x0  }
0x15b: {  	s31 =	simm.s32 $0x200;
	[sflag:s22] =	ssyncadd.s32 $0xFFFFC000  }
0x15c: {  	[tilespmem:s25], [sflag:$0x2] =	stream.indirect.gather [hbm4b:s4+s24], $0x80, s31, s24, $0xb8;
	[tilespmem:$0x1E080] =	vst v63  }
0x15d: {  	_ =	swait.ge [sflag:s29], $0x4000  }
0x15e: {  	[sflag:s29] =	ssyncset.done $0x0  }
0x15f: {  	s0 =	simm.s32 $0x1580;
	[sflag:s29] =	ssyncadd.s32 $0xFFFFC000  }
0x160: {  	[spmem:s2] =	stream.indirect.scatter.add.f32 [tilespmem:s26], [sflag:$0x3], $0x80, s0, s24, $0xb8;
	[tilespmem:$0x1E080] =	vst v63  }
0x161: {  	_ =	swait.ge [sflag:s22], $0x4000  }
0x162: {  	[sflag:s22] =	ssyncset.done $0x0  }
0x163: {  	s23 =	simm.s32 $0x280;
	[sflag:s22] =	ssyncadd.s32 $0xFFFFC000  }
0x164: {  	[tilespmem:s26], [sflag:$0x1] =	stream.indirect.gather [hbm4b:s4+s24], $0x80, s23, s24, $0xb8;
	[tilespmem:$0x1E080] =	vst v63  }
0x165: {  	_ =	swait.ge [sflag:s28], $0x4000  }
0x166: {  	[sflag:s28] =	ssyncset.done $0x0  }
0x167: {  	s1 =	simm.s32 $0x1600;
	[sflag:s28] =	ssyncadd.s32 $0xFFFFC000  }
0x168: {  	[spmem:s2] =	stream.indirect.scatter.add.f32 [tilespmem:s25], [sflag:$0x3], $0x80, s1, s24, $0xb8;
	[tilespmem:$0x1E080] =	vst v63  }
0x169: {  	_ =	swait.ge [sflag:s22], $0x4000  }
0x16a: {  	[sflag:s22] =	ssyncset.done $0x0  }
0x16b: {  	s1 =	simm.s32 $0x300;
	[sflag:s22] =	ssyncadd.s32 $0xFFFFC000  }
0x16c: {  	[tilespmem:s25], [sflag:$0x2] =	stream.indirect.gather [hbm4b:s4+s24], $0x80, s1, s24, $0xb8;
	[tilespmem:$0x1E080] =	vst v63  }
0x16d: {  	_ =	swait.ge [sflag:s29], $0x4000  }
0x16e: {  	[sflag:s29] =	ssyncset.done $0x0  }
0x16f: {  	s1 =	simm.s32 $0x1680;
	[sflag:s29] =	ssyncadd.s32 $0xFFFFC000  }
0x170: {  	[spmem:s2] =	stream.indirect.scatter.add.f32 [tilespmem:s26], [sflag:$0x3], $0x80, s1, s24, $0xb8;
	[tilespmem:$0x1E080] =	vst v63  }
0x171: {  	_ =	swait.ge [sflag:s22], $0x4000  }
0x172: {  	[sflag:s22] =	ssyncset.done $0x0  }
0x173: {  	s1 =	simm.s32 $0x380;
	[sflag:s22] =	ssyncadd.s32 $0xFFFFC000  }
0x174: {  	[tilespmem:s26], [sflag:$0x1] =	stream.indirect.gather [hbm4b:s4+s24], $0x80, s1, s24, $0xb8;
	[tilespmem:$0x1E080] =	vst v63  }
0x175: {  	_ =	swait.ge [sflag:s28], $0x4000  }
0x176: {  	[sflag:s28] =	ssyncset.done $0x0  }
0x177: {  	s1 =	simm.s32 $0x1700;
	[sflag:s28] =	ssyncadd.s32 $0xFFFFC000  }
0x178: {  	[spmem:s2] =	stream.indirect.scatter.add.f32 [tilespmem:s25], [sflag:$0x3], $0x80, s1, s24, $0xb8;
	[tilespmem:$0x1E080] =	vst v63  }
0x179: {  	_ =	swait.ge [sflag:s22], $0x4000  }
0x17a: {  	[sflag:s22] =	ssyncset.done $0x0  }
0x17b: {  	s1 =	simm.s32 $0x400;
	[sflag:s22] =	ssyncadd.s32 $0xFFFFC000  }
0x17c: {  	[tilespmem:s25], [sflag:$0x2] =	stream.indirect.gather [hbm4b:s4+s24], $0x80, s1, s24, $0xb8;
	[tilespmem:$0x1E080] =	vst v63  }
0x17d: {  	_ =	swait.ge [sflag:s29], $0x4000  }
0x17e: {  	[sflag:s29] =	ssyncset.done $0x0  }
0x17f: {  	s1 =	simm.s32 $0x1780;
	[sflag:s29] =	ssyncadd.s32 $0xFFFFC000  }
0x180: {  	[spmem:s2] =	stream.indirect.scatter.add.f32 [tilespmem:s26], [sflag:$0x3], $0x80, s1, s24, $0xb8;
	[tilespmem:$0x1E080] =	vst v63  }
0x181: {  	_ =	swait.ge [sflag:s22], $0x4000  }
0x182: {  	[sflag:s22] =	ssyncset.done $0x0  }
0x183: {  	s1 =	simm.s32 $0x480;
	[sflag:s22] =	ssyncadd.s32 $0xFFFFC000  }
0x184: {  	[tilespmem:s26], [sflag:$0x1] =	stream.indirect.gather [hbm4b:s4+s24], $0x80, s1, s24, $0xb8;
	[tilespmem:$0x1E080] =	vst v63  }
0x185: {  	_ =	swait.ge [sflag:s28], $0x4000  }
0x186: {  	[sflag:s28] =	ssyncset.done $0x0  }
0x187: {  	s1 =	simm.s32 $0x1800;
	[sflag:s28] =	ssyncadd.s32 $0xFFFFC000  }
0x188: {  	[spmem:s2] =	stream.indirect.scatter.add.f32 [tilespmem:s25], [sflag:$0x3], $0x80, s1, s24, $0xb8;
	[tilespmem:$0x1E080] =	vst v63  }
0x189: {  	_ =	swait.ge [sflag:s22], $0x4000  }
0x18a: {  	[sflag:s22] =	ssyncset.done $0x0  }
0x18b: {  	s1 =	simm.s32 $0x500;
	[sflag:s22] =	ssyncadd.s32 $0xFFFFC000  }
0x18c: {  	[tilespmem:s25], [sflag:$0x2] =	stream.indirect.gather [hbm4b:s4+s24], $0x80, s1, s24, $0xb8;
	[tilespmem:$0x1E080] =	vst v63  }
0x18d: {  	_ =	swait.ge [sflag:s29], $0x4000  }
0x18e: {  	[sflag:s29] =	ssyncset.done $0x0  }
0x18f: {  	s1 =	simm.s32 $0x1880;
	[sflag:s29] =	ssyncadd.s32 $0xFFFFC000  }
0x190: {  	[spmem:s2] =	stream.indirect.scatter.add.f32 [tilespmem:s26], [sflag:$0x3], $0x80, s1, s24, $0xb8;
	[tilespmem:$0x1E080] =	vst v63  }
0x191: {  	_ =	swait.ge [sflag:s22], $0x4000  }
0x192: {  	[sflag:s22] =	ssyncset.done $0x0  }
0x193: {  	s1 =	simm.s32 $0x580;
	[sflag:s22] =	ssyncadd.s32 $0xFFFFC000  }
0x194: {  	[tilespmem:s26], [sflag:$0x1] =	stream.indirect.gather [hbm4b:s4+s24], $0x80, s1, s24, $0xb8;
	[tilespmem:$0x1E080] =	vst v63  }
0x195: {  	_ =	swait.ge [sflag:s28], $0x4000  }
0x196: {  	[sflag:s28] =	ssyncset.done $0x0  }
0x197: {  	s1 =	simm.s32 $0x1900;
	[sflag:s28] =	ssyncadd.s32 $0xFFFFC000  }
0x198: {  	[spmem:s2] =	stream.indirect.scatter.add.f32 [tilespmem:s25], [sflag:$0x3], $0x80, s1, s24, $0xb8;
	[tilespmem:$0x1E080] =	vst v63  }
0x199: {  	_ =	swait.ge [sflag:s22], $0x4000  }
0x19a: {  	[sflag:s22] =	ssyncset.done $0x0  }
0x19b: {  	s1 =	simm.s32 $0x600;
	[sflag:s22] =	ssyncadd.s32 $0xFFFFC000  }
0x19c: {  	[tilespmem:s25], [sflag:$0x2] =	stream.indirect.gather [hbm4b:s4+s24], $0x80, s1, s24, $0xb8;
	[tilespmem:$0x1E080] =	vst v63  }
0x19d: {  	_ =	swait.ge [sflag:s29], $0x4000  }
0x19e: {  	[sflag:s29] =	ssyncset.done $0x0  }
0x19f: {  	s1 =	simm.s32 $0x1980;
	[sflag:s29] =	ssyncadd.s32 $0xFFFFC000  }
0x1a0: {  	[spmem:s2] =	stream.indirect.scatter.add.f32 [tilespmem:s26], [sflag:$0x3], $0x80, s1, s24, $0xb8;
	[tilespmem:$0x1E080] =	vst v63  }
0x1a1: {  	_ =	swait.ge [sflag:s22], $0x4000  }
0x1a2: {  	[sflag:s22] =	ssyncset.done $0x0  }
0x1a3: {  	s1 =	simm.s32 $0x680;
	[sflag:s22] =	ssyncadd.s32 $0xFFFFC000  }
0x1a4: {  	[tilespmem:s26], [sflag:$0x1] =	stream.indirect.gather [hbm4b:s4+s24], $0x80, s1, s24, $0xb8;
	[tilespmem:$0x1E080] =	vst v63  }
0x1a5: {  	_ =	swait.ge [sflag:s28], $0x4000  }
0x1a6: {  	[sflag:s28] =	ssyncset.done $0x0  }
0x1a7: {  	s1 =	simm.s32 $0x1A00;
	[sflag:s28] =	ssyncadd.s32 $0xFFFFC000  }
0x1a8: {  	[spmem:s2] =	stream.indirect.scatter.add.f32 [tilespmem:s25], [sflag:$0x3], $0x80, s1, s24, $0xb8;
	[tilespmem:$0x1E080] =	vst v63  }
0x1a9: {  	_ =	swait.ge [sflag:s22], $0x4000  }
0x1aa: {  	[sflag:s22] =	ssyncset.done $0x0  }
0x1ab: {  	s1 =	simm.s32 $0x700;
	[sflag:s22] =	ssyncadd.s32 $0xFFFFC000  }
0x1ac: {  	[tilespmem:s25], [sflag:$0x2] =	stream.indirect.gather [hbm4b:s4+s24], $0x80, s1, s24, $0xb8;
	[tilespmem:$0x1E080] =	vst v63  }
0x1ad: {  	_ =	swait.ge [sflag:s29], $0x4000  }
0x1ae: {  	[sflag:s29] =	ssyncset.done $0x0  }
0x1af: {  	s1 =	simm.s32 $0x1A80;
	[sflag:s29] =	ssyncadd.s32 $0xFFFFC000  }
0x1b0: {  	[spmem:s2] =	stream.indirect.scatter.add.f32 [tilespmem:s26], [sflag:$0x3], $0x80, s1, s24, $0xb8;
	[tilespmem:$0x1E080] =	vst v63  }
0x1b1: {  	_ =	swait.ge [sflag:s22], $0x4000  }
0x1b2: {  	[sflag:s22] =	ssyncset.done $0x0  }
0x1b3: {  	s1 =	simm.s32 $0x780;
	[sflag:s22] =	ssyncadd.s32 $0xFFFFC000  }
0x1b4: {  	[tilespmem:s26], [sflag:$0x1] =	stream.indirect.gather [hbm4b:s4+s24], $0x80, s1, s24, $0xb8;
	[tilespmem:$0x1E080] =	vst v63  }
0x1b5: {  	_ =	swait.ge [sflag:s28], $0x4000  }
0x1b6: {  	[sflag:s28] =	ssyncset.done $0x0  }
0x1b7: {  	s1 =	simm.s32 $0x1B00;
	[sflag:s28] =	ssyncadd.s32 $0xFFFFC000  }
0x1b8: {  	[spmem:s2] =	stream.indirect.scatter.add.f32 [tilespmem:s25], [sflag:$0x3], $0x80, s1, s24, $0xb8;
	[tilespmem:$0x1E080] =	vst v63  }
0x1b9: {  	_ =	swait.ge [sflag:s22], $0x4000  }
0x1ba: {  	[sflag:s22] =	ssyncset.done $0x0  }
0x1bb: {  	[sflag:s22] =	ssyncadd.s32 $0xFFFFC000  }
0x1bc: {  	_ =	swait.ge [sflag:s29], $0x4000  }
0x1bd: {  	[sflag:s29] =	ssyncset.done $0x0  }
0x1be: {  	s1 =	simm.s32 $0x1B80;
	[sflag:s29] =	ssyncadd.s32 $0xFFFFC000  }
0x1bf: {  	[spmem:s2] =	stream.indirect.scatter.add.f32 [tilespmem:s26], [sflag:$0x3], $0x80, s1, s24, $0xb8;
	[tilespmem:$0x1E080] =	vst v63  }
0x1c0: {  	_ =	swait.ge [sflag:s22], $0x4000  }
0x1c1: {  	[sflag:s22] =	ssyncset.done $0x0  }
0x1c2: {  	s0 =	simm.s32 $0x0;
	s1 =	rddreg [dreg:$0x5];
	[sflag:s22] =	ssyncadd.s32 $0xFFFFC000  }
0x1c3: {  	[tilespmem:s0], [sflag:$0x3] =	stream.linear.gather [hbm4b:s1+s0], $0xA00, $0x38;
	[tilespmem:$0x1E080] =	vst v63  }
0x1c4: {  	_ =	swait.ge [sflag:s22], $0xA00  }
0x1c5: {  	[sflag:s22] =	ssyncset.done $0x0  }
0x1c6: {  	s3 =	simm.s32 $0x1400;
	s1 =	rddreg [dreg:$0x6];
	[sflag:s22] =	ssyncadd.s32 $0xFFFFF600  }
0x1c7: {  	[tilespmem:s3], [sflag:$0x3] =	stream.linear.gather [hbm4b:s1+s0], $0xA00, $0x38;
	[tilespmem:$0x1E080] =	vst v63  }
0x1c8: {  	_ =	swait.ge [sflag:s22], $0xA00  }
0x1c9: {  	[sflag:s22] =	ssyncset.done $0x0  }
0x1ca: {  	[sflag:s22] =	ssyncadd.s32 $0xFFFFF600  }
0x1cb: {  	[tilespmem:s25], [sflag:$0x2] =	stream.indirect.gather [hbm4b:s4+s24], $0x80, s0, s24, $0xb8;
	[tilespmem:$0x1E080] =	vst v63  }
0x1cc: {  	_ = 	snop  }
0x1cd: {  	[tilespmem:s26], [sflag:$0x1] =	stream.indirect.gather [hbm4b:s4+s24], $0x80, s24, s24, $0xb8;
	[tilespmem:$0x1E080] =	vst v63  }
0x1ce: {  	_ =	swait.ge [sflag:s28], $0x4000  }
0x1cf: {  	[sflag:s28] =	ssyncset.done $0x0  }
0x1d0: {  	[sflag:s28] =	ssyncadd.s32 $0xFFFFC000  }
0x1d1: {  	[spmem:s2] =	stream.indirect.scatter.add.f32 [tilespmem:s25], [sflag:$0x3], $0x80, s3, s24, $0xb8;
	[tilespmem:$0x1E080] =	vst v63  }
0x1d2: {  	_ =	swait.ge [sflag:s22], $0x4000  }
0x1d3: {  	[sflag:s22] =	ssyncset.done $0x0  }
0x1d4: {  	[sflag:s22] =	ssyncadd.s32 $0xFFFFC000  }
0x1d5: {  	[tilespmem:s25], [sflag:$0x2] =	stream.indirect.gather [hbm4b:s4+s24], $0x80, s15, s24, $0xb8;
	[tilespmem:$0x1E080] =	vst v63  }
0x1d6: {  	_ =	swait.ge [sflag:s29], $0x4000  }
0x1d7: {  	[sflag:s29] =	ssyncset.done $0x0  }
0x1d8: {  	[sflag:s29] =	ssyncadd.s32 $0xFFFFC000  }
0x1d9: {  	[spmem:s2] =	stream.indirect.scatter.add.f32 [tilespmem:s26], [sflag:$0x3], $0x80, s16, s24, $0xb8;
	[tilespmem:$0x1E080] =	vst v63  }
0x1da: {  	_ =	swait.ge [sflag:s22], $0x4000  }
0x1db: {  	[sflag:s22] =	ssyncset.done $0x0  }
0x1dc: {  	[sflag:s22] =	ssyncadd.s32 $0xFFFFC000  }
0x1dd: {  	[tilespmem:s26], [sflag:$0x1] =	stream.indirect.gather [hbm4b:s4+s24], $0x80, s17, s24, $0xb8;
	[tilespmem:$0x1E080] =	vst v63  }
0x1de: {  	_ =	swait.ge [sflag:s28], $0x4000  }
0x1df: {  	[sflag:s28] =	ssyncset.done $0x0  }
0x1e0: {  	[sflag:s28] =	ssyncadd.s32 $0xFFFFC000  }
0x1e1: {  	[spmem:s2] =	stream.indirect.scatter.add.f32 [tilespmem:s25], [sflag:$0x3], $0x80, s30, s24, $0xb8;
	[tilespmem:$0x1E080] =	vst v63  }
0x1e2: {  	_ =	swait.ge [sflag:s22], $0x4000  }
0x1e3: {  	[sflag:s22] =	ssyncset.done $0x0  }
0x1e4: {  	[sflag:s22] =	ssyncadd.s32 $0xFFFFC000  }
0x1e5: {  	[tilespmem:s25], [sflag:$0x2] =	stream.indirect.gather [hbm4b:s4+s24], $0x80, s31, s24, $0xb8;
	[tilespmem:$0x1E080] =	vst v63  }
0x1e6: {  	_ =	swait.ge [sflag:s29], $0x4000  }
0x1e7: {  	[sflag:s29] =	ssyncset.done $0x0  }
0x1e8: {  	s16 =	simm.s32 $0x1580;
	[sflag:s29] =	ssyncadd.s32 $0xFFFFC000  }
0x1e9: {  	[spmem:s2] =	stream.indirect.scatter.add.f32 [tilespmem:s26], [sflag:$0x3], $0x80, s16, s24, $0xb8;
	[tilespmem:$0x1E080] =	vst v63  }
0x1ea: {  	_ =	swait.ge [sflag:s22], $0x4000  }
0x1eb: {  	[sflag:s22] =	ssyncset.done $0x0  }
0x1ec: {  	[sflag:s22] =	ssyncadd.s32 $0xFFFFC000  }
0x1ed: {  	[tilespmem:s26], [sflag:$0x1] =	stream.indirect.gather [hbm4b:s4+s24], $0x80, s23, s24, $0xb8;
	[tilespmem:$0x1E080] =	vst v63  }
0x1ee: {  	_ =	swait.ge [sflag:s28], $0x4000  }
0x1ef: {  	[sflag:s28] =	ssyncset.done $0x0  }
0x1f0: {  	s17 =	simm.s32 $0x1600;
	[sflag:s28] =	ssyncadd.s32 $0xFFFFC000  }
0x1f1: {  	[spmem:s2] =	stream.indirect.scatter.add.f32 [tilespmem:s25], [sflag:$0x3], $0x80, s17, s24, $0xb8;
	[tilespmem:$0x1E080] =	vst v63  }
0x1f2: {  	_ =	swait.ge [sflag:s22], $0x4000  }
0x1f3: {  	[sflag:s22] =	ssyncset.done $0x0  }
0x1f4: {  	s30 =	simm.s32 $0x300;
	[sflag:s22] =	ssyncadd.s32 $0xFFFFC000  }
0x1f5: {  	[tilespmem:s25], [sflag:$0x2] =	stream.indirect.gather [hbm4b:s4+s24], $0x80, s30, s24, $0xb8;
	[tilespmem:$0x1E080] =	vst v63  }
0x1f6: {  	_ =	swait.ge [sflag:s29], $0x4000  }
0x1f7: {  	[sflag:s29] =	ssyncset.done $0x0  }
0x1f8: {  	s15 =	simm.s32 $0x1680;
	[sflag:s29] =	ssyncadd.s32 $0xFFFFC000  }
0x1f9: {  	[spmem:s2] =	stream.indirect.scatter.add.f32 [tilespmem:s26], [sflag:$0x3], $0x80, s15, s24, $0xb8;
	[tilespmem:$0x1E080] =	vst v63  }
0x1fa: {  	_ =	swait.ge [sflag:s22], $0x4000  }
0x1fb: {  	[sflag:s22] =	ssyncset.done $0x0  }
0x1fc: {  	s16 =	simm.s32 $0x380;
	[sflag:s22] =	ssyncadd.s32 $0xFFFFC000  }
0x1fd: {  	[tilespmem:s26], [sflag:$0x1] =	stream.indirect.gather [hbm4b:s4+s24], $0x80, s16, s24, $0xb8;
	[tilespmem:$0x1E080] =	vst v63  }
0x1fe: {  	_ =	swait.ge [sflag:s28], $0x4000  }
0x1ff: {  	[sflag:s28] =	ssyncset.done $0x0  }
0x200: {  	s17 =	simm.s32 $0x1700;
	[sflag:s28] =	ssyncadd.s32 $0xFFFFC000  }
0x201: {  	[spmem:s2] =	stream.indirect.scatter.add.f32 [tilespmem:s25], [sflag:$0x3], $0x80, s17, s24, $0xb8;
	[tilespmem:$0x1E080] =	vst v63  }
0x202: {  	_ =	swait.ge [sflag:s22], $0x4000  }
0x203: {  	[sflag:s22] =	ssyncset.done $0x0  }
0x204: {  	s30 =	simm.s32 $0x400;
	[sflag:s22] =	ssyncadd.s32 $0xFFFFC000  }
0x205: {  	[tilespmem:s25], [sflag:$0x2] =	stream.indirect.gather [hbm4b:s4+s24], $0x80, s30, s24, $0xb8;
	[tilespmem:$0x1E080] =	vst v63  }
0x206: {  	_ =	swait.ge [sflag:s29], $0x4000  }
0x207: {  	[sflag:s29] =	ssyncset.done $0x0  }
0x208: {  	s15 =	simm.s32 $0x1780;
	[sflag:s29] =	ssyncadd.s32 $0xFFFFC000  }
0x209: {  	[spmem:s2] =	stream.indirect.scatter.add.f32 [tilespmem:s26], [sflag:$0x3], $0x80, s15, s24, $0xb8;
	[tilespmem:$0x1E080] =	vst v63  }
0x20a: {  	_ =	swait.ge [sflag:s22], $0x4000  }
0x20b: {  	[sflag:s22] =	ssyncset.done $0x0  }
0x20c: {  	s16 =	simm.s32 $0x480;
	[sflag:s22] =	ssyncadd.s32 $0xFFFFC000  }
0x20d: {  	[tilespmem:s26], [sflag:$0x1] =	stream.indirect.gather [hbm4b:s4+s24], $0x80, s16, s24, $0xb8;
	[tilespmem:$0x1E080] =	vst v63  }
0x20e: {  	_ =	swait.ge [sflag:s28], $0x4000  }
0x20f: {  	[sflag:s28] =	ssyncset.done $0x0  }
0x210: {  	s17 =	simm.s32 $0x1800;
	[sflag:s28] =	ssyncadd.s32 $0xFFFFC000  }
0x211: {  	[spmem:s2] =	stream.indirect.scatter.add.f32 [tilespmem:s25], [sflag:$0x3], $0x80, s17, s24, $0xb8;
	[tilespmem:$0x1E080] =	vst v63  }
0x212: {  	_ =	swait.ge [sflag:s22], $0x4000  }
0x213: {  	[sflag:s22] =	ssyncset.done $0x0  }
0x214: {  	s30 =	simm.s32 $0x500;
	[sflag:s22] =	ssyncadd.s32 $0xFFFFC000  }
0x215: {  	[tilespmem:s25], [sflag:$0x2] =	stream.indirect.gather [hbm4b:s4+s24], $0x80, s30, s24, $0xb8;
	[tilespmem:$0x1E080] =	vst v63  }
0x216: {  	_ =	swait.ge [sflag:s29], $0x4000  }
0x217: {  	[sflag:s29] =	ssyncset.done $0x0  }
0x218: {  	s15 =	simm.s32 $0x1880;
	[sflag:s29] =	ssyncadd.s32 $0xFFFFC000  }
0x219: {  	[spmem:s2] =	stream.indirect.scatter.add.f32 [tilespmem:s26], [sflag:$0x3], $0x80, s15, s24, $0xb8;
	[tilespmem:$0x1E080] =	vst v63  }
0x21a: {  	_ =	swait.ge [sflag:s22], $0x4000  }
0x21b: {  	[sflag:s22] =	ssyncset.done $0x0  }
0x21c: {  	s16 =	simm.s32 $0x580;
	[sflag:s22] =	ssyncadd.s32 $0xFFFFC000  }
0x21d: {  	[tilespmem:s26], [sflag:$0x1] =	stream.indirect.gather [hbm4b:s4+s24], $0x80, s16, s24, $0xb8;
	[tilespmem:$0x1E080] =	vst v63  }
0x21e: {  	_ =	swait.ge [sflag:s28], $0x4000  }
0x21f: {  	[sflag:s28] =	ssyncset.done $0x0  }
0x220: {  	s17 =	simm.s32 $0x1900;
	[sflag:s28] =	ssyncadd.s32 $0xFFFFC000  }
0x221: {  	[spmem:s2] =	stream.indirect.scatter.add.f32 [tilespmem:s25], [sflag:$0x3], $0x80, s17, s24, $0xb8;
	[tilespmem:$0x1E080] =	vst v63  }
0x222: {  	_ =	swait.ge [sflag:s22], $0x4000  }
0x223: {  	[sflag:s22] =	ssyncset.done $0x0  }
0x224: {  	s30 =	simm.s32 $0x600;
	[sflag:s22] =	ssyncadd.s32 $0xFFFFC000  }
0x225: {  	[tilespmem:s25], [sflag:$0x2] =	stream.indirect.gather [hbm4b:s4+s24], $0x80, s30, s24, $0xb8;
	[tilespmem:$0x1E080] =	vst v63  }
0x226: {  	_ =	swait.ge [sflag:s29], $0x4000  }
0x227: {  	[sflag:s29] =	ssyncset.done $0x0  }
0x228: {  	s15 =	simm.s32 $0x1980;
	[sflag:s29] =	ssyncadd.s32 $0xFFFFC000  }
0x229: {  	[spmem:s2] =	stream.indirect.scatter.add.f32 [tilespmem:s26], [sflag:$0x3], $0x80, s15, s24, $0xb8;
	[tilespmem:$0x1E080] =	vst v63  }
0x22a: {  	_ =	swait.ge [sflag:s22], $0x4000  }
0x22b: {  	[sflag:s22] =	ssyncset.done $0x0  }
0x22c: {  	s16 =	simm.s32 $0x680;
	[sflag:s22] =	ssyncadd.s32 $0xFFFFC000  }
0x22d: {  	[tilespmem:s26], [sflag:$0x1] =	stream.indirect.gather [hbm4b:s4+s24], $0x80, s16, s24, $0xb8;
	[tilespmem:$0x1E080] =	vst v63  }
0x22e: {  	_ =	swait.ge [sflag:s28], $0x4000  }
0x22f: {  	[sflag:s28] =	ssyncset.done $0x0  }
0x230: {  	s17 =	simm.s32 $0x1A00;
	[sflag:s28] =	ssyncadd.s32 $0xFFFFC000  }
0x231: {  	[spmem:s2] =	stream.indirect.scatter.add.f32 [tilespmem:s25], [sflag:$0x3], $0x80, s17, s24, $0xb8;
	[tilespmem:$0x1E080] =	vst v63  }
0x232: {  	_ =	swait.ge [sflag:s22], $0x4000  }
0x233: {  	[sflag:s22] =	ssyncset.done $0x0  }
0x234: {  	s30 =	simm.s32 $0x700;
	[sflag:s22] =	ssyncadd.s32 $0xFFFFC000  }
0x235: {  	[tilespmem:s25], [sflag:$0x2] =	stream.indirect.gather [hbm4b:s4+s24], $0x80, s30, s24, $0xb8;
	[tilespmem:$0x1E080] =	vst v63  }
0x236: {  	_ =	swait.ge [sflag:s29], $0x4000  }
0x237: {  	[sflag:s29] =	ssyncset.done $0x0  }
0x238: {  	s15 =	simm.s32 $0x1A80;
	[sflag:s29] =	ssyncadd.s32 $0xFFFFC000  }
0x239: {  	[spmem:s2] =	stream.indirect.scatter.add.f32 [tilespmem:s26], [sflag:$0x3], $0x80, s15, s24, $0xb8;
	[tilespmem:$0x1E080] =	vst v63  }
0x23a: {  	_ =	swait.ge [sflag:s22], $0x4000  }
0x23b: {  	[sflag:s22] =	ssyncset.done $0x0  }
0x23c: {  	s16 =	simm.s32 $0x780;
	[sflag:s22] =	ssyncadd.s32 $0xFFFFC000  }
0x23d: {  	[tilespmem:s26], [sflag:$0x1] =	stream.indirect.gather [hbm4b:s4+s24], $0x80, s16, s24, $0xb8;
	[tilespmem:$0x1E080] =	vst v63  }
0x23e: {  	_ =	swait.ge [sflag:s28], $0x4000  }
0x23f: {  	[sflag:s28] =	ssyncset.done $0x0  }
0x240: {  	s17 =	simm.s32 $0x1B00;
	[sflag:s28] =	ssyncadd.s32 $0xFFFFC000  }
0x241: {  	[spmem:s2] =	stream.indirect.scatter.add.f32 [tilespmem:s25], [sflag:$0x3], $0x80, s17, s24, $0xb8;
	[tilespmem:$0x1E080] =	vst v63  }
0x242: {  	_ =	swait.ge [sflag:s22], $0x4000  }
0x243: {  	[sflag:s22] =	ssyncset.done $0x0  }
0x244: {  	s30 =	simm.s32 $0x800;
	[sflag:s22] =	ssyncadd.s32 $0xFFFFC000  }
0x245: {  	[tilespmem:s25], [sflag:$0x2] =	stream.indirect.gather [hbm4b:s4+s24], $0x80, s30, s24, $0xb8;
	[tilespmem:$0x1E080] =	vst v63  }
0x246: {  	_ =	swait.ge [sflag:s29], $0x4000  }
0x247: {  	[sflag:s29] =	ssyncset.done $0x0  }
0x248: {  	s15 =	simm.s32 $0x1B80;
	[sflag:s29] =	ssyncadd.s32 $0xFFFFC000  }
0x249: {  	[spmem:s2] =	stream.indirect.scatter.add.f32 [tilespmem:s26], [sflag:$0x3], $0x80, s15, s24, $0xb8;
	[tilespmem:$0x1E080] =	vst v63  }
0x24a: {  	_ =	swait.ge [sflag:s22], $0x4000  }
0x24b: {  	[sflag:s22] =	ssyncset.done $0x0  }
0x24c: {  	s16 =	simm.s32 $0x880;
	[sflag:s22] =	ssyncadd.s32 $0xFFFFC000  }
0x24d: {  	[tilespmem:s26], [sflag:$0x1] =	stream.indirect.gather [hbm4b:s4+s24], $0x80, s16, s24, $0xb8;
	[tilespmem:$0x1E080] =	vst v63  }
0x24e: {  	_ =	swait.ge [sflag:s28], $0x4000  }
0x24f: {  	[sflag:s28] =	ssyncset.done $0x0  }
0x250: {  	s17 =	simm.s32 $0x1C00;
	[sflag:s28] =	ssyncadd.s32 $0xFFFFC000  }
0x251: {  	[spmem:s2] =	stream.indirect.scatter.add.f32 [tilespmem:s25], [sflag:$0x3], $0x80, s17, s24, $0xb8;
	[tilespmem:$0x1E080] =	vst v63  }
0x252: {  	_ =	swait.ge [sflag:s22], $0x4000  }
0x253: {  	[sflag:s22] =	ssyncset.done $0x0  }
0x254: {  	s30 =	simm.s32 $0x900;
	[sflag:s22] =	ssyncadd.s32 $0xFFFFC000  }
0x255: {  	[tilespmem:s25], [sflag:$0x2] =	stream.indirect.gather [hbm4b:s4+s24], $0x80, s30, s24, $0xb8;
	[tilespmem:$0x1E080] =	vst v63  }
0x256: {  	_ =	swait.ge [sflag:s29], $0x4000  }
0x257: {  	[sflag:s29] =	ssyncset.done $0x0  }
0x258: {  	s15 =	simm.s32 $0x1C80;
	[sflag:s29] =	ssyncadd.s32 $0xFFFFC000  }
0x259: {  	[spmem:s2] =	stream.indirect.scatter.add.f32 [tilespmem:s26], [sflag:$0x3], $0x80, s15, s24, $0xb8;
	[tilespmem:$0x1E080] =	vst v63  }
0x25a: {  	_ =	swait.ge [sflag:s22], $0x4000  }
0x25b: {  	[sflag:s22] =	ssyncset.done $0x0  }
0x25c: {  	s16 =	simm.s32 $0x980;
	[sflag:s22] =	ssyncadd.s32 $0xFFFFC000  }
0x25d: {  	[tilespmem:s26], [sflag:$0x1] =	stream.indirect.gather [hbm4b:s4+s24], $0x80, s16, s24, $0xb8;
	[tilespmem:$0x1E080] =	vst v63  }
0x25e: {  	_ =	swait.ge [sflag:s28], $0x4000  }
0x25f: {  	[sflag:s28] =	ssyncset.done $0x0  }
0x260: {  	s17 =	simm.s32 $0x1D00;
	[sflag:s28] =	ssyncadd.s32 $0xFFFFC000  }
0x261: {  	[spmem:s2] =	stream.indirect.scatter.add.f32 [tilespmem:s25], [sflag:$0x3], $0x80, s17, s24, $0xb8;
	[tilespmem:$0x1E080] =	vst v63  }
0x262: {  	_ =	swait.ge [sflag:s22], $0x4000  }
0x263: {  	[sflag:s22] =	ssyncset.done $0x0  }
0x264: {  	[sflag:s22] =	ssyncadd.s32 $0xFFFFC000  }
0x265: {  	_ =	swait.ge [sflag:s29], $0x4000  }
0x266: {  	[sflag:s29] =	ssyncset.done $0x0  }
.Ltmp9:
0x267: {  	s30 =	simm.s32 $0x1D80;
	[sflag:s29] =	ssyncadd.s32 $0xFFFFC000;
	(pc) =	sbr.rel .LBB2_15-.Ltmp9, $4  }
0x268: {  	[spmem:s2] =	stream.indirect.scatter.add.f32 [tilespmem:s26], [sflag:$0x3], $0x80, s30, s24, $0xb8;
	[tilespmem:$0x1E080] =	vst v63  }
0x269: {  	_ =	swait.ge [sflag:s22], $0x4000  }
0x26a: {  	s0 =	simm.s32 $0x2780;
	s3 =	simm.s32 $0x0;
	[sflag:s22] =	ssyncset.done $0x0  }
0x26b: {  	s31 =	simm.s32 $0x2700;
	s23 =	simm.s32 $0x1400;
	[sflag:s22] =	ssyncadd.s32 $0xFFFFC000  }
.LBB2_16:
0x26c: {  	_ =	sfence.sel $0x180000  }
0x26d: {  	[bflag:$0x0] =	sbarrier.arrive $0xFFFF  }
0x26e: {  	_ =	strace $0x9000004A  }
0x26f: {  	[bflag:$0x2] =	sbarrier.arrive $0xFFFF  }
0x270: {  	s0 =	rddreg [dreg:$0x2]  }
0x271: {  	s0 =	sadd.s32 @!p1 $0x100000, s0  }
0x272: {  	[sflag:s0] =	ssyncadd.tile.s32 @!p1 $0x1;
	_ =	shalt  }
.Lfunc_end2:
_tile_overlayer_lowered:
.L_overlay_start_2:
0x273: {  	(tag) =	ssettag $0x2  }
0x274: {  	s0 =	rddreg [dreg:$0x0];
	s2 =	stileid.u32  }
0x275: {  	s1 =	rddreg [dreg:$0x1];
	p0 =	sne.s32 s2, $0x0  }
0x276: {  	s3 =	rddreg [dreg:$0x2];
	[bflag:$0x3] =	sbarrier.arrive $0xFFFF;
	s2 =	simm.s32 @!p0 $0x1C03  }
0x277: {  	[timem:s3], [sflag:s2] =	dma.local @!p0 [hbm:s0], s1  }
0x278: {  	s0 =	simm.s32 @!p0 $0x3  }
0x279: {  	_ =	swait.ge @!p0 [sflag:s0], s1  }
0x27a: {  	s1 =	ssub.s32 @!p0 $0x0, s1;
	[sflag:s0] =	ssyncset.done @!p0 $0x0  }
0x27b: {  	[sflag:s0] =	ssyncadd.s32 @!p0 s1  }
0x27c: {  	[bflag:$0x3] =	sbarrier.arrive $0xFFFF  }
0x27d: {  	_ =	shalt  }

</sc_bundles>
